<compile_context>
chip_gen: v7x
topology: tpu7x:2x2x1
jax: 0.10.2.dev20260603
libtpu: 0.0.44.dev20260713+nightly
codegen_flags: <defaults>
</compile_context>

<pallas_src>
import jax
import jax.numpy as jnp
from jax import lax
from jax.experimental import pallas as pl
from jax.experimental.pallas import tpu as pltpu
from jax.experimental.pallas import tpu_sc as plsc

NC = 2
NS = 16
NW = NC * NS
BATCH = 128
CH_B = 8
DEG_L = 16
ZCH = 32
NRING = 4
SC0_SHARE = 0.6


def _nbw0(per_pair):
    return int(round(per_pair * SC0_SHARE / (2 * CH_B))) * 2 * CH_B


def _sc_agg_body(x_hbm, send_hbm, recv_hbm, zrow_hbm, zdeg_hbm, ones_hbm,
                 sum_out, deg_out,
                 send_v0, send_v1, recv_v0, recv_v1,
                 rows0, rows1, rows2, rows3, ones_v, zrow_v, zdeg_v,
                 sum_sh, deg_sh,
                 gsem0, gsem1, gsem2, gsem3,
                 ssem0, ssem1, ssem2, ssem3, dsem, isem):
    per_pair = send_hbm.shape[0] // NS
    nbw0 = _nbw0(per_pair)
    nbw1 = per_pair - nbw0
    rt = sum_sh.shape[0] // NS
    c = lax.axis_index("c")
    s = lax.axis_index("s")
    w0 = s * nbw0 + c * (NS * nbw0 + s * (nbw1 - nbw0))
    nch = (nbw0 + c * (nbw1 - nbw0)) // CH_B

    c0 = pltpu.async_copy(zrow_hbm, zrow_v, gsem0)
    c1 = pltpu.async_copy(zdeg_hbm, zdeg_v, gsem1)
    c2 = pltpu.async_copy(ones_hbm, ones_v, gsem2)
    c0.wait()
    c1.wait()
    c2.wait()

    f0 = pltpu.async_copy(send_hbm.at[pl.ds(w0, CH_B), :], send_v0, isem)
    f1 = pltpu.async_copy(recv_hbm.at[pl.ds(w0, CH_B), :], recv_v0, isem)
    zd = []
    for k in range(rt // ZCH):
        zd.append(pltpu.async_copy(
            zrow_v, sum_sh.at[pl.ds(s * rt + k * ZCH, ZCH), :], ssem0))
        zd.append(pltpu.async_copy(
            zdeg_v, deg_sh.at[pl.ds(s * rt + k * ZCH, ZCH), :], ssem1))

    rows = (rows0, rows1, rows2, rows3)
    gsem = (gsem0, gsem1, gsem2, gsem3)
    ssem = (ssem0, ssem1, ssem2, ssem3)

    f0.wait()
    f1.wait()
    gd_pre = []
    for j in range(NRING - 1):
        gd_pre.append(
            pltpu.async_copy(x_hbm.at[send_v0.at[j]], rows[j], gsem[j]))
    for zz in zd:
        zz.wait()
    plsc.subcore_barrier()

    def process_chunk(sv, rv, pre=None):
        gd = [None] * NRING
        sd = [None] * NRING
        dd = []
        for j in range(NRING - 1):
            gd[j] = pre[j] if pre is not None else pltpu.async_copy(
                x_hbm.at[sv.at[j]], rows[j], gsem[j])
        for j in range(CH_B):
            p = j % NRING
            if j + NRING - 1 < CH_B:
                q = (j + NRING - 1) % NRING
                if sd[q] is not None:
                    sd[q].wait()
                gd[q] = pltpu.async_copy(
                    x_hbm.at[sv.at[j + NRING - 1]], rows[q], gsem[q])
            gd[p].wait()
            sd[p] = pltpu.async_copy(
                rows[p], sum_sh.at[rv.at[j]], ssem[p], add=True)
            dd.append(pltpu.async_copy(
                ones_v, deg_sh.at[rv.at[j]], dsem, add=True))
        for p in range(NRING):
            if sd[p] is not None:
                sd[p].wait()
        for d_ in dd:
            d_.wait()

    last = w0 + (nch - 1) * CH_B

    fb0 = pltpu.async_copy(
        send_hbm.at[pl.ds(w0 + CH_B, CH_B), :], send_v1, isem)
    fb1 = pltpu.async_copy(
        recv_hbm.at[pl.ds(w0 + CH_B, CH_B), :], recv_v1, isem)
    process_chunk(send_v0, recv_v0, pre=gd_pre)
    fb0.wait()
    fb1.wait()
    nbase = jnp.minimum(w0 + 2 * CH_B, last)
    fa0 = pltpu.async_copy(send_hbm.at[pl.ds(nbase, CH_B), :], send_v0, isem)
    fa1 = pltpu.async_copy(recv_hbm.at[pl.ds(nbase, CH_B), :], recv_v0, isem)
    process_chunk(send_v1, recv_v1)
    fa0.wait()
    fa1.wait()

    def iter2(i, carry):
        base = w0 + (2 + 2 * i) * CH_B
        fb0 = pltpu.async_copy(
            send_hbm.at[pl.ds(base + CH_B, CH_B), :], send_v1, isem)
        fb1 = pltpu.async_copy(
            recv_hbm.at[pl.ds(base + CH_B, CH_B), :], recv_v1, isem)
        process_chunk(send_v0, recv_v0)
        fb0.wait()
        fb1.wait()
        nbase = jnp.minimum(base + 2 * CH_B, last)
        fa0 = pltpu.async_copy(
            send_hbm.at[pl.ds(nbase, CH_B), :], send_v0, isem)
        fa1 = pltpu.async_copy(
            recv_hbm.at[pl.ds(nbase, CH_B), :], recv_v0, isem)
        process_chunk(send_v1, recv_v1)
        fa0.wait()
        fa1.wait()
        return carry

    lax.fori_loop(0, (nch - 2) // 2, iter2, 0)
    plsc.subcore_barrier()

    p0 = pltpu.async_copy(sum_sh.at[pl.ds(s * rt, rt), :],
                          sum_out.at[c, pl.ds(s * rt, rt), :], gsem0)
    p1 = pltpu.async_copy(deg_sh.at[pl.ds(s * rt, rt), :],
                          deg_out.at[c, pl.ds(s * rt, rt), :], gsem1)
    p0.wait()
    p1.wait()


def _sc_aggregate(xb, send2d, recv2d, r_rows):
    d = xb.shape[1]
    zrow = jnp.zeros((ZCH, d), jnp.bfloat16)
    zdeg = jnp.zeros((ZCH, DEG_L), jnp.float32)
    ones = jnp.ones((BATCH, DEG_L), jnp.float32)

    mesh = plsc.VectorSubcoreMesh(core_axis_name="c", subcore_axis_name="s")
    f = pl.kernel(
        _sc_agg_body,
        out_type=(
            jax.ShapeDtypeStruct((NC, r_rows, d), jnp.bfloat16),
            jax.ShapeDtypeStruct((NC, r_rows, DEG_L), jnp.float32),
        ),
        mesh=mesh,
        scratch_types=(
            pltpu.VMEM((CH_B, BATCH), jnp.int32),
            pltpu.VMEM((CH_B, BATCH), jnp.int32),
            pltpu.VMEM((CH_B, BATCH), jnp.int32),
            pltpu.VMEM((CH_B, BATCH), jnp.int32),
            pltpu.VMEM((BATCH, d), jnp.bfloat16),
            pltpu.VMEM((BATCH, d), jnp.bfloat16),
            pltpu.VMEM((BATCH, d), jnp.bfloat16),
            pltpu.VMEM((BATCH, d), jnp.bfloat16),
            pltpu.VMEM((BATCH, DEG_L), jnp.float32),
            pltpu.VMEM((ZCH, d), jnp.bfloat16),
            pltpu.VMEM((ZCH, DEG_L), jnp.float32),
            pltpu.VMEM_SHARED((r_rows, d), jnp.bfloat16),
            pltpu.VMEM_SHARED((r_rows, DEG_L), jnp.float32),
            pltpu.SemaphoreType.DMA,
            pltpu.SemaphoreType.DMA,
            pltpu.SemaphoreType.DMA,
            pltpu.SemaphoreType.DMA,
            pltpu.SemaphoreType.DMA,
            pltpu.SemaphoreType.DMA,
            pltpu.SemaphoreType.DMA,
            pltpu.SemaphoreType.DMA,
            pltpu.SemaphoreType.DMA,
            pltpu.SemaphoreType.DMA,
        ),
        compiler_params=pltpu.CompilerParams(use_tc_tiling_on_sc=False),
    )
    return f(xb, send2d, recv2d, zrow, zdeg, ones)


def _finalize_body(x_ref, sum_ref, deg_ref, wsT_ref, wnT_ref, b_ref,
                   scale_ref, out_ref):
    xb = x_ref[...]
    sb = sum_ref[0].astype(jnp.float32) + sum_ref[1].astype(jnp.float32)
    db = deg_ref[0, :, 0:1] + deg_ref[1, :, 0:1]
    recip = jnp.where(db > 0, scale_ref[0] / db, 0.0)
    agg = sb * recip
    acc = lax.dot_general(xb, wsT_ref[...], (((1,), (0,)), ((), ())),
                          precision=lax.Precision.HIGHEST,
                          preferred_element_type=jnp.float32)
    acc = acc + lax.dot_general(agg, wnT_ref[...], (((1,), (0,)), ((), ())),
                                precision=lax.Precision.HIGHEST,
                                preferred_element_type=jnp.float32)
    out_ref[...] = acc + b_ref[...]


def _finalize(x, sum_p, deg_p, w_self, b_self, w_neigh, scale):
    n, d = x.shape
    bn = 2000
    grid = (n // bn,)
    return pl.pallas_call(
        _finalize_body,
        grid=grid,
        in_specs=[
            pl.BlockSpec((bn, d), lambda i: (i, 0)),
            pl.BlockSpec((NC, bn, d), lambda i: (0, i, 0)),
            pl.BlockSpec((NC, bn, DEG_L), lambda i: (0, i, 0)),
            pl.BlockSpec((d, d), lambda i: (0, 0)),
            pl.BlockSpec((d, d), lambda i: (0, 0)),
            pl.BlockSpec((1, d), lambda i: (0, 0)),
            pl.BlockSpec(memory_space=pltpu.SMEM),
        ],
        out_specs=pl.BlockSpec((bn, d), lambda i: (i, 0)),
        out_shape=jax.ShapeDtypeStruct((n, d), jnp.float32),
    )(x, sum_p, deg_p, w_self.T, w_neigh.T, b_self.reshape(1, d), scale)


def kernel(x, senders, receivers, w_self, b_self, w_neigh, zero_edges):
    n, d = x.shape
    e = senders.shape[0]
    senders = senders.astype(jnp.int32)
    receivers = receivers.astype(jnp.int32)

    per_pair = -(-(-(-e // BATCH)) // (NS * 2 * CH_B)) * 2 * CH_B
    nb_total = NS * per_pair
    pad_e = nb_total * BATCH - e
    rt = -(-(n + 1) // (NS * ZCH)) * ZCH
    r_rows = NS * rt
    if pad_e:
        senders = jnp.concatenate(
            [senders, jnp.zeros((pad_e,), jnp.int32)])
        receivers = jnp.concatenate(
            [receivers,
             n + (jnp.arange(pad_e, dtype=jnp.int32) % (r_rows - n))])
    send2d = senders.reshape(nb_total, BATCH)
    recv2d = receivers.reshape(nb_total, BATCH)

    sum_p, deg_p = _sc_aggregate(x.astype(jnp.bfloat16), send2d, recv2d,
                                 r_rows)

    scale = jnp.where(zero_edges, 0.0, 1.0).astype(jnp.float32).reshape(1)
    return _finalize(x, sum_p, deg_p, w_self, b_self, w_neigh, scale)

# --- scband reference (transcript-rebuilt; emitter-appended) ---
"""Pipeline reference for scband-sageconv-mean-558345748614 (READ-ONLY COPY).

The authoritative reference and input builder live on the scoring server;
editing this copy changes nothing except your own understanding.
"""

import jax, jax.numpy as jnp
import numpy as np

N_NODES = 10000
N_EDGES = 320000
D_IN = 128
D_OUT = 128


def setup_inputs(seed: int = 0) -> dict:
    key = jax.random.key(seed)
    k1, k2, k3, k4, k5, k6 = jax.random.split(key, 6)
    x = jax.random.normal(k1, (N_NODES, D_IN), dtype=jnp.float32)
    senders = jax.random.randint(k2, (N_EDGES,), 0, N_NODES, dtype=jnp.int64)
    receivers = jax.random.randint(k3, (N_EDGES,), 0, N_NODES, dtype=jnp.int64)
    w_self = jax.random.normal(k4, (D_OUT, D_IN), dtype=jnp.float32) * 0.05
    b_self = jax.random.normal(k5, (D_OUT,), dtype=jnp.float32) * 0.05
    w_neigh = jax.random.normal(k6, (D_OUT, D_IN), dtype=jnp.float32) * 0.05
    return {"x": x, "senders": senders, "receivers": receivers,
            "w_self": w_self, "b_self": b_self, "w_neigh": w_neigh,
            "zero_edges": False}


def _mean_aggregate_messages(msg, receivers, n_nodes):
    dim = msg.shape[1]
    sum_m = jnp.zeros((n_nodes, dim), dtype=msg.dtype)
    sum_m = sum_m.at[receivers].add(msg)
    deg = jnp.zeros((n_nodes,), dtype=msg.dtype)
    deg = deg.at[receivers].add(1.0)
    return (sum_m, deg)


def reference(x, senders, receivers, w_self, b_self, w_neigh, zero_edges):
    in_feats = x.shape[1]
    out_feats = w_self.shape[0]
    lin_before_mp = in_feats > out_feats
    if lin_before_mp:
        src_feat = x @ w_neigh.T
        msg = src_feat[senders]
        sum_m, deg = _mean_aggregate_messages(msg, receivers, x.shape[0])
        neigh_mean = jnp.where(deg[:, None] > 0, sum_m / deg[:, None], 0.0)
    else:
        msg = x[senders]
        sum_m, deg = _mean_aggregate_messages(msg, receivers, x.shape[0])
        agg = jnp.where(deg[:, None] > 0, sum_m / deg[:, None], 0.0)
        neigh_mean = agg @ w_neigh.T
    neigh_mean = jnp.where(zero_edges,
                           jnp.zeros((x.shape[0], out_feats), dtype=x.dtype),
                           neigh_mean)
    h_self = x @ w_self.T + b_self
    return h_self + neigh_mean

if __name__ == "__main__":
    import jax
    _d = setup_inputs()
    print(jax.jit(kernel)(*tuple(_d.values())))

</pallas_src>

<mosaic_0001>
#map = affine_map<(d0, d1) -> (0, 0)>
#map1 = affine_map<(d0, d1) -> (0, 0, 0)>
module attributes {stable_mosaic.version = 14 : i64} {
  func.func @_sc_agg_body(%arg0: i32, %arg1: i32, %arg2: memref<10000x128xbf16, #tpu.memory_space<hbm>>, %arg3: memref<2560x128xi32, #tpu.memory_space<hbm>>, %arg4: memref<2560x128xi32, #tpu.memory_space<hbm>>, %arg5: memref<32x128xbf16, #tpu.memory_space<hbm>>, %arg6: memref<32x16xf32, #tpu.memory_space<hbm>>, %arg7: memref<128x16xf32, #tpu.memory_space<hbm>>, %arg8: memref<2x10240x128xbf16, #tpu.memory_space<hbm>>, %arg9: memref<2x10240x16xf32, #tpu.memory_space<hbm>>, %arg10: memref<8x128xi32, #tpu.memory_space<vmem>>, %arg11: memref<8x128xi32, #tpu.memory_space<vmem>>, %arg12: memref<8x128xi32, #tpu.memory_space<vmem>>, %arg13: memref<8x128xi32, #tpu.memory_space<vmem>>, %arg14: memref<128x128xbf16, #tpu.memory_space<vmem>>, %arg15: memref<128x128xbf16, #tpu.memory_space<vmem>>, %arg16: memref<128x128xbf16, #tpu.memory_space<vmem>>, %arg17: memref<128x128xbf16, #tpu.memory_space<vmem>>, %arg18: memref<128x16xf32, #tpu.memory_space<vmem>>, %arg19: memref<32x128xbf16, #tpu.memory_space<vmem>>, %arg20: memref<32x16xf32, #tpu.memory_space<vmem>>, %arg21: memref<10240x128xbf16, #tpu.memory_space<vmem_shared>>, %arg22: memref<10240x16xf32, #tpu.memory_space<vmem_shared>>, %arg23: memref<!tpu.dma_semaphore, #tpu.memory_space<semaphore_mem>>, %arg24: memref<!tpu.dma_semaphore, #tpu.memory_space<semaphore_mem>>, %arg25: memref<!tpu.dma_semaphore, #tpu.memory_space<semaphore_mem>>, %arg26: memref<!tpu.dma_semaphore, #tpu.memory_space<semaphore_mem>>, %arg27: memref<!tpu.dma_semaphore, #tpu.memory_space<semaphore_mem>>, %arg28: memref<!tpu.dma_semaphore, #tpu.memory_space<semaphore_mem>>, %arg29: memref<!tpu.dma_semaphore, #tpu.memory_space<semaphore_mem>>, %arg30: memref<!tpu.dma_semaphore, #tpu.memory_space<semaphore_mem>>, %arg31: memref<!tpu.dma_semaphore, #tpu.memory_space<semaphore_mem>>, %arg32: memref<!tpu.dma_semaphore, #tpu.memory_space<semaphore_mem>>) attributes {dimension_semantics = [#tpu.dimension_semantics<core_parallel>, #tpu.dimension_semantics<subcore_parallel>], iteration_bounds = array<i64: 2, 16>, scalar_prefetch = 0 : i64, scratch_operands = 23 : i64, tpu.core_type = #tpu.core_type<sc_vector_subcore>, window_params = [{transform_indices = #map}, {transform_indices = #map}, {transform_indices = #map}, {transform_indices = #map}, {transform_indices = #map}, {transform_indices = #map}, {transform_indices = #map1}, {transform_indices = #map1}]} {
    %mul3A = arith.constant 96 : i32
    %mul3A_0 = arith.muli %arg1, %mul3A : i32
    %mul3A_1 = arith.constant -32 : i32
    %mul3A_2 = arith.muli %arg1, %mul3A_1 : i32
    %add3A = arith.constant 1536 : i32
    %add3A_3 = arith.addi %add3A, %mul3A_2 : i32
    %mul3A_4 = arith.muli %arg0, %add3A_3 : i32
    %add3A_5 = arith.addi %mul3A_0, %mul3A_4 : i32
    %mul3A_6 = arith.constant -32 : i32
    %mul3A_7 = arith.muli %arg0, %mul3A_6 : i32
    %add3A_8 = arith.constant 96 : i32
    %add3A_9 = arith.addi %add3A_8, %mul3A_7 : i32
    %jit3A = arith.constant 8 : i32
    %div3A = arith.divsi %add3A_9, %jit3A : i32
    %sign3A = arith.constant 0 : i32
    %sign3A_10 = arith.cmpi sgt, %add3A_9, %sign3A : i32
    %sign3A_11 = arith.extui %sign3A_10 : i1 to i32
    %sign3A_12 = arith.constant 0 : i32
    %sign3A_13 = arith.cmpi slt, %add3A_9, %sign3A_12 : i32
    %sign3A_14 = arith.extui %sign3A_13 : i1 to i32
    %sign3A_15 = arith.subi %sign3A_11, %sign3A_14 : i32
    %sign3A_16 = arith.constant 0 : i32
    %sign3A_17 = arith.cmpi sgt, %jit3A, %sign3A_16 : i32
    %sign3A_18 = arith.extui %sign3A_17 : i1 to i32
    %sign3A_19 = arith.constant 0 : i32
    %sign3A_20 = arith.cmpi slt, %jit3A, %sign3A_19 : i32
    %sign3A_21 = arith.extui %sign3A_20 : i1 to i32
    %sign3A_22 = arith.subi %sign3A_18, %sign3A_21 : i32
    %ne3A = arith.cmpi ne, %sign3A_15, %sign3A_22 : i32
    %rem3A = arith.remsi %add3A_9, %jit3A : i32
    %ne3A_23 = arith.constant 0 : i32
    %ne3A_24 = arith.cmpi ne, %rem3A, %ne3A_23 : i32
    %and3A = arith.andi %ne3A, %ne3A_24 : i1
    %sub3A = arith.constant 1 : i32
    %sub3A_25 = arith.subi %div3A, %sub3A : i32
    %select_n3A = arith.select %and3A, %sub3A_25, %div3A : i32
    tpu.enqueue_dma source(%arg5 : memref<32x128xbf16, #tpu.memory_space<hbm>>) target(%arg19 : memref<32x128xbf16, #tpu.memory_space<vmem>>) target_semaphore(%arg23 : memref<!tpu.dma_semaphore, #tpu.memory_space<semaphore_mem>>)
    tpu.enqueue_dma source(%arg6 : memref<32x16xf32, #tpu.memory_space<hbm>>) target(%arg20 : memref<32x16xf32, #tpu.memory_space<vmem>>) target_semaphore(%arg24 : memref<!tpu.dma_semaphore, #tpu.memory_space<semaphore_mem>>)
    tpu.enqueue_dma source(%arg7 : memref<128x16xf32, #tpu.memory_space<hbm>>) target(%arg18 : memref<128x16xf32, #tpu.memory_space<vmem>>) target_semaphore(%arg25 : memref<!tpu.dma_semaphore, #tpu.memory_space<semaphore_mem>>)
    tpu.wait_dma2 semaphore(%arg23 : memref<!tpu.dma_semaphore, #tpu.memory_space<semaphore_mem>>) src(%arg5 : memref<32x128xbf16, #tpu.memory_space<hbm>>) dst(%arg19 : memref<32x128xbf16, #tpu.memory_space<vmem>>)
    tpu.wait_dma2 semaphore(%arg24 : memref<!tpu.dma_semaphore, #tpu.memory_space<semaphore_mem>>) src(%arg6 : memref<32x16xf32, #tpu.memory_space<hbm>>) dst(%arg20 : memref<32x16xf32, #tpu.memory_space<vmem>>)
    tpu.wait_dma2 semaphore(%arg25 : memref<!tpu.dma_semaphore, #tpu.memory_space<semaphore_mem>>) src(%arg7 : memref<128x16xf32, #tpu.memory_space<hbm>>) dst(%arg18 : memref<128x16xf32, #tpu.memory_space<vmem>>)
    %dma_start3A = arith.constant 0 : i32
    %dma_start3A_26 = tpu.memref_slice %arg3[%add3A_5, %dma_start3A] : memref<2560x128xi32, #tpu.memory_space<hbm>> -> memref<8x128xi32, #tpu.memory_space<hbm>>
    %dma_start3A_27 = arith.constant 0 : i32
    %dma_start3A_28 = tpu.memref_slice %arg3[%add3A_5, %dma_start3A_27] : memref<2560x128xi32, #tpu.memory_space<hbm>> -> memref<8x128xi32, #tpu.memory_space<hbm>>
    tpu.enqueue_dma source(%dma_start3A_28 : memref<8x128xi32, #tpu.memory_space<hbm>>) target(%arg10 : memref<8x128xi32, #tpu.memory_space<vmem>>) target_semaphore(%arg32 : memref<!tpu.dma_semaphore, #tpu.memory_space<semaphore_mem>>)
    %dma_start3A_29 = arith.constant 0 : i32
    %dma_start3A_30 = tpu.memref_slice %arg4[%add3A_5, %dma_start3A_29] : memref<2560x128xi32, #tpu.memory_space<hbm>> -> memref<8x128xi32, #tpu.memory_space<hbm>>
    %dma_start3A_31 = arith.constant 0 : i32
    %dma_start3A_32 = tpu.memref_slice %arg4[%add3A_5, %dma_start3A_31] : memref<2560x128xi32, #tpu.memory_space<hbm>> -> memref<8x128xi32, #tpu.memory_space<hbm>>
    tpu.enqueue_dma source(%dma_start3A_32 : memref<8x128xi32, #tpu.memory_space<hbm>>) target(%arg12 : memref<8x128xi32, #tpu.memory_space<vmem>>) target_semaphore(%arg32 : memref<!tpu.dma_semaphore, #tpu.memory_space<semaphore_mem>>)
    %mul3A_33 = arith.constant 640 : i32
    %mul3A_34 = arith.muli %arg1, %mul3A_33 : i32
    %add3A_35 = arith.constant 0 : i32
    %add3A_36 = arith.addi %mul3A_34, %add3A_35 : i32
    %dma_start3A_37 = arith.constant 0 : i32
    %dma_start3A_38 = tpu.memref_slice %arg21[%add3A_36, %dma_start3A_37] : memref<10240x128xbf16, #tpu.memory_space<vmem_shared>> -> memref<32x128xbf16, #tpu.memory_space<vmem_shared>>
    %dma_start3A_39 = arith.constant 0 : i32
    %dma_start3A_40 = tpu.memref_slice %arg21[%add3A_36, %dma_start3A_39] : memref<10240x128xbf16, #tpu.memory_space<vmem_shared>> -> memref<32x128xbf16, #tpu.memory_space<vmem_shared>>
    tpu.enqueue_dma source(%arg19 : memref<32x128xbf16, #tpu.memory_space<vmem>>) target(%dma_start3A_40 : memref<32x128xbf16, #tpu.memory_space<vmem_shared>>) target_semaphore(%arg27 : memref<!tpu.dma_semaphore, #tpu.memory_space<semaphore_mem>>)
    %mul3A_41 = arith.constant 640 : i32
    %mul3A_42 = arith.muli %arg1, %mul3A_41 : i32
    %add3A_43 = arith.constant 0 : i32
    %add3A_44 = arith.addi %mul3A_42, %add3A_43 : i32
    %dma_start3A_45 = arith.constant 0 : i32
    %dma_start3A_46 = tpu.memref_slice %arg22[%add3A_44, %dma_start3A_45] : memref<10240x16xf32, #tpu.memory_space<vmem_shared>> -> memref<32x16xf32, #tpu.memory_space<vmem_shared>>
    %dma_start3A_47 = arith.constant 0 : i32
    %dma_start3A_48 = tpu.memref_slice %arg22[%add3A_44, %dma_start3A_47] : memref<10240x16xf32, #tpu.memory_space<vmem_shared>> -> memref<32x16xf32, #tpu.memory_space<vmem_shared>>
    tpu.enqueue_dma source(%arg20 : memref<32x16xf32, #tpu.memory_space<vmem>>) target(%dma_start3A_48 : memref<32x16xf32, #tpu.memory_space<vmem_shared>>) target_semaphore(%arg28 : memref<!tpu.dma_semaphore, #tpu.memory_space<semaphore_mem>>)
    %mul3A_49 = arith.constant 640 : i32
    %mul3A_50 = arith.muli %arg1, %mul3A_49 : i32
    %add3A_51 = arith.constant 32 : i32
    %add3A_52 = arith.addi %mul3A_50, %add3A_51 : i32
    %dma_start3A_53 = arith.constant 0 : i32
    %dma_start3A_54 = tpu.memref_slice %arg21[%add3A_52, %dma_start3A_53] : memref<10240x128xbf16, #tpu.memory_space<vmem_shared>> -> memref<32x128xbf16, #tpu.memory_space<vmem_shared>>
    %dma_start3A_55 = arith.constant 0 : i32
    %dma_start3A_56 = tpu.memref_slice %arg21[%add3A_52, %dma_start3A_55] : memref<10240x128xbf16, #tpu.memory_space<vmem_shared>> -> memref<32x128xbf16, #tpu.memory_space<vmem_shared>>
    tpu.enqueue_dma source(%arg19 : memref<32x128xbf16, #tpu.memory_space<vmem>>) target(%dma_start3A_56 : memref<32x128xbf16, #tpu.memory_space<vmem_shared>>) target_semaphore(%arg27 : memref<!tpu.dma_semaphore, #tpu.memory_space<semaphore_mem>>)
    %mul3A_57 = arith.constant 640 : i32
    %mul3A_58 = arith.muli %arg1, %mul3A_57 : i32
    %add3A_59 = arith.constant 32 : i32
    %add3A_60 = arith.addi %mul3A_58, %add3A_59 : i32
    %dma_start3A_61 = arith.constant 0 : i32
    %dma_start3A_62 = tpu.memref_slice %arg22[%add3A_60, %dma_start3A_61] : memref<10240x16xf32, #tpu.memory_space<vmem_shared>> -> memref<32x16xf32, #tpu.memory_space<vmem_shared>>
    %dma_start3A_63 = arith.constant 0 : i32
    %dma_start3A_64 = tpu.memref_slice %arg22[%add3A_60, %dma_start3A_63] : memref<10240x16xf32, #tpu.memory_space<vmem_shared>> -> memref<32x16xf32, #tpu.memory_space<vmem_shared>>
    tpu.enqueue_dma source(%arg20 : memref<32x16xf32, #tpu.memory_space<vmem>>) target(%dma_start3A_64 : memref<32x16xf32, #tpu.memory_space<vmem_shared>>) target_semaphore(%arg28 : memref<!tpu.dma_semaphore, #tpu.memory_space<semaphore_mem>>)
    %mul3A_65 = arith.constant 640 : i32
    %mul3A_66 = arith.muli %arg1, %mul3A_65 : i32
    %add3A_67 = arith.constant 64 : i32
    %add3A_68 = arith.addi %mul3A_66, %add3A_67 : i32
    %dma_start3A_69 = arith.constant 0 : i32
    %dma_start3A_70 = tpu.memref_slice %arg21[%add3A_68, %dma_start3A_69] : memref<10240x128xbf16, #tpu.memory_space<vmem_shared>> -> memref<32x128xbf16, #tpu.memory_space<vmem_shared>>
    %dma_start3A_71 = arith.constant 0 : i32
    %dma_start3A_72 = tpu.memref_slice %arg21[%add3A_68, %dma_start3A_71] : memref<10240x128xbf16, #tpu.memory_space<vmem_shared>> -> memref<32x128xbf16, #tpu.memory_space<vmem_shared>>
    tpu.enqueue_dma source(%arg19 : memref<32x128xbf16, #tpu.memory_space<vmem>>) target(%dma_start3A_72 : memref<32x128xbf16, #tpu.memory_space<vmem_shared>>) target_semaphore(%arg27 : memref<!tpu.dma_semaphore, #tpu.memory_space<semaphore_mem>>)
    %mul3A_73 = arith.constant 640 : i32
    %mul3A_74 = arith.muli %arg1, %mul3A_73 : i32
    %add3A_75 = arith.constant 64 : i32
    %add3A_76 = arith.addi %mul3A_74, %add3A_75 : i32
    %dma_start3A_77 = arith.constant 0 : i32
    %dma_start3A_78 = tpu.memref_slice %arg22[%add3A_76, %dma_start3A_77] : memref<10240x16xf32, #tpu.memory_space<vmem_shared>> -> memref<32x16xf32, #tpu.memory_space<vmem_shared>>
    %dma_start3A_79 = arith.constant 0 : i32
    %dma_start3A_80 = tpu.memref_slice %arg22[%add3A_76, %dma_start3A_79] : memref<10240x16xf32, #tpu.memory_space<vmem_shared>> -> memref<32x16xf32, #tpu.memory_space<vmem_shared>>
    tpu.enqueue_dma source(%arg20 : memref<32x16xf32, #tpu.memory_space<vmem>>) target(%dma_start3A_80 : memref<32x16xf32, #tpu.memory_space<vmem_shared>>) target_semaphore(%arg28 : memref<!tpu.dma_semaphore, #tpu.memory_space<semaphore_mem>>)
    %mul3A_81 = arith.constant 640 : i32
    %mul3A_82 = arith.muli %arg1, %mul3A_81 : i32
    %add3A_83 = arith.constant 96 : i32
    %add3A_84 = arith.addi %mul3A_82, %add3A_83 : i32
    %dma_start3A_85 = arith.constant 0 : i32
    %dma_start3A_86 = tpu.memref_slice %arg21[%add3A_84, %dma_start3A_85] : memref<10240x128xbf16, #tpu.memory_space<vmem_shared>> -> memref<32x128xbf16, #tpu.memory_space<vmem_shared>>
    %dma_start3A_87 = arith.constant 0 : i32
    %dma_start3A_88 = tpu.memref_slice %arg21[%add3A_84, %dma_start3A_87] : memref<10240x128xbf16, #tpu.memory_space<vmem_shared>> -> memref<32x128xbf16, #tpu.memory_space<vmem_shared>>
    tpu.enqueue_dma source(%arg19 : memref<32x128xbf16, #tpu.memory_space<vmem>>) target(%dma_start3A_88 : memref<32x128xbf16, #tpu.memory_space<vmem_shared>>) target_semaphore(%arg27 : memref<!tpu.dma_semaphore, #tpu.memory_space<semaphore_mem>>)
    %mul3A_89 = arith.constant 640 : i32
    %mul3A_90 = arith.muli %arg1, %mul3A_89 : i32
    %add3A_91 = arith.constant 96 : i32
    %add3A_92 = arith.addi %mul3A_90, %add3A_91 : i32
    %dma_start3A_93 = arith.constant 0 : i32
    %dma_start3A_94 = tpu.memref_slice %arg22[%add3A_92, %dma_start3A_93] : memref<10240x16xf32, #tpu.memory_space<vmem_shared>> -> memref<32x16xf32, #tpu.memory_space<vmem_shared>>
    %dma_start3A_95 = arith.constant 0 : i32
    %dma_start3A_96 = tpu.memref_slice %arg22[%add3A_92, %dma_start3A_95] : memref<10240x16xf32, #tpu.memory_space<vmem_shared>> -> memref<32x16xf32, #tpu.memory_space<vmem_shared>>
    tpu.enqueue_dma source(%arg20 : memref<32x16xf32, #tpu.memory_space<vmem>>) target(%dma_start3A_96 : memref<32x16xf32, #tpu.memory_space<vmem_shared>>) target_semaphore(%arg28 : memref<!tpu.dma_semaphore, #tpu.memory_space<semaphore_mem>>)
    %mul3A_97 = arith.constant 640 : i32
    %mul3A_98 = arith.muli %arg1, %mul3A_97 : i32
    %add3A_99 = arith.constant 128 : i32
    %add3A_100 = arith.addi %mul3A_98, %add3A_99 : i32
    %dma_start3A_101 = arith.constant 0 : i32
    %dma_start3A_102 = tpu.memref_slice %arg21[%add3A_100, %dma_start3A_101] : memref<10240x128xbf16, #tpu.memory_space<vmem_shared>> -> memref<32x128xbf16, #tpu.memory_space<vmem_shared>>
    %dma_start3A_103 = arith.constant 0 : i32
    %dma_start3A_104 = tpu.memref_slice %arg21[%add3A_100, %dma_start3A_103] : memref<10240x128xbf16, #tpu.memory_space<vmem_shared>> -> memref<32x128xbf16, #tpu.memory_space<vmem_shared>>
    tpu.enqueue_dma source(%arg19 : memref<32x128xbf16, #tpu.memory_space<vmem>>) target(%dma_start3A_104 : memref<32x128xbf16, #tpu.memory_space<vmem_shared>>) target_semaphore(%arg27 : memref<!tpu.dma_semaphore, #tpu.memory_space<semaphore_mem>>)
    %mul3A_105 = arith.constant 640 : i32
    %mul3A_106 = arith.muli %arg1, %mul3A_105 : i32
    %add3A_107 = arith.constant 128 : i32
    %add3A_108 = arith.addi %mul3A_106, %add3A_107 : i32
    %dma_start3A_109 = arith.constant 0 : i32
    %dma_start3A_110 = tpu.memref_slice %arg22[%add3A_108, %dma_start3A_109] : memref<10240x16xf32, #tpu.memory_space<vmem_shared>> -> memref<32x16xf32, #tpu.memory_space<vmem_shared>>
    %dma_start3A_111 = arith.constant 0 : i32
    %dma_start3A_112 = tpu.memref_slice %arg22[%add3A_108, %dma_start3A_111] : memref<10240x16xf32, #tpu.memory_space<vmem_shared>> -> memref<32x16xf32, #tpu.memory_space<vmem_shared>>
    tpu.enqueue_dma source(%arg20 : memref<32x16xf32, #tpu.memory_space<vmem>>) target(%dma_start3A_112 : memref<32x16xf32, #tpu.memory_space<vmem_shared>>) target_semaphore(%arg28 : memref<!tpu.dma_semaphore, #tpu.memory_space<semaphore_mem>>)
    %mul3A_113 = arith.constant 640 : i32
    %mul3A_114 = arith.muli %arg1, %mul3A_113 : i32
    %add3A_115 = arith.constant 160 : i32
    %add3A_116 = arith.addi %mul3A_114, %add3A_115 : i32
    %dma_start3A_117 = arith.constant 0 : i32
    %dma_start3A_118 = tpu.memref_slice %arg21[%add3A_116, %dma_start3A_117] : memref<10240x128xbf16, #tpu.memory_space<vmem_shared>> -> memref<32x128xbf16, #tpu.memory_space<vmem_shared>>
    %dma_start3A_119 = arith.constant 0 : i32
    %dma_start3A_120 = tpu.memref_slice %arg21[%add3A_116, %dma_start3A_119] : memref<10240x128xbf16, #tpu.memory_space<vmem_shared>> -> memref<32x128xbf16, #tpu.memory_space<vmem_shared>>
    tpu.enqueue_dma source(%arg19 : memref<32x128xbf16, #tpu.memory_space<vmem>>) target(%dma_start3A_120 : memref<32x128xbf16, #tpu.memory_space<vmem_shared>>) target_semaphore(%arg27 : memref<!tpu.dma_semaphore, #tpu.memory_space<semaphore_mem>>)
    %mul3A_121 = arith.constant 640 : i32
    %mul3A_122 = arith.muli %arg1, %mul3A_121 : i32
    %add3A_123 = arith.constant 160 : i32
    %add3A_124 = arith.addi %mul3A_122, %add3A_123 : i32
    %dma_start3A_125 = arith.constant 0 : i32
    %dma_start3A_126 = tpu.memref_slice %arg22[%add3A_124, %dma_start3A_125] : memref<10240x16xf32, #tpu.memory_space<vmem_shared>> -> memref<32x16xf32, #tpu.memory_space<vmem_shared>>
    %dma_start3A_127 = arith.constant 0 : i32
    %dma_start3A_128 = tpu.memref_slice %arg22[%add3A_124, %dma_start3A_127] : memref<10240x16xf32, #tpu.memory_space<vmem_shared>> -> memref<32x16xf32, #tpu.memory_space<vmem_shared>>
    tpu.enqueue_dma source(%arg20 : memref<32x16xf32, #tpu.memory_space<vmem>>) target(%dma_start3A_128 : memref<32x16xf32, #tpu.memory_space<vmem_shared>>) target_semaphore(%arg28 : memref<!tpu.dma_semaphore, #tpu.memory_space<semaphore_mem>>)
    %mul3A_129 = arith.constant 640 : i32
    %mul3A_130 = arith.muli %arg1, %mul3A_129 : i32
    %add3A_131 = arith.constant 192 : i32
    %add3A_132 = arith.addi %mul3A_130, %add3A_131 : i32
    %dma_start3A_133 = arith.constant 0 : i32
    %dma_start3A_134 = tpu.memref_slice %arg21[%add3A_132, %dma_start3A_133] : memref<10240x128xbf16, #tpu.memory_space<vmem_shared>> -> memref<32x128xbf16, #tpu.memory_space<vmem_shared>>
    %dma_start3A_135 = arith.constant 0 : i32
    %dma_start3A_136 = tpu.memref_slice %arg21[%add3A_132, %dma_start3A_135] : memref<10240x128xbf16, #tpu.memory_space<vmem_shared>> -> memref<32x128xbf16, #tpu.memory_space<vmem_shared>>
    tpu.enqueue_dma source(%arg19 : memref<32x128xbf16, #tpu.memory_space<vmem>>) target(%dma_start3A_136 : memref<32x128xbf16, #tpu.memory_space<vmem_shared>>) target_semaphore(%arg27 : memref<!tpu.dma_semaphore, #tpu.memory_space<semaphore_mem>>)
    %mul3A_137 = arith.constant 640 : i32
    %mul3A_138 = arith.muli %arg1, %mul3A_137 : i32
    %add3A_139 = arith.constant 192 : i32
    %add3A_140 = arith.addi %mul3A_138, %add3A_139 : i32
    %dma_start3A_141 = arith.constant 0 : i32
    %dma_start3A_142 = tpu.memref_slice %arg22[%add3A_140, %dma_start3A_141] : memref<10240x16xf32, #tpu.memory_space<vmem_shared>> -> memref<32x16xf32, #tpu.memory_space<vmem_shared>>
    %dma_start3A_143 = arith.constant 0 : i32
    %dma_start3A_144 = tpu.memref_slice %arg22[%add3A_140, %dma_start3A_143] : memref<10240x16xf32, #tpu.memory_space<vmem_shared>> -> memref<32x16xf32, #tpu.memory_space<vmem_shared>>
    tpu.enqueue_dma source(%arg20 : memref<32x16xf32, #tpu.memory_space<vmem>>) target(%dma_start3A_144 : memref<32x16xf32, #tpu.memory_space<vmem_shared>>) target_semaphore(%arg28 : memref<!tpu.dma_semaphore, #tpu.memory_space<semaphore_mem>>)
    %mul3A_145 = arith.constant 640 : i32
    %mul3A_146 = arith.muli %arg1, %mul3A_145 : i32
    %add3A_147 = arith.constant 224 : i32
    %add3A_148 = arith.addi %mul3A_146, %add3A_147 : i32
    %dma_start3A_149 = arith.constant 0 : i32
    %dma_start3A_150 = tpu.memref_slice %arg21[%add3A_148, %dma_start3A_149] : memref<10240x128xbf16, #tpu.memory_space<vmem_shared>> -> memref<32x128xbf16, #tpu.memory_space<vmem_shared>>
    %dma_start3A_151 = arith.constant 0 : i32
    %dma_start3A_152 = tpu.memref_slice %arg21[%add3A_148, %dma_start3A_151] : memref<10240x128xbf16, #tpu.memory_space<vmem_shared>> -> memref<32x128xbf16, #tpu.memory_space<vmem_shared>>
    tpu.enqueue_dma source(%arg19 : memref<32x128xbf16, #tpu.memory_space<vmem>>) target(%dma_start3A_152 : memref<32x128xbf16, #tpu.memory_space<vmem_shared>>) target_semaphore(%arg27 : memref<!tpu.dma_semaphore, #tpu.memory_space<semaphore_mem>>)
    %mul3A_153 = arith.constant 640 : i32
    %mul3A_154 = arith.muli %arg1, %mul3A_153 : i32
    %add3A_155 = arith.constant 224 : i32
    %add3A_156 = arith.addi %mul3A_154, %add3A_155 : i32
    %dma_start3A_157 = arith.constant 0 : i32
    %dma_start3A_158 = tpu.memref_slice %arg22[%add3A_156, %dma_start3A_157] : memref<10240x16xf32, #tpu.memory_space<vmem_shared>> -> memref<32x16xf32, #tpu.memory_space<vmem_shared>>
    %dma_start3A_159 = arith.constant 0 : i32
    %dma_start3A_160 = tpu.memref_slice %arg22[%add3A_156, %dma_start3A_159] : memref<10240x16xf32, #tpu.memory_space<vmem_shared>> -> memref<32x16xf32, #tpu.memory_space<vmem_shared>>
    tpu.enqueue_dma source(%arg20 : memref<32x16xf32, #tpu.memory_space<vmem>>) target(%dma_start3A_160 : memref<32x16xf32, #tpu.memory_space<vmem_shared>>) target_semaphore(%arg28 : memref<!tpu.dma_semaphore, #tpu.memory_space<semaphore_mem>>)
    %mul3A_161 = arith.constant 640 : i32
    %mul3A_162 = arith.muli %arg1, %mul3A_161 : i32
    %add3A_163 = arith.constant 256 : i32
    %add3A_164 = arith.addi %mul3A_162, %add3A_163 : i32
    %dma_start3A_165 = arith.constant 0 : i32
    %dma_start3A_166 = tpu.memref_slice %arg21[%add3A_164, %dma_start3A_165] : memref<10240x128xbf16, #tpu.memory_space<vmem_shared>> -> memref<32x128xbf16, #tpu.memory_space<vmem_shared>>
    %dma_start3A_167 = arith.constant 0 : i32
    %dma_start3A_168 = tpu.memref_slice %arg21[%add3A_164, %dma_start3A_167] : memref<10240x128xbf16, #tpu.memory_space<vmem_shared>> -> memref<32x128xbf16, #tpu.memory_space<vmem_shared>>
    tpu.enqueue_dma source(%arg19 : memref<32x128xbf16, #tpu.memory_space<vmem>>) target(%dma_start3A_168 : memref<32x128xbf16, #tpu.memory_space<vmem_shared>>) target_semaphore(%arg27 : memref<!tpu.dma_semaphore, #tpu.memory_space<semaphore_mem>>)
    %mul3A_169 = arith.constant 640 : i32
    %mul3A_170 = arith.muli %arg1, %mul3A_169 : i32
    %add3A_171 = arith.constant 256 : i32
    %add3A_172 = arith.addi %mul3A_170, %add3A_171 : i32
    %dma_start3A_173 = arith.constant 0 : i32
    %dma_start3A_174 = tpu.memref_slice %arg22[%add3A_172, %dma_start3A_173] : memref<10240x16xf32, #tpu.memory_space<vmem_shared>> -> memref<32x16xf32, #tpu.memory_space<vmem_shared>>
    %dma_start3A_175 = arith.constant 0 : i32
    %dma_start3A_176 = tpu.memref_slice %arg22[%add3A_172, %dma_start3A_175] : memref<10240x16xf32, #tpu.memory_space<vmem_shared>> -> memref<32x16xf32, #tpu.memory_space<vmem_shared>>
    tpu.enqueue_dma source(%arg20 : memref<32x16xf32, #tpu.memory_space<vmem>>) target(%dma_start3A_176 : memref<32x16xf32, #tpu.memory_space<vmem_shared>>) target_semaphore(%arg28 : memref<!tpu.dma_semaphore, #tpu.memory_space<semaphore_mem>>)
    %mul3A_177 = arith.constant 640 : i32
    %mul3A_178 = arith.muli %arg1, %mul3A_177 : i32
    %add3A_179 = arith.constant 288 : i32
    %add3A_180 = arith.addi %mul3A_178, %add3A_179 : i32
    %dma_start3A_181 = arith.constant 0 : i32
    %dma_start3A_182 = tpu.memref_slice %arg21[%add3A_180, %dma_start3A_181] : memref<10240x128xbf16, #tpu.memory_space<vmem_shared>> -> memref<32x128xbf16, #tpu.memory_space<vmem_shared>>
    %dma_start3A_183 = arith.constant 0 : i32
    %dma_start3A_184 = tpu.memref_slice %arg21[%add3A_180, %dma_start3A_183] : memref<10240x128xbf16, #tpu.memory_space<vmem_shared>> -> memref<32x128xbf16, #tpu.memory_space<vmem_shared>>
    tpu.enqueue_dma source(%arg19 : memref<32x128xbf16, #tpu.memory_space<vmem>>) target(%dma_start3A_184 : memref<32x128xbf16, #tpu.memory_space<vmem_shared>>) target_semaphore(%arg27 : memref<!tpu.dma_semaphore, #tpu.memory_space<semaphore_mem>>)
    %mul3A_185 = arith.constant 640 : i32
    %mul3A_186 = arith.muli %arg1, %mul3A_185 : i32
    %add3A_187 = arith.constant 288 : i32
    %add3A_188 = arith.addi %mul3A_186, %add3A_187 : i32
    %dma_start3A_189 = arith.constant 0 : i32
    %dma_start3A_190 = tpu.memref_slice %arg22[%add3A_188, %dma_start3A_189] : memref<10240x16xf32, #tpu.memory_space<vmem_shared>> -> memref<32x16xf32, #tpu.memory_space<vmem_shared>>
    %dma_start3A_191 = arith.constant 0 : i32
    %dma_start3A_192 = tpu.memref_slice %arg22[%add3A_188, %dma_start3A_191] : memref<10240x16xf32, #tpu.memory_space<vmem_shared>> -> memref<32x16xf32, #tpu.memory_space<vmem_shared>>
    tpu.enqueue_dma source(%arg20 : memref<32x16xf32, #tpu.memory_space<vmem>>) target(%dma_start3A_192 : memref<32x16xf32, #tpu.memory_space<vmem_shared>>) target_semaphore(%arg28 : memref<!tpu.dma_semaphore, #tpu.memory_space<semaphore_mem>>)
    %mul3A_193 = arith.constant 640 : i32
    %mul3A_194 = arith.muli %arg1, %mul3A_193 : i32
    %add3A_195 = arith.constant 320 : i32
    %add3A_196 = arith.addi %mul3A_194, %add3A_195 : i32
    %dma_start3A_197 = arith.constant 0 : i32
    %dma_start3A_198 = tpu.memref_slice %arg21[%add3A_196, %dma_start3A_197] : memref<10240x128xbf16, #tpu.memory_space<vmem_shared>> -> memref<32x128xbf16, #tpu.memory_space<vmem_shared>>
    %dma_start3A_199 = arith.constant 0 : i32
    %dma_start3A_200 = tpu.memref_slice %arg21[%add3A_196, %dma_start3A_199] : memref<10240x128xbf16, #tpu.memory_space<vmem_shared>> -> memref<32x128xbf16, #tpu.memory_space<vmem_shared>>
    tpu.enqueue_dma source(%arg19 : memref<32x128xbf16, #tpu.memory_space<vmem>>) target(%dma_start3A_200 : memref<32x128xbf16, #tpu.memory_space<vmem_shared>>) target_semaphore(%arg27 : memref<!tpu.dma_semaphore, #tpu.memory_space<semaphore_mem>>)
    %mul3A_201 = arith.constant 640 : i32
    %mul3A_202 = arith.muli %arg1, %mul3A_201 : i32
    %add3A_203 = arith.constant 320 : i32
    %add3A_204 = arith.addi %mul3A_202, %add3A_203 : i32
    %dma_start3A_205 = arith.constant 0 : i32
    %dma_start3A_206 = tpu.memref_slice %arg22[%add3A_204, %dma_start3A_205] : memref<10240x16xf32, #tpu.memory_space<vmem_shared>> -> memref<32x16xf32, #tpu.memory_space<vmem_shared>>
    %dma_start3A_207 = arith.constant 0 : i32
    %dma_start3A_208 = tpu.memref_slice %arg22[%add3A_204, %dma_start3A_207] : memref<10240x16xf32, #tpu.memory_space<vmem_shared>> -> memref<32x16xf32, #tpu.memory_space<vmem_shared>>
    tpu.enqueue_dma source(%arg20 : memref<32x16xf32, #tpu.memory_space<vmem>>) target(%dma_start3A_208 : memref<32x16xf32, #tpu.memory_space<vmem_shared>>) target_semaphore(%arg28 : memref<!tpu.dma_semaphore, #tpu.memory_space<semaphore_mem>>)
    %mul3A_209 = arith.constant 640 : i32
    %mul3A_210 = arith.muli %arg1, %mul3A_209 : i32
    %add3A_211 = arith.constant 352 : i32
    %add3A_212 = arith.addi %mul3A_210, %add3A_211 : i32
    %dma_start3A_213 = arith.constant 0 : i32
    %dma_start3A_214 = tpu.memref_slice %arg21[%add3A_212, %dma_start3A_213] : memref<10240x128xbf16, #tpu.memory_space<vmem_shared>> -> memref<32x128xbf16, #tpu.memory_space<vmem_shared>>
    %dma_start3A_215 = arith.constant 0 : i32
    %dma_start3A_216 = tpu.memref_slice %arg21[%add3A_212, %dma_start3A_215] : memref<10240x128xbf16, #tpu.memory_space<vmem_shared>> -> memref<32x128xbf16, #tpu.memory_space<vmem_shared>>
    tpu.enqueue_dma source(%arg19 : memref<32x128xbf16, #tpu.memory_space<vmem>>) target(%dma_start3A_216 : memref<32x128xbf16, #tpu.memory_space<vmem_shared>>) target_semaphore(%arg27 : memref<!tpu.dma_semaphore, #tpu.memory_space<semaphore_mem>>)
    %mul3A_217 = arith.constant 640 : i32
    %mul3A_218 = arith.muli %arg1, %mul3A_217 : i32
    %add3A_219 = arith.constant 352 : i32
    %add3A_220 = arith.addi %mul3A_218, %add3A_219 : i32
    %dma_start3A_221 = arith.constant 0 : i32
    %dma_start3A_222 = tpu.memref_slice %arg22[%add3A_220, %dma_start3A_221] : memref<10240x16xf32, #tpu.memory_space<vmem_shared>> -> memref<32x16xf32, #tpu.memory_space<vmem_shared>>
    %dma_start3A_223 = arith.constant 0 : i32
    %dma_start3A_224 = tpu.memref_slice %arg22[%add3A_220, %dma_start3A_223] : memref<10240x16xf32, #tpu.memory_space<vmem_shared>> -> memref<32x16xf32, #tpu.memory_space<vmem_shared>>
    tpu.enqueue_dma source(%arg20 : memref<32x16xf32, #tpu.memory_space<vmem>>) target(%dma_start3A_224 : memref<32x16xf32, #tpu.memory_space<vmem_shared>>) target_semaphore(%arg28 : memref<!tpu.dma_semaphore, #tpu.memory_space<semaphore_mem>>)
    %mul3A_225 = arith.constant 640 : i32
    %mul3A_226 = arith.muli %arg1, %mul3A_225 : i32
    %add3A_227 = arith.constant 384 : i32
    %add3A_228 = arith.addi %mul3A_226, %add3A_227 : i32
    %dma_start3A_229 = arith.constant 0 : i32
    %dma_start3A_230 = tpu.memref_slice %arg21[%add3A_228, %dma_start3A_229] : memref<10240x128xbf16, #tpu.memory_space<vmem_shared>> -> memref<32x128xbf16, #tpu.memory_space<vmem_shared>>
    %dma_start3A_231 = arith.constant 0 : i32
    %dma_start3A_232 = tpu.memref_slice %arg21[%add3A_228, %dma_start3A_231] : memref<10240x128xbf16, #tpu.memory_space<vmem_shared>> -> memref<32x128xbf16, #tpu.memory_space<vmem_shared>>
    tpu.enqueue_dma source(%arg19 : memref<32x128xbf16, #tpu.memory_space<vmem>>) target(%dma_start3A_232 : memref<32x128xbf16, #tpu.memory_space<vmem_shared>>) target_semaphore(%arg27 : memref<!tpu.dma_semaphore, #tpu.memory_space<semaphore_mem>>)
    %mul3A_233 = arith.constant 640 : i32
    %mul3A_234 = arith.muli %arg1, %mul3A_233 : i32
    %add3A_235 = arith.constant 384 : i32
    %add3A_236 = arith.addi %mul3A_234, %add3A_235 : i32
    %dma_start3A_237 = arith.constant 0 : i32
    %dma_start3A_238 = tpu.memref_slice %arg22[%add3A_236, %dma_start3A_237] : memref<10240x16xf32, #tpu.memory_space<vmem_shared>> -> memref<32x16xf32, #tpu.memory_space<vmem_shared>>
    %dma_start3A_239 = arith.constant 0 : i32
    %dma_start3A_240 = tpu.memref_slice %arg22[%add3A_236, %dma_start3A_239] : memref<10240x16xf32, #tpu.memory_space<vmem_shared>> -> memref<32x16xf32, #tpu.memory_space<vmem_shared>>
    tpu.enqueue_dma source(%arg20 : memref<32x16xf32, #tpu.memory_space<vmem>>) target(%dma_start3A_240 : memref<32x16xf32, #tpu.memory_space<vmem_shared>>) target_semaphore(%arg28 : memref<!tpu.dma_semaphore, #tpu.memory_space<semaphore_mem>>)
    %mul3A_241 = arith.constant 640 : i32
    %mul3A_242 = arith.muli %arg1, %mul3A_241 : i32
    %add3A_243 = arith.constant 416 : i32
    %add3A_244 = arith.addi %mul3A_242, %add3A_243 : i32
    %dma_start3A_245 = arith.constant 0 : i32
    %dma_start3A_246 = tpu.memref_slice %arg21[%add3A_244, %dma_start3A_245] : memref<10240x128xbf16, #tpu.memory_space<vmem_shared>> -> memref<32x128xbf16, #tpu.memory_space<vmem_shared>>
    %dma_start3A_247 = arith.constant 0 : i32
    %dma_start3A_248 = tpu.memref_slice %arg21[%add3A_244, %dma_start3A_247] : memref<10240x128xbf16, #tpu.memory_space<vmem_shared>> -> memref<32x128xbf16, #tpu.memory_space<vmem_shared>>
    tpu.enqueue_dma source(%arg19 : memref<32x128xbf16, #tpu.memory_space<vmem>>) target(%dma_start3A_248 : memref<32x128xbf16, #tpu.memory_space<vmem_shared>>) target_semaphore(%arg27 : memref<!tpu.dma_semaphore, #tpu.memory_space<semaphore_mem>>)
    %mul3A_249 = arith.constant 640 : i32
    %mul3A_250 = arith.muli %arg1, %mul3A_249 : i32
    %add3A_251 = arith.constant 416 : i32
    %add3A_252 = arith.addi %mul3A_250, %add3A_251 : i32
    %dma_start3A_253 = arith.constant 0 : i32
    %dma_start3A_254 = tpu.memref_slice %arg22[%add3A_252, %dma_start3A_253] : memref<10240x16xf32, #tpu.memory_space<vmem_shared>> -> memref<32x16xf32, #tpu.memory_space<vmem_shared>>
    %dma_start3A_255 = arith.constant 0 : i32
    %dma_start3A_256 = tpu.memref_slice %arg22[%add3A_252, %dma_start3A_255] : memref<10240x16xf32, #tpu.memory_space<vmem_shared>> -> memref<32x16xf32, #tpu.memory_space<vmem_shared>>
    tpu.enqueue_dma source(%arg20 : memref<32x16xf32, #tpu.memory_space<vmem>>) target(%dma_start3A_256 : memref<32x16xf32, #tpu.memory_space<vmem_shared>>) target_semaphore(%arg28 : memref<!tpu.dma_semaphore, #tpu.memory_space<semaphore_mem>>)
    %mul3A_257 = arith.constant 640 : i32
    %mul3A_258 = arith.muli %arg1, %mul3A_257 : i32
    %add3A_259 = arith.constant 448 : i32
    %add3A_260 = arith.addi %mul3A_258, %add3A_259 : i32
    %dma_start3A_261 = arith.constant 0 : i32
    %dma_start3A_262 = tpu.memref_slice %arg21[%add3A_260, %dma_start3A_261] : memref<10240x128xbf16, #tpu.memory_space<vmem_shared>> -> memref<32x128xbf16, #tpu.memory_space<vmem_shared>>
    %dma_start3A_263 = arith.constant 0 : i32
    %dma_start3A_264 = tpu.memref_slice %arg21[%add3A_260, %dma_start3A_263] : memref<10240x128xbf16, #tpu.memory_space<vmem_shared>> -> memref<32x128xbf16, #tpu.memory_space<vmem_shared>>
    tpu.enqueue_dma source(%arg19 : memref<32x128xbf16, #tpu.memory_space<vmem>>) target(%dma_start3A_264 : memref<32x128xbf16, #tpu.memory_space<vmem_shared>>) target_semaphore(%arg27 : memref<!tpu.dma_semaphore, #tpu.memory_space<semaphore_mem>>)
    %mul3A_265 = arith.constant 640 : i32
    %mul3A_266 = arith.muli %arg1, %mul3A_265 : i32
    %add3A_267 = arith.constant 448 : i32
    %add3A_268 = arith.addi %mul3A_266, %add3A_267 : i32
    %dma_start3A_269 = arith.constant 0 : i32
    %dma_start3A_270 = tpu.memref_slice %arg22[%add3A_268, %dma_start3A_269] : memref<10240x16xf32, #tpu.memory_space<vmem_shared>> -> memref<32x16xf32, #tpu.memory_space<vmem_shared>>
    %dma_start3A_271 = arith.constant 0 : i32
    %dma_start3A_272 = tpu.memref_slice %arg22[%add3A_268, %dma_start3A_271] : memref<10240x16xf32, #tpu.memory_space<vmem_shared>> -> memref<32x16xf32, #tpu.memory_space<vmem_shared>>
    tpu.enqueue_dma source(%arg20 : memref<32x16xf32, #tpu.memory_space<vmem>>) target(%dma_start3A_272 : memref<32x16xf32, #tpu.memory_space<vmem_shared>>) target_semaphore(%arg28 : memref<!tpu.dma_semaphore, #tpu.memory_space<semaphore_mem>>)
    %mul3A_273 = arith.constant 640 : i32
    %mul3A_274 = arith.muli %arg1, %mul3A_273 : i32
    %add3A_275 = arith.constant 480 : i32
    %add3A_276 = arith.addi %mul3A_274, %add3A_275 : i32
    %dma_start3A_277 = arith.constant 0 : i32
    %dma_start3A_278 = tpu.memref_slice %arg21[%add3A_276, %dma_start3A_277] : memref<10240x128xbf16, #tpu.memory_space<vmem_shared>> -> memref<32x128xbf16, #tpu.memory_space<vmem_shared>>
    %dma_start3A_279 = arith.constant 0 : i32
    %dma_start3A_280 = tpu.memref_slice %arg21[%add3A_276, %dma_start3A_279] : memref<10240x128xbf16, #tpu.memory_space<vmem_shared>> -> memref<32x128xbf16, #tpu.memory_space<vmem_shared>>
    tpu.enqueue_dma source(%arg19 : memref<32x128xbf16, #tpu.memory_space<vmem>>) target(%dma_start3A_280 : memref<32x128xbf16, #tpu.memory_space<vmem_shared>>) target_semaphore(%arg27 : memref<!tpu.dma_semaphore, #tpu.memory_space<semaphore_mem>>)
    %mul3A_281 = arith.constant 640 : i32
    %mul3A_282 = arith.muli %arg1, %mul3A_281 : i32
    %add3A_283 = arith.constant 480 : i32
    %add3A_284 = arith.addi %mul3A_282, %add3A_283 : i32
    %dma_start3A_285 = arith.constant 0 : i32
    %dma_start3A_286 = tpu.memref_slice %arg22[%add3A_284, %dma_start3A_285] : memref<10240x16xf32, #tpu.memory_space<vmem_shared>> -> memref<32x16xf32, #tpu.memory_space<vmem_shared>>
    %dma_start3A_287 = arith.constant 0 : i32
    %dma_start3A_288 = tpu.memref_slice %arg22[%add3A_284, %dma_start3A_287] : memref<10240x16xf32, #tpu.memory_space<vmem_shared>> -> memref<32x16xf32, #tpu.memory_space<vmem_shared>>
    tpu.enqueue_dma source(%arg20 : memref<32x16xf32, #tpu.memory_space<vmem>>) target(%dma_start3A_288 : memref<32x16xf32, #tpu.memory_space<vmem_shared>>) target_semaphore(%arg28 : memref<!tpu.dma_semaphore, #tpu.memory_space<semaphore_mem>>)
    %mul3A_289 = arith.constant 640 : i32
    %mul3A_290 = arith.muli %arg1, %mul3A_289 : i32
    %add3A_291 = arith.constant 512 : i32
    %add3A_292 = arith.addi %mul3A_290, %add3A_291 : i32
    %dma_start3A_293 = arith.constant 0 : i32
    %dma_start3A_294 = tpu.memref_slice %arg21[%add3A_292, %dma_start3A_293] : memref<10240x128xbf16, #tpu.memory_space<vmem_shared>> -> memref<32x128xbf16, #tpu.memory_space<vmem_shared>>
    %dma_start3A_295 = arith.constant 0 : i32
    %dma_start3A_296 = tpu.memref_slice %arg21[%add3A_292, %dma_start3A_295] : memref<10240x128xbf16, #tpu.memory_space<vmem_shared>> -> memref<32x128xbf16, #tpu.memory_space<vmem_shared>>
    tpu.enqueue_dma source(%arg19 : memref<32x128xbf16, #tpu.memory_space<vmem>>) target(%dma_start3A_296 : memref<32x128xbf16, #tpu.memory_space<vmem_shared>>) target_semaphore(%arg27 : memref<!tpu.dma_semaphore, #tpu.memory_space<semaphore_mem>>)
    %mul3A_297 = arith.constant 640 : i32
    %mul3A_298 = arith.muli %arg1, %mul3A_297 : i32
    %add3A_299 = arith.constant 512 : i32
    %add3A_300 = arith.addi %mul3A_298, %add3A_299 : i32
    %dma_start3A_301 = arith.constant 0 : i32
    %dma_start3A_302 = tpu.memref_slice %arg22[%add3A_300, %dma_start3A_301] : memref<10240x16xf32, #tpu.memory_space<vmem_shared>> -> memref<32x16xf32, #tpu.memory_space<vmem_shared>>
    %dma_start3A_303 = arith.constant 0 : i32
    %dma_start3A_304 = tpu.memref_slice %arg22[%add3A_300, %dma_start3A_303] : memref<10240x16xf32, #tpu.memory_space<vmem_shared>> -> memref<32x16xf32, #tpu.memory_space<vmem_shared>>
    tpu.enqueue_dma source(%arg20 : memref<32x16xf32, #tpu.memory_space<vmem>>) target(%dma_start3A_304 : memref<32x16xf32, #tpu.memory_space<vmem_shared>>) target_semaphore(%arg28 : memref<!tpu.dma_semaphore, #tpu.memory_space<semaphore_mem>>)
    %mul3A_305 = arith.constant 640 : i32
    %mul3A_306 = arith.muli %arg1, %mul3A_305 : i32
    %add3A_307 = arith.constant 544 : i32
    %add3A_308 = arith.addi %mul3A_306, %add3A_307 : i32
    %dma_start3A_309 = arith.constant 0 : i32
    %dma_start3A_310 = tpu.memref_slice %arg21[%add3A_308, %dma_start3A_309] : memref<10240x128xbf16, #tpu.memory_space<vmem_shared>> -> memref<32x128xbf16, #tpu.memory_space<vmem_shared>>
    %dma_start3A_311 = arith.constant 0 : i32
    %dma_start3A_312 = tpu.memref_slice %arg21[%add3A_308, %dma_start3A_311] : memref<10240x128xbf16, #tpu.memory_space<vmem_shared>> -> memref<32x128xbf16, #tpu.memory_space<vmem_shared>>
    tpu.enqueue_dma source(%arg19 : memref<32x128xbf16, #tpu.memory_space<vmem>>) target(%dma_start3A_312 : memref<32x128xbf16, #tpu.memory_space<vmem_shared>>) target_semaphore(%arg27 : memref<!tpu.dma_semaphore, #tpu.memory_space<semaphore_mem>>)
    %mul3A_313 = arith.constant 640 : i32
    %mul3A_314 = arith.muli %arg1, %mul3A_313 : i32
    %add3A_315 = arith.constant 544 : i32
    %add3A_316 = arith.addi %mul3A_314, %add3A_315 : i32
    %dma_start3A_317 = arith.constant 0 : i32
    %dma_start3A_318 = tpu.memref_slice %arg22[%add3A_316, %dma_start3A_317] : memref<10240x16xf32, #tpu.memory_space<vmem_shared>> -> memref<32x16xf32, #tpu.memory_space<vmem_shared>>
    %dma_start3A_319 = arith.constant 0 : i32
    %dma_start3A_320 = tpu.memref_slice %arg22[%add3A_316, %dma_start3A_319] : memref<10240x16xf32, #tpu.memory_space<vmem_shared>> -> memref<32x16xf32, #tpu.memory_space<vmem_shared>>
    tpu.enqueue_dma source(%arg20 : memref<32x16xf32, #tpu.memory_space<vmem>>) target(%dma_start3A_320 : memref<32x16xf32, #tpu.memory_space<vmem_shared>>) target_semaphore(%arg28 : memref<!tpu.dma_semaphore, #tpu.memory_space<semaphore_mem>>)
    %mul3A_321 = arith.constant 640 : i32
    %mul3A_322 = arith.muli %arg1, %mul3A_321 : i32
    %add3A_323 = arith.constant 576 : i32
    %add3A_324 = arith.addi %mul3A_322, %add3A_323 : i32
    %dma_start3A_325 = arith.constant 0 : i32
    %dma_start3A_326 = tpu.memref_slice %arg21[%add3A_324, %dma_start3A_325] : memref<10240x128xbf16, #tpu.memory_space<vmem_shared>> -> memref<32x128xbf16, #tpu.memory_space<vmem_shared>>
    %dma_start3A_327 = arith.constant 0 : i32
    %dma_start3A_328 = tpu.memref_slice %arg21[%add3A_324, %dma_start3A_327] : memref<10240x128xbf16, #tpu.memory_space<vmem_shared>> -> memref<32x128xbf16, #tpu.memory_space<vmem_shared>>
    tpu.enqueue_dma source(%arg19 : memref<32x128xbf16, #tpu.memory_space<vmem>>) target(%dma_start3A_328 : memref<32x128xbf16, #tpu.memory_space<vmem_shared>>) target_semaphore(%arg27 : memref<!tpu.dma_semaphore, #tpu.memory_space<semaphore_mem>>)
    %mul3A_329 = arith.constant 640 : i32
    %mul3A_330 = arith.muli %arg1, %mul3A_329 : i32
    %add3A_331 = arith.constant 576 : i32
    %add3A_332 = arith.addi %mul3A_330, %add3A_331 : i32
    %dma_start3A_333 = arith.constant 0 : i32
    %dma_start3A_334 = tpu.memref_slice %arg22[%add3A_332, %dma_start3A_333] : memref<10240x16xf32, #tpu.memory_space<vmem_shared>> -> memref<32x16xf32, #tpu.memory_space<vmem_shared>>
    %dma_start3A_335 = arith.constant 0 : i32
    %dma_start3A_336 = tpu.memref_slice %arg22[%add3A_332, %dma_start3A_335] : memref<10240x16xf32, #tpu.memory_space<vmem_shared>> -> memref<32x16xf32, #tpu.memory_space<vmem_shared>>
    tpu.enqueue_dma source(%arg20 : memref<32x16xf32, #tpu.memory_space<vmem>>) target(%dma_start3A_336 : memref<32x16xf32, #tpu.memory_space<vmem_shared>>) target_semaphore(%arg28 : memref<!tpu.dma_semaphore, #tpu.memory_space<semaphore_mem>>)
    %mul3A_337 = arith.constant 640 : i32
    %mul3A_338 = arith.muli %arg1, %mul3A_337 : i32
    %add3A_339 = arith.constant 608 : i32
    %add3A_340 = arith.addi %mul3A_338, %add3A_339 : i32
    %dma_start3A_341 = arith.constant 0 : i32
    %dma_start3A_342 = tpu.memref_slice %arg21[%add3A_340, %dma_start3A_341] : memref<10240x128xbf16, #tpu.memory_space<vmem_shared>> -> memref<32x128xbf16, #tpu.memory_space<vmem_shared>>
    %dma_start3A_343 = arith.constant 0 : i32
    %dma_start3A_344 = tpu.memref_slice %arg21[%add3A_340, %dma_start3A_343] : memref<10240x128xbf16, #tpu.memory_space<vmem_shared>> -> memref<32x128xbf16, #tpu.memory_space<vmem_shared>>
    tpu.enqueue_dma source(%arg19 : memref<32x128xbf16, #tpu.memory_space<vmem>>) target(%dma_start3A_344 : memref<32x128xbf16, #tpu.memory_space<vmem_shared>>) target_semaphore(%arg27 : memref<!tpu.dma_semaphore, #tpu.memory_space<semaphore_mem>>)
    %mul3A_345 = arith.constant 640 : i32
    %mul3A_346 = arith.muli %arg1, %mul3A_345 : i32
    %add3A_347 = arith.constant 608 : i32
    %add3A_348 = arith.addi %mul3A_346, %add3A_347 : i32
    %dma_start3A_349 = arith.constant 0 : i32
    %dma_start3A_350 = tpu.memref_slice %arg22[%add3A_348, %dma_start3A_349] : memref<10240x16xf32, #tpu.memory_space<vmem_shared>> -> memref<32x16xf32, #tpu.memory_space<vmem_shared>>
    %dma_start3A_351 = arith.constant 0 : i32
    %dma_start3A_352 = tpu.memref_slice %arg22[%add3A_348, %dma_start3A_351] : memref<10240x16xf32, #tpu.memory_space<vmem_shared>> -> memref<32x16xf32, #tpu.memory_space<vmem_shared>>
    tpu.enqueue_dma source(%arg20 : memref<32x16xf32, #tpu.memory_space<vmem>>) target(%dma_start3A_352 : memref<32x16xf32, #tpu.memory_space<vmem_shared>>) target_semaphore(%arg28 : memref<!tpu.dma_semaphore, #tpu.memory_space<semaphore_mem>>)
    %dma_wait3A = arith.constant 0 : i32
    %dma_wait3A_353 = tpu.memref_slice %arg3[%add3A_5, %dma_wait3A] : memref<2560x128xi32, #tpu.memory_space<hbm>> -> memref<8x128xi32, #tpu.memory_space<hbm>>
    %dma_wait3A_354 = arith.constant 0 : i32
    %dma_wait3A_355 = tpu.memref_slice %arg3[%add3A_5, %dma_wait3A_354] : memref<2560x128xi32, #tpu.memory_space<hbm>> -> memref<8x128xi32, #tpu.memory_space<hbm>>
    tpu.wait_dma2 semaphore(%arg32 : memref<!tpu.dma_semaphore, #tpu.memory_space<semaphore_mem>>) src(%dma_wait3A_355 : memref<8x128xi32, #tpu.memory_space<hbm>>) dst(%arg10 : memref<8x128xi32, #tpu.memory_space<vmem>>)
    %dma_wait3A_356 = arith.constant 0 : i32
    %dma_wait3A_357 = tpu.memref_slice %arg4[%add3A_5, %dma_wait3A_356] : memref<2560x128xi32, #tpu.memory_space<hbm>> -> memref<8x128xi32, #tpu.memory_space<hbm>>
    %dma_wait3A_358 = arith.constant 0 : i32
    %dma_wait3A_359 = tpu.memref_slice %arg4[%add3A_5, %dma_wait3A_358] : memref<2560x128xi32, #tpu.memory_space<hbm>> -> memref<8x128xi32, #tpu.memory_space<hbm>>
    tpu.wait_dma2 semaphore(%arg32 : memref<!tpu.dma_semaphore, #tpu.memory_space<semaphore_mem>>) src(%dma_wait3A_359 : memref<8x128xi32, #tpu.memory_space<hbm>>) dst(%arg12 : memref<8x128xi32, #tpu.memory_space<vmem>>)
    %dma_start3A_360 = arith.constant 0 : i32
    %dma_start3A_361 = arith.constant 0 : i32
    %dma_start3A_362 = tpu.memref_slice %arg10[%dma_start3A_360, %dma_start3A_361] : memref<8x128xi32, #tpu.memory_space<vmem>> -> memref<1x128xi32, #tpu.memory_space<vmem>>
    %dma_start3A_363 = tpu.memref_squeeze %dma_start3A_362 : memref<1x128xi32, #tpu.memory_space<vmem>> -> memref<128xi32, #tpu.memory_space<vmem>>
    %dma_start3A_364 = arith.constant 0 : i32
    %dma_start3A_365 = arith.constant 0 : i32
    %dma_start3A_366 = tpu.memref_slice %arg2[%dma_start3A_364, %dma_start3A_365] : memref<10000x128xbf16, #tpu.memory_space<hbm>> -> memref<10000x128xbf16, #tpu.memory_space<hbm>>
    tpu.enqueue_indirect_dma source(%dma_start3A_366 : memref<10000x128xbf16, #tpu.memory_space<hbm>>) target(%arg14 : memref<128x128xbf16, #tpu.memory_space<vmem>>) offsets(%dma_start3A_363 : memref<128xi32, #tpu.memory_space<vmem>>) semaphore(%arg23 : memref<!tpu.dma_semaphore, #tpu.memory_space<semaphore_mem>>)
    %dma_start3A_367 = arith.constant 1 : i32
    %dma_start3A_368 = arith.constant 0 : i32
    %dma_start3A_369 = tpu.memref_slice %arg10[%dma_start3A_367, %dma_start3A_368] : memref<8x128xi32, #tpu.memory_space<vmem>> -> memref<1x128xi32, #tpu.memory_space<vmem>>
    %dma_start3A_370 = tpu.memref_squeeze %dma_start3A_369 : memref<1x128xi32, #tpu.memory_space<vmem>> -> memref<128xi32, #tpu.memory_space<vmem>>
    %dma_start3A_371 = arith.constant 0 : i32
    %dma_start3A_372 = arith.constant 0 : i32
    %dma_start3A_373 = tpu.memref_slice %arg2[%dma_start3A_371, %dma_start3A_372] : memref<10000x128xbf16, #tpu.memory_space<hbm>> -> memref<10000x128xbf16, #tpu.memory_space<hbm>>
    tpu.enqueue_indirect_dma source(%dma_start3A_373 : memref<10000x128xbf16, #tpu.memory_space<hbm>>) target(%arg15 : memref<128x128xbf16, #tpu.memory_space<vmem>>) offsets(%dma_start3A_370 : memref<128xi32, #tpu.memory_space<vmem>>) semaphore(%arg24 : memref<!tpu.dma_semaphore, #tpu.memory_space<semaphore_mem>>)
    %dma_start3A_374 = arith.constant 2 : i32
    %dma_start3A_375 = arith.constant 0 : i32
    %dma_start3A_376 = tpu.memref_slice %arg10[%dma_start3A_374, %dma_start3A_375] : memref<8x128xi32, #tpu.memory_space<vmem>> -> memref<1x128xi32, #tpu.memory_space<vmem>>
    %dma_start3A_377 = tpu.memref_squeeze %dma_start3A_376 : memref<1x128xi32, #tpu.memory_space<vmem>> -> memref<128xi32, #tpu.memory_space<vmem>>
    %dma_start3A_378 = arith.constant 0 : i32
    %dma_start3A_379 = arith.constant 0 : i32
    %dma_start3A_380 = tpu.memref_slice %arg2[%dma_start3A_378, %dma_start3A_379] : memref<10000x128xbf16, #tpu.memory_space<hbm>> -> memref<10000x128xbf16, #tpu.memory_space<hbm>>
    tpu.enqueue_indirect_dma source(%dma_start3A_380 : memref<10000x128xbf16, #tpu.memory_space<hbm>>) target(%arg16 : memref<128x128xbf16, #tpu.memory_space<vmem>>) offsets(%dma_start3A_377 : memref<128xi32, #tpu.memory_space<vmem>>) semaphore(%arg25 : memref<!tpu.dma_semaphore, #tpu.memory_space<semaphore_mem>>)
    %dma_wait3A_381 = arith.constant 0 : i32
    %dma_wait3A_382 = tpu.memref_slice %arg21[%add3A_36, %dma_wait3A_381] : memref<10240x128xbf16, #tpu.memory_space<vmem_shared>> -> memref<32x128xbf16, #tpu.memory_space<vmem_shared>>
    %dma_wait3A_383 = arith.constant 0 : i32
    %dma_wait3A_384 = tpu.memref_slice %arg21[%add3A_36, %dma_wait3A_383] : memref<10240x128xbf16, #tpu.memory_space<vmem_shared>> -> memref<32x128xbf16, #tpu.memory_space<vmem_shared>>
    tpu.wait_dma2 semaphore(%arg27 : memref<!tpu.dma_semaphore, #tpu.memory_space<semaphore_mem>>) src(%arg19 : memref<32x128xbf16, #tpu.memory_space<vmem>>) dst(%dma_wait3A_384 : memref<32x128xbf16, #tpu.memory_space<vmem_shared>>)
    %dma_wait3A_385 = arith.constant 0 : i32
    %dma_wait3A_386 = tpu.memref_slice %arg22[%add3A_44, %dma_wait3A_385] : memref<10240x16xf32, #tpu.memory_space<vmem_shared>> -> memref<32x16xf32, #tpu.memory_space<vmem_shared>>
    %dma_wait3A_387 = arith.constant 0 : i32
    %dma_wait3A_388 = tpu.memref_slice %arg22[%add3A_44, %dma_wait3A_387] : memref<10240x16xf32, #tpu.memory_space<vmem_shared>> -> memref<32x16xf32, #tpu.memory_space<vmem_shared>>
    tpu.wait_dma2 semaphore(%arg28 : memref<!tpu.dma_semaphore, #tpu.memory_space<semaphore_mem>>) src(%arg20 : memref<32x16xf32, #tpu.memory_space<vmem>>) dst(%dma_wait3A_388 : memref<32x16xf32, #tpu.memory_space<vmem_shared>>)
    %dma_wait3A_389 = arith.constant 0 : i32
    %dma_wait3A_390 = tpu.memref_slice %arg21[%add3A_52, %dma_wait3A_389] : memref<10240x128xbf16, #tpu.memory_space<vmem_shared>> -> memref<32x128xbf16, #tpu.memory_space<vmem_shared>>
    %dma_wait3A_391 = arith.constant 0 : i32
    %dma_wait3A_392 = tpu.memref_slice %arg21[%add3A_52, %dma_wait3A_391] : memref<10240x128xbf16, #tpu.memory_space<vmem_shared>> -> memref<32x128xbf16, #tpu.memory_space<vmem_shared>>
    tpu.wait_dma2 semaphore(%arg27 : memref<!tpu.dma_semaphore, #tpu.memory_space<semaphore_mem>>) src(%arg19 : memref<32x128xbf16, #tpu.memory_space<vmem>>) dst(%dma_wait3A_392 : memref<32x128xbf16, #tpu.memory_space<vmem_shared>>)
    %dma_wait3A_393 = arith.constant 0 : i32
    %dma_wait3A_394 = tpu.memref_slice %arg22[%add3A_60, %dma_wait3A_393] : memref<10240x16xf32, #tpu.memory_space<vmem_shared>> -> memref<32x16xf32, #tpu.memory_space<vmem_shared>>
    %dma_wait3A_395 = arith.constant 0 : i32
    %dma_wait3A_396 = tpu.memref_slice %arg22[%add3A_60, %dma_wait3A_395] : memref<10240x16xf32, #tpu.memory_space<vmem_shared>> -> memref<32x16xf32, #tpu.memory_space<vmem_shared>>
    tpu.wait_dma2 semaphore(%arg28 : memref<!tpu.dma_semaphore, #tpu.memory_space<semaphore_mem>>) src(%arg20 : memref<32x16xf32, #tpu.memory_space<vmem>>) dst(%dma_wait3A_396 : memref<32x16xf32, #tpu.memory_space<vmem_shared>>)
    %dma_wait3A_397 = arith.constant 0 : i32
    %dma_wait3A_398 = tpu.memref_slice %arg21[%add3A_68, %dma_wait3A_397] : memref<10240x128xbf16, #tpu.memory_space<vmem_shared>> -> memref<32x128xbf16, #tpu.memory_space<vmem_shared>>
    %dma_wait3A_399 = arith.constant 0 : i32
    %dma_wait3A_400 = tpu.memref_slice %arg21[%add3A_68, %dma_wait3A_399] : memref<10240x128xbf16, #tpu.memory_space<vmem_shared>> -> memref<32x128xbf16, #tpu.memory_space<vmem_shared>>
    tpu.wait_dma2 semaphore(%arg27 : memref<!tpu.dma_semaphore, #tpu.memory_space<semaphore_mem>>) src(%arg19 : memref<32x128xbf16, #tpu.memory_space<vmem>>) dst(%dma_wait3A_400 : memref<32x128xbf16, #tpu.memory_space<vmem_shared>>)
    %dma_wait3A_401 = arith.constant 0 : i32
    %dma_wait3A_402 = tpu.memref_slice %arg22[%add3A_76, %dma_wait3A_401] : memref<10240x16xf32, #tpu.memory_space<vmem_shared>> -> memref<32x16xf32, #tpu.memory_space<vmem_shared>>
    %dma_wait3A_403 = arith.constant 0 : i32
    %dma_wait3A_404 = tpu.memref_slice %arg22[%add3A_76, %dma_wait3A_403] : memref<10240x16xf32, #tpu.memory_space<vmem_shared>> -> memref<32x16xf32, #tpu.memory_space<vmem_shared>>
    tpu.wait_dma2 semaphore(%arg28 : memref<!tpu.dma_semaphore, #tpu.memory_space<semaphore_mem>>) src(%arg20 : memref<32x16xf32, #tpu.memory_space<vmem>>) dst(%dma_wait3A_404 : memref<32x16xf32, #tpu.memory_space<vmem_shared>>)
    %dma_wait3A_405 = arith.constant 0 : i32
    %dma_wait3A_406 = tpu.memref_slice %arg21[%add3A_84, %dma_wait3A_405] : memref<10240x128xbf16, #tpu.memory_space<vmem_shared>> -> memref<32x128xbf16, #tpu.memory_space<vmem_shared>>
    %dma_wait3A_407 = arith.constant 0 : i32
    %dma_wait3A_408 = tpu.memref_slice %arg21[%add3A_84, %dma_wait3A_407] : memref<10240x128xbf16, #tpu.memory_space<vmem_shared>> -> memref<32x128xbf16, #tpu.memory_space<vmem_shared>>
    tpu.wait_dma2 semaphore(%arg27 : memref<!tpu.dma_semaphore, #tpu.memory_space<semaphore_mem>>) src(%arg19 : memref<32x128xbf16, #tpu.memory_space<vmem>>) dst(%dma_wait3A_408 : memref<32x128xbf16, #tpu.memory_space<vmem_shared>>)
    %dma_wait3A_409 = arith.constant 0 : i32
    %dma_wait3A_410 = tpu.memref_slice %arg22[%add3A_92, %dma_wait3A_409] : memref<10240x16xf32, #tpu.memory_space<vmem_shared>> -> memref<32x16xf32, #tpu.memory_space<vmem_shared>>
    %dma_wait3A_411 = arith.constant 0 : i32
    %dma_wait3A_412 = tpu.memref_slice %arg22[%add3A_92, %dma_wait3A_411] : memref<10240x16xf32, #tpu.memory_space<vmem_shared>> -> memref<32x16xf32, #tpu.memory_space<vmem_shared>>
    tpu.wait_dma2 semaphore(%arg28 : memref<!tpu.dma_semaphore, #tpu.memory_space<semaphore_mem>>) src(%arg20 : memref<32x16xf32, #tpu.memory_space<vmem>>) dst(%dma_wait3A_412 : memref<32x16xf32, #tpu.memory_space<vmem_shared>>)
    %dma_wait3A_413 = arith.constant 0 : i32
    %dma_wait3A_414 = tpu.memref_slice %arg21[%add3A_100, %dma_wait3A_413] : memref<10240x128xbf16, #tpu.memory_space<vmem_shared>> -> memref<32x128xbf16, #tpu.memory_space<vmem_shared>>
    %dma_wait3A_415 = arith.constant 0 : i32
    %dma_wait3A_416 = tpu.memref_slice %arg21[%add3A_100, %dma_wait3A_415] : memref<10240x128xbf16, #tpu.memory_space<vmem_shared>> -> memref<32x128xbf16, #tpu.memory_space<vmem_shared>>
    tpu.wait_dma2 semaphore(%arg27 : memref<!tpu.dma_semaphore, #tpu.memory_space<semaphore_mem>>) src(%arg19 : memref<32x128xbf16, #tpu.memory_space<vmem>>) dst(%dma_wait3A_416 : memref<32x128xbf16, #tpu.memory_space<vmem_shared>>)
    %dma_wait3A_417 = arith.constant 0 : i32
    %dma_wait3A_418 = tpu.memref_slice %arg22[%add3A_108, %dma_wait3A_417] : memref<10240x16xf32, #tpu.memory_space<vmem_shared>> -> memref<32x16xf32, #tpu.memory_space<vmem_shared>>
    %dma_wait3A_419 = arith.constant 0 : i32
    %dma_wait3A_420 = tpu.memref_slice %arg22[%add3A_108, %dma_wait3A_419] : memref<10240x16xf32, #tpu.memory_space<vmem_shared>> -> memref<32x16xf32, #tpu.memory_space<vmem_shared>>
    tpu.wait_dma2 semaphore(%arg28 : memref<!tpu.dma_semaphore, #tpu.memory_space<semaphore_mem>>) src(%arg20 : memref<32x16xf32, #tpu.memory_space<vmem>>) dst(%dma_wait3A_420 : memref<32x16xf32, #tpu.memory_space<vmem_shared>>)
    %dma_wait3A_421 = arith.constant 0 : i32
    %dma_wait3A_422 = tpu.memref_slice %arg21[%add3A_116, %dma_wait3A_421] : memref<10240x128xbf16, #tpu.memory_space<vmem_shared>> -> memref<32x128xbf16, #tpu.memory_space<vmem_shared>>
    %dma_wait3A_423 = arith.constant 0 : i32
    %dma_wait3A_424 = tpu.memref_slice %arg21[%add3A_116, %dma_wait3A_423] : memref<10240x128xbf16, #tpu.memory_space<vmem_shared>> -> memref<32x128xbf16, #tpu.memory_space<vmem_shared>>
    tpu.wait_dma2 semaphore(%arg27 : memref<!tpu.dma_semaphore, #tpu.memory_space<semaphore_mem>>) src(%arg19 : memref<32x128xbf16, #tpu.memory_space<vmem>>) dst(%dma_wait3A_424 : memref<32x128xbf16, #tpu.memory_space<vmem_shared>>)
    %dma_wait3A_425 = arith.constant 0 : i32
    %dma_wait3A_426 = tpu.memref_slice %arg22[%add3A_124, %dma_wait3A_425] : memref<10240x16xf32, #tpu.memory_space<vmem_shared>> -> memref<32x16xf32, #tpu.memory_space<vmem_shared>>
    %dma_wait3A_427 = arith.constant 0 : i32
    %dma_wait3A_428 = tpu.memref_slice %arg22[%add3A_124, %dma_wait3A_427] : memref<10240x16xf32, #tpu.memory_space<vmem_shared>> -> memref<32x16xf32, #tpu.memory_space<vmem_shared>>
    tpu.wait_dma2 semaphore(%arg28 : memref<!tpu.dma_semaphore, #tpu.memory_space<semaphore_mem>>) src(%arg20 : memref<32x16xf32, #tpu.memory_space<vmem>>) dst(%dma_wait3A_428 : memref<32x16xf32, #tpu.memory_space<vmem_shared>>)
    %dma_wait3A_429 = arith.constant 0 : i32
    %dma_wait3A_430 = tpu.memref_slice %arg21[%add3A_132, %dma_wait3A_429] : memref<10240x128xbf16, #tpu.memory_space<vmem_shared>> -> memref<32x128xbf16, #tpu.memory_space<vmem_shared>>
    %dma_wait3A_431 = arith.constant 0 : i32
    %dma_wait3A_432 = tpu.memref_slice %arg21[%add3A_132, %dma_wait3A_431] : memref<10240x128xbf16, #tpu.memory_space<vmem_shared>> -> memref<32x128xbf16, #tpu.memory_space<vmem_shared>>
    tpu.wait_dma2 semaphore(%arg27 : memref<!tpu.dma_semaphore, #tpu.memory_space<semaphore_mem>>) src(%arg19 : memref<32x128xbf16, #tpu.memory_space<vmem>>) dst(%dma_wait3A_432 : memref<32x128xbf16, #tpu.memory_space<vmem_shared>>)
    %dma_wait3A_433 = arith.constant 0 : i32
    %dma_wait3A_434 = tpu.memref_slice %arg22[%add3A_140, %dma_wait3A_433] : memref<10240x16xf32, #tpu.memory_space<vmem_shared>> -> memref<32x16xf32, #tpu.memory_space<vmem_shared>>
    %dma_wait3A_435 = arith.constant 0 : i32
    %dma_wait3A_436 = tpu.memref_slice %arg22[%add3A_140, %dma_wait3A_435] : memref<10240x16xf32, #tpu.memory_space<vmem_shared>> -> memref<32x16xf32, #tpu.memory_space<vmem_shared>>
    tpu.wait_dma2 semaphore(%arg28 : memref<!tpu.dma_semaphore, #tpu.memory_space<semaphore_mem>>) src(%arg20 : memref<32x16xf32, #tpu.memory_space<vmem>>) dst(%dma_wait3A_436 : memref<32x16xf32, #tpu.memory_space<vmem_shared>>)
    %dma_wait3A_437 = arith.constant 0 : i32
    %dma_wait3A_438 = tpu.memref_slice %arg21[%add3A_148, %dma_wait3A_437] : memref<10240x128xbf16, #tpu.memory_space<vmem_shared>> -> memref<32x128xbf16, #tpu.memory_space<vmem_shared>>
    %dma_wait3A_439 = arith.constant 0 : i32
    %dma_wait3A_440 = tpu.memref_slice %arg21[%add3A_148, %dma_wait3A_439] : memref<10240x128xbf16, #tpu.memory_space<vmem_shared>> -> memref<32x128xbf16, #tpu.memory_space<vmem_shared>>
    tpu.wait_dma2 semaphore(%arg27 : memref<!tpu.dma_semaphore, #tpu.memory_space<semaphore_mem>>) src(%arg19 : memref<32x128xbf16, #tpu.memory_space<vmem>>) dst(%dma_wait3A_440 : memref<32x128xbf16, #tpu.memory_space<vmem_shared>>)
    %dma_wait3A_441 = arith.constant 0 : i32
    %dma_wait3A_442 = tpu.memref_slice %arg22[%add3A_156, %dma_wait3A_441] : memref<10240x16xf32, #tpu.memory_space<vmem_shared>> -> memref<32x16xf32, #tpu.memory_space<vmem_shared>>
    %dma_wait3A_443 = arith.constant 0 : i32
    %dma_wait3A_444 = tpu.memref_slice %arg22[%add3A_156, %dma_wait3A_443] : memref<10240x16xf32, #tpu.memory_space<vmem_shared>> -> memref<32x16xf32, #tpu.memory_space<vmem_shared>>
    tpu.wait_dma2 semaphore(%arg28 : memref<!tpu.dma_semaphore, #tpu.memory_space<semaphore_mem>>) src(%arg20 : memref<32x16xf32, #tpu.memory_space<vmem>>) dst(%dma_wait3A_444 : memref<32x16xf32, #tpu.memory_space<vmem_shared>>)
    %dma_wait3A_445 = arith.constant 0 : i32
    %dma_wait3A_446 = tpu.memref_slice %arg21[%add3A_164, %dma_wait3A_445] : memref<10240x128xbf16, #tpu.memory_space<vmem_shared>> -> memref<32x128xbf16, #tpu.memory_space<vmem_shared>>
    %dma_wait3A_447 = arith.constant 0 : i32
    %dma_wait3A_448 = tpu.memref_slice %arg21[%add3A_164, %dma_wait3A_447] : memref<10240x128xbf16, #tpu.memory_space<vmem_shared>> -> memref<32x128xbf16, #tpu.memory_space<vmem_shared>>
    tpu.wait_dma2 semaphore(%arg27 : memref<!tpu.dma_semaphore, #tpu.memory_space<semaphore_mem>>) src(%arg19 : memref<32x128xbf16, #tpu.memory_space<vmem>>) dst(%dma_wait3A_448 : memref<32x128xbf16, #tpu.memory_space<vmem_shared>>)
    %dma_wait3A_449 = arith.constant 0 : i32
    %dma_wait3A_450 = tpu.memref_slice %arg22[%add3A_172, %dma_wait3A_449] : memref<10240x16xf32, #tpu.memory_space<vmem_shared>> -> memref<32x16xf32, #tpu.memory_space<vmem_shared>>
    %dma_wait3A_451 = arith.constant 0 : i32
    %dma_wait3A_452 = tpu.memref_slice %arg22[%add3A_172, %dma_wait3A_451] : memref<10240x16xf32, #tpu.memory_space<vmem_shared>> -> memref<32x16xf32, #tpu.memory_space<vmem_shared>>
    tpu.wait_dma2 semaphore(%arg28 : memref<!tpu.dma_semaphore, #tpu.memory_space<semaphore_mem>>) src(%arg20 : memref<32x16xf32, #tpu.memory_space<vmem>>) dst(%dma_wait3A_452 : memref<32x16xf32, #tpu.memory_space<vmem_shared>>)
    %dma_wait3A_453 = arith.constant 0 : i32
    %dma_wait3A_454 = tpu.memref_slice %arg21[%add3A_180, %dma_wait3A_453] : memref<10240x128xbf16, #tpu.memory_space<vmem_shared>> -> memref<32x128xbf16, #tpu.memory_space<vmem_shared>>
    %dma_wait3A_455 = arith.constant 0 : i32
    %dma_wait3A_456 = tpu.memref_slice %arg21[%add3A_180, %dma_wait3A_455] : memref<10240x128xbf16, #tpu.memory_space<vmem_shared>> -> memref<32x128xbf16, #tpu.memory_space<vmem_shared>>
    tpu.wait_dma2 semaphore(%arg27 : memref<!tpu.dma_semaphore, #tpu.memory_space<semaphore_mem>>) src(%arg19 : memref<32x128xbf16, #tpu.memory_space<vmem>>) dst(%dma_wait3A_456 : memref<32x128xbf16, #tpu.memory_space<vmem_shared>>)
    %dma_wait3A_457 = arith.constant 0 : i32
    %dma_wait3A_458 = tpu.memref_slice %arg22[%add3A_188, %dma_wait3A_457] : memref<10240x16xf32, #tpu.memory_space<vmem_shared>> -> memref<32x16xf32, #tpu.memory_space<vmem_shared>>
    %dma_wait3A_459 = arith.constant 0 : i32
    %dma_wait3A_460 = tpu.memref_slice %arg22[%add3A_188, %dma_wait3A_459] : memref<10240x16xf32, #tpu.memory_space<vmem_shared>> -> memref<32x16xf32, #tpu.memory_space<vmem_shared>>
    tpu.wait_dma2 semaphore(%arg28 : memref<!tpu.dma_semaphore, #tpu.memory_space<semaphore_mem>>) src(%arg20 : memref<32x16xf32, #tpu.memory_space<vmem>>) dst(%dma_wait3A_460 : memref<32x16xf32, #tpu.memory_space<vmem_shared>>)
    %dma_wait3A_461 = arith.constant 0 : i32
    %dma_wait3A_462 = tpu.memref_slice %arg21[%add3A_196, %dma_wait3A_461] : memref<10240x128xbf16, #tpu.memory_space<vmem_shared>> -> memref<32x128xbf16, #tpu.memory_space<vmem_shared>>
    %dma_wait3A_463 = arith.constant 0 : i32
    %dma_wait3A_464 = tpu.memref_slice %arg21[%add3A_196, %dma_wait3A_463] : memref<10240x128xbf16, #tpu.memory_space<vmem_shared>> -> memref<32x128xbf16, #tpu.memory_space<vmem_shared>>
    tpu.wait_dma2 semaphore(%arg27 : memref<!tpu.dma_semaphore, #tpu.memory_space<semaphore_mem>>) src(%arg19 : memref<32x128xbf16, #tpu.memory_space<vmem>>) dst(%dma_wait3A_464 : memref<32x128xbf16, #tpu.memory_space<vmem_shared>>)
    %dma_wait3A_465 = arith.constant 0 : i32
    %dma_wait3A_466 = tpu.memref_slice %arg22[%add3A_204, %dma_wait3A_465] : memref<10240x16xf32, #tpu.memory_space<vmem_shared>> -> memref<32x16xf32, #tpu.memory_space<vmem_shared>>
    %dma_wait3A_467 = arith.constant 0 : i32
    %dma_wait3A_468 = tpu.memref_slice %arg22[%add3A_204, %dma_wait3A_467] : memref<10240x16xf32, #tpu.memory_space<vmem_shared>> -> memref<32x16xf32, #tpu.memory_space<vmem_shared>>
    tpu.wait_dma2 semaphore(%arg28 : memref<!tpu.dma_semaphore, #tpu.memory_space<semaphore_mem>>) src(%arg20 : memref<32x16xf32, #tpu.memory_space<vmem>>) dst(%dma_wait3A_468 : memref<32x16xf32, #tpu.memory_space<vmem_shared>>)
    %dma_wait3A_469 = arith.constant 0 : i32
    %dma_wait3A_470 = tpu.memref_slice %arg21[%add3A_212, %dma_wait3A_469] : memref<10240x128xbf16, #tpu.memory_space<vmem_shared>> -> memref<32x128xbf16, #tpu.memory_space<vmem_shared>>
    %dma_wait3A_471 = arith.constant 0 : i32
    %dma_wait3A_472 = tpu.memref_slice %arg21[%add3A_212, %dma_wait3A_471] : memref<10240x128xbf16, #tpu.memory_space<vmem_shared>> -> memref<32x128xbf16, #tpu.memory_space<vmem_shared>>
    tpu.wait_dma2 semaphore(%arg27 : memref<!tpu.dma_semaphore, #tpu.memory_space<semaphore_mem>>) src(%arg19 : memref<32x128xbf16, #tpu.memory_space<vmem>>) dst(%dma_wait3A_472 : memref<32x128xbf16, #tpu.memory_space<vmem_shared>>)
    %dma_wait3A_473 = arith.constant 0 : i32
    %dma_wait3A_474 = tpu.memref_slice %arg22[%add3A_220, %dma_wait3A_473] : memref<10240x16xf32, #tpu.memory_space<vmem_shared>> -> memref<32x16xf32, #tpu.memory_space<vmem_shared>>
    %dma_wait3A_475 = arith.constant 0 : i32
    %dma_wait3A_476 = tpu.memref_slice %arg22[%add3A_220, %dma_wait3A_475] : memref<10240x16xf32, #tpu.memory_space<vmem_shared>> -> memref<32x16xf32, #tpu.memory_space<vmem_shared>>
    tpu.wait_dma2 semaphore(%arg28 : memref<!tpu.dma_semaphore, #tpu.memory_space<semaphore_mem>>) src(%arg20 : memref<32x16xf32, #tpu.memory_space<vmem>>) dst(%dma_wait3A_476 : memref<32x16xf32, #tpu.memory_space<vmem_shared>>)
    %dma_wait3A_477 = arith.constant 0 : i32
    %dma_wait3A_478 = tpu.memref_slice %arg21[%add3A_228, %dma_wait3A_477] : memref<10240x128xbf16, #tpu.memory_space<vmem_shared>> -> memref<32x128xbf16, #tpu.memory_space<vmem_shared>>
    %dma_wait3A_479 = arith.constant 0 : i32
    %dma_wait3A_480 = tpu.memref_slice %arg21[%add3A_228, %dma_wait3A_479] : memref<10240x128xbf16, #tpu.memory_space<vmem_shared>> -> memref<32x128xbf16, #tpu.memory_space<vmem_shared>>
    tpu.wait_dma2 semaphore(%arg27 : memref<!tpu.dma_semaphore, #tpu.memory_space<semaphore_mem>>) src(%arg19 : memref<32x128xbf16, #tpu.memory_space<vmem>>) dst(%dma_wait3A_480 : memref<32x128xbf16, #tpu.memory_space<vmem_shared>>)
    %dma_wait3A_481 = arith.constant 0 : i32
    %dma_wait3A_482 = tpu.memref_slice %arg22[%add3A_236, %dma_wait3A_481] : memref<10240x16xf32, #tpu.memory_space<vmem_shared>> -> memref<32x16xf32, #tpu.memory_space<vmem_shared>>
    %dma_wait3A_483 = arith.constant 0 : i32
    %dma_wait3A_484 = tpu.memref_slice %arg22[%add3A_236, %dma_wait3A_483] : memref<10240x16xf32, #tpu.memory_space<vmem_shared>> -> memref<32x16xf32, #tpu.memory_space<vmem_shared>>
    tpu.wait_dma2 semaphore(%arg28 : memref<!tpu.dma_semaphore, #tpu.memory_space<semaphore_mem>>) src(%arg20 : memref<32x16xf32, #tpu.memory_space<vmem>>) dst(%dma_wait3A_484 : memref<32x16xf32, #tpu.memory_space<vmem_shared>>)
    %dma_wait3A_485 = arith.constant 0 : i32
    %dma_wait3A_486 = tpu.memref_slice %arg21[%add3A_244, %dma_wait3A_485] : memref<10240x128xbf16, #tpu.memory_space<vmem_shared>> -> memref<32x128xbf16, #tpu.memory_space<vmem_shared>>
    %dma_wait3A_487 = arith.constant 0 : i32
    %dma_wait3A_488 = tpu.memref_slice %arg21[%add3A_244, %dma_wait3A_487] : memref<10240x128xbf16, #tpu.memory_space<vmem_shared>> -> memref<32x128xbf16, #tpu.memory_space<vmem_shared>>
    tpu.wait_dma2 semaphore(%arg27 : memref<!tpu.dma_semaphore, #tpu.memory_space<semaphore_mem>>) src(%arg19 : memref<32x128xbf16, #tpu.memory_space<vmem>>) dst(%dma_wait3A_488 : memref<32x128xbf16, #tpu.memory_space<vmem_shared>>)
    %dma_wait3A_489 = arith.constant 0 : i32
    %dma_wait3A_490 = tpu.memref_slice %arg22[%add3A_252, %dma_wait3A_489] : memref<10240x16xf32, #tpu.memory_space<vmem_shared>> -> memref<32x16xf32, #tpu.memory_space<vmem_shared>>
    %dma_wait3A_491 = arith.constant 0 : i32
    %dma_wait3A_492 = tpu.memref_slice %arg22[%add3A_252, %dma_wait3A_491] : memref<10240x16xf32, #tpu.memory_space<vmem_shared>> -> memref<32x16xf32, #tpu.memory_space<vmem_shared>>
    tpu.wait_dma2 semaphore(%arg28 : memref<!tpu.dma_semaphore, #tpu.memory_space<semaphore_mem>>) src(%arg20 : memref<32x16xf32, #tpu.memory_space<vmem>>) dst(%dma_wait3A_492 : memref<32x16xf32, #tpu.memory_space<vmem_shared>>)
    %dma_wait3A_493 = arith.constant 0 : i32
    %dma_wait3A_494 = tpu.memref_slice %arg21[%add3A_260, %dma_wait3A_493] : memref<10240x128xbf16, #tpu.memory_space<vmem_shared>> -> memref<32x128xbf16, #tpu.memory_space<vmem_shared>>
    %dma_wait3A_495 = arith.constant 0 : i32
    %dma_wait3A_496 = tpu.memref_slice %arg21[%add3A_260, %dma_wait3A_495] : memref<10240x128xbf16, #tpu.memory_space<vmem_shared>> -> memref<32x128xbf16, #tpu.memory_space<vmem_shared>>
    tpu.wait_dma2 semaphore(%arg27 : memref<!tpu.dma_semaphore, #tpu.memory_space<semaphore_mem>>) src(%arg19 : memref<32x128xbf16, #tpu.memory_space<vmem>>) dst(%dma_wait3A_496 : memref<32x128xbf16, #tpu.memory_space<vmem_shared>>)
    %dma_wait3A_497 = arith.constant 0 : i32
    %dma_wait3A_498 = tpu.memref_slice %arg22[%add3A_268, %dma_wait3A_497] : memref<10240x16xf32, #tpu.memory_space<vmem_shared>> -> memref<32x16xf32, #tpu.memory_space<vmem_shared>>
    %dma_wait3A_499 = arith.constant 0 : i32
    %dma_wait3A_500 = tpu.memref_slice %arg22[%add3A_268, %dma_wait3A_499] : memref<10240x16xf32, #tpu.memory_space<vmem_shared>> -> memref<32x16xf32, #tpu.memory_space<vmem_shared>>
    tpu.wait_dma2 semaphore(%arg28 : memref<!tpu.dma_semaphore, #tpu.memory_space<semaphore_mem>>) src(%arg20 : memref<32x16xf32, #tpu.memory_space<vmem>>) dst(%dma_wait3A_500 : memref<32x16xf32, #tpu.memory_space<vmem_shared>>)
    %dma_wait3A_501 = arith.constant 0 : i32
    %dma_wait3A_502 = tpu.memref_slice %arg21[%add3A_276, %dma_wait3A_501] : memref<10240x128xbf16, #tpu.memory_space<vmem_shared>> -> memref<32x128xbf16, #tpu.memory_space<vmem_shared>>
    %dma_wait3A_503 = arith.constant 0 : i32
    %dma_wait3A_504 = tpu.memref_slice %arg21[%add3A_276, %dma_wait3A_503] : memref<10240x128xbf16, #tpu.memory_space<vmem_shared>> -> memref<32x128xbf16, #tpu.memory_space<vmem_shared>>
    tpu.wait_dma2 semaphore(%arg27 : memref<!tpu.dma_semaphore, #tpu.memory_space<semaphore_mem>>) src(%arg19 : memref<32x128xbf16, #tpu.memory_space<vmem>>) dst(%dma_wait3A_504 : memref<32x128xbf16, #tpu.memory_space<vmem_shared>>)
    %dma_wait3A_505 = arith.constant 0 : i32
    %dma_wait3A_506 = tpu.memref_slice %arg22[%add3A_284, %dma_wait3A_505] : memref<10240x16xf32, #tpu.memory_space<vmem_shared>> -> memref<32x16xf32, #tpu.memory_space<vmem_shared>>
    %dma_wait3A_507 = arith.constant 0 : i32
    %dma_wait3A_508 = tpu.memref_slice %arg22[%add3A_284, %dma_wait3A_507] : memref<10240x16xf32, #tpu.memory_space<vmem_shared>> -> memref<32x16xf32, #tpu.memory_space<vmem_shared>>
    tpu.wait_dma2 semaphore(%arg28 : memref<!tpu.dma_semaphore, #tpu.memory_space<semaphore_mem>>) src(%arg20 : memref<32x16xf32, #tpu.memory_space<vmem>>) dst(%dma_wait3A_508 : memref<32x16xf32, #tpu.memory_space<vmem_shared>>)
    %dma_wait3A_509 = arith.constant 0 : i32
    %dma_wait3A_510 = tpu.memref_slice %arg21[%add3A_292, %dma_wait3A_509] : memref<10240x128xbf16, #tpu.memory_space<vmem_shared>> -> memref<32x128xbf16, #tpu.memory_space<vmem_shared>>
    %dma_wait3A_511 = arith.constant 0 : i32
    %dma_wait3A_512 = tpu.memref_slice %arg21[%add3A_292, %dma_wait3A_511] : memref<10240x128xbf16, #tpu.memory_space<vmem_shared>> -> memref<32x128xbf16, #tpu.memory_space<vmem_shared>>
    tpu.wait_dma2 semaphore(%arg27 : memref<!tpu.dma_semaphore, #tpu.memory_space<semaphore_mem>>) src(%arg19 : memref<32x128xbf16, #tpu.memory_space<vmem>>) dst(%dma_wait3A_512 : memref<32x128xbf16, #tpu.memory_space<vmem_shared>>)
    %dma_wait3A_513 = arith.constant 0 : i32
    %dma_wait3A_514 = tpu.memref_slice %arg22[%add3A_300, %dma_wait3A_513] : memref<10240x16xf32, #tpu.memory_space<vmem_shared>> -> memref<32x16xf32, #tpu.memory_space<vmem_shared>>
    %dma_wait3A_515 = arith.constant 0 : i32
    %dma_wait3A_516 = tpu.memref_slice %arg22[%add3A_300, %dma_wait3A_515] : memref<10240x16xf32, #tpu.memory_space<vmem_shared>> -> memref<32x16xf32, #tpu.memory_space<vmem_shared>>
    tpu.wait_dma2 semaphore(%arg28 : memref<!tpu.dma_semaphore, #tpu.memory_space<semaphore_mem>>) src(%arg20 : memref<32x16xf32, #tpu.memory_space<vmem>>) dst(%dma_wait3A_516 : memref<32x16xf32, #tpu.memory_space<vmem_shared>>)
    %dma_wait3A_517 = arith.constant 0 : i32
    %dma_wait3A_518 = tpu.memref_slice %arg21[%add3A_308, %dma_wait3A_517] : memref<10240x128xbf16, #tpu.memory_space<vmem_shared>> -> memref<32x128xbf16, #tpu.memory_space<vmem_shared>>
    %dma_wait3A_519 = arith.constant 0 : i32
    %dma_wait3A_520 = tpu.memref_slice %arg21[%add3A_308, %dma_wait3A_519] : memref<10240x128xbf16, #tpu.memory_space<vmem_shared>> -> memref<32x128xbf16, #tpu.memory_space<vmem_shared>>
    tpu.wait_dma2 semaphore(%arg27 : memref<!tpu.dma_semaphore, #tpu.memory_space<semaphore_mem>>) src(%arg19 : memref<32x128xbf16, #tpu.memory_space<vmem>>) dst(%dma_wait3A_520 : memref<32x128xbf16, #tpu.memory_space<vmem_shared>>)
    %dma_wait3A_521 = arith.constant 0 : i32
    %dma_wait3A_522 = tpu.memref_slice %arg22[%add3A_316, %dma_wait3A_521] : memref<10240x16xf32, #tpu.memory_space<vmem_shared>> -> memref<32x16xf32, #tpu.memory_space<vmem_shared>>
    %dma_wait3A_523 = arith.constant 0 : i32
    %dma_wait3A_524 = tpu.memref_slice %arg22[%add3A_316, %dma_wait3A_523] : memref<10240x16xf32, #tpu.memory_space<vmem_shared>> -> memref<32x16xf32, #tpu.memory_space<vmem_shared>>
    tpu.wait_dma2 semaphore(%arg28 : memref<!tpu.dma_semaphore, #tpu.memory_space<semaphore_mem>>) src(%arg20 : memref<32x16xf32, #tpu.memory_space<vmem>>) dst(%dma_wait3A_524 : memref<32x16xf32, #tpu.memory_space<vmem_shared>>)
    %dma_wait3A_525 = arith.constant 0 : i32
    %dma_wait3A_526 = tpu.memref_slice %arg21[%add3A_324, %dma_wait3A_525] : memref<10240x128xbf16, #tpu.memory_space<vmem_shared>> -> memref<32x128xbf16, #tpu.memory_space<vmem_shared>>
    %dma_wait3A_527 = arith.constant 0 : i32
    %dma_wait3A_528 = tpu.memref_slice %arg21[%add3A_324, %dma_wait3A_527] : memref<10240x128xbf16, #tpu.memory_space<vmem_shared>> -> memref<32x128xbf16, #tpu.memory_space<vmem_shared>>
    tpu.wait_dma2 semaphore(%arg27 : memref<!tpu.dma_semaphore, #tpu.memory_space<semaphore_mem>>) src(%arg19 : memref<32x128xbf16, #tpu.memory_space<vmem>>) dst(%dma_wait3A_528 : memref<32x128xbf16, #tpu.memory_space<vmem_shared>>)
    %dma_wait3A_529 = arith.constant 0 : i32
    %dma_wait3A_530 = tpu.memref_slice %arg22[%add3A_332, %dma_wait3A_529] : memref<10240x16xf32, #tpu.memory_space<vmem_shared>> -> memref<32x16xf32, #tpu.memory_space<vmem_shared>>
    %dma_wait3A_531 = arith.constant 0 : i32
    %dma_wait3A_532 = tpu.memref_slice %arg22[%add3A_332, %dma_wait3A_531] : memref<10240x16xf32, #tpu.memory_space<vmem_shared>> -> memref<32x16xf32, #tpu.memory_space<vmem_shared>>
    tpu.wait_dma2 semaphore(%arg28 : memref<!tpu.dma_semaphore, #tpu.memory_space<semaphore_mem>>) src(%arg20 : memref<32x16xf32, #tpu.memory_space<vmem>>) dst(%dma_wait3A_532 : memref<32x16xf32, #tpu.memory_space<vmem_shared>>)
    %dma_wait3A_533 = arith.constant 0 : i32
    %dma_wait3A_534 = tpu.memref_slice %arg21[%add3A_340, %dma_wait3A_533] : memref<10240x128xbf16, #tpu.memory_space<vmem_shared>> -> memref<32x128xbf16, #tpu.memory_space<vmem_shared>>
    %dma_wait3A_535 = arith.constant 0 : i32
    %dma_wait3A_536 = tpu.memref_slice %arg21[%add3A_340, %dma_wait3A_535] : memref<10240x128xbf16, #tpu.memory_space<vmem_shared>> -> memref<32x128xbf16, #tpu.memory_space<vmem_shared>>
    tpu.wait_dma2 semaphore(%arg27 : memref<!tpu.dma_semaphore, #tpu.memory_space<semaphore_mem>>) src(%arg19 : memref<32x128xbf16, #tpu.memory_space<vmem>>) dst(%dma_wait3A_536 : memref<32x128xbf16, #tpu.memory_space<vmem_shared>>)
    %dma_wait3A_537 = arith.constant 0 : i32
    %dma_wait3A_538 = tpu.memref_slice %arg22[%add3A_348, %dma_wait3A_537] : memref<10240x16xf32, #tpu.memory_space<vmem_shared>> -> memref<32x16xf32, #tpu.memory_space<vmem_shared>>
    %dma_wait3A_539 = arith.constant 0 : i32
    %dma_wait3A_540 = tpu.memref_slice %arg22[%add3A_348, %dma_wait3A_539] : memref<10240x16xf32, #tpu.memory_space<vmem_shared>> -> memref<32x16xf32, #tpu.memory_space<vmem_shared>>
    tpu.wait_dma2 semaphore(%arg28 : memref<!tpu.dma_semaphore, #tpu.memory_space<semaphore_mem>>) src(%arg20 : memref<32x16xf32, #tpu.memory_space<vmem>>) dst(%dma_wait3A_540 : memref<32x16xf32, #tpu.memory_space<vmem_shared>>)
    %barrier3A = arith.constant 0 : index
    tpu.barrier barrier_id(%barrier3A)
    %sub3A_541 = arith.constant 1 : i32
    %sub3A_542 = arith.subi %select_n3A, %sub3A_541 : i32
    %mul3A_543 = arith.constant 8 : i32
    %mul3A_544 = arith.muli %sub3A_542, %mul3A_543 : i32
    %add3A_545 = arith.addi %add3A_5, %mul3A_544 : i32
    %add3A_546 = arith.constant 8 : i32
    %add3A_547 = arith.addi %add3A_5, %add3A_546 : i32
    %dma_start3A_548 = arith.constant 0 : i32
    %dma_start3A_549 = tpu.memref_slice %arg3[%add3A_547, %dma_start3A_548] : memref<2560x128xi32, #tpu.memory_space<hbm>> -> memref<8x128xi32, #tpu.memory_space<hbm>>
    %dma_start3A_550 = arith.constant 0 : i32
    %dma_start3A_551 = tpu.memref_slice %arg3[%add3A_547, %dma_start3A_550] : memref<2560x128xi32, #tpu.memory_space<hbm>> -> memref<8x128xi32, #tpu.memory_space<hbm>>
    tpu.enqueue_dma source(%dma_start3A_551 : memref<8x128xi32, #tpu.memory_space<hbm>>) target(%arg11 : memref<8x128xi32, #tpu.memory_space<vmem>>) target_semaphore(%arg32 : memref<!tpu.dma_semaphore, #tpu.memory_space<semaphore_mem>>)
    %add3A_552 = arith.constant 8 : i32
    %add3A_553 = arith.addi %add3A_5, %add3A_552 : i32
    %dma_start3A_554 = arith.constant 0 : i32
    %dma_start3A_555 = tpu.memref_slice %arg4[%add3A_553, %dma_start3A_554] : memref<2560x128xi32, #tpu.memory_space<hbm>> -> memref<8x128xi32, #tpu.memory_space<hbm>>
    %dma_start3A_556 = arith.constant 0 : i32
    %dma_start3A_557 = tpu.memref_slice %arg4[%add3A_553, %dma_start3A_556] : memref<2560x128xi32, #tpu.memory_space<hbm>> -> memref<8x128xi32, #tpu.memory_space<hbm>>
    tpu.enqueue_dma source(%dma_start3A_557 : memref<8x128xi32, #tpu.memory_space<hbm>>) target(%arg13 : memref<8x128xi32, #tpu.memory_space<vmem>>) target_semaphore(%arg32 : memref<!tpu.dma_semaphore, #tpu.memory_space<semaphore_mem>>)
    %dma_start3A_558 = arith.constant 3 : i32
    %dma_start3A_559 = arith.constant 0 : i32
    %dma_start3A_560 = tpu.memref_slice %arg10[%dma_start3A_558, %dma_start3A_559] : memref<8x128xi32, #tpu.memory_space<vmem>> -> memref<1x128xi32, #tpu.memory_space<vmem>>
    %dma_start3A_561 = tpu.memref_squeeze %dma_start3A_560 : memref<1x128xi32, #tpu.memory_space<vmem>> -> memref<128xi32, #tpu.memory_space<vmem>>
    %dma_start3A_562 = arith.constant 0 : i32
    %dma_start3A_563 = arith.constant 0 : i32
    %dma_start3A_564 = tpu.memref_slice %arg2[%dma_start3A_562, %dma_start3A_563] : memref<10000x128xbf16, #tpu.memory_space<hbm>> -> memref<10000x128xbf16, #tpu.memory_space<hbm>>
    tpu.enqueue_indirect_dma source(%dma_start3A_564 : memref<10000x128xbf16, #tpu.memory_space<hbm>>) target(%arg17 : memref<128x128xbf16, #tpu.memory_space<vmem>>) offsets(%dma_start3A_561 : memref<128xi32, #tpu.memory_space<vmem>>) semaphore(%arg26 : memref<!tpu.dma_semaphore, #tpu.memory_space<semaphore_mem>>)
    %dma_wait3A_565 = arith.constant 0 : i32
    %dma_wait3A_566 = arith.constant 0 : i32
    %dma_wait3A_567 = tpu.memref_slice %arg10[%dma_wait3A_565, %dma_wait3A_566] : memref<8x128xi32, #tpu.memory_space<vmem>> -> memref<1x128xi32, #tpu.memory_space<vmem>>
    %dma_wait3A_568 = tpu.memref_squeeze %dma_wait3A_567 : memref<1x128xi32, #tpu.memory_space<vmem>> -> memref<128xi32, #tpu.memory_space<vmem>>
    %dma_wait3A_569 = arith.constant 0 : i32
    %dma_wait3A_570 = arith.constant 0 : i32
    %dma_wait3A_571 = tpu.memref_slice %arg2[%dma_wait3A_569, %dma_wait3A_570] : memref<10000x128xbf16, #tpu.memory_space<hbm>> -> memref<10000x128xbf16, #tpu.memory_space<hbm>>
    tpu.wait_indirect_dma semaphore(%arg23 : memref<!tpu.dma_semaphore, #tpu.memory_space<semaphore_mem>>) src(%dma_wait3A_571 : memref<10000x128xbf16, #tpu.memory_space<hbm>>) dst(%arg14 : memref<128x128xbf16, #tpu.memory_space<vmem>>)
    %dma_start3A_572 = arith.constant 0 : i32
    %dma_start3A_573 = arith.constant 0 : i32
    %dma_start3A_574 = tpu.memref_slice %arg12[%dma_start3A_572, %dma_start3A_573] : memref<8x128xi32, #tpu.memory_space<vmem>> -> memref<1x128xi32, #tpu.memory_space<vmem>>
    %dma_start3A_575 = tpu.memref_squeeze %dma_start3A_574 : memref<1x128xi32, #tpu.memory_space<vmem>> -> memref<128xi32, #tpu.memory_space<vmem>>
    %dma_start3A_576 = arith.constant 0 : i32
    %dma_start3A_577 = arith.constant 0 : i32
    %dma_start3A_578 = tpu.memref_slice %arg21[%dma_start3A_576, %dma_start3A_577] : memref<10240x128xbf16, #tpu.memory_space<vmem_shared>> -> memref<10240x128xbf16, #tpu.memory_space<vmem_shared>>
    tpu.enqueue_indirect_dma source(%arg14 : memref<128x128xbf16, #tpu.memory_space<vmem>>) target(%dma_start3A_578 : memref<10240x128xbf16, #tpu.memory_space<vmem_shared>>) offsets(%dma_start3A_575 : memref<128xi32, #tpu.memory_space<vmem>>) semaphore(%arg27 : memref<!tpu.dma_semaphore, #tpu.memory_space<semaphore_mem>>) {add = true}
    %dma_start3A_579 = arith.constant 0 : i32
    %dma_start3A_580 = arith.constant 0 : i32
    %dma_start3A_581 = tpu.memref_slice %arg12[%dma_start3A_579, %dma_start3A_580] : memref<8x128xi32, #tpu.memory_space<vmem>> -> memref<1x128xi32, #tpu.memory_space<vmem>>
    %dma_start3A_582 = tpu.memref_squeeze %dma_start3A_581 : memref<1x128xi32, #tpu.memory_space<vmem>> -> memref<128xi32, #tpu.memory_space<vmem>>
    %dma_start3A_583 = arith.constant 0 : i32
    %dma_start3A_584 = arith.constant 0 : i32
    %dma_start3A_585 = tpu.memref_slice %arg22[%dma_start3A_583, %dma_start3A_584] : memref<10240x16xf32, #tpu.memory_space<vmem_shared>> -> memref<10240x16xf32, #tpu.memory_space<vmem_shared>>
    tpu.enqueue_indirect_dma source(%arg18 : memref<128x16xf32, #tpu.memory_space<vmem>>) target(%dma_start3A_585 : memref<10240x16xf32, #tpu.memory_space<vmem_shared>>) offsets(%dma_start3A_582 : memref<128xi32, #tpu.memory_space<vmem>>) semaphore(%arg31 : memref<!tpu.dma_semaphore, #tpu.memory_space<semaphore_mem>>) {add = true}
    %dma_wait3A_586 = arith.constant 0 : i32
    %dma_wait3A_587 = arith.constant 0 : i32
    %dma_wait3A_588 = tpu.memref_slice %arg12[%dma_wait3A_586, %dma_wait3A_587] : memref<8x128xi32, #tpu.memory_space<vmem>> -> memref<1x128xi32, #tpu.memory_space<vmem>>
    %dma_wait3A_589 = tpu.memref_squeeze %dma_wait3A_588 : memref<1x128xi32, #tpu.memory_space<vmem>> -> memref<128xi32, #tpu.memory_space<vmem>>
    %dma_wait3A_590 = arith.constant 0 : i32
    %dma_wait3A_591 = arith.constant 0 : i32
    %dma_wait3A_592 = tpu.memref_slice %arg21[%dma_wait3A_590, %dma_wait3A_591] : memref<10240x128xbf16, #tpu.memory_space<vmem_shared>> -> memref<10240x128xbf16, #tpu.memory_space<vmem_shared>>
    tpu.wait_indirect_dma semaphore(%arg27 : memref<!tpu.dma_semaphore, #tpu.memory_space<semaphore_mem>>) src(%arg14 : memref<128x128xbf16, #tpu.memory_space<vmem>>) dst(%dma_wait3A_592 : memref<10240x128xbf16, #tpu.memory_space<vmem_shared>>)
    %dma_start3A_593 = arith.constant 4 : i32
    %dma_start3A_594 = arith.constant 0 : i32
    %dma_start3A_595 = tpu.memref_slice %arg10[%dma_start3A_593, %dma_start3A_594] : memref<8x128xi32, #tpu.memory_space<vmem>> -> memref<1x128xi32, #tpu.memory_space<vmem>>
    %dma_start3A_596 = tpu.memref_squeeze %dma_start3A_595 : memref<1x128xi32, #tpu.memory_space<vmem>> -> memref<128xi32, #tpu.memory_space<vmem>>
    %dma_start3A_597 = arith.constant 0 : i32
    %dma_start3A_598 = arith.constant 0 : i32
    %dma_start3A_599 = tpu.memref_slice %arg2[%dma_start3A_597, %dma_start3A_598] : memref<10000x128xbf16, #tpu.memory_space<hbm>> -> memref<10000x128xbf16, #tpu.memory_space<hbm>>
    tpu.enqueue_indirect_dma source(%dma_start3A_599 : memref<10000x128xbf16, #tpu.memory_space<hbm>>) target(%arg14 : memref<128x128xbf16, #tpu.memory_space<vmem>>) offsets(%dma_start3A_596 : memref<128xi32, #tpu.memory_space<vmem>>) semaphore(%arg23 : memref<!tpu.dma_semaphore, #tpu.memory_space<semaphore_mem>>)
    %dma_wait3A_600 = arith.constant 1 : i32
    %dma_wait3A_601 = arith.constant 0 : i32
    %dma_wait3A_602 = tpu.memref_slice %arg10[%dma_wait3A_600, %dma_wait3A_601] : memref<8x128xi32, #tpu.memory_space<vmem>> -> memref<1x128xi32, #tpu.memory_space<vmem>>
    %dma_wait3A_603 = tpu.memref_squeeze %dma_wait3A_602 : memref<1x128xi32, #tpu.memory_space<vmem>> -> memref<128xi32, #tpu.memory_space<vmem>>
    %dma_wait3A_604 = arith.constant 0 : i32
    %dma_wait3A_605 = arith.constant 0 : i32
    %dma_wait3A_606 = tpu.memref_slice %arg2[%dma_wait3A_604, %dma_wait3A_605] : memref<10000x128xbf16, #tpu.memory_space<hbm>> -> memref<10000x128xbf16, #tpu.memory_space<hbm>>
    tpu.wait_indirect_dma semaphore(%arg24 : memref<!tpu.dma_semaphore, #tpu.memory_space<semaphore_mem>>) src(%dma_wait3A_606 : memref<10000x128xbf16, #tpu.memory_space<hbm>>) dst(%arg15 : memref<128x128xbf16, #tpu.memory_space<vmem>>)
    %dma_start3A_607 = arith.constant 1 : i32
    %dma_start3A_608 = arith.constant 0 : i32
    %dma_start3A_609 = tpu.memref_slice %arg12[%dma_start3A_607, %dma_start3A_608] : memref<8x128xi32, #tpu.memory_space<vmem>> -> memref<1x128xi32, #tpu.memory_space<vmem>>
    %dma_start3A_610 = tpu.memref_squeeze %dma_start3A_609 : memref<1x128xi32, #tpu.memory_space<vmem>> -> memref<128xi32, #tpu.memory_space<vmem>>
    %dma_start3A_611 = arith.constant 0 : i32
    %dma_start3A_612 = arith.constant 0 : i32
    %dma_start3A_613 = tpu.memref_slice %arg21[%dma_start3A_611, %dma_start3A_612] : memref<10240x128xbf16, #tpu.memory_space<vmem_shared>> -> memref<10240x128xbf16, #tpu.memory_space<vmem_shared>>
    tpu.enqueue_indirect_dma source(%arg15 : memref<128x128xbf16, #tpu.memory_space<vmem>>) target(%dma_start3A_613 : memref<10240x128xbf16, #tpu.memory_space<vmem_shared>>) offsets(%dma_start3A_610 : memref<128xi32, #tpu.memory_space<vmem>>) semaphore(%arg28 : memref<!tpu.dma_semaphore, #tpu.memory_space<semaphore_mem>>) {add = true}
    %dma_start3A_614 = arith.constant 1 : i32
    %dma_start3A_615 = arith.constant 0 : i32
    %dma_start3A_616 = tpu.memref_slice %arg12[%dma_start3A_614, %dma_start3A_615] : memref<8x128xi32, #tpu.memory_space<vmem>> -> memref<1x128xi32, #tpu.memory_space<vmem>>
    %dma_start3A_617 = tpu.memref_squeeze %dma_start3A_616 : memref<1x128xi32, #tpu.memory_space<vmem>> -> memref<128xi32, #tpu.memory_space<vmem>>
    %dma_start3A_618 = arith.constant 0 : i32
    %dma_start3A_619 = arith.constant 0 : i32
    %dma_start3A_620 = tpu.memref_slice %arg22[%dma_start3A_618, %dma_start3A_619] : memref<10240x16xf32, #tpu.memory_space<vmem_shared>> -> memref<10240x16xf32, #tpu.memory_space<vmem_shared>>
    tpu.enqueue_indirect_dma source(%arg18 : memref<128x16xf32, #tpu.memory_space<vmem>>) target(%dma_start3A_620 : memref<10240x16xf32, #tpu.memory_space<vmem_shared>>) offsets(%dma_start3A_617 : memref<128xi32, #tpu.memory_space<vmem>>) semaphore(%arg31 : memref<!tpu.dma_semaphore, #tpu.memory_space<semaphore_mem>>) {add = true}
    %dma_wait3A_621 = arith.constant 1 : i32
    %dma_wait3A_622 = arith.constant 0 : i32
    %dma_wait3A_623 = tpu.memref_slice %arg12[%dma_wait3A_621, %dma_wait3A_622] : memref<8x128xi32, #tpu.memory_space<vmem>> -> memref<1x128xi32, #tpu.memory_space<vmem>>
    %dma_wait3A_624 = tpu.memref_squeeze %dma_wait3A_623 : memref<1x128xi32, #tpu.memory_space<vmem>> -> memref<128xi32, #tpu.memory_space<vmem>>
    %dma_wait3A_625 = arith.constant 0 : i32
    %dma_wait3A_626 = arith.constant 0 : i32
    %dma_wait3A_627 = tpu.memref_slice %arg21[%dma_wait3A_625, %dma_wait3A_626] : memref<10240x128xbf16, #tpu.memory_space<vmem_shared>> -> memref<10240x128xbf16, #tpu.memory_space<vmem_shared>>
    tpu.wait_indirect_dma semaphore(%arg28 : memref<!tpu.dma_semaphore, #tpu.memory_space<semaphore_mem>>) src(%arg15 : memref<128x128xbf16, #tpu.memory_space<vmem>>) dst(%dma_wait3A_627 : memref<10240x128xbf16, #tpu.memory_space<vmem_shared>>)
    %dma_start3A_628 = arith.constant 5 : i32
    %dma_start3A_629 = arith.constant 0 : i32
    %dma_start3A_630 = tpu.memref_slice %arg10[%dma_start3A_628, %dma_start3A_629] : memref<8x128xi32, #tpu.memory_space<vmem>> -> memref<1x128xi32, #tpu.memory_space<vmem>>
    %dma_start3A_631 = tpu.memref_squeeze %dma_start3A_630 : memref<1x128xi32, #tpu.memory_space<vmem>> -> memref<128xi32, #tpu.memory_space<vmem>>
    %dma_start3A_632 = arith.constant 0 : i32
    %dma_start3A_633 = arith.constant 0 : i32
    %dma_start3A_634 = tpu.memref_slice %arg2[%dma_start3A_632, %dma_start3A_633] : memref<10000x128xbf16, #tpu.memory_space<hbm>> -> memref<10000x128xbf16, #tpu.memory_space<hbm>>
    tpu.enqueue_indirect_dma source(%dma_start3A_634 : memref<10000x128xbf16, #tpu.memory_space<hbm>>) target(%arg15 : memref<128x128xbf16, #tpu.memory_space<vmem>>) offsets(%dma_start3A_631 : memref<128xi32, #tpu.memory_space<vmem>>) semaphore(%arg24 : memref<!tpu.dma_semaphore, #tpu.memory_space<semaphore_mem>>)
    %dma_wait3A_635 = arith.constant 2 : i32
    %dma_wait3A_636 = arith.constant 0 : i32
    %dma_wait3A_637 = tpu.memref_slice %arg10[%dma_wait3A_635, %dma_wait3A_636] : memref<8x128xi32, #tpu.memory_space<vmem>> -> memref<1x128xi32, #tpu.memory_space<vmem>>
    %dma_wait3A_638 = tpu.memref_squeeze %dma_wait3A_637 : memref<1x128xi32, #tpu.memory_space<vmem>> -> memref<128xi32, #tpu.memory_space<vmem>>
    %dma_wait3A_639 = arith.constant 0 : i32
    %dma_wait3A_640 = arith.constant 0 : i32
    %dma_wait3A_641 = tpu.memref_slice %arg2[%dma_wait3A_639, %dma_wait3A_640] : memref<10000x128xbf16, #tpu.memory_space<hbm>> -> memref<10000x128xbf16, #tpu.memory_space<hbm>>
    tpu.wait_indirect_dma semaphore(%arg25 : memref<!tpu.dma_semaphore, #tpu.memory_space<semaphore_mem>>) src(%dma_wait3A_641 : memref<10000x128xbf16, #tpu.memory_space<hbm>>) dst(%arg16 : memref<128x128xbf16, #tpu.memory_space<vmem>>)
    %dma_start3A_642 = arith.constant 2 : i32
    %dma_start3A_643 = arith.constant 0 : i32
    %dma_start3A_644 = tpu.memref_slice %arg12[%dma_start3A_642, %dma_start3A_643] : memref<8x128xi32, #tpu.memory_space<vmem>> -> memref<1x128xi32, #tpu.memory_space<vmem>>
    %dma_start3A_645 = tpu.memref_squeeze %dma_start3A_644 : memref<1x128xi32, #tpu.memory_space<vmem>> -> memref<128xi32, #tpu.memory_space<vmem>>
    %dma_start3A_646 = arith.constant 0 : i32
    %dma_start3A_647 = arith.constant 0 : i32
    %dma_start3A_648 = tpu.memref_slice %arg21[%dma_start3A_646, %dma_start3A_647] : memref<10240x128xbf16, #tpu.memory_space<vmem_shared>> -> memref<10240x128xbf16, #tpu.memory_space<vmem_shared>>
    tpu.enqueue_indirect_dma source(%arg16 : memref<128x128xbf16, #tpu.memory_space<vmem>>) target(%dma_start3A_648 : memref<10240x128xbf16, #tpu.memory_space<vmem_shared>>) offsets(%dma_start3A_645 : memref<128xi32, #tpu.memory_space<vmem>>) semaphore(%arg29 : memref<!tpu.dma_semaphore, #tpu.memory_space<semaphore_mem>>) {add = true}
    %dma_start3A_649 = arith.constant 2 : i32
    %dma_start3A_650 = arith.constant 0 : i32
    %dma_start3A_651 = tpu.memref_slice %arg12[%dma_start3A_649, %dma_start3A_650] : memref<8x128xi32, #tpu.memory_space<vmem>> -> memref<1x128xi32, #tpu.memory_space<vmem>>
    %dma_start3A_652 = tpu.memref_squeeze %dma_start3A_651 : memref<1x128xi32, #tpu.memory_space<vmem>> -> memref<128xi32, #tpu.memory_space<vmem>>
    %dma_start3A_653 = arith.constant 0 : i32
    %dma_start3A_654 = arith.constant 0 : i32
    %dma_start3A_655 = tpu.memref_slice %arg22[%dma_start3A_653, %dma_start3A_654] : memref<10240x16xf32, #tpu.memory_space<vmem_shared>> -> memref<10240x16xf32, #tpu.memory_space<vmem_shared>>
    tpu.enqueue_indirect_dma source(%arg18 : memref<128x16xf32, #tpu.memory_space<vmem>>) target(%dma_start3A_655 : memref<10240x16xf32, #tpu.memory_space<vmem_shared>>) offsets(%dma_start3A_652 : memref<128xi32, #tpu.memory_space<vmem>>) semaphore(%arg31 : memref<!tpu.dma_semaphore, #tpu.memory_space<semaphore_mem>>) {add = true}
    %dma_wait3A_656 = arith.constant 2 : i32
    %dma_wait3A_657 = arith.constant 0 : i32
    %dma_wait3A_658 = tpu.memref_slice %arg12[%dma_wait3A_656, %dma_wait3A_657] : memref<8x128xi32, #tpu.memory_space<vmem>> -> memref<1x128xi32, #tpu.memory_space<vmem>>
    %dma_wait3A_659 = tpu.memref_squeeze %dma_wait3A_658 : memref<1x128xi32, #tpu.memory_space<vmem>> -> memref<128xi32, #tpu.memory_space<vmem>>
    %dma_wait3A_660 = arith.constant 0 : i32
    %dma_wait3A_661 = arith.constant 0 : i32
    %dma_wait3A_662 = tpu.memref_slice %arg21[%dma_wait3A_660, %dma_wait3A_661] : memref<10240x128xbf16, #tpu.memory_space<vmem_shared>> -> memref<10240x128xbf16, #tpu.memory_space<vmem_shared>>
    tpu.wait_indirect_dma semaphore(%arg29 : memref<!tpu.dma_semaphore, #tpu.memory_space<semaphore_mem>>) src(%arg16 : memref<128x128xbf16, #tpu.memory_space<vmem>>) dst(%dma_wait3A_662 : memref<10240x128xbf16, #tpu.memory_space<vmem_shared>>)
    %dma_start3A_663 = arith.constant 6 : i32
    %dma_start3A_664 = arith.constant 0 : i32
    %dma_start3A_665 = tpu.memref_slice %arg10[%dma_start3A_663, %dma_start3A_664] : memref<8x128xi32, #tpu.memory_space<vmem>> -> memref<1x128xi32, #tpu.memory_space<vmem>>
    %dma_start3A_666 = tpu.memref_squeeze %dma_start3A_665 : memref<1x128xi32, #tpu.memory_space<vmem>> -> memref<128xi32, #tpu.memory_space<vmem>>
    %dma_start3A_667 = arith.constant 0 : i32
    %dma_start3A_668 = arith.constant 0 : i32
    %dma_start3A_669 = tpu.memref_slice %arg2[%dma_start3A_667, %dma_start3A_668] : memref<10000x128xbf16, #tpu.memory_space<hbm>> -> memref<10000x128xbf16, #tpu.memory_space<hbm>>
    tpu.enqueue_indirect_dma source(%dma_start3A_669 : memref<10000x128xbf16, #tpu.memory_space<hbm>>) target(%arg16 : memref<128x128xbf16, #tpu.memory_space<vmem>>) offsets(%dma_start3A_666 : memref<128xi32, #tpu.memory_space<vmem>>) semaphore(%arg25 : memref<!tpu.dma_semaphore, #tpu.memory_space<semaphore_mem>>)
    %dma_wait3A_670 = arith.constant 3 : i32
    %dma_wait3A_671 = arith.constant 0 : i32
    %dma_wait3A_672 = tpu.memref_slice %arg10[%dma_wait3A_670, %dma_wait3A_671] : memref<8x128xi32, #tpu.memory_space<vmem>> -> memref<1x128xi32, #tpu.memory_space<vmem>>
    %dma_wait3A_673 = tpu.memref_squeeze %dma_wait3A_672 : memref<1x128xi32, #tpu.memory_space<vmem>> -> memref<128xi32, #tpu.memory_space<vmem>>
    %dma_wait3A_674 = arith.constant 0 : i32
    %dma_wait3A_675 = arith.constant 0 : i32
    %dma_wait3A_676 = tpu.memref_slice %arg2[%dma_wait3A_674, %dma_wait3A_675] : memref<10000x128xbf16, #tpu.memory_space<hbm>> -> memref<10000x128xbf16, #tpu.memory_space<hbm>>
    tpu.wait_indirect_dma semaphore(%arg26 : memref<!tpu.dma_semaphore, #tpu.memory_space<semaphore_mem>>) src(%dma_wait3A_676 : memref<10000x128xbf16, #tpu.memory_space<hbm>>) dst(%arg17 : memref<128x128xbf16, #tpu.memory_space<vmem>>)
    %dma_start3A_677 = arith.constant 3 : i32
    %dma_start3A_678 = arith.constant 0 : i32
    %dma_start3A_679 = tpu.memref_slice %arg12[%dma_start3A_677, %dma_start3A_678] : memref<8x128xi32, #tpu.memory_space<vmem>> -> memref<1x128xi32, #tpu.memory_space<vmem>>
    %dma_start3A_680 = tpu.memref_squeeze %dma_start3A_679 : memref<1x128xi32, #tpu.memory_space<vmem>> -> memref<128xi32, #tpu.memory_space<vmem>>
    %dma_start3A_681 = arith.constant 0 : i32
    %dma_start3A_682 = arith.constant 0 : i32
    %dma_start3A_683 = tpu.memref_slice %arg21[%dma_start3A_681, %dma_start3A_682] : memref<10240x128xbf16, #tpu.memory_space<vmem_shared>> -> memref<10240x128xbf16, #tpu.memory_space<vmem_shared>>
    tpu.enqueue_indirect_dma source(%arg17 : memref<128x128xbf16, #tpu.memory_space<vmem>>) target(%dma_start3A_683 : memref<10240x128xbf16, #tpu.memory_space<vmem_shared>>) offsets(%dma_start3A_680 : memref<128xi32, #tpu.memory_space<vmem>>) semaphore(%arg30 : memref<!tpu.dma_semaphore, #tpu.memory_space<semaphore_mem>>) {add = true}
    %dma_start3A_684 = arith.constant 3 : i32
    %dma_start3A_685 = arith.constant 0 : i32
    %dma_start3A_686 = tpu.memref_slice %arg12[%dma_start3A_684, %dma_start3A_685] : memref<8x128xi32, #tpu.memory_space<vmem>> -> memref<1x128xi32, #tpu.memory_space<vmem>>
    %dma_start3A_687 = tpu.memref_squeeze %dma_start3A_686 : memref<1x128xi32, #tpu.memory_space<vmem>> -> memref<128xi32, #tpu.memory_space<vmem>>
    %dma_start3A_688 = arith.constant 0 : i32
    %dma_start3A_689 = arith.constant 0 : i32
    %dma_start3A_690 = tpu.memref_slice %arg22[%dma_start3A_688, %dma_start3A_689] : memref<10240x16xf32, #tpu.memory_space<vmem_shared>> -> memref<10240x16xf32, #tpu.memory_space<vmem_shared>>
    tpu.enqueue_indirect_dma source(%arg18 : memref<128x16xf32, #tpu.memory_space<vmem>>) target(%dma_start3A_690 : memref<10240x16xf32, #tpu.memory_space<vmem_shared>>) offsets(%dma_start3A_687 : memref<128xi32, #tpu.memory_space<vmem>>) semaphore(%arg31 : memref<!tpu.dma_semaphore, #tpu.memory_space<semaphore_mem>>) {add = true}
    %dma_wait3A_691 = arith.constant 3 : i32
    %dma_wait3A_692 = arith.constant 0 : i32
    %dma_wait3A_693 = tpu.memref_slice %arg12[%dma_wait3A_691, %dma_wait3A_692] : memref<8x128xi32, #tpu.memory_space<vmem>> -> memref<1x128xi32, #tpu.memory_space<vmem>>
    %dma_wait3A_694 = tpu.memref_squeeze %dma_wait3A_693 : memref<1x128xi32, #tpu.memory_space<vmem>> -> memref<128xi32, #tpu.memory_space<vmem>>
    %dma_wait3A_695 = arith.constant 0 : i32
    %dma_wait3A_696 = arith.constant 0 : i32
    %dma_wait3A_697 = tpu.memref_slice %arg21[%dma_wait3A_695, %dma_wait3A_696] : memref<10240x128xbf16, #tpu.memory_space<vmem_shared>> -> memref<10240x128xbf16, #tpu.memory_space<vmem_shared>>
    tpu.wait_indirect_dma semaphore(%arg30 : memref<!tpu.dma_semaphore, #tpu.memory_space<semaphore_mem>>) src(%arg17 : memref<128x128xbf16, #tpu.memory_space<vmem>>) dst(%dma_wait3A_697 : memref<10240x128xbf16, #tpu.memory_space<vmem_shared>>)
    %dma_start3A_698 = arith.constant 7 : i32
    %dma_start3A_699 = arith.constant 0 : i32
    %dma_start3A_700 = tpu.memref_slice %arg10[%dma_start3A_698, %dma_start3A_699] : memref<8x128xi32, #tpu.memory_space<vmem>> -> memref<1x128xi32, #tpu.memory_space<vmem>>
    %dma_start3A_701 = tpu.memref_squeeze %dma_start3A_700 : memref<1x128xi32, #tpu.memory_space<vmem>> -> memref<128xi32, #tpu.memory_space<vmem>>
    %dma_start3A_702 = arith.constant 0 : i32
    %dma_start3A_703 = arith.constant 0 : i32
    %dma_start3A_704 = tpu.memref_slice %arg2[%dma_start3A_702, %dma_start3A_703] : memref<10000x128xbf16, #tpu.memory_space<hbm>> -> memref<10000x128xbf16, #tpu.memory_space<hbm>>
    tpu.enqueue_indirect_dma source(%dma_start3A_704 : memref<10000x128xbf16, #tpu.memory_space<hbm>>) target(%arg17 : memref<128x128xbf16, #tpu.memory_space<vmem>>) offsets(%dma_start3A_701 : memref<128xi32, #tpu.memory_space<vmem>>) semaphore(%arg26 : memref<!tpu.dma_semaphore, #tpu.memory_space<semaphore_mem>>)
    %dma_wait3A_705 = arith.constant 4 : i32
    %dma_wait3A_706 = arith.constant 0 : i32
    %dma_wait3A_707 = tpu.memref_slice %arg10[%dma_wait3A_705, %dma_wait3A_706] : memref<8x128xi32, #tpu.memory_space<vmem>> -> memref<1x128xi32, #tpu.memory_space<vmem>>
    %dma_wait3A_708 = tpu.memref_squeeze %dma_wait3A_707 : memref<1x128xi32, #tpu.memory_space<vmem>> -> memref<128xi32, #tpu.memory_space<vmem>>
    %dma_wait3A_709 = arith.constant 0 : i32
    %dma_wait3A_710 = arith.constant 0 : i32
    %dma_wait3A_711 = tpu.memref_slice %arg2[%dma_wait3A_709, %dma_wait3A_710] : memref<10000x128xbf16, #tpu.memory_space<hbm>> -> memref<10000x128xbf16, #tpu.memory_space<hbm>>
    tpu.wait_indirect_dma semaphore(%arg23 : memref<!tpu.dma_semaphore, #tpu.memory_space<semaphore_mem>>) src(%dma_wait3A_711 : memref<10000x128xbf16, #tpu.memory_space<hbm>>) dst(%arg14 : memref<128x128xbf16, #tpu.memory_space<vmem>>)
    %dma_start3A_712 = arith.constant 4 : i32
    %dma_start3A_713 = arith.constant 0 : i32
    %dma_start3A_714 = tpu.memref_slice %arg12[%dma_start3A_712, %dma_start3A_713] : memref<8x128xi32, #tpu.memory_space<vmem>> -> memref<1x128xi32, #tpu.memory_space<vmem>>
    %dma_start3A_715 = tpu.memref_squeeze %dma_start3A_714 : memref<1x128xi32, #tpu.memory_space<vmem>> -> memref<128xi32, #tpu.memory_space<vmem>>
    %dma_start3A_716 = arith.constant 0 : i32
    %dma_start3A_717 = arith.constant 0 : i32
    %dma_start3A_718 = tpu.memref_slice %arg21[%dma_start3A_716, %dma_start3A_717] : memref<10240x128xbf16, #tpu.memory_space<vmem_shared>> -> memref<10240x128xbf16, #tpu.memory_space<vmem_shared>>
    tpu.enqueue_indirect_dma source(%arg14 : memref<128x128xbf16, #tpu.memory_space<vmem>>) target(%dma_start3A_718 : memref<10240x128xbf16, #tpu.memory_space<vmem_shared>>) offsets(%dma_start3A_715 : memref<128xi32, #tpu.memory_space<vmem>>) semaphore(%arg27 : memref<!tpu.dma_semaphore, #tpu.memory_space<semaphore_mem>>) {add = true}
    %dma_start3A_719 = arith.constant 4 : i32
    %dma_start3A_720 = arith.constant 0 : i32
    %dma_start3A_721 = tpu.memref_slice %arg12[%dma_start3A_719, %dma_start3A_720] : memref<8x128xi32, #tpu.memory_space<vmem>> -> memref<1x128xi32, #tpu.memory_space<vmem>>
    %dma_start3A_722 = tpu.memref_squeeze %dma_start3A_721 : memref<1x128xi32, #tpu.memory_space<vmem>> -> memref<128xi32, #tpu.memory_space<vmem>>
    %dma_start3A_723 = arith.constant 0 : i32
    %dma_start3A_724 = arith.constant 0 : i32
    %dma_start3A_725 = tpu.memref_slice %arg22[%dma_start3A_723, %dma_start3A_724] : memref<10240x16xf32, #tpu.memory_space<vmem_shared>> -> memref<10240x16xf32, #tpu.memory_space<vmem_shared>>
    tpu.enqueue_indirect_dma source(%arg18 : memref<128x16xf32, #tpu.memory_space<vmem>>) target(%dma_start3A_725 : memref<10240x16xf32, #tpu.memory_space<vmem_shared>>) offsets(%dma_start3A_722 : memref<128xi32, #tpu.memory_space<vmem>>) semaphore(%arg31 : memref<!tpu.dma_semaphore, #tpu.memory_space<semaphore_mem>>) {add = true}
    %dma_wait3A_726 = arith.constant 5 : i32
    %dma_wait3A_727 = arith.constant 0 : i32
    %dma_wait3A_728 = tpu.memref_slice %arg10[%dma_wait3A_726, %dma_wait3A_727] : memref<8x128xi32, #tpu.memory_space<vmem>> -> memref<1x128xi32, #tpu.memory_space<vmem>>
    %dma_wait3A_729 = tpu.memref_squeeze %dma_wait3A_728 : memref<1x128xi32, #tpu.memory_space<vmem>> -> memref<128xi32, #tpu.memory_space<vmem>>
    %dma_wait3A_730 = arith.constant 0 : i32
    %dma_wait3A_731 = arith.constant 0 : i32
    %dma_wait3A_732 = tpu.memref_slice %arg2[%dma_wait3A_730, %dma_wait3A_731] : memref<10000x128xbf16, #tpu.memory_space<hbm>> -> memref<10000x128xbf16, #tpu.memory_space<hbm>>
    tpu.wait_indirect_dma semaphore(%arg24 : memref<!tpu.dma_semaphore, #tpu.memory_space<semaphore_mem>>) src(%dma_wait3A_732 : memref<10000x128xbf16, #tpu.memory_space<hbm>>) dst(%arg15 : memref<128x128xbf16, #tpu.memory_space<vmem>>)
    %dma_start3A_733 = arith.constant 5 : i32
    %dma_start3A_734 = arith.constant 0 : i32
    %dma_start3A_735 = tpu.memref_slice %arg12[%dma_start3A_733, %dma_start3A_734] : memref<8x128xi32, #tpu.memory_space<vmem>> -> memref<1x128xi32, #tpu.memory_space<vmem>>
    %dma_start3A_736 = tpu.memref_squeeze %dma_start3A_735 : memref<1x128xi32, #tpu.memory_space<vmem>> -> memref<128xi32, #tpu.memory_space<vmem>>
    %dma_start3A_737 = arith.constant 0 : i32
    %dma_start3A_738 = arith.constant 0 : i32
    %dma_start3A_739 = tpu.memref_slice %arg21[%dma_start3A_737, %dma_start3A_738] : memref<10240x128xbf16, #tpu.memory_space<vmem_shared>> -> memref<10240x128xbf16, #tpu.memory_space<vmem_shared>>
    tpu.enqueue_indirect_dma source(%arg15 : memref<128x128xbf16, #tpu.memory_space<vmem>>) target(%dma_start3A_739 : memref<10240x128xbf16, #tpu.memory_space<vmem_shared>>) offsets(%dma_start3A_736 : memref<128xi32, #tpu.memory_space<vmem>>) semaphore(%arg28 : memref<!tpu.dma_semaphore, #tpu.memory_space<semaphore_mem>>) {add = true}
    %dma_start3A_740 = arith.constant 5 : i32
    %dma_start3A_741 = arith.constant 0 : i32
    %dma_start3A_742 = tpu.memref_slice %arg12[%dma_start3A_740, %dma_start3A_741] : memref<8x128xi32, #tpu.memory_space<vmem>> -> memref<1x128xi32, #tpu.memory_space<vmem>>
    %dma_start3A_743 = tpu.memref_squeeze %dma_start3A_742 : memref<1x128xi32, #tpu.memory_space<vmem>> -> memref<128xi32, #tpu.memory_space<vmem>>
    %dma_start3A_744 = arith.constant 0 : i32
    %dma_start3A_745 = arith.constant 0 : i32
    %dma_start3A_746 = tpu.memref_slice %arg22[%dma_start3A_744, %dma_start3A_745] : memref<10240x16xf32, #tpu.memory_space<vmem_shared>> -> memref<10240x16xf32, #tpu.memory_space<vmem_shared>>
    tpu.enqueue_indirect_dma source(%arg18 : memref<128x16xf32, #tpu.memory_space<vmem>>) target(%dma_start3A_746 : memref<10240x16xf32, #tpu.memory_space<vmem_shared>>) offsets(%dma_start3A_743 : memref<128xi32, #tpu.memory_space<vmem>>) semaphore(%arg31 : memref<!tpu.dma_semaphore, #tpu.memory_space<semaphore_mem>>) {add = true}
    %dma_wait3A_747 = arith.constant 6 : i32
    %dma_wait3A_748 = arith.constant 0 : i32
    %dma_wait3A_749 = tpu.memref_slice %arg10[%dma_wait3A_747, %dma_wait3A_748] : memref<8x128xi32, #tpu.memory_space<vmem>> -> memref<1x128xi32, #tpu.memory_space<vmem>>
    %dma_wait3A_750 = tpu.memref_squeeze %dma_wait3A_749 : memref<1x128xi32, #tpu.memory_space<vmem>> -> memref<128xi32, #tpu.memory_space<vmem>>
    %dma_wait3A_751 = arith.constant 0 : i32
    %dma_wait3A_752 = arith.constant 0 : i32
    %dma_wait3A_753 = tpu.memref_slice %arg2[%dma_wait3A_751, %dma_wait3A_752] : memref<10000x128xbf16, #tpu.memory_space<hbm>> -> memref<10000x128xbf16, #tpu.memory_space<hbm>>
    tpu.wait_indirect_dma semaphore(%arg25 : memref<!tpu.dma_semaphore, #tpu.memory_space<semaphore_mem>>) src(%dma_wait3A_753 : memref<10000x128xbf16, #tpu.memory_space<hbm>>) dst(%arg16 : memref<128x128xbf16, #tpu.memory_space<vmem>>)
    %dma_start3A_754 = arith.constant 6 : i32
    %dma_start3A_755 = arith.constant 0 : i32
    %dma_start3A_756 = tpu.memref_slice %arg12[%dma_start3A_754, %dma_start3A_755] : memref<8x128xi32, #tpu.memory_space<vmem>> -> memref<1x128xi32, #tpu.memory_space<vmem>>
    %dma_start3A_757 = tpu.memref_squeeze %dma_start3A_756 : memref<1x128xi32, #tpu.memory_space<vmem>> -> memref<128xi32, #tpu.memory_space<vmem>>
    %dma_start3A_758 = arith.constant 0 : i32
    %dma_start3A_759 = arith.constant 0 : i32
    %dma_start3A_760 = tpu.memref_slice %arg21[%dma_start3A_758, %dma_start3A_759] : memref<10240x128xbf16, #tpu.memory_space<vmem_shared>> -> memref<10240x128xbf16, #tpu.memory_space<vmem_shared>>
    tpu.enqueue_indirect_dma source(%arg16 : memref<128x128xbf16, #tpu.memory_space<vmem>>) target(%dma_start3A_760 : memref<10240x128xbf16, #tpu.memory_space<vmem_shared>>) offsets(%dma_start3A_757 : memref<128xi32, #tpu.memory_space<vmem>>) semaphore(%arg29 : memref<!tpu.dma_semaphore, #tpu.memory_space<semaphore_mem>>) {add = true}
    %dma_start3A_761 = arith.constant 6 : i32
    %dma_start3A_762 = arith.constant 0 : i32
    %dma_start3A_763 = tpu.memref_slice %arg12[%dma_start3A_761, %dma_start3A_762] : memref<8x128xi32, #tpu.memory_space<vmem>> -> memref<1x128xi32, #tpu.memory_space<vmem>>
    %dma_start3A_764 = tpu.memref_squeeze %dma_start3A_763 : memref<1x128xi32, #tpu.memory_space<vmem>> -> memref<128xi32, #tpu.memory_space<vmem>>
    %dma_start3A_765 = arith.constant 0 : i32
    %dma_start3A_766 = arith.constant 0 : i32
    %dma_start3A_767 = tpu.memref_slice %arg22[%dma_start3A_765, %dma_start3A_766] : memref<10240x16xf32, #tpu.memory_space<vmem_shared>> -> memref<10240x16xf32, #tpu.memory_space<vmem_shared>>
    tpu.enqueue_indirect_dma source(%arg18 : memref<128x16xf32, #tpu.memory_space<vmem>>) target(%dma_start3A_767 : memref<10240x16xf32, #tpu.memory_space<vmem_shared>>) offsets(%dma_start3A_764 : memref<128xi32, #tpu.memory_space<vmem>>) semaphore(%arg31 : memref<!tpu.dma_semaphore, #tpu.memory_space<semaphore_mem>>) {add = true}
    %dma_wait3A_768 = arith.constant 7 : i32
    %dma_wait3A_769 = arith.constant 0 : i32
    %dma_wait3A_770 = tpu.memref_slice %arg10[%dma_wait3A_768, %dma_wait3A_769] : memref<8x128xi32, #tpu.memory_space<vmem>> -> memref<1x128xi32, #tpu.memory_space<vmem>>
    %dma_wait3A_771 = tpu.memref_squeeze %dma_wait3A_770 : memref<1x128xi32, #tpu.memory_space<vmem>> -> memref<128xi32, #tpu.memory_space<vmem>>
    %dma_wait3A_772 = arith.constant 0 : i32
    %dma_wait3A_773 = arith.constant 0 : i32
    %dma_wait3A_774 = tpu.memref_slice %arg2[%dma_wait3A_772, %dma_wait3A_773] : memref<10000x128xbf16, #tpu.memory_space<hbm>> -> memref<10000x128xbf16, #tpu.memory_space<hbm>>
    tpu.wait_indirect_dma semaphore(%arg26 : memref<!tpu.dma_semaphore, #tpu.memory_space<semaphore_mem>>) src(%dma_wait3A_774 : memref<10000x128xbf16, #tpu.memory_space<hbm>>) dst(%arg17 : memref<128x128xbf16, #tpu.memory_space<vmem>>)
    %dma_start3A_775 = arith.constant 7 : i32
    %dma_start3A_776 = arith.constant 0 : i32
    %dma_start3A_777 = tpu.memref_slice %arg12[%dma_start3A_775, %dma_start3A_776] : memref<8x128xi32, #tpu.memory_space<vmem>> -> memref<1x128xi32, #tpu.memory_space<vmem>>
    %dma_start3A_778 = tpu.memref_squeeze %dma_start3A_777 : memref<1x128xi32, #tpu.memory_space<vmem>> -> memref<128xi32, #tpu.memory_space<vmem>>
    %dma_start3A_779 = arith.constant 0 : i32
    %dma_start3A_780 = arith.constant 0 : i32
    %dma_start3A_781 = tpu.memref_slice %arg21[%dma_start3A_779, %dma_start3A_780] : memref<10240x128xbf16, #tpu.memory_space<vmem_shared>> -> memref<10240x128xbf16, #tpu.memory_space<vmem_shared>>
    tpu.enqueue_indirect_dma source(%arg17 : memref<128x128xbf16, #tpu.memory_space<vmem>>) target(%dma_start3A_781 : memref<10240x128xbf16, #tpu.memory_space<vmem_shared>>) offsets(%dma_start3A_778 : memref<128xi32, #tpu.memory_space<vmem>>) semaphore(%arg30 : memref<!tpu.dma_semaphore, #tpu.memory_space<semaphore_mem>>) {add = true}
    %dma_start3A_782 = arith.constant 7 : i32
    %dma_start3A_783 = arith.constant 0 : i32
    %dma_start3A_784 = tpu.memref_slice %arg12[%dma_start3A_782, %dma_start3A_783] : memref<8x128xi32, #tpu.memory_space<vmem>> -> memref<1x128xi32, #tpu.memory_space<vmem>>
    %dma_start3A_785 = tpu.memref_squeeze %dma_start3A_784 : memref<1x128xi32, #tpu.memory_space<vmem>> -> memref<128xi32, #tpu.memory_space<vmem>>
    %dma_start3A_786 = arith.constant 0 : i32
    %dma_start3A_787 = arith.constant 0 : i32
    %dma_start3A_788 = tpu.memref_slice %arg22[%dma_start3A_786, %dma_start3A_787] : memref<10240x16xf32, #tpu.memory_space<vmem_shared>> -> memref<10240x16xf32, #tpu.memory_space<vmem_shared>>
    tpu.enqueue_indirect_dma source(%arg18 : memref<128x16xf32, #tpu.memory_space<vmem>>) target(%dma_start3A_788 : memref<10240x16xf32, #tpu.memory_space<vmem_shared>>) offsets(%dma_start3A_785 : memref<128xi32, #tpu.memory_space<vmem>>) semaphore(%arg31 : memref<!tpu.dma_semaphore, #tpu.memory_space<semaphore_mem>>) {add = true}
    %dma_wait3A_789 = arith.constant 4 : i32
    %dma_wait3A_790 = arith.constant 0 : i32
    %dma_wait3A_791 = tpu.memref_slice %arg12[%dma_wait3A_789, %dma_wait3A_790] : memref<8x128xi32, #tpu.memory_space<vmem>> -> memref<1x128xi32, #tpu.memory_space<vmem>>
    %dma_wait3A_792 = tpu.memref_squeeze %dma_wait3A_791 : memref<1x128xi32, #tpu.memory_space<vmem>> -> memref<128xi32, #tpu.memory_space<vmem>>
    %dma_wait3A_793 = arith.constant 0 : i32
    %dma_wait3A_794 = arith.constant 0 : i32
    %dma_wait3A_795 = tpu.memref_slice %arg21[%dma_wait3A_793, %dma_wait3A_794] : memref<10240x128xbf16, #tpu.memory_space<vmem_shared>> -> memref<10240x128xbf16, #tpu.memory_space<vmem_shared>>
    tpu.wait_indirect_dma semaphore(%arg27 : memref<!tpu.dma_semaphore, #tpu.memory_space<semaphore_mem>>) src(%arg14 : memref<128x128xbf16, #tpu.memory_space<vmem>>) dst(%dma_wait3A_795 : memref<10240x128xbf16, #tpu.memory_space<vmem_shared>>)
    %dma_wait3A_796 = arith.constant 5 : i32
    %dma_wait3A_797 = arith.constant 0 : i32
    %dma_wait3A_798 = tpu.memref_slice %arg12[%dma_wait3A_796, %dma_wait3A_797] : memref<8x128xi32, #tpu.memory_space<vmem>> -> memref<1x128xi32, #tpu.memory_space<vmem>>
    %dma_wait3A_799 = tpu.memref_squeeze %dma_wait3A_798 : memref<1x128xi32, #tpu.memory_space<vmem>> -> memref<128xi32, #tpu.memory_space<vmem>>
    %dma_wait3A_800 = arith.constant 0 : i32
    %dma_wait3A_801 = arith.constant 0 : i32
    %dma_wait3A_802 = tpu.memref_slice %arg21[%dma_wait3A_800, %dma_wait3A_801] : memref<10240x128xbf16, #tpu.memory_space<vmem_shared>> -> memref<10240x128xbf16, #tpu.memory_space<vmem_shared>>
    tpu.wait_indirect_dma semaphore(%arg28 : memref<!tpu.dma_semaphore, #tpu.memory_space<semaphore_mem>>) src(%arg15 : memref<128x128xbf16, #tpu.memory_space<vmem>>) dst(%dma_wait3A_802 : memref<10240x128xbf16, #tpu.memory_space<vmem_shared>>)
    %dma_wait3A_803 = arith.constant 6 : i32
    %dma_wait3A_804 = arith.constant 0 : i32
    %dma_wait3A_805 = tpu.memref_slice %arg12[%dma_wait3A_803, %dma_wait3A_804] : memref<8x128xi32, #tpu.memory_space<vmem>> -> memref<1x128xi32, #tpu.memory_space<vmem>>
    %dma_wait3A_806 = tpu.memref_squeeze %dma_wait3A_805 : memref<1x128xi32, #tpu.memory_space<vmem>> -> memref<128xi32, #tpu.memory_space<vmem>>
    %dma_wait3A_807 = arith.constant 0 : i32
    %dma_wait3A_808 = arith.constant 0 : i32
    %dma_wait3A_809 = tpu.memref_slice %arg21[%dma_wait3A_807, %dma_wait3A_808] : memref<10240x128xbf16, #tpu.memory_space<vmem_shared>> -> memref<10240x128xbf16, #tpu.memory_space<vmem_shared>>
    tpu.wait_indirect_dma semaphore(%arg29 : memref<!tpu.dma_semaphore, #tpu.memory_space<semaphore_mem>>) src(%arg16 : memref<128x128xbf16, #tpu.memory_space<vmem>>) dst(%dma_wait3A_809 : memref<10240x128xbf16, #tpu.memory_space<vmem_shared>>)
    %dma_wait3A_810 = arith.constant 7 : i32
    %dma_wait3A_811 = arith.constant 0 : i32
    %dma_wait3A_812 = tpu.memref_slice %arg12[%dma_wait3A_810, %dma_wait3A_811] : memref<8x128xi32, #tpu.memory_space<vmem>> -> memref<1x128xi32, #tpu.memory_space<vmem>>
    %dma_wait3A_813 = tpu.memref_squeeze %dma_wait3A_812 : memref<1x128xi32, #tpu.memory_space<vmem>> -> memref<128xi32, #tpu.memory_space<vmem>>
    %dma_wait3A_814 = arith.constant 0 : i32
    %dma_wait3A_815 = arith.constant 0 : i32
    %dma_wait3A_816 = tpu.memref_slice %arg21[%dma_wait3A_814, %dma_wait3A_815] : memref<10240x128xbf16, #tpu.memory_space<vmem_shared>> -> memref<10240x128xbf16, #tpu.memory_space<vmem_shared>>
    tpu.wait_indirect_dma semaphore(%arg30 : memref<!tpu.dma_semaphore, #tpu.memory_space<semaphore_mem>>) src(%arg17 : memref<128x128xbf16, #tpu.memory_space<vmem>>) dst(%dma_wait3A_816 : memref<10240x128xbf16, #tpu.memory_space<vmem_shared>>)
    %dma_wait3A_817 = arith.constant 0 : i32
    %dma_wait3A_818 = arith.constant 0 : i32
    %dma_wait3A_819 = tpu.memref_slice %arg12[%dma_wait3A_817, %dma_wait3A_818] : memref<8x128xi32, #tpu.memory_space<vmem>> -> memref<1x128xi32, #tpu.memory_space<vmem>>
    %dma_wait3A_820 = tpu.memref_squeeze %dma_wait3A_819 : memref<1x128xi32, #tpu.memory_space<vmem>> -> memref<128xi32, #tpu.memory_space<vmem>>
    %dma_wait3A_821 = arith.constant 0 : i32
    %dma_wait3A_822 = arith.constant 0 : i32
    %dma_wait3A_823 = tpu.memref_slice %arg22[%dma_wait3A_821, %dma_wait3A_822] : memref<10240x16xf32, #tpu.memory_space<vmem_shared>> -> memref<10240x16xf32, #tpu.memory_space<vmem_shared>>
    tpu.wait_indirect_dma semaphore(%arg31 : memref<!tpu.dma_semaphore, #tpu.memory_space<semaphore_mem>>) src(%arg18 : memref<128x16xf32, #tpu.memory_space<vmem>>) dst(%dma_wait3A_823 : memref<10240x16xf32, #tpu.memory_space<vmem_shared>>)
    %dma_wait3A_824 = arith.constant 1 : i32
    %dma_wait3A_825 = arith.constant 0 : i32
    %dma_wait3A_826 = tpu.memref_slice %arg12[%dma_wait3A_824, %dma_wait3A_825] : memref<8x128xi32, #tpu.memory_space<vmem>> -> memref<1x128xi32, #tpu.memory_space<vmem>>
    %dma_wait3A_827 = tpu.memref_squeeze %dma_wait3A_826 : memref<1x128xi32, #tpu.memory_space<vmem>> -> memref<128xi32, #tpu.memory_space<vmem>>
    %dma_wait3A_828 = arith.constant 0 : i32
    %dma_wait3A_829 = arith.constant 0 : i32
    %dma_wait3A_830 = tpu.memref_slice %arg22[%dma_wait3A_828, %dma_wait3A_829] : memref<10240x16xf32, #tpu.memory_space<vmem_shared>> -> memref<10240x16xf32, #tpu.memory_space<vmem_shared>>
    tpu.wait_indirect_dma semaphore(%arg31 : memref<!tpu.dma_semaphore, #tpu.memory_space<semaphore_mem>>) src(%arg18 : memref<128x16xf32, #tpu.memory_space<vmem>>) dst(%dma_wait3A_830 : memref<10240x16xf32, #tpu.memory_space<vmem_shared>>)
    %dma_wait3A_831 = arith.constant 2 : i32
    %dma_wait3A_832 = arith.constant 0 : i32
    %dma_wait3A_833 = tpu.memref_slice %arg12[%dma_wait3A_831, %dma_wait3A_832] : memref<8x128xi32, #tpu.memory_space<vmem>> -> memref<1x128xi32, #tpu.memory_space<vmem>>
    %dma_wait3A_834 = tpu.memref_squeeze %dma_wait3A_833 : memref<1x128xi32, #tpu.memory_space<vmem>> -> memref<128xi32, #tpu.memory_space<vmem>>
    %dma_wait3A_835 = arith.constant 0 : i32
    %dma_wait3A_836 = arith.constant 0 : i32
    %dma_wait3A_837 = tpu.memref_slice %arg22[%dma_wait3A_835, %dma_wait3A_836] : memref<10240x16xf32, #tpu.memory_space<vmem_shared>> -> memref<10240x16xf32, #tpu.memory_space<vmem_shared>>
    tpu.wait_indirect_dma semaphore(%arg31 : memref<!tpu.dma_semaphore, #tpu.memory_space<semaphore_mem>>) src(%arg18 : memref<128x16xf32, #tpu.memory_space<vmem>>) dst(%dma_wait3A_837 : memref<10240x16xf32, #tpu.memory_space<vmem_shared>>)
    %dma_wait3A_838 = arith.constant 3 : i32
    %dma_wait3A_839 = arith.constant 0 : i32
    %dma_wait3A_840 = tpu.memref_slice %arg12[%dma_wait3A_838, %dma_wait3A_839] : memref<8x128xi32, #tpu.memory_space<vmem>> -> memref<1x128xi32, #tpu.memory_space<vmem>>
    %dma_wait3A_841 = tpu.memref_squeeze %dma_wait3A_840 : memref<1x128xi32, #tpu.memory_space<vmem>> -> memref<128xi32, #tpu.memory_space<vmem>>
    %dma_wait3A_842 = arith.constant 0 : i32
    %dma_wait3A_843 = arith.constant 0 : i32
    %dma_wait3A_844 = tpu.memref_slice %arg22[%dma_wait3A_842, %dma_wait3A_843] : memref<10240x16xf32, #tpu.memory_space<vmem_shared>> -> memref<10240x16xf32, #tpu.memory_space<vmem_shared>>
    tpu.wait_indirect_dma semaphore(%arg31 : memref<!tpu.dma_semaphore, #tpu.memory_space<semaphore_mem>>) src(%arg18 : memref<128x16xf32, #tpu.memory_space<vmem>>) dst(%dma_wait3A_844 : memref<10240x16xf32, #tpu.memory_space<vmem_shared>>)
    %dma_wait3A_845 = arith.constant 4 : i32
    %dma_wait3A_846 = arith.constant 0 : i32
    %dma_wait3A_847 = tpu.memref_slice %arg12[%dma_wait3A_845, %dma_wait3A_846] : memref<8x128xi32, #tpu.memory_space<vmem>> -> memref<1x128xi32, #tpu.memory_space<vmem>>
    %dma_wait3A_848 = tpu.memref_squeeze %dma_wait3A_847 : memref<1x128xi32, #tpu.memory_space<vmem>> -> memref<128xi32, #tpu.memory_space<vmem>>
    %dma_wait3A_849 = arith.constant 0 : i32
    %dma_wait3A_850 = arith.constant 0 : i32
    %dma_wait3A_851 = tpu.memref_slice %arg22[%dma_wait3A_849, %dma_wait3A_850] : memref<10240x16xf32, #tpu.memory_space<vmem_shared>> -> memref<10240x16xf32, #tpu.memory_space<vmem_shared>>
    tpu.wait_indirect_dma semaphore(%arg31 : memref<!tpu.dma_semaphore, #tpu.memory_space<semaphore_mem>>) src(%arg18 : memref<128x16xf32, #tpu.memory_space<vmem>>) dst(%dma_wait3A_851 : memref<10240x16xf32, #tpu.memory_space<vmem_shared>>)
    %dma_wait3A_852 = arith.constant 5 : i32
    %dma_wait3A_853 = arith.constant 0 : i32
    %dma_wait3A_854 = tpu.memref_slice %arg12[%dma_wait3A_852, %dma_wait3A_853] : memref<8x128xi32, #tpu.memory_space<vmem>> -> memref<1x128xi32, #tpu.memory_space<vmem>>
    %dma_wait3A_855 = tpu.memref_squeeze %dma_wait3A_854 : memref<1x128xi32, #tpu.memory_space<vmem>> -> memref<128xi32, #tpu.memory_space<vmem>>
    %dma_wait3A_856 = arith.constant 0 : i32
    %dma_wait3A_857 = arith.constant 0 : i32
    %dma_wait3A_858 = tpu.memref_slice %arg22[%dma_wait3A_856, %dma_wait3A_857] : memref<10240x16xf32, #tpu.memory_space<vmem_shared>> -> memref<10240x16xf32, #tpu.memory_space<vmem_shared>>
    tpu.wait_indirect_dma semaphore(%arg31 : memref<!tpu.dma_semaphore, #tpu.memory_space<semaphore_mem>>) src(%arg18 : memref<128x16xf32, #tpu.memory_space<vmem>>) dst(%dma_wait3A_858 : memref<10240x16xf32, #tpu.memory_space<vmem_shared>>)
    %dma_wait3A_859 = arith.constant 6 : i32
    %dma_wait3A_860 = arith.constant 0 : i32
    %dma_wait3A_861 = tpu.memref_slice %arg12[%dma_wait3A_859, %dma_wait3A_860] : memref<8x128xi32, #tpu.memory_space<vmem>> -> memref<1x128xi32, #tpu.memory_space<vmem>>
    %dma_wait3A_862 = tpu.memref_squeeze %dma_wait3A_861 : memref<1x128xi32, #tpu.memory_space<vmem>> -> memref<128xi32, #tpu.memory_space<vmem>>
    %dma_wait3A_863 = arith.constant 0 : i32
    %dma_wait3A_864 = arith.constant 0 : i32
    %dma_wait3A_865 = tpu.memref_slice %arg22[%dma_wait3A_863, %dma_wait3A_864] : memref<10240x16xf32, #tpu.memory_space<vmem_shared>> -> memref<10240x16xf32, #tpu.memory_space<vmem_shared>>
    tpu.wait_indirect_dma semaphore(%arg31 : memref<!tpu.dma_semaphore, #tpu.memory_space<semaphore_mem>>) src(%arg18 : memref<128x16xf32, #tpu.memory_space<vmem>>) dst(%dma_wait3A_865 : memref<10240x16xf32, #tpu.memory_space<vmem_shared>>)
    %dma_wait3A_866 = arith.constant 7 : i32
    %dma_wait3A_867 = arith.constant 0 : i32
    %dma_wait3A_868 = tpu.memref_slice %arg12[%dma_wait3A_866, %dma_wait3A_867] : memref<8x128xi32, #tpu.memory_space<vmem>> -> memref<1x128xi32, #tpu.memory_space<vmem>>
    %dma_wait3A_869 = tpu.memref_squeeze %dma_wait3A_868 : memref<1x128xi32, #tpu.memory_space<vmem>> -> memref<128xi32, #tpu.memory_space<vmem>>
    %dma_wait3A_870 = arith.constant 0 : i32
    %dma_wait3A_871 = arith.constant 0 : i32
    %dma_wait3A_872 = tpu.memref_slice %arg22[%dma_wait3A_870, %dma_wait3A_871] : memref<10240x16xf32, #tpu.memory_space<vmem_shared>> -> memref<10240x16xf32, #tpu.memory_space<vmem_shared>>
    tpu.wait_indirect_dma semaphore(%arg31 : memref<!tpu.dma_semaphore, #tpu.memory_space<semaphore_mem>>) src(%arg18 : memref<128x16xf32, #tpu.memory_space<vmem>>) dst(%dma_wait3A_872 : memref<10240x16xf32, #tpu.memory_space<vmem_shared>>)
    %dma_wait3A_873 = arith.constant 0 : i32
    %dma_wait3A_874 = tpu.memref_slice %arg3[%add3A_547, %dma_wait3A_873] : memref<2560x128xi32, #tpu.memory_space<hbm>> -> memref<8x128xi32, #tpu.memory_space<hbm>>
    %dma_wait3A_875 = arith.constant 0 : i32
    %dma_wait3A_876 = tpu.memref_slice %arg3[%add3A_547, %dma_wait3A_875] : memref<2560x128xi32, #tpu.memory_space<hbm>> -> memref<8x128xi32, #tpu.memory_space<hbm>>
    tpu.wait_dma2 semaphore(%arg32 : memref<!tpu.dma_semaphore, #tpu.memory_space<semaphore_mem>>) src(%dma_wait3A_876 : memref<8x128xi32, #tpu.memory_space<hbm>>) dst(%arg11 : memref<8x128xi32, #tpu.memory_space<vmem>>)
    %dma_wait3A_877 = arith.constant 0 : i32
    %dma_wait3A_878 = tpu.memref_slice %arg4[%add3A_553, %dma_wait3A_877] : memref<2560x128xi32, #tpu.memory_space<hbm>> -> memref<8x128xi32, #tpu.memory_space<hbm>>
    %dma_wait3A_879 = arith.constant 0 : i32
    %dma_wait3A_880 = tpu.memref_slice %arg4[%add3A_553, %dma_wait3A_879] : memref<2560x128xi32, #tpu.memory_space<hbm>> -> memref<8x128xi32, #tpu.memory_space<hbm>>
    tpu.wait_dma2 semaphore(%arg32 : memref<!tpu.dma_semaphore, #tpu.memory_space<semaphore_mem>>) src(%dma_wait3A_880 : memref<8x128xi32, #tpu.memory_space<hbm>>) dst(%arg13 : memref<8x128xi32, #tpu.memory_space<vmem>>)
    %add3A_881 = arith.constant 16 : i32
    %add3A_882 = arith.addi %add3A_5, %add3A_881 : i32
    %min3A = arith.minsi %add3A_882, %add3A_545 : i32
    %dma_start3A_883 = arith.constant 0 : i32
    %dma_start3A_884 = tpu.memref_slice %arg3[%min3A, %dma_start3A_883] : memref<2560x128xi32, #tpu.memory_space<hbm>> -> memref<8x128xi32, #tpu.memory_space<hbm>>
    %dma_start3A_885 = arith.constant 0 : i32
    %dma_start3A_886 = tpu.memref_slice %arg3[%min3A, %dma_start3A_885] : memref<2560x128xi32, #tpu.memory_space<hbm>> -> memref<8x128xi32, #tpu.memory_space<hbm>>
    tpu.enqueue_dma source(%dma_start3A_886 : memref<8x128xi32, #tpu.memory_space<hbm>>) target(%arg10 : memref<8x128xi32, #tpu.memory_space<vmem>>) target_semaphore(%arg32 : memref<!tpu.dma_semaphore, #tpu.memory_space<semaphore_mem>>)
    %dma_start3A_887 = arith.constant 0 : i32
    %dma_start3A_888 = tpu.memref_slice %arg4[%min3A, %dma_start3A_887] : memref<2560x128xi32, #tpu.memory_space<hbm>> -> memref<8x128xi32, #tpu.memory_space<hbm>>
    %dma_start3A_889 = arith.constant 0 : i32
    %dma_start3A_890 = tpu.memref_slice %arg4[%min3A, %dma_start3A_889] : memref<2560x128xi32, #tpu.memory_space<hbm>> -> memref<8x128xi32, #tpu.memory_space<hbm>>
    tpu.enqueue_dma source(%dma_start3A_890 : memref<8x128xi32, #tpu.memory_space<hbm>>) target(%arg12 : memref<8x128xi32, #tpu.memory_space<vmem>>) target_semaphore(%arg32 : memref<!tpu.dma_semaphore, #tpu.memory_space<semaphore_mem>>)
    %dma_start3A_891 = arith.constant 0 : i32
    %dma_start3A_892 = arith.constant 0 : i32
    %dma_start3A_893 = tpu.memref_slice %arg11[%dma_start3A_891, %dma_start3A_892] : memref<8x128xi32, #tpu.memory_space<vmem>> -> memref<1x128xi32, #tpu.memory_space<vmem>>
    %dma_start3A_894 = tpu.memref_squeeze %dma_start3A_893 : memref<1x128xi32, #tpu.memory_space<vmem>> -> memref<128xi32, #tpu.memory_space<vmem>>
    %dma_start3A_895 = arith.constant 0 : i32
    %dma_start3A_896 = arith.constant 0 : i32
    %dma_start3A_897 = tpu.memref_slice %arg2[%dma_start3A_895, %dma_start3A_896] : memref<10000x128xbf16, #tpu.memory_space<hbm>> -> memref<10000x128xbf16, #tpu.memory_space<hbm>>
    tpu.enqueue_indirect_dma source(%dma_start3A_897 : memref<10000x128xbf16, #tpu.memory_space<hbm>>) target(%arg14 : memref<128x128xbf16, #tpu.memory_space<vmem>>) offsets(%dma_start3A_894 : memref<128xi32, #tpu.memory_space<vmem>>) semaphore(%arg23 : memref<!tpu.dma_semaphore, #tpu.memory_space<semaphore_mem>>)
    %dma_start3A_898 = arith.constant 1 : i32
    %dma_start3A_899 = arith.constant 0 : i32
    %dma_start3A_900 = tpu.memref_slice %arg11[%dma_start3A_898, %dma_start3A_899] : memref<8x128xi32, #tpu.memory_space<vmem>> -> memref<1x128xi32, #tpu.memory_space<vmem>>
    %dma_start3A_901 = tpu.memref_squeeze %dma_start3A_900 : memref<1x128xi32, #tpu.memory_space<vmem>> -> memref<128xi32, #tpu.memory_space<vmem>>
    %dma_start3A_902 = arith.constant 0 : i32
    %dma_start3A_903 = arith.constant 0 : i32
    %dma_start3A_904 = tpu.memref_slice %arg2[%dma_start3A_902, %dma_start3A_903] : memref<10000x128xbf16, #tpu.memory_space<hbm>> -> memref<10000x128xbf16, #tpu.memory_space<hbm>>
    tpu.enqueue_indirect_dma source(%dma_start3A_904 : memref<10000x128xbf16, #tpu.memory_space<hbm>>) target(%arg15 : memref<128x128xbf16, #tpu.memory_space<vmem>>) offsets(%dma_start3A_901 : memref<128xi32, #tpu.memory_space<vmem>>) semaphore(%arg24 : memref<!tpu.dma_semaphore, #tpu.memory_space<semaphore_mem>>)
    %dma_start3A_905 = arith.constant 2 : i32
    %dma_start3A_906 = arith.constant 0 : i32
    %dma_start3A_907 = tpu.memref_slice %arg11[%dma_start3A_905, %dma_start3A_906] : memref<8x128xi32, #tpu.memory_space<vmem>> -> memref<1x128xi32, #tpu.memory_space<vmem>>
    %dma_start3A_908 = tpu.memref_squeeze %dma_start3A_907 : memref<1x128xi32, #tpu.memory_space<vmem>> -> memref<128xi32, #tpu.memory_space<vmem>>
    %dma_start3A_909 = arith.constant 0 : i32
    %dma_start3A_910 = arith.constant 0 : i32
    %dma_start3A_911 = tpu.memref_slice %arg2[%dma_start3A_909, %dma_start3A_910] : memref<10000x128xbf16, #tpu.memory_space<hbm>> -> memref<10000x128xbf16, #tpu.memory_space<hbm>>
    tpu.enqueue_indirect_dma source(%dma_start3A_911 : memref<10000x128xbf16, #tpu.memory_space<hbm>>) target(%arg16 : memref<128x128xbf16, #tpu.memory_space<vmem>>) offsets(%dma_start3A_908 : memref<128xi32, #tpu.memory_space<vmem>>) semaphore(%arg25 : memref<!tpu.dma_semaphore, #tpu.memory_space<semaphore_mem>>)
    %dma_start3A_912 = arith.constant 3 : i32
    %dma_start3A_913 = arith.constant 0 : i32
    %dma_start3A_914 = tpu.memref_slice %arg11[%dma_start3A_912, %dma_start3A_913] : memref<8x128xi32, #tpu.memory_space<vmem>> -> memref<1x128xi32, #tpu.memory_space<vmem>>
    %dma_start3A_915 = tpu.memref_squeeze %dma_start3A_914 : memref<1x128xi32, #tpu.memory_space<vmem>> -> memref<128xi32, #tpu.memory_space<vmem>>
    %dma_start3A_916 = arith.constant 0 : i32
    %dma_start3A_917 = arith.constant 0 : i32
    %dma_start3A_918 = tpu.memref_slice %arg2[%dma_start3A_916, %dma_start3A_917] : memref<10000x128xbf16, #tpu.memory_space<hbm>> -> memref<10000x128xbf16, #tpu.memory_space<hbm>>
    tpu.enqueue_indirect_dma source(%dma_start3A_918 : memref<10000x128xbf16, #tpu.memory_space<hbm>>) target(%arg17 : memref<128x128xbf16, #tpu.memory_space<vmem>>) offsets(%dma_start3A_915 : memref<128xi32, #tpu.memory_space<vmem>>) semaphore(%arg26 : memref<!tpu.dma_semaphore, #tpu.memory_space<semaphore_mem>>)
    %dma_wait3A_919 = arith.constant 0 : i32
    %dma_wait3A_920 = arith.constant 0 : i32
    %dma_wait3A_921 = tpu.memref_slice %arg11[%dma_wait3A_919, %dma_wait3A_920] : memref<8x128xi32, #tpu.memory_space<vmem>> -> memref<1x128xi32, #tpu.memory_space<vmem>>
    %dma_wait3A_922 = tpu.memref_squeeze %dma_wait3A_921 : memref<1x128xi32, #tpu.memory_space<vmem>> -> memref<128xi32, #tpu.memory_space<vmem>>
    %dma_wait3A_923 = arith.constant 0 : i32
    %dma_wait3A_924 = arith.constant 0 : i32
    %dma_wait3A_925 = tpu.memref_slice %arg2[%dma_wait3A_923, %dma_wait3A_924] : memref<10000x128xbf16, #tpu.memory_space<hbm>> -> memref<10000x128xbf16, #tpu.memory_space<hbm>>
    tpu.wait_indirect_dma semaphore(%arg23 : memref<!tpu.dma_semaphore, #tpu.memory_space<semaphore_mem>>) src(%dma_wait3A_925 : memref<10000x128xbf16, #tpu.memory_space<hbm>>) dst(%arg14 : memref<128x128xbf16, #tpu.memory_space<vmem>>)
    %dma_start3A_926 = arith.constant 0 : i32
    %dma_start3A_927 = arith.constant 0 : i32
    %dma_start3A_928 = tpu.memref_slice %arg13[%dma_start3A_926, %dma_start3A_927] : memref<8x128xi32, #tpu.memory_space<vmem>> -> memref<1x128xi32, #tpu.memory_space<vmem>>
    %dma_start3A_929 = tpu.memref_squeeze %dma_start3A_928 : memref<1x128xi32, #tpu.memory_space<vmem>> -> memref<128xi32, #tpu.memory_space<vmem>>
    %dma_start3A_930 = arith.constant 0 : i32
    %dma_start3A_931 = arith.constant 0 : i32
    %dma_start3A_932 = tpu.memref_slice %arg21[%dma_start3A_930, %dma_start3A_931] : memref<10240x128xbf16, #tpu.memory_space<vmem_shared>> -> memref<10240x128xbf16, #tpu.memory_space<vmem_shared>>
    tpu.enqueue_indirect_dma source(%arg14 : memref<128x128xbf16, #tpu.memory_space<vmem>>) target(%dma_start3A_932 : memref<10240x128xbf16, #tpu.memory_space<vmem_shared>>) offsets(%dma_start3A_929 : memref<128xi32, #tpu.memory_space<vmem>>) semaphore(%arg27 : memref<!tpu.dma_semaphore, #tpu.memory_space<semaphore_mem>>) {add = true}
    %dma_start3A_933 = arith.constant 0 : i32
    %dma_start3A_934 = arith.constant 0 : i32
    %dma_start3A_935 = tpu.memref_slice %arg13[%dma_start3A_933, %dma_start3A_934] : memref<8x128xi32, #tpu.memory_space<vmem>> -> memref<1x128xi32, #tpu.memory_space<vmem>>
    %dma_start3A_936 = tpu.memref_squeeze %dma_start3A_935 : memref<1x128xi32, #tpu.memory_space<vmem>> -> memref<128xi32, #tpu.memory_space<vmem>>
    %dma_start3A_937 = arith.constant 0 : i32
    %dma_start3A_938 = arith.constant 0 : i32
    %dma_start3A_939 = tpu.memref_slice %arg22[%dma_start3A_937, %dma_start3A_938] : memref<10240x16xf32, #tpu.memory_space<vmem_shared>> -> memref<10240x16xf32, #tpu.memory_space<vmem_shared>>
    tpu.enqueue_indirect_dma source(%arg18 : memref<128x16xf32, #tpu.memory_space<vmem>>) target(%dma_start3A_939 : memref<10240x16xf32, #tpu.memory_space<vmem_shared>>) offsets(%dma_start3A_936 : memref<128xi32, #tpu.memory_space<vmem>>) semaphore(%arg31 : memref<!tpu.dma_semaphore, #tpu.memory_space<semaphore_mem>>) {add = true}
    %dma_wait3A_940 = arith.constant 0 : i32
    %dma_wait3A_941 = arith.constant 0 : i32
    %dma_wait3A_942 = tpu.memref_slice %arg13[%dma_wait3A_940, %dma_wait3A_941] : memref<8x128xi32, #tpu.memory_space<vmem>> -> memref<1x128xi32, #tpu.memory_space<vmem>>
    %dma_wait3A_943 = tpu.memref_squeeze %dma_wait3A_942 : memref<1x128xi32, #tpu.memory_space<vmem>> -> memref<128xi32, #tpu.memory_space<vmem>>
    %dma_wait3A_944 = arith.constant 0 : i32
    %dma_wait3A_945 = arith.constant 0 : i32
    %dma_wait3A_946 = tpu.memref_slice %arg21[%dma_wait3A_944, %dma_wait3A_945] : memref<10240x128xbf16, #tpu.memory_space<vmem_shared>> -> memref<10240x128xbf16, #tpu.memory_space<vmem_shared>>
    tpu.wait_indirect_dma semaphore(%arg27 : memref<!tpu.dma_semaphore, #tpu.memory_space<semaphore_mem>>) src(%arg14 : memref<128x128xbf16, #tpu.memory_space<vmem>>) dst(%dma_wait3A_946 : memref<10240x128xbf16, #tpu.memory_space<vmem_shared>>)
    %dma_start3A_947 = arith.constant 4 : i32
    %dma_start3A_948 = arith.constant 0 : i32
    %dma_start3A_949 = tpu.memref_slice %arg11[%dma_start3A_947, %dma_start3A_948] : memref<8x128xi32, #tpu.memory_space<vmem>> -> memref<1x128xi32, #tpu.memory_space<vmem>>
    %dma_start3A_950 = tpu.memref_squeeze %dma_start3A_949 : memref<1x128xi32, #tpu.memory_space<vmem>> -> memref<128xi32, #tpu.memory_space<vmem>>
    %dma_start3A_951 = arith.constant 0 : i32
    %dma_start3A_952 = arith.constant 0 : i32
    %dma_start3A_953 = tpu.memref_slice %arg2[%dma_start3A_951, %dma_start3A_952] : memref<10000x128xbf16, #tpu.memory_space<hbm>> -> memref<10000x128xbf16, #tpu.memory_space<hbm>>
    tpu.enqueue_indirect_dma source(%dma_start3A_953 : memref<10000x128xbf16, #tpu.memory_space<hbm>>) target(%arg14 : memref<128x128xbf16, #tpu.memory_space<vmem>>) offsets(%dma_start3A_950 : memref<128xi32, #tpu.memory_space<vmem>>) semaphore(%arg23 : memref<!tpu.dma_semaphore, #tpu.memory_space<semaphore_mem>>)
    %dma_wait3A_954 = arith.constant 1 : i32
    %dma_wait3A_955 = arith.constant 0 : i32
    %dma_wait3A_956 = tpu.memref_slice %arg11[%dma_wait3A_954, %dma_wait3A_955] : memref<8x128xi32, #tpu.memory_space<vmem>> -> memref<1x128xi32, #tpu.memory_space<vmem>>
    %dma_wait3A_957 = tpu.memref_squeeze %dma_wait3A_956 : memref<1x128xi32, #tpu.memory_space<vmem>> -> memref<128xi32, #tpu.memory_space<vmem>>
    %dma_wait3A_958 = arith.constant 0 : i32
    %dma_wait3A_959 = arith.constant 0 : i32
    %dma_wait3A_960 = tpu.memref_slice %arg2[%dma_wait3A_958, %dma_wait3A_959] : memref<10000x128xbf16, #tpu.memory_space<hbm>> -> memref<10000x128xbf16, #tpu.memory_space<hbm>>
    tpu.wait_indirect_dma semaphore(%arg24 : memref<!tpu.dma_semaphore, #tpu.memory_space<semaphore_mem>>) src(%dma_wait3A_960 : memref<10000x128xbf16, #tpu.memory_space<hbm>>) dst(%arg15 : memref<128x128xbf16, #tpu.memory_space<vmem>>)
    %dma_start3A_961 = arith.constant 1 : i32
    %dma_start3A_962 = arith.constant 0 : i32
    %dma_start3A_963 = tpu.memref_slice %arg13[%dma_start3A_961, %dma_start3A_962] : memref<8x128xi32, #tpu.memory_space<vmem>> -> memref<1x128xi32, #tpu.memory_space<vmem>>
    %dma_start3A_964 = tpu.memref_squeeze %dma_start3A_963 : memref<1x128xi32, #tpu.memory_space<vmem>> -> memref<128xi32, #tpu.memory_space<vmem>>
    %dma_start3A_965 = arith.constant 0 : i32
    %dma_start3A_966 = arith.constant 0 : i32
    %dma_start3A_967 = tpu.memref_slice %arg21[%dma_start3A_965, %dma_start3A_966] : memref<10240x128xbf16, #tpu.memory_space<vmem_shared>> -> memref<10240x128xbf16, #tpu.memory_space<vmem_shared>>
    tpu.enqueue_indirect_dma source(%arg15 : memref<128x128xbf16, #tpu.memory_space<vmem>>) target(%dma_start3A_967 : memref<10240x128xbf16, #tpu.memory_space<vmem_shared>>) offsets(%dma_start3A_964 : memref<128xi32, #tpu.memory_space<vmem>>) semaphore(%arg28 : memref<!tpu.dma_semaphore, #tpu.memory_space<semaphore_mem>>) {add = true}
    %dma_start3A_968 = arith.constant 1 : i32
    %dma_start3A_969 = arith.constant 0 : i32
    %dma_start3A_970 = tpu.memref_slice %arg13[%dma_start3A_968, %dma_start3A_969] : memref<8x128xi32, #tpu.memory_space<vmem>> -> memref<1x128xi32, #tpu.memory_space<vmem>>
    %dma_start3A_971 = tpu.memref_squeeze %dma_start3A_970 : memref<1x128xi32, #tpu.memory_space<vmem>> -> memref<128xi32, #tpu.memory_space<vmem>>
    %dma_start3A_972 = arith.constant 0 : i32
    %dma_start3A_973 = arith.constant 0 : i32
    %dma_start3A_974 = tpu.memref_slice %arg22[%dma_start3A_972, %dma_start3A_973] : memref<10240x16xf32, #tpu.memory_space<vmem_shared>> -> memref<10240x16xf32, #tpu.memory_space<vmem_shared>>
    tpu.enqueue_indirect_dma source(%arg18 : memref<128x16xf32, #tpu.memory_space<vmem>>) target(%dma_start3A_974 : memref<10240x16xf32, #tpu.memory_space<vmem_shared>>) offsets(%dma_start3A_971 : memref<128xi32, #tpu.memory_space<vmem>>) semaphore(%arg31 : memref<!tpu.dma_semaphore, #tpu.memory_space<semaphore_mem>>) {add = true}
    %dma_wait3A_975 = arith.constant 1 : i32
    %dma_wait3A_976 = arith.constant 0 : i32
    %dma_wait3A_977 = tpu.memref_slice %arg13[%dma_wait3A_975, %dma_wait3A_976] : memref<8x128xi32, #tpu.memory_space<vmem>> -> memref<1x128xi32, #tpu.memory_space<vmem>>
    %dma_wait3A_978 = tpu.memref_squeeze %dma_wait3A_977 : memref<1x128xi32, #tpu.memory_space<vmem>> -> memref<128xi32, #tpu.memory_space<vmem>>
    %dma_wait3A_979 = arith.constant 0 : i32
    %dma_wait3A_980 = arith.constant 0 : i32
    %dma_wait3A_981 = tpu.memref_slice %arg21[%dma_wait3A_979, %dma_wait3A_980] : memref<10240x128xbf16, #tpu.memory_space<vmem_shared>> -> memref<10240x128xbf16, #tpu.memory_space<vmem_shared>>
    tpu.wait_indirect_dma semaphore(%arg28 : memref<!tpu.dma_semaphore, #tpu.memory_space<semaphore_mem>>) src(%arg15 : memref<128x128xbf16, #tpu.memory_space<vmem>>) dst(%dma_wait3A_981 : memref<10240x128xbf16, #tpu.memory_space<vmem_shared>>)
    %dma_start3A_982 = arith.constant 5 : i32
    %dma_start3A_983 = arith.constant 0 : i32
    %dma_start3A_984 = tpu.memref_slice %arg11[%dma_start3A_982, %dma_start3A_983] : memref<8x128xi32, #tpu.memory_space<vmem>> -> memref<1x128xi32, #tpu.memory_space<vmem>>
    %dma_start3A_985 = tpu.memref_squeeze %dma_start3A_984 : memref<1x128xi32, #tpu.memory_space<vmem>> -> memref<128xi32, #tpu.memory_space<vmem>>
    %dma_start3A_986 = arith.constant 0 : i32
    %dma_start3A_987 = arith.constant 0 : i32
    %dma_start3A_988 = tpu.memref_slice %arg2[%dma_start3A_986, %dma_start3A_987] : memref<10000x128xbf16, #tpu.memory_space<hbm>> -> memref<10000x128xbf16, #tpu.memory_space<hbm>>
    tpu.enqueue_indirect_dma source(%dma_start3A_988 : memref<10000x128xbf16, #tpu.memory_space<hbm>>) target(%arg15 : memref<128x128xbf16, #tpu.memory_space<vmem>>) offsets(%dma_start3A_985 : memref<128xi32, #tpu.memory_space<vmem>>) semaphore(%arg24 : memref<!tpu.dma_semaphore, #tpu.memory_space<semaphore_mem>>)
    %dma_wait3A_989 = arith.constant 2 : i32
    %dma_wait3A_990 = arith.constant 0 : i32
    %dma_wait3A_991 = tpu.memref_slice %arg11[%dma_wait3A_989, %dma_wait3A_990] : memref<8x128xi32, #tpu.memory_space<vmem>> -> memref<1x128xi32, #tpu.memory_space<vmem>>
    %dma_wait3A_992 = tpu.memref_squeeze %dma_wait3A_991 : memref<1x128xi32, #tpu.memory_space<vmem>> -> memref<128xi32, #tpu.memory_space<vmem>>
    %dma_wait3A_993 = arith.constant 0 : i32
    %dma_wait3A_994 = arith.constant 0 : i32
    %dma_wait3A_995 = tpu.memref_slice %arg2[%dma_wait3A_993, %dma_wait3A_994] : memref<10000x128xbf16, #tpu.memory_space<hbm>> -> memref<10000x128xbf16, #tpu.memory_space<hbm>>
    tpu.wait_indirect_dma semaphore(%arg25 : memref<!tpu.dma_semaphore, #tpu.memory_space<semaphore_mem>>) src(%dma_wait3A_995 : memref<10000x128xbf16, #tpu.memory_space<hbm>>) dst(%arg16 : memref<128x128xbf16, #tpu.memory_space<vmem>>)
    %dma_start3A_996 = arith.constant 2 : i32
    %dma_start3A_997 = arith.constant 0 : i32
    %dma_start3A_998 = tpu.memref_slice %arg13[%dma_start3A_996, %dma_start3A_997] : memref<8x128xi32, #tpu.memory_space<vmem>> -> memref<1x128xi32, #tpu.memory_space<vmem>>
    %dma_start3A_999 = tpu.memref_squeeze %dma_start3A_998 : memref<1x128xi32, #tpu.memory_space<vmem>> -> memref<128xi32, #tpu.memory_space<vmem>>
    %dma_start3A_1000 = arith.constant 0 : i32
    %dma_start3A_1001 = arith.constant 0 : i32
    %dma_start3A_1002 = tpu.memref_slice %arg21[%dma_start3A_1000, %dma_start3A_1001] : memref<10240x128xbf16, #tpu.memory_space<vmem_shared>> -> memref<10240x128xbf16, #tpu.memory_space<vmem_shared>>
    tpu.enqueue_indirect_dma source(%arg16 : memref<128x128xbf16, #tpu.memory_space<vmem>>) target(%dma_start3A_1002 : memref<10240x128xbf16, #tpu.memory_space<vmem_shared>>) offsets(%dma_start3A_999 : memref<128xi32, #tpu.memory_space<vmem>>) semaphore(%arg29 : memref<!tpu.dma_semaphore, #tpu.memory_space<semaphore_mem>>) {add = true}
    %dma_start3A_1003 = arith.constant 2 : i32
    %dma_start3A_1004 = arith.constant 0 : i32
    %dma_start3A_1005 = tpu.memref_slice %arg13[%dma_start3A_1003, %dma_start3A_1004] : memref<8x128xi32, #tpu.memory_space<vmem>> -> memref<1x128xi32, #tpu.memory_space<vmem>>
    %dma_start3A_1006 = tpu.memref_squeeze %dma_start3A_1005 : memref<1x128xi32, #tpu.memory_space<vmem>> -> memref<128xi32, #tpu.memory_space<vmem>>
    %dma_start3A_1007 = arith.constant 0 : i32
    %dma_start3A_1008 = arith.constant 0 : i32
    %dma_start3A_1009 = tpu.memref_slice %arg22[%dma_start3A_1007, %dma_start3A_1008] : memref<10240x16xf32, #tpu.memory_space<vmem_shared>> -> memref<10240x16xf32, #tpu.memory_space<vmem_shared>>
    tpu.enqueue_indirect_dma source(%arg18 : memref<128x16xf32, #tpu.memory_space<vmem>>) target(%dma_start3A_1009 : memref<10240x16xf32, #tpu.memory_space<vmem_shared>>) offsets(%dma_start3A_1006 : memref<128xi32, #tpu.memory_space<vmem>>) semaphore(%arg31 : memref<!tpu.dma_semaphore, #tpu.memory_space<semaphore_mem>>) {add = true}
    %dma_wait3A_1010 = arith.constant 2 : i32
    %dma_wait3A_1011 = arith.constant 0 : i32
    %dma_wait3A_1012 = tpu.memref_slice %arg13[%dma_wait3A_1010, %dma_wait3A_1011] : memref<8x128xi32, #tpu.memory_space<vmem>> -> memref<1x128xi32, #tpu.memory_space<vmem>>
    %dma_wait3A_1013 = tpu.memref_squeeze %dma_wait3A_1012 : memref<1x128xi32, #tpu.memory_space<vmem>> -> memref<128xi32, #tpu.memory_space<vmem>>
    %dma_wait3A_1014 = arith.constant 0 : i32
    %dma_wait3A_1015 = arith.constant 0 : i32
    %dma_wait3A_1016 = tpu.memref_slice %arg21[%dma_wait3A_1014, %dma_wait3A_1015] : memref<10240x128xbf16, #tpu.memory_space<vmem_shared>> -> memref<10240x128xbf16, #tpu.memory_space<vmem_shared>>
    tpu.wait_indirect_dma semaphore(%arg29 : memref<!tpu.dma_semaphore, #tpu.memory_space<semaphore_mem>>) src(%arg16 : memref<128x128xbf16, #tpu.memory_space<vmem>>) dst(%dma_wait3A_1016 : memref<10240x128xbf16, #tpu.memory_space<vmem_shared>>)
    %dma_start3A_1017 = arith.constant 6 : i32
    %dma_start3A_1018 = arith.constant 0 : i32
    %dma_start3A_1019 = tpu.memref_slice %arg11[%dma_start3A_1017, %dma_start3A_1018] : memref<8x128xi32, #tpu.memory_space<vmem>> -> memref<1x128xi32, #tpu.memory_space<vmem>>
    %dma_start3A_1020 = tpu.memref_squeeze %dma_start3A_1019 : memref<1x128xi32, #tpu.memory_space<vmem>> -> memref<128xi32, #tpu.memory_space<vmem>>
    %dma_start3A_1021 = arith.constant 0 : i32
    %dma_start3A_1022 = arith.constant 0 : i32
    %dma_start3A_1023 = tpu.memref_slice %arg2[%dma_start3A_1021, %dma_start3A_1022] : memref<10000x128xbf16, #tpu.memory_space<hbm>> -> memref<10000x128xbf16, #tpu.memory_space<hbm>>
    tpu.enqueue_indirect_dma source(%dma_start3A_1023 : memref<10000x128xbf16, #tpu.memory_space<hbm>>) target(%arg16 : memref<128x128xbf16, #tpu.memory_space<vmem>>) offsets(%dma_start3A_1020 : memref<128xi32, #tpu.memory_space<vmem>>) semaphore(%arg25 : memref<!tpu.dma_semaphore, #tpu.memory_space<semaphore_mem>>)
    %dma_wait3A_1024 = arith.constant 3 : i32
    %dma_wait3A_1025 = arith.constant 0 : i32
    %dma_wait3A_1026 = tpu.memref_slice %arg11[%dma_wait3A_1024, %dma_wait3A_1025] : memref<8x128xi32, #tpu.memory_space<vmem>> -> memref<1x128xi32, #tpu.memory_space<vmem>>
    %dma_wait3A_1027 = tpu.memref_squeeze %dma_wait3A_1026 : memref<1x128xi32, #tpu.memory_space<vmem>> -> memref<128xi32, #tpu.memory_space<vmem>>
    %dma_wait3A_1028 = arith.constant 0 : i32
    %dma_wait3A_1029 = arith.constant 0 : i32
    %dma_wait3A_1030 = tpu.memref_slice %arg2[%dma_wait3A_1028, %dma_wait3A_1029] : memref<10000x128xbf16, #tpu.memory_space<hbm>> -> memref<10000x128xbf16, #tpu.memory_space<hbm>>
    tpu.wait_indirect_dma semaphore(%arg26 : memref<!tpu.dma_semaphore, #tpu.memory_space<semaphore_mem>>) src(%dma_wait3A_1030 : memref<10000x128xbf16, #tpu.memory_space<hbm>>) dst(%arg17 : memref<128x128xbf16, #tpu.memory_space<vmem>>)
    %dma_start3A_1031 = arith.constant 3 : i32
    %dma_start3A_1032 = arith.constant 0 : i32
    %dma_start3A_1033 = tpu.memref_slice %arg13[%dma_start3A_1031, %dma_start3A_1032] : memref<8x128xi32, #tpu.memory_space<vmem>> -> memref<1x128xi32, #tpu.memory_space<vmem>>
    %dma_start3A_1034 = tpu.memref_squeeze %dma_start3A_1033 : memref<1x128xi32, #tpu.memory_space<vmem>> -> memref<128xi32, #tpu.memory_space<vmem>>
    %dma_start3A_1035 = arith.constant 0 : i32
    %dma_start3A_1036 = arith.constant 0 : i32
    %dma_start3A_1037 = tpu.memref_slice %arg21[%dma_start3A_1035, %dma_start3A_1036] : memref<10240x128xbf16, #tpu.memory_space<vmem_shared>> -> memref<10240x128xbf16, #tpu.memory_space<vmem_shared>>
    tpu.enqueue_indirect_dma source(%arg17 : memref<128x128xbf16, #tpu.memory_space<vmem>>) target(%dma_start3A_1037 : memref<10240x128xbf16, #tpu.memory_space<vmem_shared>>) offsets(%dma_start3A_1034 : memref<128xi32, #tpu.memory_space<vmem>>) semaphore(%arg30 : memref<!tpu.dma_semaphore, #tpu.memory_space<semaphore_mem>>) {add = true}
    %dma_start3A_1038 = arith.constant 3 : i32
    %dma_start3A_1039 = arith.constant 0 : i32
    %dma_start3A_1040 = tpu.memref_slice %arg13[%dma_start3A_1038, %dma_start3A_1039] : memref<8x128xi32, #tpu.memory_space<vmem>> -> memref<1x128xi32, #tpu.memory_space<vmem>>
    %dma_start3A_1041 = tpu.memref_squeeze %dma_start3A_1040 : memref<1x128xi32, #tpu.memory_space<vmem>> -> memref<128xi32, #tpu.memory_space<vmem>>
    %dma_start3A_1042 = arith.constant 0 : i32
    %dma_start3A_1043 = arith.constant 0 : i32
    %dma_start3A_1044 = tpu.memref_slice %arg22[%dma_start3A_1042, %dma_start3A_1043] : memref<10240x16xf32, #tpu.memory_space<vmem_shared>> -> memref<10240x16xf32, #tpu.memory_space<vmem_shared>>
    tpu.enqueue_indirect_dma source(%arg18 : memref<128x16xf32, #tpu.memory_space<vmem>>) target(%dma_start3A_1044 : memref<10240x16xf32, #tpu.memory_space<vmem_shared>>) offsets(%dma_start3A_1041 : memref<128xi32, #tpu.memory_space<vmem>>) semaphore(%arg31 : memref<!tpu.dma_semaphore, #tpu.memory_space<semaphore_mem>>) {add = true}
    %dma_wait3A_1045 = arith.constant 3 : i32
    %dma_wait3A_1046 = arith.constant 0 : i32
    %dma_wait3A_1047 = tpu.memref_slice %arg13[%dma_wait3A_1045, %dma_wait3A_1046] : memref<8x128xi32, #tpu.memory_space<vmem>> -> memref<1x128xi32, #tpu.memory_space<vmem>>
    %dma_wait3A_1048 = tpu.memref_squeeze %dma_wait3A_1047 : memref<1x128xi32, #tpu.memory_space<vmem>> -> memref<128xi32, #tpu.memory_space<vmem>>
    %dma_wait3A_1049 = arith.constant 0 : i32
    %dma_wait3A_1050 = arith.constant 0 : i32
    %dma_wait3A_1051 = tpu.memref_slice %arg21[%dma_wait3A_1049, %dma_wait3A_1050] : memref<10240x128xbf16, #tpu.memory_space<vmem_shared>> -> memref<10240x128xbf16, #tpu.memory_space<vmem_shared>>
    tpu.wait_indirect_dma semaphore(%arg30 : memref<!tpu.dma_semaphore, #tpu.memory_space<semaphore_mem>>) src(%arg17 : memref<128x128xbf16, #tpu.memory_space<vmem>>) dst(%dma_wait3A_1051 : memref<10240x128xbf16, #tpu.memory_space<vmem_shared>>)
    %dma_start3A_1052 = arith.constant 7 : i32
    %dma_start3A_1053 = arith.constant 0 : i32
    %dma_start3A_1054 = tpu.memref_slice %arg11[%dma_start3A_1052, %dma_start3A_1053] : memref<8x128xi32, #tpu.memory_space<vmem>> -> memref<1x128xi32, #tpu.memory_space<vmem>>
    %dma_start3A_1055 = tpu.memref_squeeze %dma_start3A_1054 : memref<1x128xi32, #tpu.memory_space<vmem>> -> memref<128xi32, #tpu.memory_space<vmem>>
    %dma_start3A_1056 = arith.constant 0 : i32
    %dma_start3A_1057 = arith.constant 0 : i32
    %dma_start3A_1058 = tpu.memref_slice %arg2[%dma_start3A_1056, %dma_start3A_1057] : memref<10000x128xbf16, #tpu.memory_space<hbm>> -> memref<10000x128xbf16, #tpu.memory_space<hbm>>
    tpu.enqueue_indirect_dma source(%dma_start3A_1058 : memref<10000x128xbf16, #tpu.memory_space<hbm>>) target(%arg17 : memref<128x128xbf16, #tpu.memory_space<vmem>>) offsets(%dma_start3A_1055 : memref<128xi32, #tpu.memory_space<vmem>>) semaphore(%arg26 : memref<!tpu.dma_semaphore, #tpu.memory_space<semaphore_mem>>)
    %dma_wait3A_1059 = arith.constant 4 : i32
    %dma_wait3A_1060 = arith.constant 0 : i32
    %dma_wait3A_1061 = tpu.memref_slice %arg11[%dma_wait3A_1059, %dma_wait3A_1060] : memref<8x128xi32, #tpu.memory_space<vmem>> -> memref<1x128xi32, #tpu.memory_space<vmem>>
    %dma_wait3A_1062 = tpu.memref_squeeze %dma_wait3A_1061 : memref<1x128xi32, #tpu.memory_space<vmem>> -> memref<128xi32, #tpu.memory_space<vmem>>
    %dma_wait3A_1063 = arith.constant 0 : i32
    %dma_wait3A_1064 = arith.constant 0 : i32
    %dma_wait3A_1065 = tpu.memref_slice %arg2[%dma_wait3A_1063, %dma_wait3A_1064] : memref<10000x128xbf16, #tpu.memory_space<hbm>> -> memref<10000x128xbf16, #tpu.memory_space<hbm>>
    tpu.wait_indirect_dma semaphore(%arg23 : memref<!tpu.dma_semaphore, #tpu.memory_space<semaphore_mem>>) src(%dma_wait3A_1065 : memref<10000x128xbf16, #tpu.memory_space<hbm>>) dst(%arg14 : memref<128x128xbf16, #tpu.memory_space<vmem>>)
    %dma_start3A_1066 = arith.constant 4 : i32
    %dma_start3A_1067 = arith.constant 0 : i32
    %dma_start3A_1068 = tpu.memref_slice %arg13[%dma_start3A_1066, %dma_start3A_1067] : memref<8x128xi32, #tpu.memory_space<vmem>> -> memref<1x128xi32, #tpu.memory_space<vmem>>
    %dma_start3A_1069 = tpu.memref_squeeze %dma_start3A_1068 : memref<1x128xi32, #tpu.memory_space<vmem>> -> memref<128xi32, #tpu.memory_space<vmem>>
    %dma_start3A_1070 = arith.constant 0 : i32
    %dma_start3A_1071 = arith.constant 0 : i32
    %dma_start3A_1072 = tpu.memref_slice %arg21[%dma_start3A_1070, %dma_start3A_1071] : memref<10240x128xbf16, #tpu.memory_space<vmem_shared>> -> memref<10240x128xbf16, #tpu.memory_space<vmem_shared>>
    tpu.enqueue_indirect_dma source(%arg14 : memref<128x128xbf16, #tpu.memory_space<vmem>>) target(%dma_start3A_1072 : memref<10240x128xbf16, #tpu.memory_space<vmem_shared>>) offsets(%dma_start3A_1069 : memref<128xi32, #tpu.memory_space<vmem>>) semaphore(%arg27 : memref<!tpu.dma_semaphore, #tpu.memory_space<semaphore_mem>>) {add = true}
    %dma_start3A_1073 = arith.constant 4 : i32
    %dma_start3A_1074 = arith.constant 0 : i32
    %dma_start3A_1075 = tpu.memref_slice %arg13[%dma_start3A_1073, %dma_start3A_1074] : memref<8x128xi32, #tpu.memory_space<vmem>> -> memref<1x128xi32, #tpu.memory_space<vmem>>
    %dma_start3A_1076 = tpu.memref_squeeze %dma_start3A_1075 : memref<1x128xi32, #tpu.memory_space<vmem>> -> memref<128xi32, #tpu.memory_space<vmem>>
    %dma_start3A_1077 = arith.constant 0 : i32
    %dma_start3A_1078 = arith.constant 0 : i32
    %dma_start3A_1079 = tpu.memref_slice %arg22[%dma_start3A_1077, %dma_start3A_1078] : memref<10240x16xf32, #tpu.memory_space<vmem_shared>> -> memref<10240x16xf32, #tpu.memory_space<vmem_shared>>
    tpu.enqueue_indirect_dma source(%arg18 : memref<128x16xf32, #tpu.memory_space<vmem>>) target(%dma_start3A_1079 : memref<10240x16xf32, #tpu.memory_space<vmem_shared>>) offsets(%dma_start3A_1076 : memref<128xi32, #tpu.memory_space<vmem>>) semaphore(%arg31 : memref<!tpu.dma_semaphore, #tpu.memory_space<semaphore_mem>>) {add = true}
    %dma_wait3A_1080 = arith.constant 5 : i32
    %dma_wait3A_1081 = arith.constant 0 : i32
    %dma_wait3A_1082 = tpu.memref_slice %arg11[%dma_wait3A_1080, %dma_wait3A_1081] : memref<8x128xi32, #tpu.memory_space<vmem>> -> memref<1x128xi32, #tpu.memory_space<vmem>>
    %dma_wait3A_1083 = tpu.memref_squeeze %dma_wait3A_1082 : memref<1x128xi32, #tpu.memory_space<vmem>> -> memref<128xi32, #tpu.memory_space<vmem>>
    %dma_wait3A_1084 = arith.constant 0 : i32
    %dma_wait3A_1085 = arith.constant 0 : i32
    %dma_wait3A_1086 = tpu.memref_slice %arg2[%dma_wait3A_1084, %dma_wait3A_1085] : memref<10000x128xbf16, #tpu.memory_space<hbm>> -> memref<10000x128xbf16, #tpu.memory_space<hbm>>
    tpu.wait_indirect_dma semaphore(%arg24 : memref<!tpu.dma_semaphore, #tpu.memory_space<semaphore_mem>>) src(%dma_wait3A_1086 : memref<10000x128xbf16, #tpu.memory_space<hbm>>) dst(%arg15 : memref<128x128xbf16, #tpu.memory_space<vmem>>)
    %dma_start3A_1087 = arith.constant 5 : i32
    %dma_start3A_1088 = arith.constant 0 : i32
    %dma_start3A_1089 = tpu.memref_slice %arg13[%dma_start3A_1087, %dma_start3A_1088] : memref<8x128xi32, #tpu.memory_space<vmem>> -> memref<1x128xi32, #tpu.memory_space<vmem>>
    %dma_start3A_1090 = tpu.memref_squeeze %dma_start3A_1089 : memref<1x128xi32, #tpu.memory_space<vmem>> -> memref<128xi32, #tpu.memory_space<vmem>>
    %dma_start3A_1091 = arith.constant 0 : i32
    %dma_start3A_1092 = arith.constant 0 : i32
    %dma_start3A_1093 = tpu.memref_slice %arg21[%dma_start3A_1091, %dma_start3A_1092] : memref<10240x128xbf16, #tpu.memory_space<vmem_shared>> -> memref<10240x128xbf16, #tpu.memory_space<vmem_shared>>
    tpu.enqueue_indirect_dma source(%arg15 : memref<128x128xbf16, #tpu.memory_space<vmem>>) target(%dma_start3A_1093 : memref<10240x128xbf16, #tpu.memory_space<vmem_shared>>) offsets(%dma_start3A_1090 : memref<128xi32, #tpu.memory_space<vmem>>) semaphore(%arg28 : memref<!tpu.dma_semaphore, #tpu.memory_space<semaphore_mem>>) {add = true}
    %dma_start3A_1094 = arith.constant 5 : i32
    %dma_start3A_1095 = arith.constant 0 : i32
    %dma_start3A_1096 = tpu.memref_slice %arg13[%dma_start3A_1094, %dma_start3A_1095] : memref<8x128xi32, #tpu.memory_space<vmem>> -> memref<1x128xi32, #tpu.memory_space<vmem>>
    %dma_start3A_1097 = tpu.memref_squeeze %dma_start3A_1096 : memref<1x128xi32, #tpu.memory_space<vmem>> -> memref<128xi32, #tpu.memory_space<vmem>>
    %dma_start3A_1098 = arith.constant 0 : i32
    %dma_start3A_1099 = arith.constant 0 : i32
    %dma_start3A_1100 = tpu.memref_slice %arg22[%dma_start3A_1098, %dma_start3A_1099] : memref<10240x16xf32, #tpu.memory_space<vmem_shared>> -> memref<10240x16xf32, #tpu.memory_space<vmem_shared>>
    tpu.enqueue_indirect_dma source(%arg18 : memref<128x16xf32, #tpu.memory_space<vmem>>) target(%dma_start3A_1100 : memref<10240x16xf32, #tpu.memory_space<vmem_shared>>) offsets(%dma_start3A_1097 : memref<128xi32, #tpu.memory_space<vmem>>) semaphore(%arg31 : memref<!tpu.dma_semaphore, #tpu.memory_space<semaphore_mem>>) {add = true}
    %dma_wait3A_1101 = arith.constant 6 : i32
    %dma_wait3A_1102 = arith.constant 0 : i32
    %dma_wait3A_1103 = tpu.memref_slice %arg11[%dma_wait3A_1101, %dma_wait3A_1102] : memref<8x128xi32, #tpu.memory_space<vmem>> -> memref<1x128xi32, #tpu.memory_space<vmem>>
    %dma_wait3A_1104 = tpu.memref_squeeze %dma_wait3A_1103 : memref<1x128xi32, #tpu.memory_space<vmem>> -> memref<128xi32, #tpu.memory_space<vmem>>
    %dma_wait3A_1105 = arith.constant 0 : i32
    %dma_wait3A_1106 = arith.constant 0 : i32
    %dma_wait3A_1107 = tpu.memref_slice %arg2[%dma_wait3A_1105, %dma_wait3A_1106] : memref<10000x128xbf16, #tpu.memory_space<hbm>> -> memref<10000x128xbf16, #tpu.memory_space<hbm>>
    tpu.wait_indirect_dma semaphore(%arg25 : memref<!tpu.dma_semaphore, #tpu.memory_space<semaphore_mem>>) src(%dma_wait3A_1107 : memref<10000x128xbf16, #tpu.memory_space<hbm>>) dst(%arg16 : memref<128x128xbf16, #tpu.memory_space<vmem>>)
    %dma_start3A_1108 = arith.constant 6 : i32
    %dma_start3A_1109 = arith.constant 0 : i32
    %dma_start3A_1110 = tpu.memref_slice %arg13[%dma_start3A_1108, %dma_start3A_1109] : memref<8x128xi32, #tpu.memory_space<vmem>> -> memref<1x128xi32, #tpu.memory_space<vmem>>
    %dma_start3A_1111 = tpu.memref_squeeze %dma_start3A_1110 : memref<1x128xi32, #tpu.memory_space<vmem>> -> memref<128xi32, #tpu.memory_space<vmem>>
    %dma_start3A_1112 = arith.constant 0 : i32
    %dma_start3A_1113 = arith.constant 0 : i32
    %dma_start3A_1114 = tpu.memref_slice %arg21[%dma_start3A_1112, %dma_start3A_1113] : memref<10240x128xbf16, #tpu.memory_space<vmem_shared>> -> memref<10240x128xbf16, #tpu.memory_space<vmem_shared>>
    tpu.enqueue_indirect_dma source(%arg16 : memref<128x128xbf16, #tpu.memory_space<vmem>>) target(%dma_start3A_1114 : memref<10240x128xbf16, #tpu.memory_space<vmem_shared>>) offsets(%dma_start3A_1111 : memref<128xi32, #tpu.memory_space<vmem>>) semaphore(%arg29 : memref<!tpu.dma_semaphore, #tpu.memory_space<semaphore_mem>>) {add = true}
    %dma_start3A_1115 = arith.constant 6 : i32
    %dma_start3A_1116 = arith.constant 0 : i32
    %dma_start3A_1117 = tpu.memref_slice %arg13[%dma_start3A_1115, %dma_start3A_1116] : memref<8x128xi32, #tpu.memory_space<vmem>> -> memref<1x128xi32, #tpu.memory_space<vmem>>
    %dma_start3A_1118 = tpu.memref_squeeze %dma_start3A_1117 : memref<1x128xi32, #tpu.memory_space<vmem>> -> memref<128xi32, #tpu.memory_space<vmem>>
    %dma_start3A_1119 = arith.constant 0 : i32
    %dma_start3A_1120 = arith.constant 0 : i32
    %dma_start3A_1121 = tpu.memref_slice %arg22[%dma_start3A_1119, %dma_start3A_1120] : memref<10240x16xf32, #tpu.memory_space<vmem_shared>> -> memref<10240x16xf32, #tpu.memory_space<vmem_shared>>
    tpu.enqueue_indirect_dma source(%arg18 : memref<128x16xf32, #tpu.memory_space<vmem>>) target(%dma_start3A_1121 : memref<10240x16xf32, #tpu.memory_space<vmem_shared>>) offsets(%dma_start3A_1118 : memref<128xi32, #tpu.memory_space<vmem>>) semaphore(%arg31 : memref<!tpu.dma_semaphore, #tpu.memory_space<semaphore_mem>>) {add = true}
    %dma_wait3A_1122 = arith.constant 7 : i32
    %dma_wait3A_1123 = arith.constant 0 : i32
    %dma_wait3A_1124 = tpu.memref_slice %arg11[%dma_wait3A_1122, %dma_wait3A_1123] : memref<8x128xi32, #tpu.memory_space<vmem>> -> memref<1x128xi32, #tpu.memory_space<vmem>>
    %dma_wait3A_1125 = tpu.memref_squeeze %dma_wait3A_1124 : memref<1x128xi32, #tpu.memory_space<vmem>> -> memref<128xi32, #tpu.memory_space<vmem>>
    %dma_wait3A_1126 = arith.constant 0 : i32
    %dma_wait3A_1127 = arith.constant 0 : i32
    %dma_wait3A_1128 = tpu.memref_slice %arg2[%dma_wait3A_1126, %dma_wait3A_1127] : memref<10000x128xbf16, #tpu.memory_space<hbm>> -> memref<10000x128xbf16, #tpu.memory_space<hbm>>
    tpu.wait_indirect_dma semaphore(%arg26 : memref<!tpu.dma_semaphore, #tpu.memory_space<semaphore_mem>>) src(%dma_wait3A_1128 : memref<10000x128xbf16, #tpu.memory_space<hbm>>) dst(%arg17 : memref<128x128xbf16, #tpu.memory_space<vmem>>)
    %dma_start3A_1129 = arith.constant 7 : i32
    %dma_start3A_1130 = arith.constant 0 : i32
    %dma_start3A_1131 = tpu.memref_slice %arg13[%dma_start3A_1129, %dma_start3A_1130] : memref<8x128xi32, #tpu.memory_space<vmem>> -> memref<1x128xi32, #tpu.memory_space<vmem>>
    %dma_start3A_1132 = tpu.memref_squeeze %dma_start3A_1131 : memref<1x128xi32, #tpu.memory_space<vmem>> -> memref<128xi32, #tpu.memory_space<vmem>>
    %dma_start3A_1133 = arith.constant 0 : i32
    %dma_start3A_1134 = arith.constant 0 : i32
    %dma_start3A_1135 = tpu.memref_slice %arg21[%dma_start3A_1133, %dma_start3A_1134] : memref<10240x128xbf16, #tpu.memory_space<vmem_shared>> -> memref<10240x128xbf16, #tpu.memory_space<vmem_shared>>
    tpu.enqueue_indirect_dma source(%arg17 : memref<128x128xbf16, #tpu.memory_space<vmem>>) target(%dma_start3A_1135 : memref<10240x128xbf16, #tpu.memory_space<vmem_shared>>) offsets(%dma_start3A_1132 : memref<128xi32, #tpu.memory_space<vmem>>) semaphore(%arg30 : memref<!tpu.dma_semaphore, #tpu.memory_space<semaphore_mem>>) {add = true}
    %dma_start3A_1136 = arith.constant 7 : i32
    %dma_start3A_1137 = arith.constant 0 : i32
    %dma_start3A_1138 = tpu.memref_slice %arg13[%dma_start3A_1136, %dma_start3A_1137] : memref<8x128xi32, #tpu.memory_space<vmem>> -> memref<1x128xi32, #tpu.memory_space<vmem>>
    %dma_start3A_1139 = tpu.memref_squeeze %dma_start3A_1138 : memref<1x128xi32, #tpu.memory_space<vmem>> -> memref<128xi32, #tpu.memory_space<vmem>>
    %dma_start3A_1140 = arith.constant 0 : i32
    %dma_start3A_1141 = arith.constant 0 : i32
    %dma_start3A_1142 = tpu.memref_slice %arg22[%dma_start3A_1140, %dma_start3A_1141] : memref<10240x16xf32, #tpu.memory_space<vmem_shared>> -> memref<10240x16xf32, #tpu.memory_space<vmem_shared>>
    tpu.enqueue_indirect_dma source(%arg18 : memref<128x16xf32, #tpu.memory_space<vmem>>) target(%dma_start3A_1142 : memref<10240x16xf32, #tpu.memory_space<vmem_shared>>) offsets(%dma_start3A_1139 : memref<128xi32, #tpu.memory_space<vmem>>) semaphore(%arg31 : memref<!tpu.dma_semaphore, #tpu.memory_space<semaphore_mem>>) {add = true}
    %dma_wait3A_1143 = arith.constant 4 : i32
    %dma_wait3A_1144 = arith.constant 0 : i32
    %dma_wait3A_1145 = tpu.memref_slice %arg13[%dma_wait3A_1143, %dma_wait3A_1144] : memref<8x128xi32, #tpu.memory_space<vmem>> -> memref<1x128xi32, #tpu.memory_space<vmem>>
    %dma_wait3A_1146 = tpu.memref_squeeze %dma_wait3A_1145 : memref<1x128xi32, #tpu.memory_space<vmem>> -> memref<128xi32, #tpu.memory_space<vmem>>
    %dma_wait3A_1147 = arith.constant 0 : i32
    %dma_wait3A_1148 = arith.constant 0 : i32
    %dma_wait3A_1149 = tpu.memref_slice %arg21[%dma_wait3A_1147, %dma_wait3A_1148] : memref<10240x128xbf16, #tpu.memory_space<vmem_shared>> -> memref<10240x128xbf16, #tpu.memory_space<vmem_shared>>
    tpu.wait_indirect_dma semaphore(%arg27 : memref<!tpu.dma_semaphore, #tpu.memory_space<semaphore_mem>>) src(%arg14 : memref<128x128xbf16, #tpu.memory_space<vmem>>) dst(%dma_wait3A_1149 : memref<10240x128xbf16, #tpu.memory_space<vmem_shared>>)
    %dma_wait3A_1150 = arith.constant 5 : i32
    %dma_wait3A_1151 = arith.constant 0 : i32
    %dma_wait3A_1152 = tpu.memref_slice %arg13[%dma_wait3A_1150, %dma_wait3A_1151] : memref<8x128xi32, #tpu.memory_space<vmem>> -> memref<1x128xi32, #tpu.memory_space<vmem>>
    %dma_wait3A_1153 = tpu.memref_squeeze %dma_wait3A_1152 : memref<1x128xi32, #tpu.memory_space<vmem>> -> memref<128xi32, #tpu.memory_space<vmem>>
    %dma_wait3A_1154 = arith.constant 0 : i32
    %dma_wait3A_1155 = arith.constant 0 : i32
    %dma_wait3A_1156 = tpu.memref_slice %arg21[%dma_wait3A_1154, %dma_wait3A_1155] : memref<10240x128xbf16, #tpu.memory_space<vmem_shared>> -> memref<10240x128xbf16, #tpu.memory_space<vmem_shared>>
    tpu.wait_indirect_dma semaphore(%arg28 : memref<!tpu.dma_semaphore, #tpu.memory_space<semaphore_mem>>) src(%arg15 : memref<128x128xbf16, #tpu.memory_space<vmem>>) dst(%dma_wait3A_1156 : memref<10240x128xbf16, #tpu.memory_space<vmem_shared>>)
    %dma_wait3A_1157 = arith.constant 6 : i32
    %dma_wait3A_1158 = arith.constant 0 : i32
    %dma_wait3A_1159 = tpu.memref_slice %arg13[%dma_wait3A_1157, %dma_wait3A_1158] : memref<8x128xi32, #tpu.memory_space<vmem>> -> memref<1x128xi32, #tpu.memory_space<vmem>>
    %dma_wait3A_1160 = tpu.memref_squeeze %dma_wait3A_1159 : memref<1x128xi32, #tpu.memory_space<vmem>> -> memref<128xi32, #tpu.memory_space<vmem>>
    %dma_wait3A_1161 = arith.constant 0 : i32
    %dma_wait3A_1162 = arith.constant 0 : i32
    %dma_wait3A_1163 = tpu.memref_slice %arg21[%dma_wait3A_1161, %dma_wait3A_1162] : memref<10240x128xbf16, #tpu.memory_space<vmem_shared>> -> memref<10240x128xbf16, #tpu.memory_space<vmem_shared>>
    tpu.wait_indirect_dma semaphore(%arg29 : memref<!tpu.dma_semaphore, #tpu.memory_space<semaphore_mem>>) src(%arg16 : memref<128x128xbf16, #tpu.memory_space<vmem>>) dst(%dma_wait3A_1163 : memref<10240x128xbf16, #tpu.memory_space<vmem_shared>>)
    %dma_wait3A_1164 = arith.constant 7 : i32
    %dma_wait3A_1165 = arith.constant 0 : i32
    %dma_wait3A_1166 = tpu.memref_slice %arg13[%dma_wait3A_1164, %dma_wait3A_1165] : memref<8x128xi32, #tpu.memory_space<vmem>> -> memref<1x128xi32, #tpu.memory_space<vmem>>
    %dma_wait3A_1167 = tpu.memref_squeeze %dma_wait3A_1166 : memref<1x128xi32, #tpu.memory_space<vmem>> -> memref<128xi32, #tpu.memory_space<vmem>>
    %dma_wait3A_1168 = arith.constant 0 : i32
    %dma_wait3A_1169 = arith.constant 0 : i32
    %dma_wait3A_1170 = tpu.memref_slice %arg21[%dma_wait3A_1168, %dma_wait3A_1169] : memref<10240x128xbf16, #tpu.memory_space<vmem_shared>> -> memref<10240x128xbf16, #tpu.memory_space<vmem_shared>>
    tpu.wait_indirect_dma semaphore(%arg30 : memref<!tpu.dma_semaphore, #tpu.memory_space<semaphore_mem>>) src(%arg17 : memref<128x128xbf16, #tpu.memory_space<vmem>>) dst(%dma_wait3A_1170 : memref<10240x128xbf16, #tpu.memory_space<vmem_shared>>)
    %dma_wait3A_1171 = arith.constant 0 : i32
    %dma_wait3A_1172 = arith.constant 0 : i32
    %dma_wait3A_1173 = tpu.memref_slice %arg13[%dma_wait3A_1171, %dma_wait3A_1172] : memref<8x128xi32, #tpu.memory_space<vmem>> -> memref<1x128xi32, #tpu.memory_space<vmem>>
    %dma_wait3A_1174 = tpu.memref_squeeze %dma_wait3A_1173 : memref<1x128xi32, #tpu.memory_space<vmem>> -> memref<128xi32, #tpu.memory_space<vmem>>
    %dma_wait3A_1175 = arith.constant 0 : i32
    %dma_wait3A_1176 = arith.constant 0 : i32
    %dma_wait3A_1177 = tpu.memref_slice %arg22[%dma_wait3A_1175, %dma_wait3A_1176] : memref<10240x16xf32, #tpu.memory_space<vmem_shared>> -> memref<10240x16xf32, #tpu.memory_space<vmem_shared>>
    tpu.wait_indirect_dma semaphore(%arg31 : memref<!tpu.dma_semaphore, #tpu.memory_space<semaphore_mem>>) src(%arg18 : memref<128x16xf32, #tpu.memory_space<vmem>>) dst(%dma_wait3A_1177 : memref<10240x16xf32, #tpu.memory_space<vmem_shared>>)
    %dma_wait3A_1178 = arith.constant 1 : i32
    %dma_wait3A_1179 = arith.constant 0 : i32
    %dma_wait3A_1180 = tpu.memref_slice %arg13[%dma_wait3A_1178, %dma_wait3A_1179] : memref<8x128xi32, #tpu.memory_space<vmem>> -> memref<1x128xi32, #tpu.memory_space<vmem>>
    %dma_wait3A_1181 = tpu.memref_squeeze %dma_wait3A_1180 : memref<1x128xi32, #tpu.memory_space<vmem>> -> memref<128xi32, #tpu.memory_space<vmem>>
    %dma_wait3A_1182 = arith.constant 0 : i32
    %dma_wait3A_1183 = arith.constant 0 : i32
    %dma_wait3A_1184 = tpu.memref_slice %arg22[%dma_wait3A_1182, %dma_wait3A_1183] : memref<10240x16xf32, #tpu.memory_space<vmem_shared>> -> memref<10240x16xf32, #tpu.memory_space<vmem_shared>>
    tpu.wait_indirect_dma semaphore(%arg31 : memref<!tpu.dma_semaphore, #tpu.memory_space<semaphore_mem>>) src(%arg18 : memref<128x16xf32, #tpu.memory_space<vmem>>) dst(%dma_wait3A_1184 : memref<10240x16xf32, #tpu.memory_space<vmem_shared>>)
    %dma_wait3A_1185 = arith.constant 2 : i32
    %dma_wait3A_1186 = arith.constant 0 : i32
    %dma_wait3A_1187 = tpu.memref_slice %arg13[%dma_wait3A_1185, %dma_wait3A_1186] : memref<8x128xi32, #tpu.memory_space<vmem>> -> memref<1x128xi32, #tpu.memory_space<vmem>>
    %dma_wait3A_1188 = tpu.memref_squeeze %dma_wait3A_1187 : memref<1x128xi32, #tpu.memory_space<vmem>> -> memref<128xi32, #tpu.memory_space<vmem>>
    %dma_wait3A_1189 = arith.constant 0 : i32
    %dma_wait3A_1190 = arith.constant 0 : i32
    %dma_wait3A_1191 = tpu.memref_slice %arg22[%dma_wait3A_1189, %dma_wait3A_1190] : memref<10240x16xf32, #tpu.memory_space<vmem_shared>> -> memref<10240x16xf32, #tpu.memory_space<vmem_shared>>
    tpu.wait_indirect_dma semaphore(%arg31 : memref<!tpu.dma_semaphore, #tpu.memory_space<semaphore_mem>>) src(%arg18 : memref<128x16xf32, #tpu.memory_space<vmem>>) dst(%dma_wait3A_1191 : memref<10240x16xf32, #tpu.memory_space<vmem_shared>>)
    %dma_wait3A_1192 = arith.constant 3 : i32
    %dma_wait3A_1193 = arith.constant 0 : i32
    %dma_wait3A_1194 = tpu.memref_slice %arg13[%dma_wait3A_1192, %dma_wait3A_1193] : memref<8x128xi32, #tpu.memory_space<vmem>> -> memref<1x128xi32, #tpu.memory_space<vmem>>
    %dma_wait3A_1195 = tpu.memref_squeeze %dma_wait3A_1194 : memref<1x128xi32, #tpu.memory_space<vmem>> -> memref<128xi32, #tpu.memory_space<vmem>>
    %dma_wait3A_1196 = arith.constant 0 : i32
    %dma_wait3A_1197 = arith.constant 0 : i32
    %dma_wait3A_1198 = tpu.memref_slice %arg22[%dma_wait3A_1196, %dma_wait3A_1197] : memref<10240x16xf32, #tpu.memory_space<vmem_shared>> -> memref<10240x16xf32, #tpu.memory_space<vmem_shared>>
    tpu.wait_indirect_dma semaphore(%arg31 : memref<!tpu.dma_semaphore, #tpu.memory_space<semaphore_mem>>) src(%arg18 : memref<128x16xf32, #tpu.memory_space<vmem>>) dst(%dma_wait3A_1198 : memref<10240x16xf32, #tpu.memory_space<vmem_shared>>)
    %dma_wait3A_1199 = arith.constant 4 : i32
    %dma_wait3A_1200 = arith.constant 0 : i32
    %dma_wait3A_1201 = tpu.memref_slice %arg13[%dma_wait3A_1199, %dma_wait3A_1200] : memref<8x128xi32, #tpu.memory_space<vmem>> -> memref<1x128xi32, #tpu.memory_space<vmem>>
    %dma_wait3A_1202 = tpu.memref_squeeze %dma_wait3A_1201 : memref<1x128xi32, #tpu.memory_space<vmem>> -> memref<128xi32, #tpu.memory_space<vmem>>
    %dma_wait3A_1203 = arith.constant 0 : i32
    %dma_wait3A_1204 = arith.constant 0 : i32
    %dma_wait3A_1205 = tpu.memref_slice %arg22[%dma_wait3A_1203, %dma_wait3A_1204] : memref<10240x16xf32, #tpu.memory_space<vmem_shared>> -> memref<10240x16xf32, #tpu.memory_space<vmem_shared>>
    tpu.wait_indirect_dma semaphore(%arg31 : memref<!tpu.dma_semaphore, #tpu.memory_space<semaphore_mem>>) src(%arg18 : memref<128x16xf32, #tpu.memory_space<vmem>>) dst(%dma_wait3A_1205 : memref<10240x16xf32, #tpu.memory_space<vmem_shared>>)
    %dma_wait3A_1206 = arith.constant 5 : i32
    %dma_wait3A_1207 = arith.constant 0 : i32
    %dma_wait3A_1208 = tpu.memref_slice %arg13[%dma_wait3A_1206, %dma_wait3A_1207] : memref<8x128xi32, #tpu.memory_space<vmem>> -> memref<1x128xi32, #tpu.memory_space<vmem>>
    %dma_wait3A_1209 = tpu.memref_squeeze %dma_wait3A_1208 : memref<1x128xi32, #tpu.memory_space<vmem>> -> memref<128xi32, #tpu.memory_space<vmem>>
    %dma_wait3A_1210 = arith.constant 0 : i32
    %dma_wait3A_1211 = arith.constant 0 : i32
    %dma_wait3A_1212 = tpu.memref_slice %arg22[%dma_wait3A_1210, %dma_wait3A_1211] : memref<10240x16xf32, #tpu.memory_space<vmem_shared>> -> memref<10240x16xf32, #tpu.memory_space<vmem_shared>>
    tpu.wait_indirect_dma semaphore(%arg31 : memref<!tpu.dma_semaphore, #tpu.memory_space<semaphore_mem>>) src(%arg18 : memref<128x16xf32, #tpu.memory_space<vmem>>) dst(%dma_wait3A_1212 : memref<10240x16xf32, #tpu.memory_space<vmem_shared>>)
    %dma_wait3A_1213 = arith.constant 6 : i32
    %dma_wait3A_1214 = arith.constant 0 : i32
    %dma_wait3A_1215 = tpu.memref_slice %arg13[%dma_wait3A_1213, %dma_wait3A_1214] : memref<8x128xi32, #tpu.memory_space<vmem>> -> memref<1x128xi32, #tpu.memory_space<vmem>>
    %dma_wait3A_1216 = tpu.memref_squeeze %dma_wait3A_1215 : memref<1x128xi32, #tpu.memory_space<vmem>> -> memref<128xi32, #tpu.memory_space<vmem>>
    %dma_wait3A_1217 = arith.constant 0 : i32
    %dma_wait3A_1218 = arith.constant 0 : i32
    %dma_wait3A_1219 = tpu.memref_slice %arg22[%dma_wait3A_1217, %dma_wait3A_1218] : memref<10240x16xf32, #tpu.memory_space<vmem_shared>> -> memref<10240x16xf32, #tpu.memory_space<vmem_shared>>
    tpu.wait_indirect_dma semaphore(%arg31 : memref<!tpu.dma_semaphore, #tpu.memory_space<semaphore_mem>>) src(%arg18 : memref<128x16xf32, #tpu.memory_space<vmem>>) dst(%dma_wait3A_1219 : memref<10240x16xf32, #tpu.memory_space<vmem_shared>>)
    %dma_wait3A_1220 = arith.constant 7 : i32
    %dma_wait3A_1221 = arith.constant 0 : i32
    %dma_wait3A_1222 = tpu.memref_slice %arg13[%dma_wait3A_1220, %dma_wait3A_1221] : memref<8x128xi32, #tpu.memory_space<vmem>> -> memref<1x128xi32, #tpu.memory_space<vmem>>
    %dma_wait3A_1223 = tpu.memref_squeeze %dma_wait3A_1222 : memref<1x128xi32, #tpu.memory_space<vmem>> -> memref<128xi32, #tpu.memory_space<vmem>>
    %dma_wait3A_1224 = arith.constant 0 : i32
    %dma_wait3A_1225 = arith.constant 0 : i32
    %dma_wait3A_1226 = tpu.memref_slice %arg22[%dma_wait3A_1224, %dma_wait3A_1225] : memref<10240x16xf32, #tpu.memory_space<vmem_shared>> -> memref<10240x16xf32, #tpu.memory_space<vmem_shared>>
    tpu.wait_indirect_dma semaphore(%arg31 : memref<!tpu.dma_semaphore, #tpu.memory_space<semaphore_mem>>) src(%arg18 : memref<128x16xf32, #tpu.memory_space<vmem>>) dst(%dma_wait3A_1226 : memref<10240x16xf32, #tpu.memory_space<vmem_shared>>)
    %dma_wait3A_1227 = arith.constant 0 : i32
    %dma_wait3A_1228 = tpu.memref_slice %arg3[%min3A, %dma_wait3A_1227] : memref<2560x128xi32, #tpu.memory_space<hbm>> -> memref<8x128xi32, #tpu.memory_space<hbm>>
    %dma_wait3A_1229 = arith.constant 0 : i32
    %dma_wait3A_1230 = tpu.memref_slice %arg3[%min3A, %dma_wait3A_1229] : memref<2560x128xi32, #tpu.memory_space<hbm>> -> memref<8x128xi32, #tpu.memory_space<hbm>>
    tpu.wait_dma2 semaphore(%arg32 : memref<!tpu.dma_semaphore, #tpu.memory_space<semaphore_mem>>) src(%dma_wait3A_1230 : memref<8x128xi32, #tpu.memory_space<hbm>>) dst(%arg10 : memref<8x128xi32, #tpu.memory_space<vmem>>)
    %dma_wait3A_1231 = arith.constant 0 : i32
    %dma_wait3A_1232 = tpu.memref_slice %arg4[%min3A, %dma_wait3A_1231] : memref<2560x128xi32, #tpu.memory_space<hbm>> -> memref<8x128xi32, #tpu.memory_space<hbm>>
    %dma_wait3A_1233 = arith.constant 0 : i32
    %dma_wait3A_1234 = tpu.memref_slice %arg4[%min3A, %dma_wait3A_1233] : memref<2560x128xi32, #tpu.memory_space<hbm>> -> memref<8x128xi32, #tpu.memory_space<hbm>>
    tpu.wait_dma2 semaphore(%arg32 : memref<!tpu.dma_semaphore, #tpu.memory_space<semaphore_mem>>) src(%dma_wait3A_1234 : memref<8x128xi32, #tpu.memory_space<hbm>>) dst(%arg12 : memref<8x128xi32, #tpu.memory_space<vmem>>)
    %sub3A_1235 = arith.constant 2 : i32
    %sub3A_1236 = arith.subi %select_n3A, %sub3A_1235 : i32
    %jit3A_1237 = arith.constant 2 : i32
    %div3A_1238 = arith.divsi %sub3A_1236, %jit3A_1237 : i32
    %sign3A_1239 = arith.constant 0 : i32
    %sign3A_1240 = arith.cmpi sgt, %sub3A_1236, %sign3A_1239 : i32
    %sign3A_1241 = arith.extui %sign3A_1240 : i1 to i32
    %sign3A_1242 = arith.constant 0 : i32
    %sign3A_1243 = arith.cmpi slt, %sub3A_1236, %sign3A_1242 : i32
    %sign3A_1244 = arith.extui %sign3A_1243 : i1 to i32
    %sign3A_1245 = arith.subi %sign3A_1241, %sign3A_1244 : i32
    %sign3A_1246 = arith.constant 0 : i32
    %sign3A_1247 = arith.cmpi sgt, %jit3A_1237, %sign3A_1246 : i32
    %sign3A_1248 = arith.extui %sign3A_1247 : i1 to i32
    %sign3A_1249 = arith.constant 0 : i32
    %sign3A_1250 = arith.cmpi slt, %jit3A_1237, %sign3A_1249 : i32
    %sign3A_1251 = arith.extui %sign3A_1250 : i1 to i32
    %sign3A_1252 = arith.subi %sign3A_1248, %sign3A_1251 : i32
    %ne3A_1253 = arith.cmpi ne, %sign3A_1245, %sign3A_1252 : i32
    %rem3A_1254 = arith.remsi %sub3A_1236, %jit3A_1237 : i32
    %ne3A_1255 = arith.constant 0 : i32
    %ne3A_1256 = arith.cmpi ne, %rem3A_1254, %ne3A_1255 : i32
    %and3A_1257 = arith.andi %ne3A_1253, %ne3A_1256 : i1
    %sub3A_1258 = arith.constant 1 : i32
    %sub3A_1259 = arith.subi %div3A_1238, %sub3A_1258 : i32
    %select_n3A_1260 = arith.select %and3A_1257, %sub3A_1259, %div3A_1238 : i32
    %while3A = arith.constant 0 : i32
    %while3A_1261 = arith.constant 0 : i32
    %while3A_1262 = arith.subi %select_n3A_1260, %while3A_1261 : i32
    %while3A_1263 = arith.addi %while3A_1261, %while3A_1262 : i32
    %while3A_1264 = arith.constant 1 : i32
    %while3A_1265 = arith.divsi %while3A_1262, %while3A_1264 : i32
    %while3A_1266 = arith.muli %while3A_1265, %while3A_1264 : i32
    %while3A_1267 = arith.addi %while3A_1261, %while3A_1266 : i32
    %while3A_1268 = arith.constant 1 : i32
    scf.for %while3A_1299 = %while3A_1261 to %while3A_1267 step %while3A_1268  : i32 {
      %mul3A_1300 = arith.constant 2 : i32
      %mul3A_1301 = arith.muli %mul3A_1300, %while3A_1299 : i32
      %add3A_1302 = arith.constant 2 : i32
      %add3A_1303 = arith.addi %add3A_1302, %mul3A_1301 : i32
      %mul3A_1304 = arith.constant 8 : i32
      %mul3A_1305 = arith.muli %add3A_1303, %mul3A_1304 : i32
      %add3A_1306 = arith.addi %add3A_5, %mul3A_1305 : i32
      %add3A_1307 = arith.constant 8 : i32
      %add3A_1308 = arith.addi %add3A_1306, %add3A_1307 : i32
      %dma_start3A_1309 = arith.constant 0 : i32
      %dma_start3A_1310 = tpu.memref_slice %arg3[%add3A_1308, %dma_start3A_1309] : memref<2560x128xi32, #tpu.memory_space<hbm>> -> memref<8x128xi32, #tpu.memory_space<hbm>>
      %dma_start3A_1311 = arith.constant 0 : i32
      %dma_start3A_1312 = tpu.memref_slice %arg3[%add3A_1308, %dma_start3A_1311] : memref<2560x128xi32, #tpu.memory_space<hbm>> -> memref<8x128xi32, #tpu.memory_space<hbm>>
      tpu.enqueue_dma source(%dma_start3A_1312 : memref<8x128xi32, #tpu.memory_space<hbm>>) target(%arg11 : memref<8x128xi32, #tpu.memory_space<vmem>>) target_semaphore(%arg32 : memref<!tpu.dma_semaphore, #tpu.memory_space<semaphore_mem>>)
      %add3A_1313 = arith.constant 8 : i32
      %add3A_1314 = arith.addi %add3A_1306, %add3A_1313 : i32
      %dma_start3A_1315 = arith.constant 0 : i32
      %dma_start3A_1316 = tpu.memref_slice %arg4[%add3A_1314, %dma_start3A_1315] : memref<2560x128xi32, #tpu.memory_space<hbm>> -> memref<8x128xi32, #tpu.memory_space<hbm>>
      %dma_start3A_1317 = arith.constant 0 : i32
      %dma_start3A_1318 = tpu.memref_slice %arg4[%add3A_1314, %dma_start3A_1317] : memref<2560x128xi32, #tpu.memory_space<hbm>> -> memref<8x128xi32, #tpu.memory_space<hbm>>
      tpu.enqueue_dma source(%dma_start3A_1318 : memref<8x128xi32, #tpu.memory_space<hbm>>) target(%arg13 : memref<8x128xi32, #tpu.memory_space<vmem>>) target_semaphore(%arg32 : memref<!tpu.dma_semaphore, #tpu.memory_space<semaphore_mem>>)
      %dma_start3A_1319 = arith.constant 0 : i32
      %dma_start3A_1320 = arith.constant 0 : i32
      %dma_start3A_1321 = tpu.memref_slice %arg10[%dma_start3A_1319, %dma_start3A_1320] : memref<8x128xi32, #tpu.memory_space<vmem>> -> memref<1x128xi32, #tpu.memory_space<vmem>>
      %dma_start3A_1322 = tpu.memref_squeeze %dma_start3A_1321 : memref<1x128xi32, #tpu.memory_space<vmem>> -> memref<128xi32, #tpu.memory_space<vmem>>
      %dma_start3A_1323 = arith.constant 0 : i32
      %dma_start3A_1324 = arith.constant 0 : i32
      %dma_start3A_1325 = tpu.memref_slice %arg2[%dma_start3A_1323, %dma_start3A_1324] : memref<10000x128xbf16, #tpu.memory_space<hbm>> -> memref<10000x128xbf16, #tpu.memory_space<hbm>>
      tpu.enqueue_indirect_dma source(%dma_start3A_1325 : memref<10000x128xbf16, #tpu.memory_space<hbm>>) target(%arg14 : memref<128x128xbf16, #tpu.memory_space<vmem>>) offsets(%dma_start3A_1322 : memref<128xi32, #tpu.memory_space<vmem>>) semaphore(%arg23 : memref<!tpu.dma_semaphore, #tpu.memory_space<semaphore_mem>>)
      %dma_start3A_1326 = arith.constant 1 : i32
      %dma_start3A_1327 = arith.constant 0 : i32
      %dma_start3A_1328 = tpu.memref_slice %arg10[%dma_start3A_1326, %dma_start3A_1327] : memref<8x128xi32, #tpu.memory_space<vmem>> -> memref<1x128xi32, #tpu.memory_space<vmem>>
      %dma_start3A_1329 = tpu.memref_squeeze %dma_start3A_1328 : memref<1x128xi32, #tpu.memory_space<vmem>> -> memref<128xi32, #tpu.memory_space<vmem>>
      %dma_start3A_1330 = arith.constant 0 : i32
      %dma_start3A_1331 = arith.constant 0 : i32
      %dma_start3A_1332 = tpu.memref_slice %arg2[%dma_start3A_1330, %dma_start3A_1331] : memref<10000x128xbf16, #tpu.memory_space<hbm>> -> memref<10000x128xbf16, #tpu.memory_space<hbm>>
      tpu.enqueue_indirect_dma source(%dma_start3A_1332 : memref<10000x128xbf16, #tpu.memory_space<hbm>>) target(%arg15 : memref<128x128xbf16, #tpu.memory_space<vmem>>) offsets(%dma_start3A_1329 : memref<128xi32, #tpu.memory_space<vmem>>) semaphore(%arg24 : memref<!tpu.dma_semaphore, #tpu.memory_space<semaphore_mem>>)
      %dma_start3A_1333 = arith.constant 2 : i32
      %dma_start3A_1334 = arith.constant 0 : i32
      %dma_start3A_1335 = tpu.memref_slice %arg10[%dma_start3A_1333, %dma_start3A_1334] : memref<8x128xi32, #tpu.memory_space<vmem>> -> memref<1x128xi32, #tpu.memory_space<vmem>>
      %dma_start3A_1336 = tpu.memref_squeeze %dma_start3A_1335 : memref<1x128xi32, #tpu.memory_space<vmem>> -> memref<128xi32, #tpu.memory_space<vmem>>
      %dma_start3A_1337 = arith.constant 0 : i32
      %dma_start3A_1338 = arith.constant 0 : i32
      %dma_start3A_1339 = tpu.memref_slice %arg2[%dma_start3A_1337, %dma_start3A_1338] : memref<10000x128xbf16, #tpu.memory_space<hbm>> -> memref<10000x128xbf16, #tpu.memory_space<hbm>>
      tpu.enqueue_indirect_dma source(%dma_start3A_1339 : memref<10000x128xbf16, #tpu.memory_space<hbm>>) target(%arg16 : memref<128x128xbf16, #tpu.memory_space<vmem>>) offsets(%dma_start3A_1336 : memref<128xi32, #tpu.memory_space<vmem>>) semaphore(%arg25 : memref<!tpu.dma_semaphore, #tpu.memory_space<semaphore_mem>>)
      %dma_start3A_1340 = arith.constant 3 : i32
      %dma_start3A_1341 = arith.constant 0 : i32
      %dma_start3A_1342 = tpu.memref_slice %arg10[%dma_start3A_1340, %dma_start3A_1341] : memref<8x128xi32, #tpu.memory_space<vmem>> -> memref<1x128xi32, #tpu.memory_space<vmem>>
      %dma_start3A_1343 = tpu.memref_squeeze %dma_start3A_1342 : memref<1x128xi32, #tpu.memory_space<vmem>> -> memref<128xi32, #tpu.memory_space<vmem>>
      %dma_start3A_1344 = arith.constant 0 : i32
      %dma_start3A_1345 = arith.constant 0 : i32
      %dma_start3A_1346 = tpu.memref_slice %arg2[%dma_start3A_1344, %dma_start3A_1345] : memref<10000x128xbf16, #tpu.memory_space<hbm>> -> memref<10000x128xbf16, #tpu.memory_space<hbm>>
      tpu.enqueue_indirect_dma source(%dma_start3A_1346 : memref<10000x128xbf16, #tpu.memory_space<hbm>>) target(%arg17 : memref<128x128xbf16, #tpu.memory_space<vmem>>) offsets(%dma_start3A_1343 : memref<128xi32, #tpu.memory_space<vmem>>) semaphore(%arg26 : memref<!tpu.dma_semaphore, #tpu.memory_space<semaphore_mem>>)
      %dma_wait3A_1347 = arith.constant 0 : i32
      %dma_wait3A_1348 = arith.constant 0 : i32
      %dma_wait3A_1349 = tpu.memref_slice %arg10[%dma_wait3A_1347, %dma_wait3A_1348] : memref<8x128xi32, #tpu.memory_space<vmem>> -> memref<1x128xi32, #tpu.memory_space<vmem>>
      %dma_wait3A_1350 = tpu.memref_squeeze %dma_wait3A_1349 : memref<1x128xi32, #tpu.memory_space<vmem>> -> memref<128xi32, #tpu.memory_space<vmem>>
      %dma_wait3A_1351 = arith.constant 0 : i32
      %dma_wait3A_1352 = arith.constant 0 : i32
      %dma_wait3A_1353 = tpu.memref_slice %arg2[%dma_wait3A_1351, %dma_wait3A_1352] : memref<10000x128xbf16, #tpu.memory_space<hbm>> -> memref<10000x128xbf16, #tpu.memory_space<hbm>>
      tpu.wait_indirect_dma semaphore(%arg23 : memref<!tpu.dma_semaphore, #tpu.memory_space<semaphore_mem>>) src(%dma_wait3A_1353 : memref<10000x128xbf16, #tpu.memory_space<hbm>>) dst(%arg14 : memref<128x128xbf16, #tpu.memory_space<vmem>>)
      %dma_start3A_1354 = arith.constant 0 : i32
      %dma_start3A_1355 = arith.constant 0 : i32
      %dma_start3A_1356 = tpu.memref_slice %arg12[%dma_start3A_1354, %dma_start3A_1355] : memref<8x128xi32, #tpu.memory_space<vmem>> -> memref<1x128xi32, #tpu.memory_space<vmem>>
      %dma_start3A_1357 = tpu.memref_squeeze %dma_start3A_1356 : memref<1x128xi32, #tpu.memory_space<vmem>> -> memref<128xi32, #tpu.memory_space<vmem>>
      %dma_start3A_1358 = arith.constant 0 : i32
      %dma_start3A_1359 = arith.constant 0 : i32
      %dma_start3A_1360 = tpu.memref_slice %arg21[%dma_start3A_1358, %dma_start3A_1359] : memref<10240x128xbf16, #tpu.memory_space<vmem_shared>> -> memref<10240x128xbf16, #tpu.memory_space<vmem_shared>>
      tpu.enqueue_indirect_dma source(%arg14 : memref<128x128xbf16, #tpu.memory_space<vmem>>) target(%dma_start3A_1360 : memref<10240x128xbf16, #tpu.memory_space<vmem_shared>>) offsets(%dma_start3A_1357 : memref<128xi32, #tpu.memory_space<vmem>>) semaphore(%arg27 : memref<!tpu.dma_semaphore, #tpu.memory_space<semaphore_mem>>) {add = true}
      %dma_start3A_1361 = arith.constant 0 : i32
      %dma_start3A_1362 = arith.constant 0 : i32
      %dma_start3A_1363 = tpu.memref_slice %arg12[%dma_start3A_1361, %dma_start3A_1362] : memref<8x128xi32, #tpu.memory_space<vmem>> -> memref<1x128xi32, #tpu.memory_space<vmem>>
      %dma_start3A_1364 = tpu.memref_squeeze %dma_start3A_1363 : memref<1x128xi32, #tpu.memory_space<vmem>> -> memref<128xi32, #tpu.memory_space<vmem>>
      %dma_start3A_1365 = arith.constant 0 : i32
      %dma_start3A_1366 = arith.constant 0 : i32
      %dma_start3A_1367 = tpu.memref_slice %arg22[%dma_start3A_1365, %dma_start3A_1366] : memref<10240x16xf32, #tpu.memory_space<vmem_shared>> -> memref<10240x16xf32, #tpu.memory_space<vmem_shared>>
      tpu.enqueue_indirect_dma source(%arg18 : memref<128x16xf32, #tpu.memory_space<vmem>>) target(%dma_start3A_1367 : memref<10240x16xf32, #tpu.memory_space<vmem_shared>>) offsets(%dma_start3A_1364 : memref<128xi32, #tpu.memory_space<vmem>>) semaphore(%arg31 : memref<!tpu.dma_semaphore, #tpu.memory_space<semaphore_mem>>) {add = true}
      %dma_wait3A_1368 = arith.constant 0 : i32
      %dma_wait3A_1369 = arith.constant 0 : i32
      %dma_wait3A_1370 = tpu.memref_slice %arg12[%dma_wait3A_1368, %dma_wait3A_1369] : memref<8x128xi32, #tpu.memory_space<vmem>> -> memref<1x128xi32, #tpu.memory_space<vmem>>
      %dma_wait3A_1371 = tpu.memref_squeeze %dma_wait3A_1370 : memref<1x128xi32, #tpu.memory_space<vmem>> -> memref<128xi32, #tpu.memory_space<vmem>>
      %dma_wait3A_1372 = arith.constant 0 : i32
      %dma_wait3A_1373 = arith.constant 0 : i32
      %dma_wait3A_1374 = tpu.memref_slice %arg21[%dma_wait3A_1372, %dma_wait3A_1373] : memref<10240x128xbf16, #tpu.memory_space<vmem_shared>> -> memref<10240x128xbf16, #tpu.memory_space<vmem_shared>>
      tpu.wait_indirect_dma semaphore(%arg27 : memref<!tpu.dma_semaphore, #tpu.memory_space<semaphore_mem>>) src(%arg14 : memref<128x128xbf16, #tpu.memory_space<vmem>>) dst(%dma_wait3A_1374 : memref<10240x128xbf16, #tpu.memory_space<vmem_shared>>)
      %dma_start3A_1375 = arith.constant 4 : i32
      %dma_start3A_1376 = arith.constant 0 : i32
      %dma_start3A_1377 = tpu.memref_slice %arg10[%dma_start3A_1375, %dma_start3A_1376] : memref<8x128xi32, #tpu.memory_space<vmem>> -> memref<1x128xi32, #tpu.memory_space<vmem>>
      %dma_start3A_1378 = tpu.memref_squeeze %dma_start3A_1377 : memref<1x128xi32, #tpu.memory_space<vmem>> -> memref<128xi32, #tpu.memory_space<vmem>>
      %dma_start3A_1379 = arith.constant 0 : i32
      %dma_start3A_1380 = arith.constant 0 : i32
      %dma_start3A_1381 = tpu.memref_slice %arg2[%dma_start3A_1379, %dma_start3A_1380] : memref<10000x128xbf16, #tpu.memory_space<hbm>> -> memref<10000x128xbf16, #tpu.memory_space<hbm>>
      tpu.enqueue_indirect_dma source(%dma_start3A_1381 : memref<10000x128xbf16, #tpu.memory_space<hbm>>) target(%arg14 : memref<128x128xbf16, #tpu.memory_space<vmem>>) offsets(%dma_start3A_1378 : memref<128xi32, #tpu.memory_space<vmem>>) semaphore(%arg23 : memref<!tpu.dma_semaphore, #tpu.memory_space<semaphore_mem>>)
      %dma_wait3A_1382 = arith.constant 1 : i32
      %dma_wait3A_1383 = arith.constant 0 : i32
      %dma_wait3A_1384 = tpu.memref_slice %arg10[%dma_wait3A_1382, %dma_wait3A_1383] : memref<8x128xi32, #tpu.memory_space<vmem>> -> memref<1x128xi32, #tpu.memory_space<vmem>>
      %dma_wait3A_1385 = tpu.memref_squeeze %dma_wait3A_1384 : memref<1x128xi32, #tpu.memory_space<vmem>> -> memref<128xi32, #tpu.memory_space<vmem>>
      %dma_wait3A_1386 = arith.constant 0 : i32
      %dma_wait3A_1387 = arith.constant 0 : i32
      %dma_wait3A_1388 = tpu.memref_slice %arg2[%dma_wait3A_1386, %dma_wait3A_1387] : memref<10000x128xbf16, #tpu.memory_space<hbm>> -> memref<10000x128xbf16, #tpu.memory_space<hbm>>
      tpu.wait_indirect_dma semaphore(%arg24 : memref<!tpu.dma_semaphore, #tpu.memory_space<semaphore_mem>>) src(%dma_wait3A_1388 : memref<10000x128xbf16, #tpu.memory_space<hbm>>) dst(%arg15 : memref<128x128xbf16, #tpu.memory_space<vmem>>)
      %dma_start3A_1389 = arith.constant 1 : i32
      %dma_start3A_1390 = arith.constant 0 : i32
      %dma_start3A_1391 = tpu.memref_slice %arg12[%dma_start3A_1389, %dma_start3A_1390] : memref<8x128xi32, #tpu.memory_space<vmem>> -> memref<1x128xi32, #tpu.memory_space<vmem>>
      %dma_start3A_1392 = tpu.memref_squeeze %dma_start3A_1391 : memref<1x128xi32, #tpu.memory_space<vmem>> -> memref<128xi32, #tpu.memory_space<vmem>>
      %dma_start3A_1393 = arith.constant 0 : i32
      %dma_start3A_1394 = arith.constant 0 : i32
      %dma_start3A_1395 = tpu.memref_slice %arg21[%dma_start3A_1393, %dma_start3A_1394] : memref<10240x128xbf16, #tpu.memory_space<vmem_shared>> -> memref<10240x128xbf16, #tpu.memory_space<vmem_shared>>
      tpu.enqueue_indirect_dma source(%arg15 : memref<128x128xbf16, #tpu.memory_space<vmem>>) target(%dma_start3A_1395 : memref<10240x128xbf16, #tpu.memory_space<vmem_shared>>) offsets(%dma_start3A_1392 : memref<128xi32, #tpu.memory_space<vmem>>) semaphore(%arg28 : memref<!tpu.dma_semaphore, #tpu.memory_space<semaphore_mem>>) {add = true}
      %dma_start3A_1396 = arith.constant 1 : i32
      %dma_start3A_1397 = arith.constant 0 : i32
      %dma_start3A_1398 = tpu.memref_slice %arg12[%dma_start3A_1396, %dma_start3A_1397] : memref<8x128xi32, #tpu.memory_space<vmem>> -> memref<1x128xi32, #tpu.memory_space<vmem>>
      %dma_start3A_1399 = tpu.memref_squeeze %dma_start3A_1398 : memref<1x128xi32, #tpu.memory_space<vmem>> -> memref<128xi32, #tpu.memory_space<vmem>>
      %dma_start3A_1400 = arith.constant 0 : i32
      %dma_start3A_1401 = arith.constant 0 : i32
      %dma_start3A_1402 = tpu.memref_slice %arg22[%dma_start3A_1400, %dma_start3A_1401] : memref<10240x16xf32, #tpu.memory_space<vmem_shared>> -> memref<10240x16xf32, #tpu.memory_space<vmem_shared>>
      tpu.enqueue_indirect_dma source(%arg18 : memref<128x16xf32, #tpu.memory_space<vmem>>) target(%dma_start3A_1402 : memref<10240x16xf32, #tpu.memory_space<vmem_shared>>) offsets(%dma_start3A_1399 : memref<128xi32, #tpu.memory_space<vmem>>) semaphore(%arg31 : memref<!tpu.dma_semaphore, #tpu.memory_space<semaphore_mem>>) {add = true}
      %dma_wait3A_1403 = arith.constant 1 : i32
      %dma_wait3A_1404 = arith.constant 0 : i32
      %dma_wait3A_1405 = tpu.memref_slice %arg12[%dma_wait3A_1403, %dma_wait3A_1404] : memref<8x128xi32, #tpu.memory_space<vmem>> -> memref<1x128xi32, #tpu.memory_space<vmem>>
      %dma_wait3A_1406 = tpu.memref_squeeze %dma_wait3A_1405 : memref<1x128xi32, #tpu.memory_space<vmem>> -> memref<128xi32, #tpu.memory_space<vmem>>
      %dma_wait3A_1407 = arith.constant 0 : i32
      %dma_wait3A_1408 = arith.constant 0 : i32
      %dma_wait3A_1409 = tpu.memref_slice %arg21[%dma_wait3A_1407, %dma_wait3A_1408] : memref<10240x128xbf16, #tpu.memory_space<vmem_shared>> -> memref<10240x128xbf16, #tpu.memory_space<vmem_shared>>
      tpu.wait_indirect_dma semaphore(%arg28 : memref<!tpu.dma_semaphore, #tpu.memory_space<semaphore_mem>>) src(%arg15 : memref<128x128xbf16, #tpu.memory_space<vmem>>) dst(%dma_wait3A_1409 : memref<10240x128xbf16, #tpu.memory_space<vmem_shared>>)
      %dma_start3A_1410 = arith.constant 5 : i32
      %dma_start3A_1411 = arith.constant 0 : i32
      %dma_start3A_1412 = tpu.memref_slice %arg10[%dma_start3A_1410, %dma_start3A_1411] : memref<8x128xi32, #tpu.memory_space<vmem>> -> memref<1x128xi32, #tpu.memory_space<vmem>>
      %dma_start3A_1413 = tpu.memref_squeeze %dma_start3A_1412 : memref<1x128xi32, #tpu.memory_space<vmem>> -> memref<128xi32, #tpu.memory_space<vmem>>
      %dma_start3A_1414 = arith.constant 0 : i32
      %dma_start3A_1415 = arith.constant 0 : i32
      %dma_start3A_1416 = tpu.memref_slice %arg2[%dma_start3A_1414, %dma_start3A_1415] : memref<10000x128xbf16, #tpu.memory_space<hbm>> -> memref<10000x128xbf16, #tpu.memory_space<hbm>>
      tpu.enqueue_indirect_dma source(%dma_start3A_1416 : memref<10000x128xbf16, #tpu.memory_space<hbm>>) target(%arg15 : memref<128x128xbf16, #tpu.memory_space<vmem>>) offsets(%dma_start3A_1413 : memref<128xi32, #tpu.memory_space<vmem>>) semaphore(%arg24 : memref<!tpu.dma_semaphore, #tpu.memory_space<semaphore_mem>>)
      %dma_wait3A_1417 = arith.constant 2 : i32
      %dma_wait3A_1418 = arith.constant 0 : i32
      %dma_wait3A_1419 = tpu.memref_slice %arg10[%dma_wait3A_1417, %dma_wait3A_1418] : memref<8x128xi32, #tpu.memory_space<vmem>> -> memref<1x128xi32, #tpu.memory_space<vmem>>
      %dma_wait3A_1420 = tpu.memref_squeeze %dma_wait3A_1419 : memref<1x128xi32, #tpu.memory_space<vmem>> -> memref<128xi32, #tpu.memory_space<vmem>>
      %dma_wait3A_1421 = arith.constant 0 : i32
      %dma_wait3A_1422 = arith.constant 0 : i32
      %dma_wait3A_1423 = tpu.memref_slice %arg2[%dma_wait3A_1421, %dma_wait3A_1422] : memref<10000x128xbf16, #tpu.memory_space<hbm>> -> memref<10000x128xbf16, #tpu.memory_space<hbm>>
      tpu.wait_indirect_dma semaphore(%arg25 : memref<!tpu.dma_semaphore, #tpu.memory_space<semaphore_mem>>) src(%dma_wait3A_1423 : memref<10000x128xbf16, #tpu.memory_space<hbm>>) dst(%arg16 : memref<128x128xbf16, #tpu.memory_space<vmem>>)
      %dma_start3A_1424 = arith.constant 2 : i32
      %dma_start3A_1425 = arith.constant 0 : i32
      %dma_start3A_1426 = tpu.memref_slice %arg12[%dma_start3A_1424, %dma_start3A_1425] : memref<8x128xi32, #tpu.memory_space<vmem>> -> memref<1x128xi32, #tpu.memory_space<vmem>>
      %dma_start3A_1427 = tpu.memref_squeeze %dma_start3A_1426 : memref<1x128xi32, #tpu.memory_space<vmem>> -> memref<128xi32, #tpu.memory_space<vmem>>
      %dma_start3A_1428 = arith.constant 0 : i32
      %dma_start3A_1429 = arith.constant 0 : i32
      %dma_start3A_1430 = tpu.memref_slice %arg21[%dma_start3A_1428, %dma_start3A_1429] : memref<10240x128xbf16, #tpu.memory_space<vmem_shared>> -> memref<10240x128xbf16, #tpu.memory_space<vmem_shared>>
      tpu.enqueue_indirect_dma source(%arg16 : memref<128x128xbf16, #tpu.memory_space<vmem>>) target(%dma_start3A_1430 : memref<10240x128xbf16, #tpu.memory_space<vmem_shared>>) offsets(%dma_start3A_1427 : memref<128xi32, #tpu.memory_space<vmem>>) semaphore(%arg29 : memref<!tpu.dma_semaphore, #tpu.memory_space<semaphore_mem>>) {add = true}
      %dma_start3A_1431 = arith.constant 2 : i32
      %dma_start3A_1432 = arith.constant 0 : i32
      %dma_start3A_1433 = tpu.memref_slice %arg12[%dma_start3A_1431, %dma_start3A_1432] : memref<8x128xi32, #tpu.memory_space<vmem>> -> memref<1x128xi32, #tpu.memory_space<vmem>>
      %dma_start3A_1434 = tpu.memref_squeeze %dma_start3A_1433 : memref<1x128xi32, #tpu.memory_space<vmem>> -> memref<128xi32, #tpu.memory_space<vmem>>
      %dma_start3A_1435 = arith.constant 0 : i32
      %dma_start3A_1436 = arith.constant 0 : i32
      %dma_start3A_1437 = tpu.memref_slice %arg22[%dma_start3A_1435, %dma_start3A_1436] : memref<10240x16xf32, #tpu.memory_space<vmem_shared>> -> memref<10240x16xf32, #tpu.memory_space<vmem_shared>>
      tpu.enqueue_indirect_dma source(%arg18 : memref<128x16xf32, #tpu.memory_space<vmem>>) target(%dma_start3A_1437 : memref<10240x16xf32, #tpu.memory_space<vmem_shared>>) offsets(%dma_start3A_1434 : memref<128xi32, #tpu.memory_space<vmem>>) semaphore(%arg31 : memref<!tpu.dma_semaphore, #tpu.memory_space<semaphore_mem>>) {add = true}
      %dma_wait3A_1438 = arith.constant 2 : i32
      %dma_wait3A_1439 = arith.constant 0 : i32
      %dma_wait3A_1440 = tpu.memref_slice %arg12[%dma_wait3A_1438, %dma_wait3A_1439] : memref<8x128xi32, #tpu.memory_space<vmem>> -> memref<1x128xi32, #tpu.memory_space<vmem>>
      %dma_wait3A_1441 = tpu.memref_squeeze %dma_wait3A_1440 : memref<1x128xi32, #tpu.memory_space<vmem>> -> memref<128xi32, #tpu.memory_space<vmem>>
      %dma_wait3A_1442 = arith.constant 0 : i32
      %dma_wait3A_1443 = arith.constant 0 : i32
      %dma_wait3A_1444 = tpu.memref_slice %arg21[%dma_wait3A_1442, %dma_wait3A_1443] : memref<10240x128xbf16, #tpu.memory_space<vmem_shared>> -> memref<10240x128xbf16, #tpu.memory_space<vmem_shared>>
      tpu.wait_indirect_dma semaphore(%arg29 : memref<!tpu.dma_semaphore, #tpu.memory_space<semaphore_mem>>) src(%arg16 : memref<128x128xbf16, #tpu.memory_space<vmem>>) dst(%dma_wait3A_1444 : memref<10240x128xbf16, #tpu.memory_space<vmem_shared>>)
      %dma_start3A_1445 = arith.constant 6 : i32
      %dma_start3A_1446 = arith.constant 0 : i32
      %dma_start3A_1447 = tpu.memref_slice %arg10[%dma_start3A_1445, %dma_start3A_1446] : memref<8x128xi32, #tpu.memory_space<vmem>> -> memref<1x128xi32, #tpu.memory_space<vmem>>
      %dma_start3A_1448 = tpu.memref_squeeze %dma_start3A_1447 : memref<1x128xi32, #tpu.memory_space<vmem>> -> memref<128xi32, #tpu.memory_space<vmem>>
      %dma_start3A_1449 = arith.constant 0 : i32
      %dma_start3A_1450 = arith.constant 0 : i32
      %dma_start3A_1451 = tpu.memref_slice %arg2[%dma_start3A_1449, %dma_start3A_1450] : memref<10000x128xbf16, #tpu.memory_space<hbm>> -> memref<10000x128xbf16, #tpu.memory_space<hbm>>
      tpu.enqueue_indirect_dma source(%dma_start3A_1451 : memref<10000x128xbf16, #tpu.memory_space<hbm>>) target(%arg16 : memref<128x128xbf16, #tpu.memory_space<vmem>>) offsets(%dma_start3A_1448 : memref<128xi32, #tpu.memory_space<vmem>>) semaphore(%arg25 : memref<!tpu.dma_semaphore, #tpu.memory_space<semaphore_mem>>)
      %dma_wait3A_1452 = arith.constant 3 : i32
      %dma_wait3A_1453 = arith.constant 0 : i32
      %dma_wait3A_1454 = tpu.memref_slice %arg10[%dma_wait3A_1452, %dma_wait3A_1453] : memref<8x128xi32, #tpu.memory_space<vmem>> -> memref<1x128xi32, #tpu.memory_space<vmem>>
      %dma_wait3A_1455 = tpu.memref_squeeze %dma_wait3A_1454 : memref<1x128xi32, #tpu.memory_space<vmem>> -> memref<128xi32, #tpu.memory_space<vmem>>
      %dma_wait3A_1456 = arith.constant 0 : i32
      %dma_wait3A_1457 = arith.constant 0 : i32
      %dma_wait3A_1458 = tpu.memref_slice %arg2[%dma_wait3A_1456, %dma_wait3A_1457] : memref<10000x128xbf16, #tpu.memory_space<hbm>> -> memref<10000x128xbf16, #tpu.memory_space<hbm>>
      tpu.wait_indirect_dma semaphore(%arg26 : memref<!tpu.dma_semaphore, #tpu.memory_space<semaphore_mem>>) src(%dma_wait3A_1458 : memref<10000x128xbf16, #tpu.memory_space<hbm>>) dst(%arg17 : memref<128x128xbf16, #tpu.memory_space<vmem>>)
      %dma_start3A_1459 = arith.constant 3 : i32
      %dma_start3A_1460 = arith.constant 0 : i32
      %dma_start3A_1461 = tpu.memref_slice %arg12[%dma_start3A_1459, %dma_start3A_1460] : memref<8x128xi32, #tpu.memory_space<vmem>> -> memref<1x128xi32, #tpu.memory_space<vmem>>
      %dma_start3A_1462 = tpu.memref_squeeze %dma_start3A_1461 : memref<1x128xi32, #tpu.memory_space<vmem>> -> memref<128xi32, #tpu.memory_space<vmem>>
      %dma_start3A_1463 = arith.constant 0 : i32
      %dma_start3A_1464 = arith.constant 0 : i32
      %dma_start3A_1465 = tpu.memref_slice %arg21[%dma_start3A_1463, %dma_start3A_1464] : memref<10240x128xbf16, #tpu.memory_space<vmem_shared>> -> memref<10240x128xbf16, #tpu.memory_space<vmem_shared>>
      tpu.enqueue_indirect_dma source(%arg17 : memref<128x128xbf16, #tpu.memory_space<vmem>>) target(%dma_start3A_1465 : memref<10240x128xbf16, #tpu.memory_space<vmem_shared>>) offsets(%dma_start3A_1462 : memref<128xi32, #tpu.memory_space<vmem>>) semaphore(%arg30 : memref<!tpu.dma_semaphore, #tpu.memory_space<semaphore_mem>>) {add = true}
      %dma_start3A_1466 = arith.constant 3 : i32
      %dma_start3A_1467 = arith.constant 0 : i32
      %dma_start3A_1468 = tpu.memref_slice %arg12[%dma_start3A_1466, %dma_start3A_1467] : memref<8x128xi32, #tpu.memory_space<vmem>> -> memref<1x128xi32, #tpu.memory_space<vmem>>
      %dma_start3A_1469 = tpu.memref_squeeze %dma_start3A_1468 : memref<1x128xi32, #tpu.memory_space<vmem>> -> memref<128xi32, #tpu.memory_space<vmem>>
      %dma_start3A_1470 = arith.constant 0 : i32
      %dma_start3A_1471 = arith.constant 0 : i32
      %dma_start3A_1472 = tpu.memref_slice %arg22[%dma_start3A_1470, %dma_start3A_1471] : memref<10240x16xf32, #tpu.memory_space<vmem_shared>> -> memref<10240x16xf32, #tpu.memory_space<vmem_shared>>
      tpu.enqueue_indirect_dma source(%arg18 : memref<128x16xf32, #tpu.memory_space<vmem>>) target(%dma_start3A_1472 : memref<10240x16xf32, #tpu.memory_space<vmem_shared>>) offsets(%dma_start3A_1469 : memref<128xi32, #tpu.memory_space<vmem>>) semaphore(%arg31 : memref<!tpu.dma_semaphore, #tpu.memory_space<semaphore_mem>>) {add = true}
      %dma_wait3A_1473 = arith.constant 3 : i32
      %dma_wait3A_1474 = arith.constant 0 : i32
      %dma_wait3A_1475 = tpu.memref_slice %arg12[%dma_wait3A_1473, %dma_wait3A_1474] : memref<8x128xi32, #tpu.memory_space<vmem>> -> memref<1x128xi32, #tpu.memory_space<vmem>>
      %dma_wait3A_1476 = tpu.memref_squeeze %dma_wait3A_1475 : memref<1x128xi32, #tpu.memory_space<vmem>> -> memref<128xi32, #tpu.memory_space<vmem>>
      %dma_wait3A_1477 = arith.constant 0 : i32
      %dma_wait3A_1478 = arith.constant 0 : i32
      %dma_wait3A_1479 = tpu.memref_slice %arg21[%dma_wait3A_1477, %dma_wait3A_1478] : memref<10240x128xbf16, #tpu.memory_space<vmem_shared>> -> memref<10240x128xbf16, #tpu.memory_space<vmem_shared>>
      tpu.wait_indirect_dma semaphore(%arg30 : memref<!tpu.dma_semaphore, #tpu.memory_space<semaphore_mem>>) src(%arg17 : memref<128x128xbf16, #tpu.memory_space<vmem>>) dst(%dma_wait3A_1479 : memref<10240x128xbf16, #tpu.memory_space<vmem_shared>>)
      %dma_start3A_1480 = arith.constant 7 : i32
      %dma_start3A_1481 = arith.constant 0 : i32
      %dma_start3A_1482 = tpu.memref_slice %arg10[%dma_start3A_1480, %dma_start3A_1481] : memref<8x128xi32, #tpu.memory_space<vmem>> -> memref<1x128xi32, #tpu.memory_space<vmem>>
      %dma_start3A_1483 = tpu.memref_squeeze %dma_start3A_1482 : memref<1x128xi32, #tpu.memory_space<vmem>> -> memref<128xi32, #tpu.memory_space<vmem>>
      %dma_start3A_1484 = arith.constant 0 : i32
      %dma_start3A_1485 = arith.constant 0 : i32
      %dma_start3A_1486 = tpu.memref_slice %arg2[%dma_start3A_1484, %dma_start3A_1485] : memref<10000x128xbf16, #tpu.memory_space<hbm>> -> memref<10000x128xbf16, #tpu.memory_space<hbm>>
      tpu.enqueue_indirect_dma source(%dma_start3A_1486 : memref<10000x128xbf16, #tpu.memory_space<hbm>>) target(%arg17 : memref<128x128xbf16, #tpu.memory_space<vmem>>) offsets(%dma_start3A_1483 : memref<128xi32, #tpu.memory_space<vmem>>) semaphore(%arg26 : memref<!tpu.dma_semaphore, #tpu.memory_space<semaphore_mem>>)
      %dma_wait3A_1487 = arith.constant 4 : i32
      %dma_wait3A_1488 = arith.constant 0 : i32
      %dma_wait3A_1489 = tpu.memref_slice %arg10[%dma_wait3A_1487, %dma_wait3A_1488] : memref<8x128xi32, #tpu.memory_space<vmem>> -> memref<1x128xi32, #tpu.memory_space<vmem>>
      %dma_wait3A_1490 = tpu.memref_squeeze %dma_wait3A_1489 : memref<1x128xi32, #tpu.memory_space<vmem>> -> memref<128xi32, #tpu.memory_space<vmem>>
      %dma_wait3A_1491 = arith.constant 0 : i32
      %dma_wait3A_1492 = arith.constant 0 : i32
      %dma_wait3A_1493 = tpu.memref_slice %arg2[%dma_wait3A_1491, %dma_wait3A_1492] : memref<10000x128xbf16, #tpu.memory_space<hbm>> -> memref<10000x128xbf16, #tpu.memory_space<hbm>>
      tpu.wait_indirect_dma semaphore(%arg23 : memref<!tpu.dma_semaphore, #tpu.memory_space<semaphore_mem>>) src(%dma_wait3A_1493 : memref<10000x128xbf16, #tpu.memory_space<hbm>>) dst(%arg14 : memref<128x128xbf16, #tpu.memory_space<vmem>>)
      %dma_start3A_1494 = arith.constant 4 : i32
      %dma_start3A_1495 = arith.constant 0 : i32
      %dma_start3A_1496 = tpu.memref_slice %arg12[%dma_start3A_1494, %dma_start3A_1495] : memref<8x128xi32, #tpu.memory_space<vmem>> -> memref<1x128xi32, #tpu.memory_space<vmem>>
      %dma_start3A_1497 = tpu.memref_squeeze %dma_start3A_1496 : memref<1x128xi32, #tpu.memory_space<vmem>> -> memref<128xi32, #tpu.memory_space<vmem>>
      %dma_start3A_1498 = arith.constant 0 : i32
      %dma_start3A_1499 = arith.constant 0 : i32
      %dma_start3A_1500 = tpu.memref_slice %arg21[%dma_start3A_1498, %dma_start3A_1499] : memref<10240x128xbf16, #tpu.memory_space<vmem_shared>> -> memref<10240x128xbf16, #tpu.memory_space<vmem_shared>>
      tpu.enqueue_indirect_dma source(%arg14 : memref<128x128xbf16, #tpu.memory_space<vmem>>) target(%dma_start3A_1500 : memref<10240x128xbf16, #tpu.memory_space<vmem_shared>>) offsets(%dma_start3A_1497 : memref<128xi32, #tpu.memory_space<vmem>>) semaphore(%arg27 : memref<!tpu.dma_semaphore, #tpu.memory_space<semaphore_mem>>) {add = true}
      %dma_start3A_1501 = arith.constant 4 : i32
      %dma_start3A_1502 = arith.constant 0 : i32
      %dma_start3A_1503 = tpu.memref_slice %arg12[%dma_start3A_1501, %dma_start3A_1502] : memref<8x128xi32, #tpu.memory_space<vmem>> -> memref<1x128xi32, #tpu.memory_space<vmem>>
      %dma_start3A_1504 = tpu.memref_squeeze %dma_start3A_1503 : memref<1x128xi32, #tpu.memory_space<vmem>> -> memref<128xi32, #tpu.memory_space<vmem>>
      %dma_start3A_1505 = arith.constant 0 : i32
      %dma_start3A_1506 = arith.constant 0 : i32
      %dma_start3A_1507 = tpu.memref_slice %arg22[%dma_start3A_1505, %dma_start3A_1506] : memref<10240x16xf32, #tpu.memory_space<vmem_shared>> -> memref<10240x16xf32, #tpu.memory_space<vmem_shared>>
      tpu.enqueue_indirect_dma source(%arg18 : memref<128x16xf32, #tpu.memory_space<vmem>>) target(%dma_start3A_1507 : memref<10240x16xf32, #tpu.memory_space<vmem_shared>>) offsets(%dma_start3A_1504 : memref<128xi32, #tpu.memory_space<vmem>>) semaphore(%arg31 : memref<!tpu.dma_semaphore, #tpu.memory_space<semaphore_mem>>) {add = true}
      %dma_wait3A_1508 = arith.constant 5 : i32
      %dma_wait3A_1509 = arith.constant 0 : i32
      %dma_wait3A_1510 = tpu.memref_slice %arg10[%dma_wait3A_1508, %dma_wait3A_1509] : memref<8x128xi32, #tpu.memory_space<vmem>> -> memref<1x128xi32, #tpu.memory_space<vmem>>
      %dma_wait3A_1511 = tpu.memref_squeeze %dma_wait3A_1510 : memref<1x128xi32, #tpu.memory_space<vmem>> -> memref<128xi32, #tpu.memory_space<vmem>>
      %dma_wait3A_1512 = arith.constant 0 : i32
      %dma_wait3A_1513 = arith.constant 0 : i32
      %dma_wait3A_1514 = tpu.memref_slice %arg2[%dma_wait3A_1512, %dma_wait3A_1513] : memref<10000x128xbf16, #tpu.memory_space<hbm>> -> memref<10000x128xbf16, #tpu.memory_space<hbm>>
      tpu.wait_indirect_dma semaphore(%arg24 : memref<!tpu.dma_semaphore, #tpu.memory_space<semaphore_mem>>) src(%dma_wait3A_1514 : memref<10000x128xbf16, #tpu.memory_space<hbm>>) dst(%arg15 : memref<128x128xbf16, #tpu.memory_space<vmem>>)
      %dma_start3A_1515 = arith.constant 5 : i32
      %dma_start3A_1516 = arith.constant 0 : i32
      %dma_start3A_1517 = tpu.memref_slice %arg12[%dma_start3A_1515, %dma_start3A_1516] : memref<8x128xi32, #tpu.memory_space<vmem>> -> memref<1x128xi32, #tpu.memory_space<vmem>>
      %dma_start3A_1518 = tpu.memref_squeeze %dma_start3A_1517 : memref<1x128xi32, #tpu.memory_space<vmem>> -> memref<128xi32, #tpu.memory_space<vmem>>
      %dma_start3A_1519 = arith.constant 0 : i32
      %dma_start3A_1520 = arith.constant 0 : i32
      %dma_start3A_1521 = tpu.memref_slice %arg21[%dma_start3A_1519, %dma_start3A_1520] : memref<10240x128xbf16, #tpu.memory_space<vmem_shared>> -> memref<10240x128xbf16, #tpu.memory_space<vmem_shared>>
      tpu.enqueue_indirect_dma source(%arg15 : memref<128x128xbf16, #tpu.memory_space<vmem>>) target(%dma_start3A_1521 : memref<10240x128xbf16, #tpu.memory_space<vmem_shared>>) offsets(%dma_start3A_1518 : memref<128xi32, #tpu.memory_space<vmem>>) semaphore(%arg28 : memref<!tpu.dma_semaphore, #tpu.memory_space<semaphore_mem>>) {add = true}
      %dma_start3A_1522 = arith.constant 5 : i32
      %dma_start3A_1523 = arith.constant 0 : i32
      %dma_start3A_1524 = tpu.memref_slice %arg12[%dma_start3A_1522, %dma_start3A_1523] : memref<8x128xi32, #tpu.memory_space<vmem>> -> memref<1x128xi32, #tpu.memory_space<vmem>>
      %dma_start3A_1525 = tpu.memref_squeeze %dma_start3A_1524 : memref<1x128xi32, #tpu.memory_space<vmem>> -> memref<128xi32, #tpu.memory_space<vmem>>
      %dma_start3A_1526 = arith.constant 0 : i32
      %dma_start3A_1527 = arith.constant 0 : i32
      %dma_start3A_1528 = tpu.memref_slice %arg22[%dma_start3A_1526, %dma_start3A_1527] : memref<10240x16xf32, #tpu.memory_space<vmem_shared>> -> memref<10240x16xf32, #tpu.memory_space<vmem_shared>>
      tpu.enqueue_indirect_dma source(%arg18 : memref<128x16xf32, #tpu.memory_space<vmem>>) target(%dma_start3A_1528 : memref<10240x16xf32, #tpu.memory_space<vmem_shared>>) offsets(%dma_start3A_1525 : memref<128xi32, #tpu.memory_space<vmem>>) semaphore(%arg31 : memref<!tpu.dma_semaphore, #tpu.memory_space<semaphore_mem>>) {add = true}
      %dma_wait3A_1529 = arith.constant 6 : i32
      %dma_wait3A_1530 = arith.constant 0 : i32
      %dma_wait3A_1531 = tpu.memref_slice %arg10[%dma_wait3A_1529, %dma_wait3A_1530] : memref<8x128xi32, #tpu.memory_space<vmem>> -> memref<1x128xi32, #tpu.memory_space<vmem>>
      %dma_wait3A_1532 = tpu.memref_squeeze %dma_wait3A_1531 : memref<1x128xi32, #tpu.memory_space<vmem>> -> memref<128xi32, #tpu.memory_space<vmem>>
      %dma_wait3A_1533 = arith.constant 0 : i32
      %dma_wait3A_1534 = arith.constant 0 : i32
      %dma_wait3A_1535 = tpu.memref_slice %arg2[%dma_wait3A_1533, %dma_wait3A_1534] : memref<10000x128xbf16, #tpu.memory_space<hbm>> -> memref<10000x128xbf16, #tpu.memory_space<hbm>>
      tpu.wait_indirect_dma semaphore(%arg25 : memref<!tpu.dma_semaphore, #tpu.memory_space<semaphore_mem>>) src(%dma_wait3A_1535 : memref<10000x128xbf16, #tpu.memory_space<hbm>>) dst(%arg16 : memref<128x128xbf16, #tpu.memory_space<vmem>>)
      %dma_start3A_1536 = arith.constant 6 : i32
      %dma_start3A_1537 = arith.constant 0 : i32
      %dma_start3A_1538 = tpu.memref_slice %arg12[%dma_start3A_1536, %dma_start3A_1537] : memref<8x128xi32, #tpu.memory_space<vmem>> -> memref<1x128xi32, #tpu.memory_space<vmem>>
      %dma_start3A_1539 = tpu.memref_squeeze %dma_start3A_1538 : memref<1x128xi32, #tpu.memory_space<vmem>> -> memref<128xi32, #tpu.memory_space<vmem>>
      %dma_start3A_1540 = arith.constant 0 : i32
      %dma_start3A_1541 = arith.constant 0 : i32
      %dma_start3A_1542 = tpu.memref_slice %arg21[%dma_start3A_1540, %dma_start3A_1541] : memref<10240x128xbf16, #tpu.memory_space<vmem_shared>> -> memref<10240x128xbf16, #tpu.memory_space<vmem_shared>>
      tpu.enqueue_indirect_dma source(%arg16 : memref<128x128xbf16, #tpu.memory_space<vmem>>) target(%dma_start3A_1542 : memref<10240x128xbf16, #tpu.memory_space<vmem_shared>>) offsets(%dma_start3A_1539 : memref<128xi32, #tpu.memory_space<vmem>>) semaphore(%arg29 : memref<!tpu.dma_semaphore, #tpu.memory_space<semaphore_mem>>) {add = true}
      %dma_start3A_1543 = arith.constant 6 : i32
      %dma_start3A_1544 = arith.constant 0 : i32
      %dma_start3A_1545 = tpu.memref_slice %arg12[%dma_start3A_1543, %dma_start3A_1544] : memref<8x128xi32, #tpu.memory_space<vmem>> -> memref<1x128xi32, #tpu.memory_space<vmem>>
      %dma_start3A_1546 = tpu.memref_squeeze %dma_start3A_1545 : memref<1x128xi32, #tpu.memory_space<vmem>> -> memref<128xi32, #tpu.memory_space<vmem>>
      %dma_start3A_1547 = arith.constant 0 : i32
      %dma_start3A_1548 = arith.constant 0 : i32
      %dma_start3A_1549 = tpu.memref_slice %arg22[%dma_start3A_1547, %dma_start3A_1548] : memref<10240x16xf32, #tpu.memory_space<vmem_shared>> -> memref<10240x16xf32, #tpu.memory_space<vmem_shared>>
      tpu.enqueue_indirect_dma source(%arg18 : memref<128x16xf32, #tpu.memory_space<vmem>>) target(%dma_start3A_1549 : memref<10240x16xf32, #tpu.memory_space<vmem_shared>>) offsets(%dma_start3A_1546 : memref<128xi32, #tpu.memory_space<vmem>>) semaphore(%arg31 : memref<!tpu.dma_semaphore, #tpu.memory_space<semaphore_mem>>) {add = true}
      %dma_wait3A_1550 = arith.constant 7 : i32
      %dma_wait3A_1551 = arith.constant 0 : i32
      %dma_wait3A_1552 = tpu.memref_slice %arg10[%dma_wait3A_1550, %dma_wait3A_1551] : memref<8x128xi32, #tpu.memory_space<vmem>> -> memref<1x128xi32, #tpu.memory_space<vmem>>
      %dma_wait3A_1553 = tpu.memref_squeeze %dma_wait3A_1552 : memref<1x128xi32, #tpu.memory_space<vmem>> -> memref<128xi32, #tpu.memory_space<vmem>>
      %dma_wait3A_1554 = arith.constant 0 : i32
      %dma_wait3A_1555 = arith.constant 0 : i32
      %dma_wait3A_1556 = tpu.memref_slice %arg2[%dma_wait3A_1554, %dma_wait3A_1555] : memref<10000x128xbf16, #tpu.memory_space<hbm>> -> memref<10000x128xbf16, #tpu.memory_space<hbm>>
      tpu.wait_indirect_dma semaphore(%arg26 : memref<!tpu.dma_semaphore, #tpu.memory_space<semaphore_mem>>) src(%dma_wait3A_1556 : memref<10000x128xbf16, #tpu.memory_space<hbm>>) dst(%arg17 : memref<128x128xbf16, #tpu.memory_space<vmem>>)
      %dma_start3A_1557 = arith.constant 7 : i32
      %dma_start3A_1558 = arith.constant 0 : i32
      %dma_start3A_1559 = tpu.memref_slice %arg12[%dma_start3A_1557, %dma_start3A_1558] : memref<8x128xi32, #tpu.memory_space<vmem>> -> memref<1x128xi32, #tpu.memory_space<vmem>>
      %dma_start3A_1560 = tpu.memref_squeeze %dma_start3A_1559 : memref<1x128xi32, #tpu.memory_space<vmem>> -> memref<128xi32, #tpu.memory_space<vmem>>
      %dma_start3A_1561 = arith.constant 0 : i32
      %dma_start3A_1562 = arith.constant 0 : i32
      %dma_start3A_1563 = tpu.memref_slice %arg21[%dma_start3A_1561, %dma_start3A_1562] : memref<10240x128xbf16, #tpu.memory_space<vmem_shared>> -> memref<10240x128xbf16, #tpu.memory_space<vmem_shared>>
      tpu.enqueue_indirect_dma source(%arg17 : memref<128x128xbf16, #tpu.memory_space<vmem>>) target(%dma_start3A_1563 : memref<10240x128xbf16, #tpu.memory_space<vmem_shared>>) offsets(%dma_start3A_1560 : memref<128xi32, #tpu.memory_space<vmem>>) semaphore(%arg30 : memref<!tpu.dma_semaphore, #tpu.memory_space<semaphore_mem>>) {add = true}
      %dma_start3A_1564 = arith.constant 7 : i32
      %dma_start3A_1565 = arith.constant 0 : i32
      %dma_start3A_1566 = tpu.memref_slice %arg12[%dma_start3A_1564, %dma_start3A_1565] : memref<8x128xi32, #tpu.memory_space<vmem>> -> memref<1x128xi32, #tpu.memory_space<vmem>>
      %dma_start3A_1567 = tpu.memref_squeeze %dma_start3A_1566 : memref<1x128xi32, #tpu.memory_space<vmem>> -> memref<128xi32, #tpu.memory_space<vmem>>
      %dma_start3A_1568 = arith.constant 0 : i32
      %dma_start3A_1569 = arith.constant 0 : i32
      %dma_start3A_1570 = tpu.memref_slice %arg22[%dma_start3A_1568, %dma_start3A_1569] : memref<10240x16xf32, #tpu.memory_space<vmem_shared>> -> memref<10240x16xf32, #tpu.memory_space<vmem_shared>>
      tpu.enqueue_indirect_dma source(%arg18 : memref<128x16xf32, #tpu.memory_space<vmem>>) target(%dma_start3A_1570 : memref<10240x16xf32, #tpu.memory_space<vmem_shared>>) offsets(%dma_start3A_1567 : memref<128xi32, #tpu.memory_space<vmem>>) semaphore(%arg31 : memref<!tpu.dma_semaphore, #tpu.memory_space<semaphore_mem>>) {add = true}
      %dma_wait3A_1571 = arith.constant 4 : i32
      %dma_wait3A_1572 = arith.constant 0 : i32
      %dma_wait3A_1573 = tpu.memref_slice %arg12[%dma_wait3A_1571, %dma_wait3A_1572] : memref<8x128xi32, #tpu.memory_space<vmem>> -> memref<1x128xi32, #tpu.memory_space<vmem>>
      %dma_wait3A_1574 = tpu.memref_squeeze %dma_wait3A_1573 : memref<1x128xi32, #tpu.memory_space<vmem>> -> memref<128xi32, #tpu.memory_space<vmem>>
      %dma_wait3A_1575 = arith.constant 0 : i32
      %dma_wait3A_1576 = arith.constant 0 : i32
      %dma_wait3A_1577 = tpu.memref_slice %arg21[%dma_wait3A_1575, %dma_wait3A_1576] : memref<10240x128xbf16, #tpu.memory_space<vmem_shared>> -> memref<10240x128xbf16, #tpu.memory_space<vmem_shared>>
      tpu.wait_indirect_dma semaphore(%arg27 : memref<!tpu.dma_semaphore, #tpu.memory_space<semaphore_mem>>) src(%arg14 : memref<128x128xbf16, #tpu.memory_space<vmem>>) dst(%dma_wait3A_1577 : memref<10240x128xbf16, #tpu.memory_space<vmem_shared>>)
      %dma_wait3A_1578 = arith.constant 5 : i32
      %dma_wait3A_1579 = arith.constant 0 : i32
      %dma_wait3A_1580 = tpu.memref_slice %arg12[%dma_wait3A_1578, %dma_wait3A_1579] : memref<8x128xi32, #tpu.memory_space<vmem>> -> memref<1x128xi32, #tpu.memory_space<vmem>>
      %dma_wait3A_1581 = tpu.memref_squeeze %dma_wait3A_1580 : memref<1x128xi32, #tpu.memory_space<vmem>> -> memref<128xi32, #tpu.memory_space<vmem>>
      %dma_wait3A_1582 = arith.constant 0 : i32
      %dma_wait3A_1583 = arith.constant 0 : i32
      %dma_wait3A_1584 = tpu.memref_slice %arg21[%dma_wait3A_1582, %dma_wait3A_1583] : memref<10240x128xbf16, #tpu.memory_space<vmem_shared>> -> memref<10240x128xbf16, #tpu.memory_space<vmem_shared>>
      tpu.wait_indirect_dma semaphore(%arg28 : memref<!tpu.dma_semaphore, #tpu.memory_space<semaphore_mem>>) src(%arg15 : memref<128x128xbf16, #tpu.memory_space<vmem>>) dst(%dma_wait3A_1584 : memref<10240x128xbf16, #tpu.memory_space<vmem_shared>>)
      %dma_wait3A_1585 = arith.constant 6 : i32
      %dma_wait3A_1586 = arith.constant 0 : i32
      %dma_wait3A_1587 = tpu.memref_slice %arg12[%dma_wait3A_1585, %dma_wait3A_1586] : memref<8x128xi32, #tpu.memory_space<vmem>> -> memref<1x128xi32, #tpu.memory_space<vmem>>
      %dma_wait3A_1588 = tpu.memref_squeeze %dma_wait3A_1587 : memref<1x128xi32, #tpu.memory_space<vmem>> -> memref<128xi32, #tpu.memory_space<vmem>>
      %dma_wait3A_1589 = arith.constant 0 : i32
      %dma_wait3A_1590 = arith.constant 0 : i32
      %dma_wait3A_1591 = tpu.memref_slice %arg21[%dma_wait3A_1589, %dma_wait3A_1590] : memref<10240x128xbf16, #tpu.memory_space<vmem_shared>> -> memref<10240x128xbf16, #tpu.memory_space<vmem_shared>>
      tpu.wait_indirect_dma semaphore(%arg29 : memref<!tpu.dma_semaphore, #tpu.memory_space<semaphore_mem>>) src(%arg16 : memref<128x128xbf16, #tpu.memory_space<vmem>>) dst(%dma_wait3A_1591 : memref<10240x128xbf16, #tpu.memory_space<vmem_shared>>)
      %dma_wait3A_1592 = arith.constant 7 : i32
      %dma_wait3A_1593 = arith.constant 0 : i32
      %dma_wait3A_1594 = tpu.memref_slice %arg12[%dma_wait3A_1592, %dma_wait3A_1593] : memref<8x128xi32, #tpu.memory_space<vmem>> -> memref<1x128xi32, #tpu.memory_space<vmem>>
      %dma_wait3A_1595 = tpu.memref_squeeze %dma_wait3A_1594 : memref<1x128xi32, #tpu.memory_space<vmem>> -> memref<128xi32, #tpu.memory_space<vmem>>
      %dma_wait3A_1596 = arith.constant 0 : i32
      %dma_wait3A_1597 = arith.constant 0 : i32
      %dma_wait3A_1598 = tpu.memref_slice %arg21[%dma_wait3A_1596, %dma_wait3A_1597] : memref<10240x128xbf16, #tpu.memory_space<vmem_shared>> -> memref<10240x128xbf16, #tpu.memory_space<vmem_shared>>
      tpu.wait_indirect_dma semaphore(%arg30 : memref<!tpu.dma_semaphore, #tpu.memory_space<semaphore_mem>>) src(%arg17 : memref<128x128xbf16, #tpu.memory_space<vmem>>) dst(%dma_wait3A_1598 : memref<10240x128xbf16, #tpu.memory_space<vmem_shared>>)
      %dma_wait3A_1599 = arith.constant 0 : i32
      %dma_wait3A_1600 = arith.constant 0 : i32
      %dma_wait3A_1601 = tpu.memref_slice %arg12[%dma_wait3A_1599, %dma_wait3A_1600] : memref<8x128xi32, #tpu.memory_space<vmem>> -> memref<1x128xi32, #tpu.memory_space<vmem>>
      %dma_wait3A_1602 = tpu.memref_squeeze %dma_wait3A_1601 : memref<1x128xi32, #tpu.memory_space<vmem>> -> memref<128xi32, #tpu.memory_space<vmem>>
      %dma_wait3A_1603 = arith.constant 0 : i32
      %dma_wait3A_1604 = arith.constant 0 : i32
      %dma_wait3A_1605 = tpu.memref_slice %arg22[%dma_wait3A_1603, %dma_wait3A_1604] : memref<10240x16xf32, #tpu.memory_space<vmem_shared>> -> memref<10240x16xf32, #tpu.memory_space<vmem_shared>>
      tpu.wait_indirect_dma semaphore(%arg31 : memref<!tpu.dma_semaphore, #tpu.memory_space<semaphore_mem>>) src(%arg18 : memref<128x16xf32, #tpu.memory_space<vmem>>) dst(%dma_wait3A_1605 : memref<10240x16xf32, #tpu.memory_space<vmem_shared>>)
      %dma_wait3A_1606 = arith.constant 1 : i32
      %dma_wait3A_1607 = arith.constant 0 : i32
      %dma_wait3A_1608 = tpu.memref_slice %arg12[%dma_wait3A_1606, %dma_wait3A_1607] : memref<8x128xi32, #tpu.memory_space<vmem>> -> memref<1x128xi32, #tpu.memory_space<vmem>>
      %dma_wait3A_1609 = tpu.memref_squeeze %dma_wait3A_1608 : memref<1x128xi32, #tpu.memory_space<vmem>> -> memref<128xi32, #tpu.memory_space<vmem>>
      %dma_wait3A_1610 = arith.constant 0 : i32
      %dma_wait3A_1611 = arith.constant 0 : i32
      %dma_wait3A_1612 = tpu.memref_slice %arg22[%dma_wait3A_1610, %dma_wait3A_1611] : memref<10240x16xf32, #tpu.memory_space<vmem_shared>> -> memref<10240x16xf32, #tpu.memory_space<vmem_shared>>
      tpu.wait_indirect_dma semaphore(%arg31 : memref<!tpu.dma_semaphore, #tpu.memory_space<semaphore_mem>>) src(%arg18 : memref<128x16xf32, #tpu.memory_space<vmem>>) dst(%dma_wait3A_1612 : memref<10240x16xf32, #tpu.memory_space<vmem_shared>>)
      %dma_wait3A_1613 = arith.constant 2 : i32
      %dma_wait3A_1614 = arith.constant 0 : i32
      %dma_wait3A_1615 = tpu.memref_slice %arg12[%dma_wait3A_1613, %dma_wait3A_1614] : memref<8x128xi32, #tpu.memory_space<vmem>> -> memref<1x128xi32, #tpu.memory_space<vmem>>
      %dma_wait3A_1616 = tpu.memref_squeeze %dma_wait3A_1615 : memref<1x128xi32, #tpu.memory_space<vmem>> -> memref<128xi32, #tpu.memory_space<vmem>>
      %dma_wait3A_1617 = arith.constant 0 : i32
      %dma_wait3A_1618 = arith.constant 0 : i32
      %dma_wait3A_1619 = tpu.memref_slice %arg22[%dma_wait3A_1617, %dma_wait3A_1618] : memref<10240x16xf32, #tpu.memory_space<vmem_shared>> -> memref<10240x16xf32, #tpu.memory_space<vmem_shared>>
      tpu.wait_indirect_dma semaphore(%arg31 : memref<!tpu.dma_semaphore, #tpu.memory_space<semaphore_mem>>) src(%arg18 : memref<128x16xf32, #tpu.memory_space<vmem>>) dst(%dma_wait3A_1619 : memref<10240x16xf32, #tpu.memory_space<vmem_shared>>)
      %dma_wait3A_1620 = arith.constant 3 : i32
      %dma_wait3A_1621 = arith.constant 0 : i32
      %dma_wait3A_1622 = tpu.memref_slice %arg12[%dma_wait3A_1620, %dma_wait3A_1621] : memref<8x128xi32, #tpu.memory_space<vmem>> -> memref<1x128xi32, #tpu.memory_space<vmem>>
      %dma_wait3A_1623 = tpu.memref_squeeze %dma_wait3A_1622 : memref<1x128xi32, #tpu.memory_space<vmem>> -> memref<128xi32, #tpu.memory_space<vmem>>
      %dma_wait3A_1624 = arith.constant 0 : i32
      %dma_wait3A_1625 = arith.constant 0 : i32
      %dma_wait3A_1626 = tpu.memref_slice %arg22[%dma_wait3A_1624, %dma_wait3A_1625] : memref<10240x16xf32, #tpu.memory_space<vmem_shared>> -> memref<10240x16xf32, #tpu.memory_space<vmem_shared>>
      tpu.wait_indirect_dma semaphore(%arg31 : memref<!tpu.dma_semaphore, #tpu.memory_space<semaphore_mem>>) src(%arg18 : memref<128x16xf32, #tpu.memory_space<vmem>>) dst(%dma_wait3A_1626 : memref<10240x16xf32, #tpu.memory_space<vmem_shared>>)
      %dma_wait3A_1627 = arith.constant 4 : i32
      %dma_wait3A_1628 = arith.constant 0 : i32
      %dma_wait3A_1629 = tpu.memref_slice %arg12[%dma_wait3A_1627, %dma_wait3A_1628] : memref<8x128xi32, #tpu.memory_space<vmem>> -> memref<1x128xi32, #tpu.memory_space<vmem>>
      %dma_wait3A_1630 = tpu.memref_squeeze %dma_wait3A_1629 : memref<1x128xi32, #tpu.memory_space<vmem>> -> memref<128xi32, #tpu.memory_space<vmem>>
      %dma_wait3A_1631 = arith.constant 0 : i32
      %dma_wait3A_1632 = arith.constant 0 : i32
      %dma_wait3A_1633 = tpu.memref_slice %arg22[%dma_wait3A_1631, %dma_wait3A_1632] : memref<10240x16xf32, #tpu.memory_space<vmem_shared>> -> memref<10240x16xf32, #tpu.memory_space<vmem_shared>>
      tpu.wait_indirect_dma semaphore(%arg31 : memref<!tpu.dma_semaphore, #tpu.memory_space<semaphore_mem>>) src(%arg18 : memref<128x16xf32, #tpu.memory_space<vmem>>) dst(%dma_wait3A_1633 : memref<10240x16xf32, #tpu.memory_space<vmem_shared>>)
      %dma_wait3A_1634 = arith.constant 5 : i32
      %dma_wait3A_1635 = arith.constant 0 : i32
      %dma_wait3A_1636 = tpu.memref_slice %arg12[%dma_wait3A_1634, %dma_wait3A_1635] : memref<8x128xi32, #tpu.memory_space<vmem>> -> memref<1x128xi32, #tpu.memory_space<vmem>>
      %dma_wait3A_1637 = tpu.memref_squeeze %dma_wait3A_1636 : memref<1x128xi32, #tpu.memory_space<vmem>> -> memref<128xi32, #tpu.memory_space<vmem>>
      %dma_wait3A_1638 = arith.constant 0 : i32
      %dma_wait3A_1639 = arith.constant 0 : i32
      %dma_wait3A_1640 = tpu.memref_slice %arg22[%dma_wait3A_1638, %dma_wait3A_1639] : memref<10240x16xf32, #tpu.memory_space<vmem_shared>> -> memref<10240x16xf32, #tpu.memory_space<vmem_shared>>
      tpu.wait_indirect_dma semaphore(%arg31 : memref<!tpu.dma_semaphore, #tpu.memory_space<semaphore_mem>>) src(%arg18 : memref<128x16xf32, #tpu.memory_space<vmem>>) dst(%dma_wait3A_1640 : memref<10240x16xf32, #tpu.memory_space<vmem_shared>>)
      %dma_wait3A_1641 = arith.constant 6 : i32
      %dma_wait3A_1642 = arith.constant 0 : i32
      %dma_wait3A_1643 = tpu.memref_slice %arg12[%dma_wait3A_1641, %dma_wait3A_1642] : memref<8x128xi32, #tpu.memory_space<vmem>> -> memref<1x128xi32, #tpu.memory_space<vmem>>
      %dma_wait3A_1644 = tpu.memref_squeeze %dma_wait3A_1643 : memref<1x128xi32, #tpu.memory_space<vmem>> -> memref<128xi32, #tpu.memory_space<vmem>>
      %dma_wait3A_1645 = arith.constant 0 : i32
      %dma_wait3A_1646 = arith.constant 0 : i32
      %dma_wait3A_1647 = tpu.memref_slice %arg22[%dma_wait3A_1645, %dma_wait3A_1646] : memref<10240x16xf32, #tpu.memory_space<vmem_shared>> -> memref<10240x16xf32, #tpu.memory_space<vmem_shared>>
      tpu.wait_indirect_dma semaphore(%arg31 : memref<!tpu.dma_semaphore, #tpu.memory_space<semaphore_mem>>) src(%arg18 : memref<128x16xf32, #tpu.memory_space<vmem>>) dst(%dma_wait3A_1647 : memref<10240x16xf32, #tpu.memory_space<vmem_shared>>)
      %dma_wait3A_1648 = arith.constant 7 : i32
      %dma_wait3A_1649 = arith.constant 0 : i32
      %dma_wait3A_1650 = tpu.memref_slice %arg12[%dma_wait3A_1648, %dma_wait3A_1649] : memref<8x128xi32, #tpu.memory_space<vmem>> -> memref<1x128xi32, #tpu.memory_space<vmem>>
      %dma_wait3A_1651 = tpu.memref_squeeze %dma_wait3A_1650 : memref<1x128xi32, #tpu.memory_space<vmem>> -> memref<128xi32, #tpu.memory_space<vmem>>
      %dma_wait3A_1652 = arith.constant 0 : i32
      %dma_wait3A_1653 = arith.constant 0 : i32
      %dma_wait3A_1654 = tpu.memref_slice %arg22[%dma_wait3A_1652, %dma_wait3A_1653] : memref<10240x16xf32, #tpu.memory_space<vmem_shared>> -> memref<10240x16xf32, #tpu.memory_space<vmem_shared>>
      tpu.wait_indirect_dma semaphore(%arg31 : memref<!tpu.dma_semaphore, #tpu.memory_space<semaphore_mem>>) src(%arg18 : memref<128x16xf32, #tpu.memory_space<vmem>>) dst(%dma_wait3A_1654 : memref<10240x16xf32, #tpu.memory_space<vmem_shared>>)
      %dma_wait3A_1655 = arith.constant 0 : i32
      %dma_wait3A_1656 = tpu.memref_slice %arg3[%add3A_1308, %dma_wait3A_1655] : memref<2560x128xi32, #tpu.memory_space<hbm>> -> memref<8x128xi32, #tpu.memory_space<hbm>>
      %dma_wait3A_1657 = arith.constant 0 : i32
      %dma_wait3A_1658 = tpu.memref_slice %arg3[%add3A_1308, %dma_wait3A_1657] : memref<2560x128xi32, #tpu.memory_space<hbm>> -> memref<8x128xi32, #tpu.memory_space<hbm>>
      tpu.wait_dma2 semaphore(%arg32 : memref<!tpu.dma_semaphore, #tpu.memory_space<semaphore_mem>>) src(%dma_wait3A_1658 : memref<8x128xi32, #tpu.memory_space<hbm>>) dst(%arg11 : memref<8x128xi32, #tpu.memory_space<vmem>>)
      %dma_wait3A_1659 = arith.constant 0 : i32
      %dma_wait3A_1660 = tpu.memref_slice %arg4[%add3A_1314, %dma_wait3A_1659] : memref<2560x128xi32, #tpu.memory_space<hbm>> -> memref<8x128xi32, #tpu.memory_space<hbm>>
      %dma_wait3A_1661 = arith.constant 0 : i32
      %dma_wait3A_1662 = tpu.memref_slice %arg4[%add3A_1314, %dma_wait3A_1661] : memref<2560x128xi32, #tpu.memory_space<hbm>> -> memref<8x128xi32, #tpu.memory_space<hbm>>
      tpu.wait_dma2 semaphore(%arg32 : memref<!tpu.dma_semaphore, #tpu.memory_space<semaphore_mem>>) src(%dma_wait3A_1662 : memref<8x128xi32, #tpu.memory_space<hbm>>) dst(%arg13 : memref<8x128xi32, #tpu.memory_space<vmem>>)
      %add3A_1663 = arith.constant 16 : i32
      %add3A_1664 = arith.addi %add3A_1306, %add3A_1663 : i32
      %min3A_1665 = arith.minsi %add3A_1664, %add3A_545 : i32
      %dma_start3A_1666 = arith.constant 0 : i32
      %dma_start3A_1667 = tpu.memref_slice %arg3[%min3A_1665, %dma_start3A_1666] : memref<2560x128xi32, #tpu.memory_space<hbm>> -> memref<8x128xi32, #tpu.memory_space<hbm>>
      %dma_start3A_1668 = arith.constant 0 : i32
      %dma_start3A_1669 = tpu.memref_slice %arg3[%min3A_1665, %dma_start3A_1668] : memref<2560x128xi32, #tpu.memory_space<hbm>> -> memref<8x128xi32, #tpu.memory_space<hbm>>
      tpu.enqueue_dma source(%dma_start3A_1669 : memref<8x128xi32, #tpu.memory_space<hbm>>) target(%arg10 : memref<8x128xi32, #tpu.memory_space<vmem>>) target_semaphore(%arg32 : memref<!tpu.dma_semaphore, #tpu.memory_space<semaphore_mem>>)
      %dma_start3A_1670 = arith.constant 0 : i32
      %dma_start3A_1671 = tpu.memref_slice %arg4[%min3A_1665, %dma_start3A_1670] : memref<2560x128xi32, #tpu.memory_space<hbm>> -> memref<8x128xi32, #tpu.memory_space<hbm>>
      %dma_start3A_1672 = arith.constant 0 : i32
      %dma_start3A_1673 = tpu.memref_slice %arg4[%min3A_1665, %dma_start3A_1672] : memref<2560x128xi32, #tpu.memory_space<hbm>> -> memref<8x128xi32, #tpu.memory_space<hbm>>
      tpu.enqueue_dma source(%dma_start3A_1673 : memref<8x128xi32, #tpu.memory_space<hbm>>) target(%arg12 : memref<8x128xi32, #tpu.memory_space<vmem>>) target_semaphore(%arg32 : memref<!tpu.dma_semaphore, #tpu.memory_space<semaphore_mem>>)
      %dma_start3A_1674 = arith.constant 0 : i32
      %dma_start3A_1675 = arith.constant 0 : i32
      %dma_start3A_1676 = tpu.memref_slice %arg11[%dma_start3A_1674, %dma_start3A_1675] : memref<8x128xi32, #tpu.memory_space<vmem>> -> memref<1x128xi32, #tpu.memory_space<vmem>>
      %dma_start3A_1677 = tpu.memref_squeeze %dma_start3A_1676 : memref<1x128xi32, #tpu.memory_space<vmem>> -> memref<128xi32, #tpu.memory_space<vmem>>
      %dma_start3A_1678 = arith.constant 0 : i32
      %dma_start3A_1679 = arith.constant 0 : i32
      %dma_start3A_1680 = tpu.memref_slice %arg2[%dma_start3A_1678, %dma_start3A_1679] : memref<10000x128xbf16, #tpu.memory_space<hbm>> -> memref<10000x128xbf16, #tpu.memory_space<hbm>>
      tpu.enqueue_indirect_dma source(%dma_start3A_1680 : memref<10000x128xbf16, #tpu.memory_space<hbm>>) target(%arg14 : memref<128x128xbf16, #tpu.memory_space<vmem>>) offsets(%dma_start3A_1677 : memref<128xi32, #tpu.memory_space<vmem>>) semaphore(%arg23 : memref<!tpu.dma_semaphore, #tpu.memory_space<semaphore_mem>>)
      %dma_start3A_1681 = arith.constant 1 : i32
      %dma_start3A_1682 = arith.constant 0 : i32
      %dma_start3A_1683 = tpu.memref_slice %arg11[%dma_start3A_1681, %dma_start3A_1682] : memref<8x128xi32, #tpu.memory_space<vmem>> -> memref<1x128xi32, #tpu.memory_space<vmem>>
      %dma_start3A_1684 = tpu.memref_squeeze %dma_start3A_1683 : memref<1x128xi32, #tpu.memory_space<vmem>> -> memref<128xi32, #tpu.memory_space<vmem>>
      %dma_start3A_1685 = arith.constant 0 : i32
      %dma_start3A_1686 = arith.constant 0 : i32
      %dma_start3A_1687 = tpu.memref_slice %arg2[%dma_start3A_1685, %dma_start3A_1686] : memref<10000x128xbf16, #tpu.memory_space<hbm>> -> memref<10000x128xbf16, #tpu.memory_space<hbm>>
      tpu.enqueue_indirect_dma source(%dma_start3A_1687 : memref<10000x128xbf16, #tpu.memory_space<hbm>>) target(%arg15 : memref<128x128xbf16, #tpu.memory_space<vmem>>) offsets(%dma_start3A_1684 : memref<128xi32, #tpu.memory_space<vmem>>) semaphore(%arg24 : memref<!tpu.dma_semaphore, #tpu.memory_space<semaphore_mem>>)
      %dma_start3A_1688 = arith.constant 2 : i32
      %dma_start3A_1689 = arith.constant 0 : i32
      %dma_start3A_1690 = tpu.memref_slice %arg11[%dma_start3A_1688, %dma_start3A_1689] : memref<8x128xi32, #tpu.memory_space<vmem>> -> memref<1x128xi32, #tpu.memory_space<vmem>>
      %dma_start3A_1691 = tpu.memref_squeeze %dma_start3A_1690 : memref<1x128xi32, #tpu.memory_space<vmem>> -> memref<128xi32, #tpu.memory_space<vmem>>
      %dma_start3A_1692 = arith.constant 0 : i32
      %dma_start3A_1693 = arith.constant 0 : i32
      %dma_start3A_1694 = tpu.memref_slice %arg2[%dma_start3A_1692, %dma_start3A_1693] : memref<10000x128xbf16, #tpu.memory_space<hbm>> -> memref<10000x128xbf16, #tpu.memory_space<hbm>>
      tpu.enqueue_indirect_dma source(%dma_start3A_1694 : memref<10000x128xbf16, #tpu.memory_space<hbm>>) target(%arg16 : memref<128x128xbf16, #tpu.memory_space<vmem>>) offsets(%dma_start3A_1691 : memref<128xi32, #tpu.memory_space<vmem>>) semaphore(%arg25 : memref<!tpu.dma_semaphore, #tpu.memory_space<semaphore_mem>>)
      %dma_start3A_1695 = arith.constant 3 : i32
      %dma_start3A_1696 = arith.constant 0 : i32
      %dma_start3A_1697 = tpu.memref_slice %arg11[%dma_start3A_1695, %dma_start3A_1696] : memref<8x128xi32, #tpu.memory_space<vmem>> -> memref<1x128xi32, #tpu.memory_space<vmem>>
      %dma_start3A_1698 = tpu.memref_squeeze %dma_start3A_1697 : memref<1x128xi32, #tpu.memory_space<vmem>> -> memref<128xi32, #tpu.memory_space<vmem>>
      %dma_start3A_1699 = arith.constant 0 : i32
      %dma_start3A_1700 = arith.constant 0 : i32
      %dma_start3A_1701 = tpu.memref_slice %arg2[%dma_start3A_1699, %dma_start3A_1700] : memref<10000x128xbf16, #tpu.memory_space<hbm>> -> memref<10000x128xbf16, #tpu.memory_space<hbm>>
      tpu.enqueue_indirect_dma source(%dma_start3A_1701 : memref<10000x128xbf16, #tpu.memory_space<hbm>>) target(%arg17 : memref<128x128xbf16, #tpu.memory_space<vmem>>) offsets(%dma_start3A_1698 : memref<128xi32, #tpu.memory_space<vmem>>) semaphore(%arg26 : memref<!tpu.dma_semaphore, #tpu.memory_space<semaphore_mem>>)
      %dma_wait3A_1702 = arith.constant 0 : i32
      %dma_wait3A_1703 = arith.constant 0 : i32
      %dma_wait3A_1704 = tpu.memref_slice %arg11[%dma_wait3A_1702, %dma_wait3A_1703] : memref<8x128xi32, #tpu.memory_space<vmem>> -> memref<1x128xi32, #tpu.memory_space<vmem>>
      %dma_wait3A_1705 = tpu.memref_squeeze %dma_wait3A_1704 : memref<1x128xi32, #tpu.memory_space<vmem>> -> memref<128xi32, #tpu.memory_space<vmem>>
      %dma_wait3A_1706 = arith.constant 0 : i32
      %dma_wait3A_1707 = arith.constant 0 : i32
      %dma_wait3A_1708 = tpu.memref_slice %arg2[%dma_wait3A_1706, %dma_wait3A_1707] : memref<10000x128xbf16, #tpu.memory_space<hbm>> -> memref<10000x128xbf16, #tpu.memory_space<hbm>>
      tpu.wait_indirect_dma semaphore(%arg23 : memref<!tpu.dma_semaphore, #tpu.memory_space<semaphore_mem>>) src(%dma_wait3A_1708 : memref<10000x128xbf16, #tpu.memory_space<hbm>>) dst(%arg14 : memref<128x128xbf16, #tpu.memory_space<vmem>>)
      %dma_start3A_1709 = arith.constant 0 : i32
      %dma_start3A_1710 = arith.constant 0 : i32
      %dma_start3A_1711 = tpu.memref_slice %arg13[%dma_start3A_1709, %dma_start3A_1710] : memref<8x128xi32, #tpu.memory_space<vmem>> -> memref<1x128xi32, #tpu.memory_space<vmem>>
      %dma_start3A_1712 = tpu.memref_squeeze %dma_start3A_1711 : memref<1x128xi32, #tpu.memory_space<vmem>> -> memref<128xi32, #tpu.memory_space<vmem>>
      %dma_start3A_1713 = arith.constant 0 : i32
      %dma_start3A_1714 = arith.constant 0 : i32
      %dma_start3A_1715 = tpu.memref_slice %arg21[%dma_start3A_1713, %dma_start3A_1714] : memref<10240x128xbf16, #tpu.memory_space<vmem_shared>> -> memref<10240x128xbf16, #tpu.memory_space<vmem_shared>>
      tpu.enqueue_indirect_dma source(%arg14 : memref<128x128xbf16, #tpu.memory_space<vmem>>) target(%dma_start3A_1715 : memref<10240x128xbf16, #tpu.memory_space<vmem_shared>>) offsets(%dma_start3A_1712 : memref<128xi32, #tpu.memory_space<vmem>>) semaphore(%arg27 : memref<!tpu.dma_semaphore, #tpu.memory_space<semaphore_mem>>) {add = true}
      %dma_start3A_1716 = arith.constant 0 : i32
      %dma_start3A_1717 = arith.constant 0 : i32
      %dma_start3A_1718 = tpu.memref_slice %arg13[%dma_start3A_1716, %dma_start3A_1717] : memref<8x128xi32, #tpu.memory_space<vmem>> -> memref<1x128xi32, #tpu.memory_space<vmem>>
      %dma_start3A_1719 = tpu.memref_squeeze %dma_start3A_1718 : memref<1x128xi32, #tpu.memory_space<vmem>> -> memref<128xi32, #tpu.memory_space<vmem>>
      %dma_start3A_1720 = arith.constant 0 : i32
      %dma_start3A_1721 = arith.constant 0 : i32
      %dma_start3A_1722 = tpu.memref_slice %arg22[%dma_start3A_1720, %dma_start3A_1721] : memref<10240x16xf32, #tpu.memory_space<vmem_shared>> -> memref<10240x16xf32, #tpu.memory_space<vmem_shared>>
      tpu.enqueue_indirect_dma source(%arg18 : memref<128x16xf32, #tpu.memory_space<vmem>>) target(%dma_start3A_1722 : memref<10240x16xf32, #tpu.memory_space<vmem_shared>>) offsets(%dma_start3A_1719 : memref<128xi32, #tpu.memory_space<vmem>>) semaphore(%arg31 : memref<!tpu.dma_semaphore, #tpu.memory_space<semaphore_mem>>) {add = true}
      %dma_wait3A_1723 = arith.constant 0 : i32
      %dma_wait3A_1724 = arith.constant 0 : i32
      %dma_wait3A_1725 = tpu.memref_slice %arg13[%dma_wait3A_1723, %dma_wait3A_1724] : memref<8x128xi32, #tpu.memory_space<vmem>> -> memref<1x128xi32, #tpu.memory_space<vmem>>
      %dma_wait3A_1726 = tpu.memref_squeeze %dma_wait3A_1725 : memref<1x128xi32, #tpu.memory_space<vmem>> -> memref<128xi32, #tpu.memory_space<vmem>>
      %dma_wait3A_1727 = arith.constant 0 : i32
      %dma_wait3A_1728 = arith.constant 0 : i32
      %dma_wait3A_1729 = tpu.memref_slice %arg21[%dma_wait3A_1727, %dma_wait3A_1728] : memref<10240x128xbf16, #tpu.memory_space<vmem_shared>> -> memref<10240x128xbf16, #tpu.memory_space<vmem_shared>>
      tpu.wait_indirect_dma semaphore(%arg27 : memref<!tpu.dma_semaphore, #tpu.memory_space<semaphore_mem>>) src(%arg14 : memref<128x128xbf16, #tpu.memory_space<vmem>>) dst(%dma_wait3A_1729 : memref<10240x128xbf16, #tpu.memory_space<vmem_shared>>)
      %dma_start3A_1730 = arith.constant 4 : i32
      %dma_start3A_1731 = arith.constant 0 : i32
      %dma_start3A_1732 = tpu.memref_slice %arg11[%dma_start3A_1730, %dma_start3A_1731] : memref<8x128xi32, #tpu.memory_space<vmem>> -> memref<1x128xi32, #tpu.memory_space<vmem>>
      %dma_start3A_1733 = tpu.memref_squeeze %dma_start3A_1732 : memref<1x128xi32, #tpu.memory_space<vmem>> -> memref<128xi32, #tpu.memory_space<vmem>>
      %dma_start3A_1734 = arith.constant 0 : i32
      %dma_start3A_1735 = arith.constant 0 : i32
      %dma_start3A_1736 = tpu.memref_slice %arg2[%dma_start3A_1734, %dma_start3A_1735] : memref<10000x128xbf16, #tpu.memory_space<hbm>> -> memref<10000x128xbf16, #tpu.memory_space<hbm>>
      tpu.enqueue_indirect_dma source(%dma_start3A_1736 : memref<10000x128xbf16, #tpu.memory_space<hbm>>) target(%arg14 : memref<128x128xbf16, #tpu.memory_space<vmem>>) offsets(%dma_start3A_1733 : memref<128xi32, #tpu.memory_space<vmem>>) semaphore(%arg23 : memref<!tpu.dma_semaphore, #tpu.memory_space<semaphore_mem>>)
      %dma_wait3A_1737 = arith.constant 1 : i32
      %dma_wait3A_1738 = arith.constant 0 : i32
      %dma_wait3A_1739 = tpu.memref_slice %arg11[%dma_wait3A_1737, %dma_wait3A_1738] : memref<8x128xi32, #tpu.memory_space<vmem>> -> memref<1x128xi32, #tpu.memory_space<vmem>>
      %dma_wait3A_1740 = tpu.memref_squeeze %dma_wait3A_1739 : memref<1x128xi32, #tpu.memory_space<vmem>> -> memref<128xi32, #tpu.memory_space<vmem>>
      %dma_wait3A_1741 = arith.constant 0 : i32
      %dma_wait3A_1742 = arith.constant 0 : i32
      %dma_wait3A_1743 = tpu.memref_slice %arg2[%dma_wait3A_1741, %dma_wait3A_1742] : memref<10000x128xbf16, #tpu.memory_space<hbm>> -> memref<10000x128xbf16, #tpu.memory_space<hbm>>
      tpu.wait_indirect_dma semaphore(%arg24 : memref<!tpu.dma_semaphore, #tpu.memory_space<semaphore_mem>>) src(%dma_wait3A_1743 : memref<10000x128xbf16, #tpu.memory_space<hbm>>) dst(%arg15 : memref<128x128xbf16, #tpu.memory_space<vmem>>)
      %dma_start3A_1744 = arith.constant 1 : i32
      %dma_start3A_1745 = arith.constant 0 : i32
      %dma_start3A_1746 = tpu.memref_slice %arg13[%dma_start3A_1744, %dma_start3A_1745] : memref<8x128xi32, #tpu.memory_space<vmem>> -> memref<1x128xi32, #tpu.memory_space<vmem>>
      %dma_start3A_1747 = tpu.memref_squeeze %dma_start3A_1746 : memref<1x128xi32, #tpu.memory_space<vmem>> -> memref<128xi32, #tpu.memory_space<vmem>>
      %dma_start3A_1748 = arith.constant 0 : i32
      %dma_start3A_1749 = arith.constant 0 : i32
      %dma_start3A_1750 = tpu.memref_slice %arg21[%dma_start3A_1748, %dma_start3A_1749] : memref<10240x128xbf16, #tpu.memory_space<vmem_shared>> -> memref<10240x128xbf16, #tpu.memory_space<vmem_shared>>
      tpu.enqueue_indirect_dma source(%arg15 : memref<128x128xbf16, #tpu.memory_space<vmem>>) target(%dma_start3A_1750 : memref<10240x128xbf16, #tpu.memory_space<vmem_shared>>) offsets(%dma_start3A_1747 : memref<128xi32, #tpu.memory_space<vmem>>) semaphore(%arg28 : memref<!tpu.dma_semaphore, #tpu.memory_space<semaphore_mem>>) {add = true}
      %dma_start3A_1751 = arith.constant 1 : i32
      %dma_start3A_1752 = arith.constant 0 : i32
      %dma_start3A_1753 = tpu.memref_slice %arg13[%dma_start3A_1751, %dma_start3A_1752] : memref<8x128xi32, #tpu.memory_space<vmem>> -> memref<1x128xi32, #tpu.memory_space<vmem>>
      %dma_start3A_1754 = tpu.memref_squeeze %dma_start3A_1753 : memref<1x128xi32, #tpu.memory_space<vmem>> -> memref<128xi32, #tpu.memory_space<vmem>>
      %dma_start3A_1755 = arith.constant 0 : i32
      %dma_start3A_1756 = arith.constant 0 : i32
      %dma_start3A_1757 = tpu.memref_slice %arg22[%dma_start3A_1755, %dma_start3A_1756] : memref<10240x16xf32, #tpu.memory_space<vmem_shared>> -> memref<10240x16xf32, #tpu.memory_space<vmem_shared>>
      tpu.enqueue_indirect_dma source(%arg18 : memref<128x16xf32, #tpu.memory_space<vmem>>) target(%dma_start3A_1757 : memref<10240x16xf32, #tpu.memory_space<vmem_shared>>) offsets(%dma_start3A_1754 : memref<128xi32, #tpu.memory_space<vmem>>) semaphore(%arg31 : memref<!tpu.dma_semaphore, #tpu.memory_space<semaphore_mem>>) {add = true}
      %dma_wait3A_1758 = arith.constant 1 : i32
      %dma_wait3A_1759 = arith.constant 0 : i32
      %dma_wait3A_1760 = tpu.memref_slice %arg13[%dma_wait3A_1758, %dma_wait3A_1759] : memref<8x128xi32, #tpu.memory_space<vmem>> -> memref<1x128xi32, #tpu.memory_space<vmem>>
      %dma_wait3A_1761 = tpu.memref_squeeze %dma_wait3A_1760 : memref<1x128xi32, #tpu.memory_space<vmem>> -> memref<128xi32, #tpu.memory_space<vmem>>
      %dma_wait3A_1762 = arith.constant 0 : i32
      %dma_wait3A_1763 = arith.constant 0 : i32
      %dma_wait3A_1764 = tpu.memref_slice %arg21[%dma_wait3A_1762, %dma_wait3A_1763] : memref<10240x128xbf16, #tpu.memory_space<vmem_shared>> -> memref<10240x128xbf16, #tpu.memory_space<vmem_shared>>
      tpu.wait_indirect_dma semaphore(%arg28 : memref<!tpu.dma_semaphore, #tpu.memory_space<semaphore_mem>>) src(%arg15 : memref<128x128xbf16, #tpu.memory_space<vmem>>) dst(%dma_wait3A_1764 : memref<10240x128xbf16, #tpu.memory_space<vmem_shared>>)
      %dma_start3A_1765 = arith.constant 5 : i32
      %dma_start3A_1766 = arith.constant 0 : i32
      %dma_start3A_1767 = tpu.memref_slice %arg11[%dma_start3A_1765, %dma_start3A_1766] : memref<8x128xi32, #tpu.memory_space<vmem>> -> memref<1x128xi32, #tpu.memory_space<vmem>>
      %dma_start3A_1768 = tpu.memref_squeeze %dma_start3A_1767 : memref<1x128xi32, #tpu.memory_space<vmem>> -> memref<128xi32, #tpu.memory_space<vmem>>
      %dma_start3A_1769 = arith.constant 0 : i32
      %dma_start3A_1770 = arith.constant 0 : i32
      %dma_start3A_1771 = tpu.memref_slice %arg2[%dma_start3A_1769, %dma_start3A_1770] : memref<10000x128xbf16, #tpu.memory_space<hbm>> -> memref<10000x128xbf16, #tpu.memory_space<hbm>>
      tpu.enqueue_indirect_dma source(%dma_start3A_1771 : memref<10000x128xbf16, #tpu.memory_space<hbm>>) target(%arg15 : memref<128x128xbf16, #tpu.memory_space<vmem>>) offsets(%dma_start3A_1768 : memref<128xi32, #tpu.memory_space<vmem>>) semaphore(%arg24 : memref<!tpu.dma_semaphore, #tpu.memory_space<semaphore_mem>>)
      %dma_wait3A_1772 = arith.constant 2 : i32
      %dma_wait3A_1773 = arith.constant 0 : i32
      %dma_wait3A_1774 = tpu.memref_slice %arg11[%dma_wait3A_1772, %dma_wait3A_1773] : memref<8x128xi32, #tpu.memory_space<vmem>> -> memref<1x128xi32, #tpu.memory_space<vmem>>
      %dma_wait3A_1775 = tpu.memref_squeeze %dma_wait3A_1774 : memref<1x128xi32, #tpu.memory_space<vmem>> -> memref<128xi32, #tpu.memory_space<vmem>>
      %dma_wait3A_1776 = arith.constant 0 : i32
      %dma_wait3A_1777 = arith.constant 0 : i32
      %dma_wait3A_1778 = tpu.memref_slice %arg2[%dma_wait3A_1776, %dma_wait3A_1777] : memref<10000x128xbf16, #tpu.memory_space<hbm>> -> memref<10000x128xbf16, #tpu.memory_space<hbm>>
      tpu.wait_indirect_dma semaphore(%arg25 : memref<!tpu.dma_semaphore, #tpu.memory_space<semaphore_mem>>) src(%dma_wait3A_1778 : memref<10000x128xbf16, #tpu.memory_space<hbm>>) dst(%arg16 : memref<128x128xbf16, #tpu.memory_space<vmem>>)
      %dma_start3A_1779 = arith.constant 2 : i32
      %dma_start3A_1780 = arith.constant 0 : i32
      %dma_start3A_1781 = tpu.memref_slice %arg13[%dma_start3A_1779, %dma_start3A_1780] : memref<8x128xi32, #tpu.memory_space<vmem>> -> memref<1x128xi32, #tpu.memory_space<vmem>>
      %dma_start3A_1782 = tpu.memref_squeeze %dma_start3A_1781 : memref<1x128xi32, #tpu.memory_space<vmem>> -> memref<128xi32, #tpu.memory_space<vmem>>
      %dma_start3A_1783 = arith.constant 0 : i32
      %dma_start3A_1784 = arith.constant 0 : i32
      %dma_start3A_1785 = tpu.memref_slice %arg21[%dma_start3A_1783, %dma_start3A_1784] : memref<10240x128xbf16, #tpu.memory_space<vmem_shared>> -> memref<10240x128xbf16, #tpu.memory_space<vmem_shared>>
      tpu.enqueue_indirect_dma source(%arg16 : memref<128x128xbf16, #tpu.memory_space<vmem>>) target(%dma_start3A_1785 : memref<10240x128xbf16, #tpu.memory_space<vmem_shared>>) offsets(%dma_start3A_1782 : memref<128xi32, #tpu.memory_space<vmem>>) semaphore(%arg29 : memref<!tpu.dma_semaphore, #tpu.memory_space<semaphore_mem>>) {add = true}
      %dma_start3A_1786 = arith.constant 2 : i32
      %dma_start3A_1787 = arith.constant 0 : i32
      %dma_start3A_1788 = tpu.memref_slice %arg13[%dma_start3A_1786, %dma_start3A_1787] : memref<8x128xi32, #tpu.memory_space<vmem>> -> memref<1x128xi32, #tpu.memory_space<vmem>>
      %dma_start3A_1789 = tpu.memref_squeeze %dma_start3A_1788 : memref<1x128xi32, #tpu.memory_space<vmem>> -> memref<128xi32, #tpu.memory_space<vmem>>
      %dma_start3A_1790 = arith.constant 0 : i32
      %dma_start3A_1791 = arith.constant 0 : i32
      %dma_start3A_1792 = tpu.memref_slice %arg22[%dma_start3A_1790, %dma_start3A_1791] : memref<10240x16xf32, #tpu.memory_space<vmem_shared>> -> memref<10240x16xf32, #tpu.memory_space<vmem_shared>>
      tpu.enqueue_indirect_dma source(%arg18 : memref<128x16xf32, #tpu.memory_space<vmem>>) target(%dma_start3A_1792 : memref<10240x16xf32, #tpu.memory_space<vmem_shared>>) offsets(%dma_start3A_1789 : memref<128xi32, #tpu.memory_space<vmem>>) semaphore(%arg31 : memref<!tpu.dma_semaphore, #tpu.memory_space<semaphore_mem>>) {add = true}
      %dma_wait3A_1793 = arith.constant 2 : i32
      %dma_wait3A_1794 = arith.constant 0 : i32
      %dma_wait3A_1795 = tpu.memref_slice %arg13[%dma_wait3A_1793, %dma_wait3A_1794] : memref<8x128xi32, #tpu.memory_space<vmem>> -> memref<1x128xi32, #tpu.memory_space<vmem>>
      %dma_wait3A_1796 = tpu.memref_squeeze %dma_wait3A_1795 : memref<1x128xi32, #tpu.memory_space<vmem>> -> memref<128xi32, #tpu.memory_space<vmem>>
      %dma_wait3A_1797 = arith.constant 0 : i32
      %dma_wait3A_1798 = arith.constant 0 : i32
      %dma_wait3A_1799 = tpu.memref_slice %arg21[%dma_wait3A_1797, %dma_wait3A_1798] : memref<10240x128xbf16, #tpu.memory_space<vmem_shared>> -> memref<10240x128xbf16, #tpu.memory_space<vmem_shared>>
      tpu.wait_indirect_dma semaphore(%arg29 : memref<!tpu.dma_semaphore, #tpu.memory_space<semaphore_mem>>) src(%arg16 : memref<128x128xbf16, #tpu.memory_space<vmem>>) dst(%dma_wait3A_1799 : memref<10240x128xbf16, #tpu.memory_space<vmem_shared>>)
      %dma_start3A_1800 = arith.constant 6 : i32
      %dma_start3A_1801 = arith.constant 0 : i32
      %dma_start3A_1802 = tpu.memref_slice %arg11[%dma_start3A_1800, %dma_start3A_1801] : memref<8x128xi32, #tpu.memory_space<vmem>> -> memref<1x128xi32, #tpu.memory_space<vmem>>
      %dma_start3A_1803 = tpu.memref_squeeze %dma_start3A_1802 : memref<1x128xi32, #tpu.memory_space<vmem>> -> memref<128xi32, #tpu.memory_space<vmem>>
      %dma_start3A_1804 = arith.constant 0 : i32
      %dma_start3A_1805 = arith.constant 0 : i32
      %dma_start3A_1806 = tpu.memref_slice %arg2[%dma_start3A_1804, %dma_start3A_1805] : memref<10000x128xbf16, #tpu.memory_space<hbm>> -> memref<10000x128xbf16, #tpu.memory_space<hbm>>
      tpu.enqueue_indirect_dma source(%dma_start3A_1806 : memref<10000x128xbf16, #tpu.memory_space<hbm>>) target(%arg16 : memref<128x128xbf16, #tpu.memory_space<vmem>>) offsets(%dma_start3A_1803 : memref<128xi32, #tpu.memory_space<vmem>>) semaphore(%arg25 : memref<!tpu.dma_semaphore, #tpu.memory_space<semaphore_mem>>)
      %dma_wait3A_1807 = arith.constant 3 : i32
      %dma_wait3A_1808 = arith.constant 0 : i32
      %dma_wait3A_1809 = tpu.memref_slice %arg11[%dma_wait3A_1807, %dma_wait3A_1808] : memref<8x128xi32, #tpu.memory_space<vmem>> -> memref<1x128xi32, #tpu.memory_space<vmem>>
      %dma_wait3A_1810 = tpu.memref_squeeze %dma_wait3A_1809 : memref<1x128xi32, #tpu.memory_space<vmem>> -> memref<128xi32, #tpu.memory_space<vmem>>
      %dma_wait3A_1811 = arith.constant 0 : i32
      %dma_wait3A_1812 = arith.constant 0 : i32
      %dma_wait3A_1813 = tpu.memref_slice %arg2[%dma_wait3A_1811, %dma_wait3A_1812] : memref<10000x128xbf16, #tpu.memory_space<hbm>> -> memref<10000x128xbf16, #tpu.memory_space<hbm>>
      tpu.wait_indirect_dma semaphore(%arg26 : memref<!tpu.dma_semaphore, #tpu.memory_space<semaphore_mem>>) src(%dma_wait3A_1813 : memref<10000x128xbf16, #tpu.memory_space<hbm>>) dst(%arg17 : memref<128x128xbf16, #tpu.memory_space<vmem>>)
      %dma_start3A_1814 = arith.constant 3 : i32
      %dma_start3A_1815 = arith.constant 0 : i32
      %dma_start3A_1816 = tpu.memref_slice %arg13[%dma_start3A_1814, %dma_start3A_1815] : memref<8x128xi32, #tpu.memory_space<vmem>> -> memref<1x128xi32, #tpu.memory_space<vmem>>
      %dma_start3A_1817 = tpu.memref_squeeze %dma_start3A_1816 : memref<1x128xi32, #tpu.memory_space<vmem>> -> memref<128xi32, #tpu.memory_space<vmem>>
      %dma_start3A_1818 = arith.constant 0 : i32
      %dma_start3A_1819 = arith.constant 0 : i32
      %dma_start3A_1820 = tpu.memref_slice %arg21[%dma_start3A_1818, %dma_start3A_1819] : memref<10240x128xbf16, #tpu.memory_space<vmem_shared>> -> memref<10240x128xbf16, #tpu.memory_space<vmem_shared>>
      tpu.enqueue_indirect_dma source(%arg17 : memref<128x128xbf16, #tpu.memory_space<vmem>>) target(%dma_start3A_1820 : memref<10240x128xbf16, #tpu.memory_space<vmem_shared>>) offsets(%dma_start3A_1817 : memref<128xi32, #tpu.memory_space<vmem>>) semaphore(%arg30 : memref<!tpu.dma_semaphore, #tpu.memory_space<semaphore_mem>>) {add = true}
      %dma_start3A_1821 = arith.constant 3 : i32
      %dma_start3A_1822 = arith.constant 0 : i32
      %dma_start3A_1823 = tpu.memref_slice %arg13[%dma_start3A_1821, %dma_start3A_1822] : memref<8x128xi32, #tpu.memory_space<vmem>> -> memref<1x128xi32, #tpu.memory_space<vmem>>
      %dma_start3A_1824 = tpu.memref_squeeze %dma_start3A_1823 : memref<1x128xi32, #tpu.memory_space<vmem>> -> memref<128xi32, #tpu.memory_space<vmem>>
      %dma_start3A_1825 = arith.constant 0 : i32
      %dma_start3A_1826 = arith.constant 0 : i32
      %dma_start3A_1827 = tpu.memref_slice %arg22[%dma_start3A_1825, %dma_start3A_1826] : memref<10240x16xf32, #tpu.memory_space<vmem_shared>> -> memref<10240x16xf32, #tpu.memory_space<vmem_shared>>
      tpu.enqueue_indirect_dma source(%arg18 : memref<128x16xf32, #tpu.memory_space<vmem>>) target(%dma_start3A_1827 : memref<10240x16xf32, #tpu.memory_space<vmem_shared>>) offsets(%dma_start3A_1824 : memref<128xi32, #tpu.memory_space<vmem>>) semaphore(%arg31 : memref<!tpu.dma_semaphore, #tpu.memory_space<semaphore_mem>>) {add = true}
      %dma_wait3A_1828 = arith.constant 3 : i32
      %dma_wait3A_1829 = arith.constant 0 : i32
      %dma_wait3A_1830 = tpu.memref_slice %arg13[%dma_wait3A_1828, %dma_wait3A_1829] : memref<8x128xi32, #tpu.memory_space<vmem>> -> memref<1x128xi32, #tpu.memory_space<vmem>>
      %dma_wait3A_1831 = tpu.memref_squeeze %dma_wait3A_1830 : memref<1x128xi32, #tpu.memory_space<vmem>> -> memref<128xi32, #tpu.memory_space<vmem>>
      %dma_wait3A_1832 = arith.constant 0 : i32
      %dma_wait3A_1833 = arith.constant 0 : i32
      %dma_wait3A_1834 = tpu.memref_slice %arg21[%dma_wait3A_1832, %dma_wait3A_1833] : memref<10240x128xbf16, #tpu.memory_space<vmem_shared>> -> memref<10240x128xbf16, #tpu.memory_space<vmem_shared>>
      tpu.wait_indirect_dma semaphore(%arg30 : memref<!tpu.dma_semaphore, #tpu.memory_space<semaphore_mem>>) src(%arg17 : memref<128x128xbf16, #tpu.memory_space<vmem>>) dst(%dma_wait3A_1834 : memref<10240x128xbf16, #tpu.memory_space<vmem_shared>>)
      %dma_start3A_1835 = arith.constant 7 : i32
      %dma_start3A_1836 = arith.constant 0 : i32
      %dma_start3A_1837 = tpu.memref_slice %arg11[%dma_start3A_1835, %dma_start3A_1836] : memref<8x128xi32, #tpu.memory_space<vmem>> -> memref<1x128xi32, #tpu.memory_space<vmem>>
      %dma_start3A_1838 = tpu.memref_squeeze %dma_start3A_1837 : memref<1x128xi32, #tpu.memory_space<vmem>> -> memref<128xi32, #tpu.memory_space<vmem>>
      %dma_start3A_1839 = arith.constant 0 : i32
      %dma_start3A_1840 = arith.constant 0 : i32
      %dma_start3A_1841 = tpu.memref_slice %arg2[%dma_start3A_1839, %dma_start3A_1840] : memref<10000x128xbf16, #tpu.memory_space<hbm>> -> memref<10000x128xbf16, #tpu.memory_space<hbm>>
      tpu.enqueue_indirect_dma source(%dma_start3A_1841 : memref<10000x128xbf16, #tpu.memory_space<hbm>>) target(%arg17 : memref<128x128xbf16, #tpu.memory_space<vmem>>) offsets(%dma_start3A_1838 : memref<128xi32, #tpu.memory_space<vmem>>) semaphore(%arg26 : memref<!tpu.dma_semaphore, #tpu.memory_space<semaphore_mem>>)
      %dma_wait3A_1842 = arith.constant 4 : i32
      %dma_wait3A_1843 = arith.constant 0 : i32
      %dma_wait3A_1844 = tpu.memref_slice %arg11[%dma_wait3A_1842, %dma_wait3A_1843] : memref<8x128xi32, #tpu.memory_space<vmem>> -> memref<1x128xi32, #tpu.memory_space<vmem>>
      %dma_wait3A_1845 = tpu.memref_squeeze %dma_wait3A_1844 : memref<1x128xi32, #tpu.memory_space<vmem>> -> memref<128xi32, #tpu.memory_space<vmem>>
      %dma_wait3A_1846 = arith.constant 0 : i32
      %dma_wait3A_1847 = arith.constant 0 : i32
      %dma_wait3A_1848 = tpu.memref_slice %arg2[%dma_wait3A_1846, %dma_wait3A_1847] : memref<10000x128xbf16, #tpu.memory_space<hbm>> -> memref<10000x128xbf16, #tpu.memory_space<hbm>>
      tpu.wait_indirect_dma semaphore(%arg23 : memref<!tpu.dma_semaphore, #tpu.memory_space<semaphore_mem>>) src(%dma_wait3A_1848 : memref<10000x128xbf16, #tpu.memory_space<hbm>>) dst(%arg14 : memref<128x128xbf16, #tpu.memory_space<vmem>>)
      %dma_start3A_1849 = arith.constant 4 : i32
      %dma_start3A_1850 = arith.constant 0 : i32
      %dma_start3A_1851 = tpu.memref_slice %arg13[%dma_start3A_1849, %dma_start3A_1850] : memref<8x128xi32, #tpu.memory_space<vmem>> -> memref<1x128xi32, #tpu.memory_space<vmem>>
      %dma_start3A_1852 = tpu.memref_squeeze %dma_start3A_1851 : memref<1x128xi32, #tpu.memory_space<vmem>> -> memref<128xi32, #tpu.memory_space<vmem>>
      %dma_start3A_1853 = arith.constant 0 : i32
      %dma_start3A_1854 = arith.constant 0 : i32
      %dma_start3A_1855 = tpu.memref_slice %arg21[%dma_start3A_1853, %dma_start3A_1854] : memref<10240x128xbf16, #tpu.memory_space<vmem_shared>> -> memref<10240x128xbf16, #tpu.memory_space<vmem_shared>>
      tpu.enqueue_indirect_dma source(%arg14 : memref<128x128xbf16, #tpu.memory_space<vmem>>) target(%dma_start3A_1855 : memref<10240x128xbf16, #tpu.memory_space<vmem_shared>>) offsets(%dma_start3A_1852 : memref<128xi32, #tpu.memory_space<vmem>>) semaphore(%arg27 : memref<!tpu.dma_semaphore, #tpu.memory_space<semaphore_mem>>) {add = true}
      %dma_start3A_1856 = arith.constant 4 : i32
      %dma_start3A_1857 = arith.constant 0 : i32
      %dma_start3A_1858 = tpu.memref_slice %arg13[%dma_start3A_1856, %dma_start3A_1857] : memref<8x128xi32, #tpu.memory_space<vmem>> -> memref<1x128xi32, #tpu.memory_space<vmem>>
      %dma_start3A_1859 = tpu.memref_squeeze %dma_start3A_1858 : memref<1x128xi32, #tpu.memory_space<vmem>> -> memref<128xi32, #tpu.memory_space<vmem>>
      %dma_start3A_1860 = arith.constant 0 : i32
      %dma_start3A_1861 = arith.constant 0 : i32
      %dma_start3A_1862 = tpu.memref_slice %arg22[%dma_start3A_1860, %dma_start3A_1861] : memref<10240x16xf32, #tpu.memory_space<vmem_shared>> -> memref<10240x16xf32, #tpu.memory_space<vmem_shared>>
      tpu.enqueue_indirect_dma source(%arg18 : memref<128x16xf32, #tpu.memory_space<vmem>>) target(%dma_start3A_1862 : memref<10240x16xf32, #tpu.memory_space<vmem_shared>>) offsets(%dma_start3A_1859 : memref<128xi32, #tpu.memory_space<vmem>>) semaphore(%arg31 : memref<!tpu.dma_semaphore, #tpu.memory_space<semaphore_mem>>) {add = true}
      %dma_wait3A_1863 = arith.constant 5 : i32
      %dma_wait3A_1864 = arith.constant 0 : i32
      %dma_wait3A_1865 = tpu.memref_slice %arg11[%dma_wait3A_1863, %dma_wait3A_1864] : memref<8x128xi32, #tpu.memory_space<vmem>> -> memref<1x128xi32, #tpu.memory_space<vmem>>
      %dma_wait3A_1866 = tpu.memref_squeeze %dma_wait3A_1865 : memref<1x128xi32, #tpu.memory_space<vmem>> -> memref<128xi32, #tpu.memory_space<vmem>>
      %dma_wait3A_1867 = arith.constant 0 : i32
      %dma_wait3A_1868 = arith.constant 0 : i32
      %dma_wait3A_1869 = tpu.memref_slice %arg2[%dma_wait3A_1867, %dma_wait3A_1868] : memref<10000x128xbf16, #tpu.memory_space<hbm>> -> memref<10000x128xbf16, #tpu.memory_space<hbm>>
      tpu.wait_indirect_dma semaphore(%arg24 : memref<!tpu.dma_semaphore, #tpu.memory_space<semaphore_mem>>) src(%dma_wait3A_1869 : memref<10000x128xbf16, #tpu.memory_space<hbm>>) dst(%arg15 : memref<128x128xbf16, #tpu.memory_space<vmem>>)
      %dma_start3A_1870 = arith.constant 5 : i32
      %dma_start3A_1871 = arith.constant 0 : i32
      %dma_start3A_1872 = tpu.memref_slice %arg13[%dma_start3A_1870, %dma_start3A_1871] : memref<8x128xi32, #tpu.memory_space<vmem>> -> memref<1x128xi32, #tpu.memory_space<vmem>>
      %dma_start3A_1873 = tpu.memref_squeeze %dma_start3A_1872 : memref<1x128xi32, #tpu.memory_space<vmem>> -> memref<128xi32, #tpu.memory_space<vmem>>
      %dma_start3A_1874 = arith.constant 0 : i32
      %dma_start3A_1875 = arith.constant 0 : i32
      %dma_start3A_1876 = tpu.memref_slice %arg21[%dma_start3A_1874, %dma_start3A_1875] : memref<10240x128xbf16, #tpu.memory_space<vmem_shared>> -> memref<10240x128xbf16, #tpu.memory_space<vmem_shared>>
      tpu.enqueue_indirect_dma source(%arg15 : memref<128x128xbf16, #tpu.memory_space<vmem>>) target(%dma_start3A_1876 : memref<10240x128xbf16, #tpu.memory_space<vmem_shared>>) offsets(%dma_start3A_1873 : memref<128xi32, #tpu.memory_space<vmem>>) semaphore(%arg28 : memref<!tpu.dma_semaphore, #tpu.memory_space<semaphore_mem>>) {add = true}
      %dma_start3A_1877 = arith.constant 5 : i32
      %dma_start3A_1878 = arith.constant 0 : i32
      %dma_start3A_1879 = tpu.memref_slice %arg13[%dma_start3A_1877, %dma_start3A_1878] : memref<8x128xi32, #tpu.memory_space<vmem>> -> memref<1x128xi32, #tpu.memory_space<vmem>>
      %dma_start3A_1880 = tpu.memref_squeeze %dma_start3A_1879 : memref<1x128xi32, #tpu.memory_space<vmem>> -> memref<128xi32, #tpu.memory_space<vmem>>
      %dma_start3A_1881 = arith.constant 0 : i32
      %dma_start3A_1882 = arith.constant 0 : i32
      %dma_start3A_1883 = tpu.memref_slice %arg22[%dma_start3A_1881, %dma_start3A_1882] : memref<10240x16xf32, #tpu.memory_space<vmem_shared>> -> memref<10240x16xf32, #tpu.memory_space<vmem_shared>>
      tpu.enqueue_indirect_dma source(%arg18 : memref<128x16xf32, #tpu.memory_space<vmem>>) target(%dma_start3A_1883 : memref<10240x16xf32, #tpu.memory_space<vmem_shared>>) offsets(%dma_start3A_1880 : memref<128xi32, #tpu.memory_space<vmem>>) semaphore(%arg31 : memref<!tpu.dma_semaphore, #tpu.memory_space<semaphore_mem>>) {add = true}
      %dma_wait3A_1884 = arith.constant 6 : i32
      %dma_wait3A_1885 = arith.constant 0 : i32
      %dma_wait3A_1886 = tpu.memref_slice %arg11[%dma_wait3A_1884, %dma_wait3A_1885] : memref<8x128xi32, #tpu.memory_space<vmem>> -> memref<1x128xi32, #tpu.memory_space<vmem>>
      %dma_wait3A_1887 = tpu.memref_squeeze %dma_wait3A_1886 : memref<1x128xi32, #tpu.memory_space<vmem>> -> memref<128xi32, #tpu.memory_space<vmem>>
      %dma_wait3A_1888 = arith.constant 0 : i32
      %dma_wait3A_1889 = arith.constant 0 : i32
      %dma_wait3A_1890 = tpu.memref_slice %arg2[%dma_wait3A_1888, %dma_wait3A_1889] : memref<10000x128xbf16, #tpu.memory_space<hbm>> -> memref<10000x128xbf16, #tpu.memory_space<hbm>>
      tpu.wait_indirect_dma semaphore(%arg25 : memref<!tpu.dma_semaphore, #tpu.memory_space<semaphore_mem>>) src(%dma_wait3A_1890 : memref<10000x128xbf16, #tpu.memory_space<hbm>>) dst(%arg16 : memref<128x128xbf16, #tpu.memory_space<vmem>>)
      %dma_start3A_1891 = arith.constant 6 : i32
      %dma_start3A_1892 = arith.constant 0 : i32
      %dma_start3A_1893 = tpu.memref_slice %arg13[%dma_start3A_1891, %dma_start3A_1892] : memref<8x128xi32, #tpu.memory_space<vmem>> -> memref<1x128xi32, #tpu.memory_space<vmem>>
      %dma_start3A_1894 = tpu.memref_squeeze %dma_start3A_1893 : memref<1x128xi32, #tpu.memory_space<vmem>> -> memref<128xi32, #tpu.memory_space<vmem>>
      %dma_start3A_1895 = arith.constant 0 : i32
      %dma_start3A_1896 = arith.constant 0 : i32
      %dma_start3A_1897 = tpu.memref_slice %arg21[%dma_start3A_1895, %dma_start3A_1896] : memref<10240x128xbf16, #tpu.memory_space<vmem_shared>> -> memref<10240x128xbf16, #tpu.memory_space<vmem_shared>>
      tpu.enqueue_indirect_dma source(%arg16 : memref<128x128xbf16, #tpu.memory_space<vmem>>) target(%dma_start3A_1897 : memref<10240x128xbf16, #tpu.memory_space<vmem_shared>>) offsets(%dma_start3A_1894 : memref<128xi32, #tpu.memory_space<vmem>>) semaphore(%arg29 : memref<!tpu.dma_semaphore, #tpu.memory_space<semaphore_mem>>) {add = true}
      %dma_start3A_1898 = arith.constant 6 : i32
      %dma_start3A_1899 = arith.constant 0 : i32
      %dma_start3A_1900 = tpu.memref_slice %arg13[%dma_start3A_1898, %dma_start3A_1899] : memref<8x128xi32, #tpu.memory_space<vmem>> -> memref<1x128xi32, #tpu.memory_space<vmem>>
      %dma_start3A_1901 = tpu.memref_squeeze %dma_start3A_1900 : memref<1x128xi32, #tpu.memory_space<vmem>> -> memref<128xi32, #tpu.memory_space<vmem>>
      %dma_start3A_1902 = arith.constant 0 : i32
      %dma_start3A_1903 = arith.constant 0 : i32
      %dma_start3A_1904 = tpu.memref_slice %arg22[%dma_start3A_1902, %dma_start3A_1903] : memref<10240x16xf32, #tpu.memory_space<vmem_shared>> -> memref<10240x16xf32, #tpu.memory_space<vmem_shared>>
      tpu.enqueue_indirect_dma source(%arg18 : memref<128x16xf32, #tpu.memory_space<vmem>>) target(%dma_start3A_1904 : memref<10240x16xf32, #tpu.memory_space<vmem_shared>>) offsets(%dma_start3A_1901 : memref<128xi32, #tpu.memory_space<vmem>>) semaphore(%arg31 : memref<!tpu.dma_semaphore, #tpu.memory_space<semaphore_mem>>) {add = true}
      %dma_wait3A_1905 = arith.constant 7 : i32
      %dma_wait3A_1906 = arith.constant 0 : i32
      %dma_wait3A_1907 = tpu.memref_slice %arg11[%dma_wait3A_1905, %dma_wait3A_1906] : memref<8x128xi32, #tpu.memory_space<vmem>> -> memref<1x128xi32, #tpu.memory_space<vmem>>
      %dma_wait3A_1908 = tpu.memref_squeeze %dma_wait3A_1907 : memref<1x128xi32, #tpu.memory_space<vmem>> -> memref<128xi32, #tpu.memory_space<vmem>>
      %dma_wait3A_1909 = arith.constant 0 : i32
      %dma_wait3A_1910 = arith.constant 0 : i32
      %dma_wait3A_1911 = tpu.memref_slice %arg2[%dma_wait3A_1909, %dma_wait3A_1910] : memref<10000x128xbf16, #tpu.memory_space<hbm>> -> memref<10000x128xbf16, #tpu.memory_space<hbm>>
      tpu.wait_indirect_dma semaphore(%arg26 : memref<!tpu.dma_semaphore, #tpu.memory_space<semaphore_mem>>) src(%dma_wait3A_1911 : memref<10000x128xbf16, #tpu.memory_space<hbm>>) dst(%arg17 : memref<128x128xbf16, #tpu.memory_space<vmem>>)
      %dma_start3A_1912 = arith.constant 7 : i32
      %dma_start3A_1913 = arith.constant 0 : i32
      %dma_start3A_1914 = tpu.memref_slice %arg13[%dma_start3A_1912, %dma_start3A_1913] : memref<8x128xi32, #tpu.memory_space<vmem>> -> memref<1x128xi32, #tpu.memory_space<vmem>>
      %dma_start3A_1915 = tpu.memref_squeeze %dma_start3A_1914 : memref<1x128xi32, #tpu.memory_space<vmem>> -> memref<128xi32, #tpu.memory_space<vmem>>
      %dma_start3A_1916 = arith.constant 0 : i32
      %dma_start3A_1917 = arith.constant 0 : i32
      %dma_start3A_1918 = tpu.memref_slice %arg21[%dma_start3A_1916, %dma_start3A_1917] : memref<10240x128xbf16, #tpu.memory_space<vmem_shared>> -> memref<10240x128xbf16, #tpu.memory_space<vmem_shared>>
      tpu.enqueue_indirect_dma source(%arg17 : memref<128x128xbf16, #tpu.memory_space<vmem>>) target(%dma_start3A_1918 : memref<10240x128xbf16, #tpu.memory_space<vmem_shared>>) offsets(%dma_start3A_1915 : memref<128xi32, #tpu.memory_space<vmem>>) semaphore(%arg30 : memref<!tpu.dma_semaphore, #tpu.memory_space<semaphore_mem>>) {add = true}
      %dma_start3A_1919 = arith.constant 7 : i32
      %dma_start3A_1920 = arith.constant 0 : i32
      %dma_start3A_1921 = tpu.memref_slice %arg13[%dma_start3A_1919, %dma_start3A_1920] : memref<8x128xi32, #tpu.memory_space<vmem>> -> memref<1x128xi32, #tpu.memory_space<vmem>>
      %dma_start3A_1922 = tpu.memref_squeeze %dma_start3A_1921 : memref<1x128xi32, #tpu.memory_space<vmem>> -> memref<128xi32, #tpu.memory_space<vmem>>
      %dma_start3A_1923 = arith.constant 0 : i32
      %dma_start3A_1924 = arith.constant 0 : i32
      %dma_start3A_1925 = tpu.memref_slice %arg22[%dma_start3A_1923, %dma_start3A_1924] : memref<10240x16xf32, #tpu.memory_space<vmem_shared>> -> memref<10240x16xf32, #tpu.memory_space<vmem_shared>>
      tpu.enqueue_indirect_dma source(%arg18 : memref<128x16xf32, #tpu.memory_space<vmem>>) target(%dma_start3A_1925 : memref<10240x16xf32, #tpu.memory_space<vmem_shared>>) offsets(%dma_start3A_1922 : memref<128xi32, #tpu.memory_space<vmem>>) semaphore(%arg31 : memref<!tpu.dma_semaphore, #tpu.memory_space<semaphore_mem>>) {add = true}
      %dma_wait3A_1926 = arith.constant 4 : i32
      %dma_wait3A_1927 = arith.constant 0 : i32
      %dma_wait3A_1928 = tpu.memref_slice %arg13[%dma_wait3A_1926, %dma_wait3A_1927] : memref<8x128xi32, #tpu.memory_space<vmem>> -> memref<1x128xi32, #tpu.memory_space<vmem>>
      %dma_wait3A_1929 = tpu.memref_squeeze %dma_wait3A_1928 : memref<1x128xi32, #tpu.memory_space<vmem>> -> memref<128xi32, #tpu.memory_space<vmem>>
      %dma_wait3A_1930 = arith.constant 0 : i32
      %dma_wait3A_1931 = arith.constant 0 : i32
      %dma_wait3A_1932 = tpu.memref_slice %arg21[%dma_wait3A_1930, %dma_wait3A_1931] : memref<10240x128xbf16, #tpu.memory_space<vmem_shared>> -> memref<10240x128xbf16, #tpu.memory_space<vmem_shared>>
      tpu.wait_indirect_dma semaphore(%arg27 : memref<!tpu.dma_semaphore, #tpu.memory_space<semaphore_mem>>) src(%arg14 : memref<128x128xbf16, #tpu.memory_space<vmem>>) dst(%dma_wait3A_1932 : memref<10240x128xbf16, #tpu.memory_space<vmem_shared>>)
      %dma_wait3A_1933 = arith.constant 5 : i32
      %dma_wait3A_1934 = arith.constant 0 : i32
      %dma_wait3A_1935 = tpu.memref_slice %arg13[%dma_wait3A_1933, %dma_wait3A_1934] : memref<8x128xi32, #tpu.memory_space<vmem>> -> memref<1x128xi32, #tpu.memory_space<vmem>>
      %dma_wait3A_1936 = tpu.memref_squeeze %dma_wait3A_1935 : memref<1x128xi32, #tpu.memory_space<vmem>> -> memref<128xi32, #tpu.memory_space<vmem>>
      %dma_wait3A_1937 = arith.constant 0 : i32
      %dma_wait3A_1938 = arith.constant 0 : i32
      %dma_wait3A_1939 = tpu.memref_slice %arg21[%dma_wait3A_1937, %dma_wait3A_1938] : memref<10240x128xbf16, #tpu.memory_space<vmem_shared>> -> memref<10240x128xbf16, #tpu.memory_space<vmem_shared>>
      tpu.wait_indirect_dma semaphore(%arg28 : memref<!tpu.dma_semaphore, #tpu.memory_space<semaphore_mem>>) src(%arg15 : memref<128x128xbf16, #tpu.memory_space<vmem>>) dst(%dma_wait3A_1939 : memref<10240x128xbf16, #tpu.memory_space<vmem_shared>>)
      %dma_wait3A_1940 = arith.constant 6 : i32
      %dma_wait3A_1941 = arith.constant 0 : i32
      %dma_wait3A_1942 = tpu.memref_slice %arg13[%dma_wait3A_1940, %dma_wait3A_1941] : memref<8x128xi32, #tpu.memory_space<vmem>> -> memref<1x128xi32, #tpu.memory_space<vmem>>
      %dma_wait3A_1943 = tpu.memref_squeeze %dma_wait3A_1942 : memref<1x128xi32, #tpu.memory_space<vmem>> -> memref<128xi32, #tpu.memory_space<vmem>>
      %dma_wait3A_1944 = arith.constant 0 : i32
      %dma_wait3A_1945 = arith.constant 0 : i32
      %dma_wait3A_1946 = tpu.memref_slice %arg21[%dma_wait3A_1944, %dma_wait3A_1945] : memref<10240x128xbf16, #tpu.memory_space<vmem_shared>> -> memref<10240x128xbf16, #tpu.memory_space<vmem_shared>>
      tpu.wait_indirect_dma semaphore(%arg29 : memref<!tpu.dma_semaphore, #tpu.memory_space<semaphore_mem>>) src(%arg16 : memref<128x128xbf16, #tpu.memory_space<vmem>>) dst(%dma_wait3A_1946 : memref<10240x128xbf16, #tpu.memory_space<vmem_shared>>)
      %dma_wait3A_1947 = arith.constant 7 : i32
      %dma_wait3A_1948 = arith.constant 0 : i32
      %dma_wait3A_1949 = tpu.memref_slice %arg13[%dma_wait3A_1947, %dma_wait3A_1948] : memref<8x128xi32, #tpu.memory_space<vmem>> -> memref<1x128xi32, #tpu.memory_space<vmem>>
      %dma_wait3A_1950 = tpu.memref_squeeze %dma_wait3A_1949 : memref<1x128xi32, #tpu.memory_space<vmem>> -> memref<128xi32, #tpu.memory_space<vmem>>
      %dma_wait3A_1951 = arith.constant 0 : i32
      %dma_wait3A_1952 = arith.constant 0 : i32
      %dma_wait3A_1953 = tpu.memref_slice %arg21[%dma_wait3A_1951, %dma_wait3A_1952] : memref<10240x128xbf16, #tpu.memory_space<vmem_shared>> -> memref<10240x128xbf16, #tpu.memory_space<vmem_shared>>
      tpu.wait_indirect_dma semaphore(%arg30 : memref<!tpu.dma_semaphore, #tpu.memory_space<semaphore_mem>>) src(%arg17 : memref<128x128xbf16, #tpu.memory_space<vmem>>) dst(%dma_wait3A_1953 : memref<10240x128xbf16, #tpu.memory_space<vmem_shared>>)
      %dma_wait3A_1954 = arith.constant 0 : i32
      %dma_wait3A_1955 = arith.constant 0 : i32
      %dma_wait3A_1956 = tpu.memref_slice %arg13[%dma_wait3A_1954, %dma_wait3A_1955] : memref<8x128xi32, #tpu.memory_space<vmem>> -> memref<1x128xi32, #tpu.memory_space<vmem>>
      %dma_wait3A_1957 = tpu.memref_squeeze %dma_wait3A_1956 : memref<1x128xi32, #tpu.memory_space<vmem>> -> memref<128xi32, #tpu.memory_space<vmem>>
      %dma_wait3A_1958 = arith.constant 0 : i32
      %dma_wait3A_1959 = arith.constant 0 : i32
      %dma_wait3A_1960 = tpu.memref_slice %arg22[%dma_wait3A_1958, %dma_wait3A_1959] : memref<10240x16xf32, #tpu.memory_space<vmem_shared>> -> memref<10240x16xf32, #tpu.memory_space<vmem_shared>>
      tpu.wait_indirect_dma semaphore(%arg31 : memref<!tpu.dma_semaphore, #tpu.memory_space<semaphore_mem>>) src(%arg18 : memref<128x16xf32, #tpu.memory_space<vmem>>) dst(%dma_wait3A_1960 : memref<10240x16xf32, #tpu.memory_space<vmem_shared>>)
      %dma_wait3A_1961 = arith.constant 1 : i32
      %dma_wait3A_1962 = arith.constant 0 : i32
      %dma_wait3A_1963 = tpu.memref_slice %arg13[%dma_wait3A_1961, %dma_wait3A_1962] : memref<8x128xi32, #tpu.memory_space<vmem>> -> memref<1x128xi32, #tpu.memory_space<vmem>>
      %dma_wait3A_1964 = tpu.memref_squeeze %dma_wait3A_1963 : memref<1x128xi32, #tpu.memory_space<vmem>> -> memref<128xi32, #tpu.memory_space<vmem>>
      %dma_wait3A_1965 = arith.constant 0 : i32
      %dma_wait3A_1966 = arith.constant 0 : i32
      %dma_wait3A_1967 = tpu.memref_slice %arg22[%dma_wait3A_1965, %dma_wait3A_1966] : memref<10240x16xf32, #tpu.memory_space<vmem_shared>> -> memref<10240x16xf32, #tpu.memory_space<vmem_shared>>
      tpu.wait_indirect_dma semaphore(%arg31 : memref<!tpu.dma_semaphore, #tpu.memory_space<semaphore_mem>>) src(%arg18 : memref<128x16xf32, #tpu.memory_space<vmem>>) dst(%dma_wait3A_1967 : memref<10240x16xf32, #tpu.memory_space<vmem_shared>>)
      %dma_wait3A_1968 = arith.constant 2 : i32
      %dma_wait3A_1969 = arith.constant 0 : i32
      %dma_wait3A_1970 = tpu.memref_slice %arg13[%dma_wait3A_1968, %dma_wait3A_1969] : memref<8x128xi32, #tpu.memory_space<vmem>> -> memref<1x128xi32, #tpu.memory_space<vmem>>
      %dma_wait3A_1971 = tpu.memref_squeeze %dma_wait3A_1970 : memref<1x128xi32, #tpu.memory_space<vmem>> -> memref<128xi32, #tpu.memory_space<vmem>>
      %dma_wait3A_1972 = arith.constant 0 : i32
      %dma_wait3A_1973 = arith.constant 0 : i32
      %dma_wait3A_1974 = tpu.memref_slice %arg22[%dma_wait3A_1972, %dma_wait3A_1973] : memref<10240x16xf32, #tpu.memory_space<vmem_shared>> -> memref<10240x16xf32, #tpu.memory_space<vmem_shared>>
      tpu.wait_indirect_dma semaphore(%arg31 : memref<!tpu.dma_semaphore, #tpu.memory_space<semaphore_mem>>) src(%arg18 : memref<128x16xf32, #tpu.memory_space<vmem>>) dst(%dma_wait3A_1974 : memref<10240x16xf32, #tpu.memory_space<vmem_shared>>)
      %dma_wait3A_1975 = arith.constant 3 : i32
      %dma_wait3A_1976 = arith.constant 0 : i32
      %dma_wait3A_1977 = tpu.memref_slice %arg13[%dma_wait3A_1975, %dma_wait3A_1976] : memref<8x128xi32, #tpu.memory_space<vmem>> -> memref<1x128xi32, #tpu.memory_space<vmem>>
      %dma_wait3A_1978 = tpu.memref_squeeze %dma_wait3A_1977 : memref<1x128xi32, #tpu.memory_space<vmem>> -> memref<128xi32, #tpu.memory_space<vmem>>
      %dma_wait3A_1979 = arith.constant 0 : i32
      %dma_wait3A_1980 = arith.constant 0 : i32
      %dma_wait3A_1981 = tpu.memref_slice %arg22[%dma_wait3A_1979, %dma_wait3A_1980] : memref<10240x16xf32, #tpu.memory_space<vmem_shared>> -> memref<10240x16xf32, #tpu.memory_space<vmem_shared>>
      tpu.wait_indirect_dma semaphore(%arg31 : memref<!tpu.dma_semaphore, #tpu.memory_space<semaphore_mem>>) src(%arg18 : memref<128x16xf32, #tpu.memory_space<vmem>>) dst(%dma_wait3A_1981 : memref<10240x16xf32, #tpu.memory_space<vmem_shared>>)
      %dma_wait3A_1982 = arith.constant 4 : i32
      %dma_wait3A_1983 = arith.constant 0 : i32
      %dma_wait3A_1984 = tpu.memref_slice %arg13[%dma_wait3A_1982, %dma_wait3A_1983] : memref<8x128xi32, #tpu.memory_space<vmem>> -> memref<1x128xi32, #tpu.memory_space<vmem>>
      %dma_wait3A_1985 = tpu.memref_squeeze %dma_wait3A_1984 : memref<1x128xi32, #tpu.memory_space<vmem>> -> memref<128xi32, #tpu.memory_space<vmem>>
      %dma_wait3A_1986 = arith.constant 0 : i32
      %dma_wait3A_1987 = arith.constant 0 : i32
      %dma_wait3A_1988 = tpu.memref_slice %arg22[%dma_wait3A_1986, %dma_wait3A_1987] : memref<10240x16xf32, #tpu.memory_space<vmem_shared>> -> memref<10240x16xf32, #tpu.memory_space<vmem_shared>>
      tpu.wait_indirect_dma semaphore(%arg31 : memref<!tpu.dma_semaphore, #tpu.memory_space<semaphore_mem>>) src(%arg18 : memref<128x16xf32, #tpu.memory_space<vmem>>) dst(%dma_wait3A_1988 : memref<10240x16xf32, #tpu.memory_space<vmem_shared>>)
      %dma_wait3A_1989 = arith.constant 5 : i32
      %dma_wait3A_1990 = arith.constant 0 : i32
      %dma_wait3A_1991 = tpu.memref_slice %arg13[%dma_wait3A_1989, %dma_wait3A_1990] : memref<8x128xi32, #tpu.memory_space<vmem>> -> memref<1x128xi32, #tpu.memory_space<vmem>>
      %dma_wait3A_1992 = tpu.memref_squeeze %dma_wait3A_1991 : memref<1x128xi32, #tpu.memory_space<vmem>> -> memref<128xi32, #tpu.memory_space<vmem>>
      %dma_wait3A_1993 = arith.constant 0 : i32
      %dma_wait3A_1994 = arith.constant 0 : i32
      %dma_wait3A_1995 = tpu.memref_slice %arg22[%dma_wait3A_1993, %dma_wait3A_1994] : memref<10240x16xf32, #tpu.memory_space<vmem_shared>> -> memref<10240x16xf32, #tpu.memory_space<vmem_shared>>
      tpu.wait_indirect_dma semaphore(%arg31 : memref<!tpu.dma_semaphore, #tpu.memory_space<semaphore_mem>>) src(%arg18 : memref<128x16xf32, #tpu.memory_space<vmem>>) dst(%dma_wait3A_1995 : memref<10240x16xf32, #tpu.memory_space<vmem_shared>>)
      %dma_wait3A_1996 = arith.constant 6 : i32
      %dma_wait3A_1997 = arith.constant 0 : i32
      %dma_wait3A_1998 = tpu.memref_slice %arg13[%dma_wait3A_1996, %dma_wait3A_1997] : memref<8x128xi32, #tpu.memory_space<vmem>> -> memref<1x128xi32, #tpu.memory_space<vmem>>
      %dma_wait3A_1999 = tpu.memref_squeeze %dma_wait3A_1998 : memref<1x128xi32, #tpu.memory_space<vmem>> -> memref<128xi32, #tpu.memory_space<vmem>>
      %dma_wait3A_2000 = arith.constant 0 : i32
      %dma_wait3A_2001 = arith.constant 0 : i32
      %dma_wait3A_2002 = tpu.memref_slice %arg22[%dma_wait3A_2000, %dma_wait3A_2001] : memref<10240x16xf32, #tpu.memory_space<vmem_shared>> -> memref<10240x16xf32, #tpu.memory_space<vmem_shared>>
      tpu.wait_indirect_dma semaphore(%arg31 : memref<!tpu.dma_semaphore, #tpu.memory_space<semaphore_mem>>) src(%arg18 : memref<128x16xf32, #tpu.memory_space<vmem>>) dst(%dma_wait3A_2002 : memref<10240x16xf32, #tpu.memory_space<vmem_shared>>)
      %dma_wait3A_2003 = arith.constant 7 : i32
      %dma_wait3A_2004 = arith.constant 0 : i32
      %dma_wait3A_2005 = tpu.memref_slice %arg13[%dma_wait3A_2003, %dma_wait3A_2004] : memref<8x128xi32, #tpu.memory_space<vmem>> -> memref<1x128xi32, #tpu.memory_space<vmem>>
      %dma_wait3A_2006 = tpu.memref_squeeze %dma_wait3A_2005 : memref<1x128xi32, #tpu.memory_space<vmem>> -> memref<128xi32, #tpu.memory_space<vmem>>
      %dma_wait3A_2007 = arith.constant 0 : i32
      %dma_wait3A_2008 = arith.constant 0 : i32
      %dma_wait3A_2009 = tpu.memref_slice %arg22[%dma_wait3A_2007, %dma_wait3A_2008] : memref<10240x16xf32, #tpu.memory_space<vmem_shared>> -> memref<10240x16xf32, #tpu.memory_space<vmem_shared>>
      tpu.wait_indirect_dma semaphore(%arg31 : memref<!tpu.dma_semaphore, #tpu.memory_space<semaphore_mem>>) src(%arg18 : memref<128x16xf32, #tpu.memory_space<vmem>>) dst(%dma_wait3A_2009 : memref<10240x16xf32, #tpu.memory_space<vmem_shared>>)
      %dma_wait3A_2010 = arith.constant 0 : i32
      %dma_wait3A_2011 = tpu.memref_slice %arg3[%min3A_1665, %dma_wait3A_2010] : memref<2560x128xi32, #tpu.memory_space<hbm>> -> memref<8x128xi32, #tpu.memory_space<hbm>>
      %dma_wait3A_2012 = arith.constant 0 : i32
      %dma_wait3A_2013 = tpu.memref_slice %arg3[%min3A_1665, %dma_wait3A_2012] : memref<2560x128xi32, #tpu.memory_space<hbm>> -> memref<8x128xi32, #tpu.memory_space<hbm>>
      tpu.wait_dma2 semaphore(%arg32 : memref<!tpu.dma_semaphore, #tpu.memory_space<semaphore_mem>>) src(%dma_wait3A_2013 : memref<8x128xi32, #tpu.memory_space<hbm>>) dst(%arg10 : memref<8x128xi32, #tpu.memory_space<vmem>>)
      %dma_wait3A_2014 = arith.constant 0 : i32
      %dma_wait3A_2015 = tpu.memref_slice %arg4[%min3A_1665, %dma_wait3A_2014] : memref<2560x128xi32, #tpu.memory_space<hbm>> -> memref<8x128xi32, #tpu.memory_space<hbm>>
      %dma_wait3A_2016 = arith.constant 0 : i32
      %dma_wait3A_2017 = tpu.memref_slice %arg4[%min3A_1665, %dma_wait3A_2016] : memref<2560x128xi32, #tpu.memory_space<hbm>> -> memref<8x128xi32, #tpu.memory_space<hbm>>
      tpu.wait_dma2 semaphore(%arg32 : memref<!tpu.dma_semaphore, #tpu.memory_space<semaphore_mem>>) src(%dma_wait3A_2017 : memref<8x128xi32, #tpu.memory_space<hbm>>) dst(%arg12 : memref<8x128xi32, #tpu.memory_space<vmem>>)
    }
    %while3A_1269 = arith.constant 1 : i32
    scf.for %while3A_1299 = %while3A_1267 to %while3A_1263 step %while3A_1269  : i32 {
      %mul3A_1300 = arith.constant 2 : i32
      %mul3A_1301 = arith.muli %mul3A_1300, %while3A_1299 : i32
      %add3A_1302 = arith.constant 2 : i32
      %add3A_1303 = arith.addi %add3A_1302, %mul3A_1301 : i32
      %mul3A_1304 = arith.constant 8 : i32
      %mul3A_1305 = arith.muli %add3A_1303, %mul3A_1304 : i32
      %add3A_1306 = arith.addi %add3A_5, %mul3A_1305 : i32
      %add3A_1307 = arith.constant 8 : i32
      %add3A_1308 = arith.addi %add3A_1306, %add3A_1307 : i32
      %dma_start3A_1309 = arith.constant 0 : i32
      %dma_start3A_1310 = tpu.memref_slice %arg3[%add3A_1308, %dma_start3A_1309] : memref<2560x128xi32, #tpu.memory_space<hbm>> -> memref<8x128xi32, #tpu.memory_space<hbm>>
      %dma_start3A_1311 = arith.constant 0 : i32
      %dma_start3A_1312 = tpu.memref_slice %arg3[%add3A_1308, %dma_start3A_1311] : memref<2560x128xi32, #tpu.memory_space<hbm>> -> memref<8x128xi32, #tpu.memory_space<hbm>>
      tpu.enqueue_dma source(%dma_start3A_1312 : memref<8x128xi32, #tpu.memory_space<hbm>>) target(%arg11 : memref<8x128xi32, #tpu.memory_space<vmem>>) target_semaphore(%arg32 : memref<!tpu.dma_semaphore, #tpu.memory_space<semaphore_mem>>)
      %add3A_1313 = arith.constant 8 : i32
      %add3A_1314 = arith.addi %add3A_1306, %add3A_1313 : i32
      %dma_start3A_1315 = arith.constant 0 : i32
      %dma_start3A_1316 = tpu.memref_slice %arg4[%add3A_1314, %dma_start3A_1315] : memref<2560x128xi32, #tpu.memory_space<hbm>> -> memref<8x128xi32, #tpu.memory_space<hbm>>
      %dma_start3A_1317 = arith.constant 0 : i32
      %dma_start3A_1318 = tpu.memref_slice %arg4[%add3A_1314, %dma_start3A_1317] : memref<2560x128xi32, #tpu.memory_space<hbm>> -> memref<8x128xi32, #tpu.memory_space<hbm>>
      tpu.enqueue_dma source(%dma_start3A_1318 : memref<8x128xi32, #tpu.memory_space<hbm>>) target(%arg13 : memref<8x128xi32, #tpu.memory_space<vmem>>) target_semaphore(%arg32 : memref<!tpu.dma_semaphore, #tpu.memory_space<semaphore_mem>>)
      %dma_start3A_1319 = arith.constant 0 : i32
      %dma_start3A_1320 = arith.constant 0 : i32
      %dma_start3A_1321 = tpu.memref_slice %arg10[%dma_start3A_1319, %dma_start3A_1320] : memref<8x128xi32, #tpu.memory_space<vmem>> -> memref<1x128xi32, #tpu.memory_space<vmem>>
      %dma_start3A_1322 = tpu.memref_squeeze %dma_start3A_1321 : memref<1x128xi32, #tpu.memory_space<vmem>> -> memref<128xi32, #tpu.memory_space<vmem>>
      %dma_start3A_1323 = arith.constant 0 : i32
      %dma_start3A_1324 = arith.constant 0 : i32
      %dma_start3A_1325 = tpu.memref_slice %arg2[%dma_start3A_1323, %dma_start3A_1324] : memref<10000x128xbf16, #tpu.memory_space<hbm>> -> memref<10000x128xbf16, #tpu.memory_space<hbm>>
      tpu.enqueue_indirect_dma source(%dma_start3A_1325 : memref<10000x128xbf16, #tpu.memory_space<hbm>>) target(%arg14 : memref<128x128xbf16, #tpu.memory_space<vmem>>) offsets(%dma_start3A_1322 : memref<128xi32, #tpu.memory_space<vmem>>) semaphore(%arg23 : memref<!tpu.dma_semaphore, #tpu.memory_space<semaphore_mem>>)
      %dma_start3A_1326 = arith.constant 1 : i32
      %dma_start3A_1327 = arith.constant 0 : i32
      %dma_start3A_1328 = tpu.memref_slice %arg10[%dma_start3A_1326, %dma_start3A_1327] : memref<8x128xi32, #tpu.memory_space<vmem>> -> memref<1x128xi32, #tpu.memory_space<vmem>>
      %dma_start3A_1329 = tpu.memref_squeeze %dma_start3A_1328 : memref<1x128xi32, #tpu.memory_space<vmem>> -> memref<128xi32, #tpu.memory_space<vmem>>
      %dma_start3A_1330 = arith.constant 0 : i32
      %dma_start3A_1331 = arith.constant 0 : i32
      %dma_start3A_1332 = tpu.memref_slice %arg2[%dma_start3A_1330, %dma_start3A_1331] : memref<10000x128xbf16, #tpu.memory_space<hbm>> -> memref<10000x128xbf16, #tpu.memory_space<hbm>>
      tpu.enqueue_indirect_dma source(%dma_start3A_1332 : memref<10000x128xbf16, #tpu.memory_space<hbm>>) target(%arg15 : memref<128x128xbf16, #tpu.memory_space<vmem>>) offsets(%dma_start3A_1329 : memref<128xi32, #tpu.memory_space<vmem>>) semaphore(%arg24 : memref<!tpu.dma_semaphore, #tpu.memory_space<semaphore_mem>>)
      %dma_start3A_1333 = arith.constant 2 : i32
      %dma_start3A_1334 = arith.constant 0 : i32
      %dma_start3A_1335 = tpu.memref_slice %arg10[%dma_start3A_1333, %dma_start3A_1334] : memref<8x128xi32, #tpu.memory_space<vmem>> -> memref<1x128xi32, #tpu.memory_space<vmem>>
      %dma_start3A_1336 = tpu.memref_squeeze %dma_start3A_1335 : memref<1x128xi32, #tpu.memory_space<vmem>> -> memref<128xi32, #tpu.memory_space<vmem>>
      %dma_start3A_1337 = arith.constant 0 : i32
      %dma_start3A_1338 = arith.constant 0 : i32
      %dma_start3A_1339 = tpu.memref_slice %arg2[%dma_start3A_1337, %dma_start3A_1338] : memref<10000x128xbf16, #tpu.memory_space<hbm>> -> memref<10000x128xbf16, #tpu.memory_space<hbm>>
      tpu.enqueue_indirect_dma source(%dma_start3A_1339 : memref<10000x128xbf16, #tpu.memory_space<hbm>>) target(%arg16 : memref<128x128xbf16, #tpu.memory_space<vmem>>) offsets(%dma_start3A_1336 : memref<128xi32, #tpu.memory_space<vmem>>) semaphore(%arg25 : memref<!tpu.dma_semaphore, #tpu.memory_space<semaphore_mem>>)
      %dma_start3A_1340 = arith.constant 3 : i32
      %dma_start3A_1341 = arith.constant 0 : i32
      %dma_start3A_1342 = tpu.memref_slice %arg10[%dma_start3A_1340, %dma_start3A_1341] : memref<8x128xi32, #tpu.memory_space<vmem>> -> memref<1x128xi32, #tpu.memory_space<vmem>>
      %dma_start3A_1343 = tpu.memref_squeeze %dma_start3A_1342 : memref<1x128xi32, #tpu.memory_space<vmem>> -> memref<128xi32, #tpu.memory_space<vmem>>
      %dma_start3A_1344 = arith.constant 0 : i32
      %dma_start3A_1345 = arith.constant 0 : i32
      %dma_start3A_1346 = tpu.memref_slice %arg2[%dma_start3A_1344, %dma_start3A_1345] : memref<10000x128xbf16, #tpu.memory_space<hbm>> -> memref<10000x128xbf16, #tpu.memory_space<hbm>>
      tpu.enqueue_indirect_dma source(%dma_start3A_1346 : memref<10000x128xbf16, #tpu.memory_space<hbm>>) target(%arg17 : memref<128x128xbf16, #tpu.memory_space<vmem>>) offsets(%dma_start3A_1343 : memref<128xi32, #tpu.memory_space<vmem>>) semaphore(%arg26 : memref<!tpu.dma_semaphore, #tpu.memory_space<semaphore_mem>>)
      %dma_wait3A_1347 = arith.constant 0 : i32
      %dma_wait3A_1348 = arith.constant 0 : i32
      %dma_wait3A_1349 = tpu.memref_slice %arg10[%dma_wait3A_1347, %dma_wait3A_1348] : memref<8x128xi32, #tpu.memory_space<vmem>> -> memref<1x128xi32, #tpu.memory_space<vmem>>
      %dma_wait3A_1350 = tpu.memref_squeeze %dma_wait3A_1349 : memref<1x128xi32, #tpu.memory_space<vmem>> -> memref<128xi32, #tpu.memory_space<vmem>>
      %dma_wait3A_1351 = arith.constant 0 : i32
      %dma_wait3A_1352 = arith.constant 0 : i32
      %dma_wait3A_1353 = tpu.memref_slice %arg2[%dma_wait3A_1351, %dma_wait3A_1352] : memref<10000x128xbf16, #tpu.memory_space<hbm>> -> memref<10000x128xbf16, #tpu.memory_space<hbm>>
      tpu.wait_indirect_dma semaphore(%arg23 : memref<!tpu.dma_semaphore, #tpu.memory_space<semaphore_mem>>) src(%dma_wait3A_1353 : memref<10000x128xbf16, #tpu.memory_space<hbm>>) dst(%arg14 : memref<128x128xbf16, #tpu.memory_space<vmem>>)
      %dma_start3A_1354 = arith.constant 0 : i32
      %dma_start3A_1355 = arith.constant 0 : i32
      %dma_start3A_1356 = tpu.memref_slice %arg12[%dma_start3A_1354, %dma_start3A_1355] : memref<8x128xi32, #tpu.memory_space<vmem>> -> memref<1x128xi32, #tpu.memory_space<vmem>>
      %dma_start3A_1357 = tpu.memref_squeeze %dma_start3A_1356 : memref<1x128xi32, #tpu.memory_space<vmem>> -> memref<128xi32, #tpu.memory_space<vmem>>
      %dma_start3A_1358 = arith.constant 0 : i32
      %dma_start3A_1359 = arith.constant 0 : i32
      %dma_start3A_1360 = tpu.memref_slice %arg21[%dma_start3A_1358, %dma_start3A_1359] : memref<10240x128xbf16, #tpu.memory_space<vmem_shared>> -> memref<10240x128xbf16, #tpu.memory_space<vmem_shared>>
      tpu.enqueue_indirect_dma source(%arg14 : memref<128x128xbf16, #tpu.memory_space<vmem>>) target(%dma_start3A_1360 : memref<10240x128xbf16, #tpu.memory_space<vmem_shared>>) offsets(%dma_start3A_1357 : memref<128xi32, #tpu.memory_space<vmem>>) semaphore(%arg27 : memref<!tpu.dma_semaphore, #tpu.memory_space<semaphore_mem>>) {add = true}
      %dma_start3A_1361 = arith.constant 0 : i32
      %dma_start3A_1362 = arith.constant 0 : i32
      %dma_start3A_1363 = tpu.memref_slice %arg12[%dma_start3A_1361, %dma_start3A_1362] : memref<8x128xi32, #tpu.memory_space<vmem>> -> memref<1x128xi32, #tpu.memory_space<vmem>>
      %dma_start3A_1364 = tpu.memref_squeeze %dma_start3A_1363 : memref<1x128xi32, #tpu.memory_space<vmem>> -> memref<128xi32, #tpu.memory_space<vmem>>
      %dma_start3A_1365 = arith.constant 0 : i32
      %dma_start3A_1366 = arith.constant 0 : i32
      %dma_start3A_1367 = tpu.memref_slice %arg22[%dma_start3A_1365, %dma_start3A_1366] : memref<10240x16xf32, #tpu.memory_space<vmem_shared>> -> memref<10240x16xf32, #tpu.memory_space<vmem_shared>>
      tpu.enqueue_indirect_dma source(%arg18 : memref<128x16xf32, #tpu.memory_space<vmem>>) target(%dma_start3A_1367 : memref<10240x16xf32, #tpu.memory_space<vmem_shared>>) offsets(%dma_start3A_1364 : memref<128xi32, #tpu.memory_space<vmem>>) semaphore(%arg31 : memref<!tpu.dma_semaphore, #tpu.memory_space<semaphore_mem>>) {add = true}
      %dma_wait3A_1368 = arith.constant 0 : i32
      %dma_wait3A_1369 = arith.constant 0 : i32
      %dma_wait3A_1370 = tpu.memref_slice %arg12[%dma_wait3A_1368, %dma_wait3A_1369] : memref<8x128xi32, #tpu.memory_space<vmem>> -> memref<1x128xi32, #tpu.memory_space<vmem>>
      %dma_wait3A_1371 = tpu.memref_squeeze %dma_wait3A_1370 : memref<1x128xi32, #tpu.memory_space<vmem>> -> memref<128xi32, #tpu.memory_space<vmem>>
      %dma_wait3A_1372 = arith.constant 0 : i32
      %dma_wait3A_1373 = arith.constant 0 : i32
      %dma_wait3A_1374 = tpu.memref_slice %arg21[%dma_wait3A_1372, %dma_wait3A_1373] : memref<10240x128xbf16, #tpu.memory_space<vmem_shared>> -> memref<10240x128xbf16, #tpu.memory_space<vmem_shared>>
      tpu.wait_indirect_dma semaphore(%arg27 : memref<!tpu.dma_semaphore, #tpu.memory_space<semaphore_mem>>) src(%arg14 : memref<128x128xbf16, #tpu.memory_space<vmem>>) dst(%dma_wait3A_1374 : memref<10240x128xbf16, #tpu.memory_space<vmem_shared>>)
      %dma_start3A_1375 = arith.constant 4 : i32
      %dma_start3A_1376 = arith.constant 0 : i32
      %dma_start3A_1377 = tpu.memref_slice %arg10[%dma_start3A_1375, %dma_start3A_1376] : memref<8x128xi32, #tpu.memory_space<vmem>> -> memref<1x128xi32, #tpu.memory_space<vmem>>
      %dma_start3A_1378 = tpu.memref_squeeze %dma_start3A_1377 : memref<1x128xi32, #tpu.memory_space<vmem>> -> memref<128xi32, #tpu.memory_space<vmem>>
      %dma_start3A_1379 = arith.constant 0 : i32
      %dma_start3A_1380 = arith.constant 0 : i32
      %dma_start3A_1381 = tpu.memref_slice %arg2[%dma_start3A_1379, %dma_start3A_1380] : memref<10000x128xbf16, #tpu.memory_space<hbm>> -> memref<10000x128xbf16, #tpu.memory_space<hbm>>
      tpu.enqueue_indirect_dma source(%dma_start3A_1381 : memref<10000x128xbf16, #tpu.memory_space<hbm>>) target(%arg14 : memref<128x128xbf16, #tpu.memory_space<vmem>>) offsets(%dma_start3A_1378 : memref<128xi32, #tpu.memory_space<vmem>>) semaphore(%arg23 : memref<!tpu.dma_semaphore, #tpu.memory_space<semaphore_mem>>)
      %dma_wait3A_1382 = arith.constant 1 : i32
      %dma_wait3A_1383 = arith.constant 0 : i32
      %dma_wait3A_1384 = tpu.memref_slice %arg10[%dma_wait3A_1382, %dma_wait3A_1383] : memref<8x128xi32, #tpu.memory_space<vmem>> -> memref<1x128xi32, #tpu.memory_space<vmem>>
      %dma_wait3A_1385 = tpu.memref_squeeze %dma_wait3A_1384 : memref<1x128xi32, #tpu.memory_space<vmem>> -> memref<128xi32, #tpu.memory_space<vmem>>
      %dma_wait3A_1386 = arith.constant 0 : i32
      %dma_wait3A_1387 = arith.constant 0 : i32
      %dma_wait3A_1388 = tpu.memref_slice %arg2[%dma_wait3A_1386, %dma_wait3A_1387] : memref<10000x128xbf16, #tpu.memory_space<hbm>> -> memref<10000x128xbf16, #tpu.memory_space<hbm>>
      tpu.wait_indirect_dma semaphore(%arg24 : memref<!tpu.dma_semaphore, #tpu.memory_space<semaphore_mem>>) src(%dma_wait3A_1388 : memref<10000x128xbf16, #tpu.memory_space<hbm>>) dst(%arg15 : memref<128x128xbf16, #tpu.memory_space<vmem>>)
      %dma_start3A_1389 = arith.constant 1 : i32
      %dma_start3A_1390 = arith.constant 0 : i32
      %dma_start3A_1391 = tpu.memref_slice %arg12[%dma_start3A_1389, %dma_start3A_1390] : memref<8x128xi32, #tpu.memory_space<vmem>> -> memref<1x128xi32, #tpu.memory_space<vmem>>
      %dma_start3A_1392 = tpu.memref_squeeze %dma_start3A_1391 : memref<1x128xi32, #tpu.memory_space<vmem>> -> memref<128xi32, #tpu.memory_space<vmem>>
      %dma_start3A_1393 = arith.constant 0 : i32
      %dma_start3A_1394 = arith.constant 0 : i32
      %dma_start3A_1395 = tpu.memref_slice %arg21[%dma_start3A_1393, %dma_start3A_1394] : memref<10240x128xbf16, #tpu.memory_space<vmem_shared>> -> memref<10240x128xbf16, #tpu.memory_space<vmem_shared>>
      tpu.enqueue_indirect_dma source(%arg15 : memref<128x128xbf16, #tpu.memory_space<vmem>>) target(%dma_start3A_1395 : memref<10240x128xbf16, #tpu.memory_space<vmem_shared>>) offsets(%dma_start3A_1392 : memref<128xi32, #tpu.memory_space<vmem>>) semaphore(%arg28 : memref<!tpu.dma_semaphore, #tpu.memory_space<semaphore_mem>>) {add = true}
      %dma_start3A_1396 = arith.constant 1 : i32
      %dma_start3A_1397 = arith.constant 0 : i32
      %dma_start3A_1398 = tpu.memref_slice %arg12[%dma_start3A_1396, %dma_start3A_1397] : memref<8x128xi32, #tpu.memory_space<vmem>> -> memref<1x128xi32, #tpu.memory_space<vmem>>
      %dma_start3A_1399 = tpu.memref_squeeze %dma_start3A_1398 : memref<1x128xi32, #tpu.memory_space<vmem>> -> memref<128xi32, #tpu.memory_space<vmem>>
      %dma_start3A_1400 = arith.constant 0 : i32
      %dma_start3A_1401 = arith.constant 0 : i32
      %dma_start3A_1402 = tpu.memref_slice %arg22[%dma_start3A_1400, %dma_start3A_1401] : memref<10240x16xf32, #tpu.memory_space<vmem_shared>> -> memref<10240x16xf32, #tpu.memory_space<vmem_shared>>
      tpu.enqueue_indirect_dma source(%arg18 : memref<128x16xf32, #tpu.memory_space<vmem>>) target(%dma_start3A_1402 : memref<10240x16xf32, #tpu.memory_space<vmem_shared>>) offsets(%dma_start3A_1399 : memref<128xi32, #tpu.memory_space<vmem>>) semaphore(%arg31 : memref<!tpu.dma_semaphore, #tpu.memory_space<semaphore_mem>>) {add = true}
      %dma_wait3A_1403 = arith.constant 1 : i32
      %dma_wait3A_1404 = arith.constant 0 : i32
      %dma_wait3A_1405 = tpu.memref_slice %arg12[%dma_wait3A_1403, %dma_wait3A_1404] : memref<8x128xi32, #tpu.memory_space<vmem>> -> memref<1x128xi32, #tpu.memory_space<vmem>>
      %dma_wait3A_1406 = tpu.memref_squeeze %dma_wait3A_1405 : memref<1x128xi32, #tpu.memory_space<vmem>> -> memref<128xi32, #tpu.memory_space<vmem>>
      %dma_wait3A_1407 = arith.constant 0 : i32
      %dma_wait3A_1408 = arith.constant 0 : i32
      %dma_wait3A_1409 = tpu.memref_slice %arg21[%dma_wait3A_1407, %dma_wait3A_1408] : memref<10240x128xbf16, #tpu.memory_space<vmem_shared>> -> memref<10240x128xbf16, #tpu.memory_space<vmem_shared>>
      tpu.wait_indirect_dma semaphore(%arg28 : memref<!tpu.dma_semaphore, #tpu.memory_space<semaphore_mem>>) src(%arg15 : memref<128x128xbf16, #tpu.memory_space<vmem>>) dst(%dma_wait3A_1409 : memref<10240x128xbf16, #tpu.memory_space<vmem_shared>>)
      %dma_start3A_1410 = arith.constant 5 : i32
      %dma_start3A_1411 = arith.constant 0 : i32
      %dma_start3A_1412 = tpu.memref_slice %arg10[%dma_start3A_1410, %dma_start3A_1411] : memref<8x128xi32, #tpu.memory_space<vmem>> -> memref<1x128xi32, #tpu.memory_space<vmem>>
      %dma_start3A_1413 = tpu.memref_squeeze %dma_start3A_1412 : memref<1x128xi32, #tpu.memory_space<vmem>> -> memref<128xi32, #tpu.memory_space<vmem>>
      %dma_start3A_1414 = arith.constant 0 : i32
      %dma_start3A_1415 = arith.constant 0 : i32
      %dma_start3A_1416 = tpu.memref_slice %arg2[%dma_start3A_1414, %dma_start3A_1415] : memref<10000x128xbf16, #tpu.memory_space<hbm>> -> memref<10000x128xbf16, #tpu.memory_space<hbm>>
      tpu.enqueue_indirect_dma source(%dma_start3A_1416 : memref<10000x128xbf16, #tpu.memory_space<hbm>>) target(%arg15 : memref<128x128xbf16, #tpu.memory_space<vmem>>) offsets(%dma_start3A_1413 : memref<128xi32, #tpu.memory_space<vmem>>) semaphore(%arg24 : memref<!tpu.dma_semaphore, #tpu.memory_space<semaphore_mem>>)
      %dma_wait3A_1417 = arith.constant 2 : i32
      %dma_wait3A_1418 = arith.constant 0 : i32
      %dma_wait3A_1419 = tpu.memref_slice %arg10[%dma_wait3A_1417, %dma_wait3A_1418] : memref<8x128xi32, #tpu.memory_space<vmem>> -> memref<1x128xi32, #tpu.memory_space<vmem>>
      %dma_wait3A_1420 = tpu.memref_squeeze %dma_wait3A_1419 : memref<1x128xi32, #tpu.memory_space<vmem>> -> memref<128xi32, #tpu.memory_space<vmem>>
      %dma_wait3A_1421 = arith.constant 0 : i32
      %dma_wait3A_1422 = arith.constant 0 : i32
      %dma_wait3A_1423 = tpu.memref_slice %arg2[%dma_wait3A_1421, %dma_wait3A_1422] : memref<10000x128xbf16, #tpu.memory_space<hbm>> -> memref<10000x128xbf16, #tpu.memory_space<hbm>>
      tpu.wait_indirect_dma semaphore(%arg25 : memref<!tpu.dma_semaphore, #tpu.memory_space<semaphore_mem>>) src(%dma_wait3A_1423 : memref<10000x128xbf16, #tpu.memory_space<hbm>>) dst(%arg16 : memref<128x128xbf16, #tpu.memory_space<vmem>>)
      %dma_start3A_1424 = arith.constant 2 : i32
      %dma_start3A_1425 = arith.constant 0 : i32
      %dma_start3A_1426 = tpu.memref_slice %arg12[%dma_start3A_1424, %dma_start3A_1425] : memref<8x128xi32, #tpu.memory_space<vmem>> -> memref<1x128xi32, #tpu.memory_space<vmem>>
      %dma_start3A_1427 = tpu.memref_squeeze %dma_start3A_1426 : memref<1x128xi32, #tpu.memory_space<vmem>> -> memref<128xi32, #tpu.memory_space<vmem>>
      %dma_start3A_1428 = arith.constant 0 : i32
      %dma_start3A_1429 = arith.constant 0 : i32
      %dma_start3A_1430 = tpu.memref_slice %arg21[%dma_start3A_1428, %dma_start3A_1429] : memref<10240x128xbf16, #tpu.memory_space<vmem_shared>> -> memref<10240x128xbf16, #tpu.memory_space<vmem_shared>>
      tpu.enqueue_indirect_dma source(%arg16 : memref<128x128xbf16, #tpu.memory_space<vmem>>) target(%dma_start3A_1430 : memref<10240x128xbf16, #tpu.memory_space<vmem_shared>>) offsets(%dma_start3A_1427 : memref<128xi32, #tpu.memory_space<vmem>>) semaphore(%arg29 : memref<!tpu.dma_semaphore, #tpu.memory_space<semaphore_mem>>) {add = true}
      %dma_start3A_1431 = arith.constant 2 : i32
      %dma_start3A_1432 = arith.constant 0 : i32
      %dma_start3A_1433 = tpu.memref_slice %arg12[%dma_start3A_1431, %dma_start3A_1432] : memref<8x128xi32, #tpu.memory_space<vmem>> -> memref<1x128xi32, #tpu.memory_space<vmem>>
      %dma_start3A_1434 = tpu.memref_squeeze %dma_start3A_1433 : memref<1x128xi32, #tpu.memory_space<vmem>> -> memref<128xi32, #tpu.memory_space<vmem>>
      %dma_start3A_1435 = arith.constant 0 : i32
      %dma_start3A_1436 = arith.constant 0 : i32
      %dma_start3A_1437 = tpu.memref_slice %arg22[%dma_start3A_1435, %dma_start3A_1436] : memref<10240x16xf32, #tpu.memory_space<vmem_shared>> -> memref<10240x16xf32, #tpu.memory_space<vmem_shared>>
      tpu.enqueue_indirect_dma source(%arg18 : memref<128x16xf32, #tpu.memory_space<vmem>>) target(%dma_start3A_1437 : memref<10240x16xf32, #tpu.memory_space<vmem_shared>>) offsets(%dma_start3A_1434 : memref<128xi32, #tpu.memory_space<vmem>>) semaphore(%arg31 : memref<!tpu.dma_semaphore, #tpu.memory_space<semaphore_mem>>) {add = true}
      %dma_wait3A_1438 = arith.constant 2 : i32
      %dma_wait3A_1439 = arith.constant 0 : i32
      %dma_wait3A_1440 = tpu.memref_slice %arg12[%dma_wait3A_1438, %dma_wait3A_1439] : memref<8x128xi32, #tpu.memory_space<vmem>> -> memref<1x128xi32, #tpu.memory_space<vmem>>
      %dma_wait3A_1441 = tpu.memref_squeeze %dma_wait3A_1440 : memref<1x128xi32, #tpu.memory_space<vmem>> -> memref<128xi32, #tpu.memory_space<vmem>>
      %dma_wait3A_1442 = arith.constant 0 : i32
      %dma_wait3A_1443 = arith.constant 0 : i32
      %dma_wait3A_1444 = tpu.memref_slice %arg21[%dma_wait3A_1442, %dma_wait3A_1443] : memref<10240x128xbf16, #tpu.memory_space<vmem_shared>> -> memref<10240x128xbf16, #tpu.memory_space<vmem_shared>>
      tpu.wait_indirect_dma semaphore(%arg29 : memref<!tpu.dma_semaphore, #tpu.memory_space<semaphore_mem>>) src(%arg16 : memref<128x128xbf16, #tpu.memory_space<vmem>>) dst(%dma_wait3A_1444 : memref<10240x128xbf16, #tpu.memory_space<vmem_shared>>)
      %dma_start3A_1445 = arith.constant 6 : i32
      %dma_start3A_1446 = arith.constant 0 : i32
      %dma_start3A_1447 = tpu.memref_slice %arg10[%dma_start3A_1445, %dma_start3A_1446] : memref<8x128xi32, #tpu.memory_space<vmem>> -> memref<1x128xi32, #tpu.memory_space<vmem>>
      %dma_start3A_1448 = tpu.memref_squeeze %dma_start3A_1447 : memref<1x128xi32, #tpu.memory_space<vmem>> -> memref<128xi32, #tpu.memory_space<vmem>>
      %dma_start3A_1449 = arith.constant 0 : i32
      %dma_start3A_1450 = arith.constant 0 : i32
      %dma_start3A_1451 = tpu.memref_slice %arg2[%dma_start3A_1449, %dma_start3A_1450] : memref<10000x128xbf16, #tpu.memory_space<hbm>> -> memref<10000x128xbf16, #tpu.memory_space<hbm>>
      tpu.enqueue_indirect_dma source(%dma_start3A_1451 : memref<10000x128xbf16, #tpu.memory_space<hbm>>) target(%arg16 : memref<128x128xbf16, #tpu.memory_space<vmem>>) offsets(%dma_start3A_1448 : memref<128xi32, #tpu.memory_space<vmem>>) semaphore(%arg25 : memref<!tpu.dma_semaphore, #tpu.memory_space<semaphore_mem>>)
      %dma_wait3A_1452 = arith.constant 3 : i32
      %dma_wait3A_1453 = arith.constant 0 : i32
      %dma_wait3A_1454 = tpu.memref_slice %arg10[%dma_wait3A_1452, %dma_wait3A_1453] : memref<8x128xi32, #tpu.memory_space<vmem>> -> memref<1x128xi32, #tpu.memory_space<vmem>>
      %dma_wait3A_1455 = tpu.memref_squeeze %dma_wait3A_1454 : memref<1x128xi32, #tpu.memory_space<vmem>> -> memref<128xi32, #tpu.memory_space<vmem>>
      %dma_wait3A_1456 = arith.constant 0 : i32
      %dma_wait3A_1457 = arith.constant 0 : i32
      %dma_wait3A_1458 = tpu.memref_slice %arg2[%dma_wait3A_1456, %dma_wait3A_1457] : memref<10000x128xbf16, #tpu.memory_space<hbm>> -> memref<10000x128xbf16, #tpu.memory_space<hbm>>
      tpu.wait_indirect_dma semaphore(%arg26 : memref<!tpu.dma_semaphore, #tpu.memory_space<semaphore_mem>>) src(%dma_wait3A_1458 : memref<10000x128xbf16, #tpu.memory_space<hbm>>) dst(%arg17 : memref<128x128xbf16, #tpu.memory_space<vmem>>)
      %dma_start3A_1459 = arith.constant 3 : i32
      %dma_start3A_1460 = arith.constant 0 : i32
      %dma_start3A_1461 = tpu.memref_slice %arg12[%dma_start3A_1459, %dma_start3A_1460] : memref<8x128xi32, #tpu.memory_space<vmem>> -> memref<1x128xi32, #tpu.memory_space<vmem>>
      %dma_start3A_1462 = tpu.memref_squeeze %dma_start3A_1461 : memref<1x128xi32, #tpu.memory_space<vmem>> -> memref<128xi32, #tpu.memory_space<vmem>>
      %dma_start3A_1463 = arith.constant 0 : i32
      %dma_start3A_1464 = arith.constant 0 : i32
      %dma_start3A_1465 = tpu.memref_slice %arg21[%dma_start3A_1463, %dma_start3A_1464] : memref<10240x128xbf16, #tpu.memory_space<vmem_shared>> -> memref<10240x128xbf16, #tpu.memory_space<vmem_shared>>
      tpu.enqueue_indirect_dma source(%arg17 : memref<128x128xbf16, #tpu.memory_space<vmem>>) target(%dma_start3A_1465 : memref<10240x128xbf16, #tpu.memory_space<vmem_shared>>) offsets(%dma_start3A_1462 : memref<128xi32, #tpu.memory_space<vmem>>) semaphore(%arg30 : memref<!tpu.dma_semaphore, #tpu.memory_space<semaphore_mem>>) {add = true}
      %dma_start3A_1466 = arith.constant 3 : i32
      %dma_start3A_1467 = arith.constant 0 : i32
      %dma_start3A_1468 = tpu.memref_slice %arg12[%dma_start3A_1466, %dma_start3A_1467] : memref<8x128xi32, #tpu.memory_space<vmem>> -> memref<1x128xi32, #tpu.memory_space<vmem>>
      %dma_start3A_1469 = tpu.memref_squeeze %dma_start3A_1468 : memref<1x128xi32, #tpu.memory_space<vmem>> -> memref<128xi32, #tpu.memory_space<vmem>>
      %dma_start3A_1470 = arith.constant 0 : i32
      %dma_start3A_1471 = arith.constant 0 : i32
      %dma_start3A_1472 = tpu.memref_slice %arg22[%dma_start3A_1470, %dma_start3A_1471] : memref<10240x16xf32, #tpu.memory_space<vmem_shared>> -> memref<10240x16xf32, #tpu.memory_space<vmem_shared>>
      tpu.enqueue_indirect_dma source(%arg18 : memref<128x16xf32, #tpu.memory_space<vmem>>) target(%dma_start3A_1472 : memref<10240x16xf32, #tpu.memory_space<vmem_shared>>) offsets(%dma_start3A_1469 : memref<128xi32, #tpu.memory_space<vmem>>) semaphore(%arg31 : memref<!tpu.dma_semaphore, #tpu.memory_space<semaphore_mem>>) {add = true}
      %dma_wait3A_1473 = arith.constant 3 : i32
      %dma_wait3A_1474 = arith.constant 0 : i32
      %dma_wait3A_1475 = tpu.memref_slice %arg12[%dma_wait3A_1473, %dma_wait3A_1474] : memref<8x128xi32, #tpu.memory_space<vmem>> -> memref<1x128xi32, #tpu.memory_space<vmem>>
      %dma_wait3A_1476 = tpu.memref_squeeze %dma_wait3A_1475 : memref<1x128xi32, #tpu.memory_space<vmem>> -> memref<128xi32, #tpu.memory_space<vmem>>
      %dma_wait3A_1477 = arith.constant 0 : i32
      %dma_wait3A_1478 = arith.constant 0 : i32
      %dma_wait3A_1479 = tpu.memref_slice %arg21[%dma_wait3A_1477, %dma_wait3A_1478] : memref<10240x128xbf16, #tpu.memory_space<vmem_shared>> -> memref<10240x128xbf16, #tpu.memory_space<vmem_shared>>
      tpu.wait_indirect_dma semaphore(%arg30 : memref<!tpu.dma_semaphore, #tpu.memory_space<semaphore_mem>>) src(%arg17 : memref<128x128xbf16, #tpu.memory_space<vmem>>) dst(%dma_wait3A_1479 : memref<10240x128xbf16, #tpu.memory_space<vmem_shared>>)
      %dma_start3A_1480 = arith.constant 7 : i32
      %dma_start3A_1481 = arith.constant 0 : i32
      %dma_start3A_1482 = tpu.memref_slice %arg10[%dma_start3A_1480, %dma_start3A_1481] : memref<8x128xi32, #tpu.memory_space<vmem>> -> memref<1x128xi32, #tpu.memory_space<vmem>>
      %dma_start3A_1483 = tpu.memref_squeeze %dma_start3A_1482 : memref<1x128xi32, #tpu.memory_space<vmem>> -> memref<128xi32, #tpu.memory_space<vmem>>
      %dma_start3A_1484 = arith.constant 0 : i32
      %dma_start3A_1485 = arith.constant 0 : i32
      %dma_start3A_1486 = tpu.memref_slice %arg2[%dma_start3A_1484, %dma_start3A_1485] : memref<10000x128xbf16, #tpu.memory_space<hbm>> -> memref<10000x128xbf16, #tpu.memory_space<hbm>>
      tpu.enqueue_indirect_dma source(%dma_start3A_1486 : memref<10000x128xbf16, #tpu.memory_space<hbm>>) target(%arg17 : memref<128x128xbf16, #tpu.memory_space<vmem>>) offsets(%dma_start3A_1483 : memref<128xi32, #tpu.memory_space<vmem>>) semaphore(%arg26 : memref<!tpu.dma_semaphore, #tpu.memory_space<semaphore_mem>>)
      %dma_wait3A_1487 = arith.constant 4 : i32
      %dma_wait3A_1488 = arith.constant 0 : i32
      %dma_wait3A_1489 = tpu.memref_slice %arg10[%dma_wait3A_1487, %dma_wait3A_1488] : memref<8x128xi32, #tpu.memory_space<vmem>> -> memref<1x128xi32, #tpu.memory_space<vmem>>
      %dma_wait3A_1490 = tpu.memref_squeeze %dma_wait3A_1489 : memref<1x128xi32, #tpu.memory_space<vmem>> -> memref<128xi32, #tpu.memory_space<vmem>>
      %dma_wait3A_1491 = arith.constant 0 : i32
      %dma_wait3A_1492 = arith.constant 0 : i32
      %dma_wait3A_1493 = tpu.memref_slice %arg2[%dma_wait3A_1491, %dma_wait3A_1492] : memref<10000x128xbf16, #tpu.memory_space<hbm>> -> memref<10000x128xbf16, #tpu.memory_space<hbm>>
      tpu.wait_indirect_dma semaphore(%arg23 : memref<!tpu.dma_semaphore, #tpu.memory_space<semaphore_mem>>) src(%dma_wait3A_1493 : memref<10000x128xbf16, #tpu.memory_space<hbm>>) dst(%arg14 : memref<128x128xbf16, #tpu.memory_space<vmem>>)
      %dma_start3A_1494 = arith.constant 4 : i32
      %dma_start3A_1495 = arith.constant 0 : i32
      %dma_start3A_1496 = tpu.memref_slice %arg12[%dma_start3A_1494, %dma_start3A_1495] : memref<8x128xi32, #tpu.memory_space<vmem>> -> memref<1x128xi32, #tpu.memory_space<vmem>>
      %dma_start3A_1497 = tpu.memref_squeeze %dma_start3A_1496 : memref<1x128xi32, #tpu.memory_space<vmem>> -> memref<128xi32, #tpu.memory_space<vmem>>
      %dma_start3A_1498 = arith.constant 0 : i32
      %dma_start3A_1499 = arith.constant 0 : i32
      %dma_start3A_1500 = tpu.memref_slice %arg21[%dma_start3A_1498, %dma_start3A_1499] : memref<10240x128xbf16, #tpu.memory_space<vmem_shared>> -> memref<10240x128xbf16, #tpu.memory_space<vmem_shared>>
      tpu.enqueue_indirect_dma source(%arg14 : memref<128x128xbf16, #tpu.memory_space<vmem>>) target(%dma_start3A_1500 : memref<10240x128xbf16, #tpu.memory_space<vmem_shared>>) offsets(%dma_start3A_1497 : memref<128xi32, #tpu.memory_space<vmem>>) semaphore(%arg27 : memref<!tpu.dma_semaphore, #tpu.memory_space<semaphore_mem>>) {add = true}
      %dma_start3A_1501 = arith.constant 4 : i32
      %dma_start3A_1502 = arith.constant 0 : i32
      %dma_start3A_1503 = tpu.memref_slice %arg12[%dma_start3A_1501, %dma_start3A_1502] : memref<8x128xi32, #tpu.memory_space<vmem>> -> memref<1x128xi32, #tpu.memory_space<vmem>>
      %dma_start3A_1504 = tpu.memref_squeeze %dma_start3A_1503 : memref<1x128xi32, #tpu.memory_space<vmem>> -> memref<128xi32, #tpu.memory_space<vmem>>
      %dma_start3A_1505 = arith.constant 0 : i32
      %dma_start3A_1506 = arith.constant 0 : i32
      %dma_start3A_1507 = tpu.memref_slice %arg22[%dma_start3A_1505, %dma_start3A_1506] : memref<10240x16xf32, #tpu.memory_space<vmem_shared>> -> memref<10240x16xf32, #tpu.memory_space<vmem_shared>>
      tpu.enqueue_indirect_dma source(%arg18 : memref<128x16xf32, #tpu.memory_space<vmem>>) target(%dma_start3A_1507 : memref<10240x16xf32, #tpu.memory_space<vmem_shared>>) offsets(%dma_start3A_1504 : memref<128xi32, #tpu.memory_space<vmem>>) semaphore(%arg31 : memref<!tpu.dma_semaphore, #tpu.memory_space<semaphore_mem>>) {add = true}
      %dma_wait3A_1508 = arith.constant 5 : i32
      %dma_wait3A_1509 = arith.constant 0 : i32
      %dma_wait3A_1510 = tpu.memref_slice %arg10[%dma_wait3A_1508, %dma_wait3A_1509] : memref<8x128xi32, #tpu.memory_space<vmem>> -> memref<1x128xi32, #tpu.memory_space<vmem>>
      %dma_wait3A_1511 = tpu.memref_squeeze %dma_wait3A_1510 : memref<1x128xi32, #tpu.memory_space<vmem>> -> memref<128xi32, #tpu.memory_space<vmem>>
      %dma_wait3A_1512 = arith.constant 0 : i32
      %dma_wait3A_1513 = arith.constant 0 : i32
      %dma_wait3A_1514 = tpu.memref_slice %arg2[%dma_wait3A_1512, %dma_wait3A_1513] : memref<10000x128xbf16, #tpu.memory_space<hbm>> -> memref<10000x128xbf16, #tpu.memory_space<hbm>>
      tpu.wait_indirect_dma semaphore(%arg24 : memref<!tpu.dma_semaphore, #tpu.memory_space<semaphore_mem>>) src(%dma_wait3A_1514 : memref<10000x128xbf16, #tpu.memory_space<hbm>>) dst(%arg15 : memref<128x128xbf16, #tpu.memory_space<vmem>>)
      %dma_start3A_1515 = arith.constant 5 : i32
      %dma_start3A_1516 = arith.constant 0 : i32
      %dma_start3A_1517 = tpu.memref_slice %arg12[%dma_start3A_1515, %dma_start3A_1516] : memref<8x128xi32, #tpu.memory_space<vmem>> -> memref<1x128xi32, #tpu.memory_space<vmem>>
      %dma_start3A_1518 = tpu.memref_squeeze %dma_start3A_1517 : memref<1x128xi32, #tpu.memory_space<vmem>> -> memref<128xi32, #tpu.memory_space<vmem>>
      %dma_start3A_1519 = arith.constant 0 : i32
      %dma_start3A_1520 = arith.constant 0 : i32
      %dma_start3A_1521 = tpu.memref_slice %arg21[%dma_start3A_1519, %dma_start3A_1520] : memref<10240x128xbf16, #tpu.memory_space<vmem_shared>> -> memref<10240x128xbf16, #tpu.memory_space<vmem_shared>>
      tpu.enqueue_indirect_dma source(%arg15 : memref<128x128xbf16, #tpu.memory_space<vmem>>) target(%dma_start3A_1521 : memref<10240x128xbf16, #tpu.memory_space<vmem_shared>>) offsets(%dma_start3A_1518 : memref<128xi32, #tpu.memory_space<vmem>>) semaphore(%arg28 : memref<!tpu.dma_semaphore, #tpu.memory_space<semaphore_mem>>) {add = true}
      %dma_start3A_1522 = arith.constant 5 : i32
      %dma_start3A_1523 = arith.constant 0 : i32
      %dma_start3A_1524 = tpu.memref_slice %arg12[%dma_start3A_1522, %dma_start3A_1523] : memref<8x128xi32, #tpu.memory_space<vmem>> -> memref<1x128xi32, #tpu.memory_space<vmem>>
      %dma_start3A_1525 = tpu.memref_squeeze %dma_start3A_1524 : memref<1x128xi32, #tpu.memory_space<vmem>> -> memref<128xi32, #tpu.memory_space<vmem>>
      %dma_start3A_1526 = arith.constant 0 : i32
      %dma_start3A_1527 = arith.constant 0 : i32
      %dma_start3A_1528 = tpu.memref_slice %arg22[%dma_start3A_1526, %dma_start3A_1527] : memref<10240x16xf32, #tpu.memory_space<vmem_shared>> -> memref<10240x16xf32, #tpu.memory_space<vmem_shared>>
      tpu.enqueue_indirect_dma source(%arg18 : memref<128x16xf32, #tpu.memory_space<vmem>>) target(%dma_start3A_1528 : memref<10240x16xf32, #tpu.memory_space<vmem_shared>>) offsets(%dma_start3A_1525 : memref<128xi32, #tpu.memory_space<vmem>>) semaphore(%arg31 : memref<!tpu.dma_semaphore, #tpu.memory_space<semaphore_mem>>) {add = true}
      %dma_wait3A_1529 = arith.constant 6 : i32
      %dma_wait3A_1530 = arith.constant 0 : i32
      %dma_wait3A_1531 = tpu.memref_slice %arg10[%dma_wait3A_1529, %dma_wait3A_1530] : memref<8x128xi32, #tpu.memory_space<vmem>> -> memref<1x128xi32, #tpu.memory_space<vmem>>
      %dma_wait3A_1532 = tpu.memref_squeeze %dma_wait3A_1531 : memref<1x128xi32, #tpu.memory_space<vmem>> -> memref<128xi32, #tpu.memory_space<vmem>>
      %dma_wait3A_1533 = arith.constant 0 : i32
      %dma_wait3A_1534 = arith.constant 0 : i32
      %dma_wait3A_1535 = tpu.memref_slice %arg2[%dma_wait3A_1533, %dma_wait3A_1534] : memref<10000x128xbf16, #tpu.memory_space<hbm>> -> memref<10000x128xbf16, #tpu.memory_space<hbm>>
      tpu.wait_indirect_dma semaphore(%arg25 : memref<!tpu.dma_semaphore, #tpu.memory_space<semaphore_mem>>) src(%dma_wait3A_1535 : memref<10000x128xbf16, #tpu.memory_space<hbm>>) dst(%arg16 : memref<128x128xbf16, #tpu.memory_space<vmem>>)
      %dma_start3A_1536 = arith.constant 6 : i32
      %dma_start3A_1537 = arith.constant 0 : i32
      %dma_start3A_1538 = tpu.memref_slice %arg12[%dma_start3A_1536, %dma_start3A_1537] : memref<8x128xi32, #tpu.memory_space<vmem>> -> memref<1x128xi32, #tpu.memory_space<vmem>>
      %dma_start3A_1539 = tpu.memref_squeeze %dma_start3A_1538 : memref<1x128xi32, #tpu.memory_space<vmem>> -> memref<128xi32, #tpu.memory_space<vmem>>
      %dma_start3A_1540 = arith.constant 0 : i32
      %dma_start3A_1541 = arith.constant 0 : i32
      %dma_start3A_1542 = tpu.memref_slice %arg21[%dma_start3A_1540, %dma_start3A_1541] : memref<10240x128xbf16, #tpu.memory_space<vmem_shared>> -> memref<10240x128xbf16, #tpu.memory_space<vmem_shared>>
      tpu.enqueue_indirect_dma source(%arg16 : memref<128x128xbf16, #tpu.memory_space<vmem>>) target(%dma_start3A_1542 : memref<10240x128xbf16, #tpu.memory_space<vmem_shared>>) offsets(%dma_start3A_1539 : memref<128xi32, #tpu.memory_space<vmem>>) semaphore(%arg29 : memref<!tpu.dma_semaphore, #tpu.memory_space<semaphore_mem>>) {add = true}
      %dma_start3A_1543 = arith.constant 6 : i32
      %dma_start3A_1544 = arith.constant 0 : i32
      %dma_start3A_1545 = tpu.memref_slice %arg12[%dma_start3A_1543, %dma_start3A_1544] : memref<8x128xi32, #tpu.memory_space<vmem>> -> memref<1x128xi32, #tpu.memory_space<vmem>>
      %dma_start3A_1546 = tpu.memref_squeeze %dma_start3A_1545 : memref<1x128xi32, #tpu.memory_space<vmem>> -> memref<128xi32, #tpu.memory_space<vmem>>
      %dma_start3A_1547 = arith.constant 0 : i32
      %dma_start3A_1548 = arith.constant 0 : i32
      %dma_start3A_1549 = tpu.memref_slice %arg22[%dma_start3A_1547, %dma_start3A_1548] : memref<10240x16xf32, #tpu.memory_space<vmem_shared>> -> memref<10240x16xf32, #tpu.memory_space<vmem_shared>>
      tpu.enqueue_indirect_dma source(%arg18 : memref<128x16xf32, #tpu.memory_space<vmem>>) target(%dma_start3A_1549 : memref<10240x16xf32, #tpu.memory_space<vmem_shared>>) offsets(%dma_start3A_1546 : memref<128xi32, #tpu.memory_space<vmem>>) semaphore(%arg31 : memref<!tpu.dma_semaphore, #tpu.memory_space<semaphore_mem>>) {add = true}
      %dma_wait3A_1550 = arith.constant 7 : i32
      %dma_wait3A_1551 = arith.constant 0 : i32
      %dma_wait3A_1552 = tpu.memref_slice %arg10[%dma_wait3A_1550, %dma_wait3A_1551] : memref<8x128xi32, #tpu.memory_space<vmem>> -> memref<1x128xi32, #tpu.memory_space<vmem>>
      %dma_wait3A_1553 = tpu.memref_squeeze %dma_wait3A_1552 : memref<1x128xi32, #tpu.memory_space<vmem>> -> memref<128xi32, #tpu.memory_space<vmem>>
      %dma_wait3A_1554 = arith.constant 0 : i32
      %dma_wait3A_1555 = arith.constant 0 : i32
      %dma_wait3A_1556 = tpu.memref_slice %arg2[%dma_wait3A_1554, %dma_wait3A_1555] : memref<10000x128xbf16, #tpu.memory_space<hbm>> -> memref<10000x128xbf16, #tpu.memory_space<hbm>>
      tpu.wait_indirect_dma semaphore(%arg26 : memref<!tpu.dma_semaphore, #tpu.memory_space<semaphore_mem>>) src(%dma_wait3A_1556 : memref<10000x128xbf16, #tpu.memory_space<hbm>>) dst(%arg17 : memref<128x128xbf16, #tpu.memory_space<vmem>>)
      %dma_start3A_1557 = arith.constant 7 : i32
      %dma_start3A_1558 = arith.constant 0 : i32
      %dma_start3A_1559 = tpu.memref_slice %arg12[%dma_start3A_1557, %dma_start3A_1558] : memref<8x128xi32, #tpu.memory_space<vmem>> -> memref<1x128xi32, #tpu.memory_space<vmem>>
      %dma_start3A_1560 = tpu.memref_squeeze %dma_start3A_1559 : memref<1x128xi32, #tpu.memory_space<vmem>> -> memref<128xi32, #tpu.memory_space<vmem>>
      %dma_start3A_1561 = arith.constant 0 : i32
      %dma_start3A_1562 = arith.constant 0 : i32
      %dma_start3A_1563 = tpu.memref_slice %arg21[%dma_start3A_1561, %dma_start3A_1562] : memref<10240x128xbf16, #tpu.memory_space<vmem_shared>> -> memref<10240x128xbf16, #tpu.memory_space<vmem_shared>>
      tpu.enqueue_indirect_dma source(%arg17 : memref<128x128xbf16, #tpu.memory_space<vmem>>) target(%dma_start3A_1563 : memref<10240x128xbf16, #tpu.memory_space<vmem_shared>>) offsets(%dma_start3A_1560 : memref<128xi32, #tpu.memory_space<vmem>>) semaphore(%arg30 : memref<!tpu.dma_semaphore, #tpu.memory_space<semaphore_mem>>) {add = true}
      %dma_start3A_1564 = arith.constant 7 : i32
      %dma_start3A_1565 = arith.constant 0 : i32
      %dma_start3A_1566 = tpu.memref_slice %arg12[%dma_start3A_1564, %dma_start3A_1565] : memref<8x128xi32, #tpu.memory_space<vmem>> -> memref<1x128xi32, #tpu.memory_space<vmem>>
      %dma_start3A_1567 = tpu.memref_squeeze %dma_start3A_1566 : memref<1x128xi32, #tpu.memory_space<vmem>> -> memref<128xi32, #tpu.memory_space<vmem>>
      %dma_start3A_1568 = arith.constant 0 : i32
      %dma_start3A_1569 = arith.constant 0 : i32
      %dma_start3A_1570 = tpu.memref_slice %arg22[%dma_start3A_1568, %dma_start3A_1569] : memref<10240x16xf32, #tpu.memory_space<vmem_shared>> -> memref<10240x16xf32, #tpu.memory_space<vmem_shared>>
      tpu.enqueue_indirect_dma source(%arg18 : memref<128x16xf32, #tpu.memory_space<vmem>>) target(%dma_start3A_1570 : memref<10240x16xf32, #tpu.memory_space<vmem_shared>>) offsets(%dma_start3A_1567 : memref<128xi32, #tpu.memory_space<vmem>>) semaphore(%arg31 : memref<!tpu.dma_semaphore, #tpu.memory_space<semaphore_mem>>) {add = true}
      %dma_wait3A_1571 = arith.constant 4 : i32
      %dma_wait3A_1572 = arith.constant 0 : i32
      %dma_wait3A_1573 = tpu.memref_slice %arg12[%dma_wait3A_1571, %dma_wait3A_1572] : memref<8x128xi32, #tpu.memory_space<vmem>> -> memref<1x128xi32, #tpu.memory_space<vmem>>
      %dma_wait3A_1574 = tpu.memref_squeeze %dma_wait3A_1573 : memref<1x128xi32, #tpu.memory_space<vmem>> -> memref<128xi32, #tpu.memory_space<vmem>>
      %dma_wait3A_1575 = arith.constant 0 : i32
      %dma_wait3A_1576 = arith.constant 0 : i32
      %dma_wait3A_1577 = tpu.memref_slice %arg21[%dma_wait3A_1575, %dma_wait3A_1576] : memref<10240x128xbf16, #tpu.memory_space<vmem_shared>> -> memref<10240x128xbf16, #tpu.memory_space<vmem_shared>>
      tpu.wait_indirect_dma semaphore(%arg27 : memref<!tpu.dma_semaphore, #tpu.memory_space<semaphore_mem>>) src(%arg14 : memref<128x128xbf16, #tpu.memory_space<vmem>>) dst(%dma_wait3A_1577 : memref<10240x128xbf16, #tpu.memory_space<vmem_shared>>)
      %dma_wait3A_1578 = arith.constant 5 : i32
      %dma_wait3A_1579 = arith.constant 0 : i32
      %dma_wait3A_1580 = tpu.memref_slice %arg12[%dma_wait3A_1578, %dma_wait3A_1579] : memref<8x128xi32, #tpu.memory_space<vmem>> -> memref<1x128xi32, #tpu.memory_space<vmem>>
      %dma_wait3A_1581 = tpu.memref_squeeze %dma_wait3A_1580 : memref<1x128xi32, #tpu.memory_space<vmem>> -> memref<128xi32, #tpu.memory_space<vmem>>
      %dma_wait3A_1582 = arith.constant 0 : i32
      %dma_wait3A_1583 = arith.constant 0 : i32
      %dma_wait3A_1584 = tpu.memref_slice %arg21[%dma_wait3A_1582, %dma_wait3A_1583] : memref<10240x128xbf16, #tpu.memory_space<vmem_shared>> -> memref<10240x128xbf16, #tpu.memory_space<vmem_shared>>
      tpu.wait_indirect_dma semaphore(%arg28 : memref<!tpu.dma_semaphore, #tpu.memory_space<semaphore_mem>>) src(%arg15 : memref<128x128xbf16, #tpu.memory_space<vmem>>) dst(%dma_wait3A_1584 : memref<10240x128xbf16, #tpu.memory_space<vmem_shared>>)
      %dma_wait3A_1585 = arith.constant 6 : i32
      %dma_wait3A_1586 = arith.constant 0 : i32
      %dma_wait3A_1587 = tpu.memref_slice %arg12[%dma_wait3A_1585, %dma_wait3A_1586] : memref<8x128xi32, #tpu.memory_space<vmem>> -> memref<1x128xi32, #tpu.memory_space<vmem>>
      %dma_wait3A_1588 = tpu.memref_squeeze %dma_wait3A_1587 : memref<1x128xi32, #tpu.memory_space<vmem>> -> memref<128xi32, #tpu.memory_space<vmem>>
      %dma_wait3A_1589 = arith.constant 0 : i32
      %dma_wait3A_1590 = arith.constant 0 : i32
      %dma_wait3A_1591 = tpu.memref_slice %arg21[%dma_wait3A_1589, %dma_wait3A_1590] : memref<10240x128xbf16, #tpu.memory_space<vmem_shared>> -> memref<10240x128xbf16, #tpu.memory_space<vmem_shared>>
      tpu.wait_indirect_dma semaphore(%arg29 : memref<!tpu.dma_semaphore, #tpu.memory_space<semaphore_mem>>) src(%arg16 : memref<128x128xbf16, #tpu.memory_space<vmem>>) dst(%dma_wait3A_1591 : memref<10240x128xbf16, #tpu.memory_space<vmem_shared>>)
      %dma_wait3A_1592 = arith.constant 7 : i32
      %dma_wait3A_1593 = arith.constant 0 : i32
      %dma_wait3A_1594 = tpu.memref_slice %arg12[%dma_wait3A_1592, %dma_wait3A_1593] : memref<8x128xi32, #tpu.memory_space<vmem>> -> memref<1x128xi32, #tpu.memory_space<vmem>>
      %dma_wait3A_1595 = tpu.memref_squeeze %dma_wait3A_1594 : memref<1x128xi32, #tpu.memory_space<vmem>> -> memref<128xi32, #tpu.memory_space<vmem>>
      %dma_wait3A_1596 = arith.constant 0 : i32
      %dma_wait3A_1597 = arith.constant 0 : i32
      %dma_wait3A_1598 = tpu.memref_slice %arg21[%dma_wait3A_1596, %dma_wait3A_1597] : memref<10240x128xbf16, #tpu.memory_space<vmem_shared>> -> memref<10240x128xbf16, #tpu.memory_space<vmem_shared>>
      tpu.wait_indirect_dma semaphore(%arg30 : memref<!tpu.dma_semaphore, #tpu.memory_space<semaphore_mem>>) src(%arg17 : memref<128x128xbf16, #tpu.memory_space<vmem>>) dst(%dma_wait3A_1598 : memref<10240x128xbf16, #tpu.memory_space<vmem_shared>>)
      %dma_wait3A_1599 = arith.constant 0 : i32
      %dma_wait3A_1600 = arith.constant 0 : i32
      %dma_wait3A_1601 = tpu.memref_slice %arg12[%dma_wait3A_1599, %dma_wait3A_1600] : memref<8x128xi32, #tpu.memory_space<vmem>> -> memref<1x128xi32, #tpu.memory_space<vmem>>
      %dma_wait3A_1602 = tpu.memref_squeeze %dma_wait3A_1601 : memref<1x128xi32, #tpu.memory_space<vmem>> -> memref<128xi32, #tpu.memory_space<vmem>>
      %dma_wait3A_1603 = arith.constant 0 : i32
      %dma_wait3A_1604 = arith.constant 0 : i32
      %dma_wait3A_1605 = tpu.memref_slice %arg22[%dma_wait3A_1603, %dma_wait3A_1604] : memref<10240x16xf32, #tpu.memory_space<vmem_shared>> -> memref<10240x16xf32, #tpu.memory_space<vmem_shared>>
      tpu.wait_indirect_dma semaphore(%arg31 : memref<!tpu.dma_semaphore, #tpu.memory_space<semaphore_mem>>) src(%arg18 : memref<128x16xf32, #tpu.memory_space<vmem>>) dst(%dma_wait3A_1605 : memref<10240x16xf32, #tpu.memory_space<vmem_shared>>)
      %dma_wait3A_1606 = arith.constant 1 : i32
      %dma_wait3A_1607 = arith.constant 0 : i32
      %dma_wait3A_1608 = tpu.memref_slice %arg12[%dma_wait3A_1606, %dma_wait3A_1607] : memref<8x128xi32, #tpu.memory_space<vmem>> -> memref<1x128xi32, #tpu.memory_space<vmem>>
      %dma_wait3A_1609 = tpu.memref_squeeze %dma_wait3A_1608 : memref<1x128xi32, #tpu.memory_space<vmem>> -> memref<128xi32, #tpu.memory_space<vmem>>
      %dma_wait3A_1610 = arith.constant 0 : i32
      %dma_wait3A_1611 = arith.constant 0 : i32
      %dma_wait3A_1612 = tpu.memref_slice %arg22[%dma_wait3A_1610, %dma_wait3A_1611] : memref<10240x16xf32, #tpu.memory_space<vmem_shared>> -> memref<10240x16xf32, #tpu.memory_space<vmem_shared>>
      tpu.wait_indirect_dma semaphore(%arg31 : memref<!tpu.dma_semaphore, #tpu.memory_space<semaphore_mem>>) src(%arg18 : memref<128x16xf32, #tpu.memory_space<vmem>>) dst(%dma_wait3A_1612 : memref<10240x16xf32, #tpu.memory_space<vmem_shared>>)
      %dma_wait3A_1613 = arith.constant 2 : i32
      %dma_wait3A_1614 = arith.constant 0 : i32
      %dma_wait3A_1615 = tpu.memref_slice %arg12[%dma_wait3A_1613, %dma_wait3A_1614] : memref<8x128xi32, #tpu.memory_space<vmem>> -> memref<1x128xi32, #tpu.memory_space<vmem>>
      %dma_wait3A_1616 = tpu.memref_squeeze %dma_wait3A_1615 : memref<1x128xi32, #tpu.memory_space<vmem>> -> memref<128xi32, #tpu.memory_space<vmem>>
      %dma_wait3A_1617 = arith.constant 0 : i32
      %dma_wait3A_1618 = arith.constant 0 : i32
      %dma_wait3A_1619 = tpu.memref_slice %arg22[%dma_wait3A_1617, %dma_wait3A_1618] : memref<10240x16xf32, #tpu.memory_space<vmem_shared>> -> memref<10240x16xf32, #tpu.memory_space<vmem_shared>>
      tpu.wait_indirect_dma semaphore(%arg31 : memref<!tpu.dma_semaphore, #tpu.memory_space<semaphore_mem>>) src(%arg18 : memref<128x16xf32, #tpu.memory_space<vmem>>) dst(%dma_wait3A_1619 : memref<10240x16xf32, #tpu.memory_space<vmem_shared>>)
      %dma_wait3A_1620 = arith.constant 3 : i32
      %dma_wait3A_1621 = arith.constant 0 : i32
      %dma_wait3A_1622 = tpu.memref_slice %arg12[%dma_wait3A_1620, %dma_wait3A_1621] : memref<8x128xi32, #tpu.memory_space<vmem>> -> memref<1x128xi32, #tpu.memory_space<vmem>>
      %dma_wait3A_1623 = tpu.memref_squeeze %dma_wait3A_1622 : memref<1x128xi32, #tpu.memory_space<vmem>> -> memref<128xi32, #tpu.memory_space<vmem>>
      %dma_wait3A_1624 = arith.constant 0 : i32
      %dma_wait3A_1625 = arith.constant 0 : i32
      %dma_wait3A_1626 = tpu.memref_slice %arg22[%dma_wait3A_1624, %dma_wait3A_1625] : memref<10240x16xf32, #tpu.memory_space<vmem_shared>> -> memref<10240x16xf32, #tpu.memory_space<vmem_shared>>
      tpu.wait_indirect_dma semaphore(%arg31 : memref<!tpu.dma_semaphore, #tpu.memory_space<semaphore_mem>>) src(%arg18 : memref<128x16xf32, #tpu.memory_space<vmem>>) dst(%dma_wait3A_1626 : memref<10240x16xf32, #tpu.memory_space<vmem_shared>>)
      %dma_wait3A_1627 = arith.constant 4 : i32
      %dma_wait3A_1628 = arith.constant 0 : i32
      %dma_wait3A_1629 = tpu.memref_slice %arg12[%dma_wait3A_1627, %dma_wait3A_1628] : memref<8x128xi32, #tpu.memory_space<vmem>> -> memref<1x128xi32, #tpu.memory_space<vmem>>
      %dma_wait3A_1630 = tpu.memref_squeeze %dma_wait3A_1629 : memref<1x128xi32, #tpu.memory_space<vmem>> -> memref<128xi32, #tpu.memory_space<vmem>>
      %dma_wait3A_1631 = arith.constant 0 : i32
      %dma_wait3A_1632 = arith.constant 0 : i32
      %dma_wait3A_1633 = tpu.memref_slice %arg22[%dma_wait3A_1631, %dma_wait3A_1632] : memref<10240x16xf32, #tpu.memory_space<vmem_shared>> -> memref<10240x16xf32, #tpu.memory_space<vmem_shared>>
      tpu.wait_indirect_dma semaphore(%arg31 : memref<!tpu.dma_semaphore, #tpu.memory_space<semaphore_mem>>) src(%arg18 : memref<128x16xf32, #tpu.memory_space<vmem>>) dst(%dma_wait3A_1633 : memref<10240x16xf32, #tpu.memory_space<vmem_shared>>)
      %dma_wait3A_1634 = arith.constant 5 : i32
      %dma_wait3A_1635 = arith.constant 0 : i32
      %dma_wait3A_1636 = tpu.memref_slice %arg12[%dma_wait3A_1634, %dma_wait3A_1635] : memref<8x128xi32, #tpu.memory_space<vmem>> -> memref<1x128xi32, #tpu.memory_space<vmem>>
      %dma_wait3A_1637 = tpu.memref_squeeze %dma_wait3A_1636 : memref<1x128xi32, #tpu.memory_space<vmem>> -> memref<128xi32, #tpu.memory_space<vmem>>
      %dma_wait3A_1638 = arith.constant 0 : i32
      %dma_wait3A_1639 = arith.constant 0 : i32
      %dma_wait3A_1640 = tpu.memref_slice %arg22[%dma_wait3A_1638, %dma_wait3A_1639] : memref<10240x16xf32, #tpu.memory_space<vmem_shared>> -> memref<10240x16xf32, #tpu.memory_space<vmem_shared>>
      tpu.wait_indirect_dma semaphore(%arg31 : memref<!tpu.dma_semaphore, #tpu.memory_space<semaphore_mem>>) src(%arg18 : memref<128x16xf32, #tpu.memory_space<vmem>>) dst(%dma_wait3A_1640 : memref<10240x16xf32, #tpu.memory_space<vmem_shared>>)
      %dma_wait3A_1641 = arith.constant 6 : i32
      %dma_wait3A_1642 = arith.constant 0 : i32
      %dma_wait3A_1643 = tpu.memref_slice %arg12[%dma_wait3A_1641, %dma_wait3A_1642] : memref<8x128xi32, #tpu.memory_space<vmem>> -> memref<1x128xi32, #tpu.memory_space<vmem>>
      %dma_wait3A_1644 = tpu.memref_squeeze %dma_wait3A_1643 : memref<1x128xi32, #tpu.memory_space<vmem>> -> memref<128xi32, #tpu.memory_space<vmem>>
      %dma_wait3A_1645 = arith.constant 0 : i32
      %dma_wait3A_1646 = arith.constant 0 : i32
      %dma_wait3A_1647 = tpu.memref_slice %arg22[%dma_wait3A_1645, %dma_wait3A_1646] : memref<10240x16xf32, #tpu.memory_space<vmem_shared>> -> memref<10240x16xf32, #tpu.memory_space<vmem_shared>>
      tpu.wait_indirect_dma semaphore(%arg31 : memref<!tpu.dma_semaphore, #tpu.memory_space<semaphore_mem>>) src(%arg18 : memref<128x16xf32, #tpu.memory_space<vmem>>) dst(%dma_wait3A_1647 : memref<10240x16xf32, #tpu.memory_space<vmem_shared>>)
      %dma_wait3A_1648 = arith.constant 7 : i32
      %dma_wait3A_1649 = arith.constant 0 : i32
      %dma_wait3A_1650 = tpu.memref_slice %arg12[%dma_wait3A_1648, %dma_wait3A_1649] : memref<8x128xi32, #tpu.memory_space<vmem>> -> memref<1x128xi32, #tpu.memory_space<vmem>>
      %dma_wait3A_1651 = tpu.memref_squeeze %dma_wait3A_1650 : memref<1x128xi32, #tpu.memory_space<vmem>> -> memref<128xi32, #tpu.memory_space<vmem>>
      %dma_wait3A_1652 = arith.constant 0 : i32
      %dma_wait3A_1653 = arith.constant 0 : i32
      %dma_wait3A_1654 = tpu.memref_slice %arg22[%dma_wait3A_1652, %dma_wait3A_1653] : memref<10240x16xf32, #tpu.memory_space<vmem_shared>> -> memref<10240x16xf32, #tpu.memory_space<vmem_shared>>
      tpu.wait_indirect_dma semaphore(%arg31 : memref<!tpu.dma_semaphore, #tpu.memory_space<semaphore_mem>>) src(%arg18 : memref<128x16xf32, #tpu.memory_space<vmem>>) dst(%dma_wait3A_1654 : memref<10240x16xf32, #tpu.memory_space<vmem_shared>>)
      %dma_wait3A_1655 = arith.constant 0 : i32
      %dma_wait3A_1656 = tpu.memref_slice %arg3[%add3A_1308, %dma_wait3A_1655] : memref<2560x128xi32, #tpu.memory_space<hbm>> -> memref<8x128xi32, #tpu.memory_space<hbm>>
      %dma_wait3A_1657 = arith.constant 0 : i32
      %dma_wait3A_1658 = tpu.memref_slice %arg3[%add3A_1308, %dma_wait3A_1657] : memref<2560x128xi32, #tpu.memory_space<hbm>> -> memref<8x128xi32, #tpu.memory_space<hbm>>
      tpu.wait_dma2 semaphore(%arg32 : memref<!tpu.dma_semaphore, #tpu.memory_space<semaphore_mem>>) src(%dma_wait3A_1658 : memref<8x128xi32, #tpu.memory_space<hbm>>) dst(%arg11 : memref<8x128xi32, #tpu.memory_space<vmem>>)
      %dma_wait3A_1659 = arith.constant 0 : i32
      %dma_wait3A_1660 = tpu.memref_slice %arg4[%add3A_1314, %dma_wait3A_1659] : memref<2560x128xi32, #tpu.memory_space<hbm>> -> memref<8x128xi32, #tpu.memory_space<hbm>>
      %dma_wait3A_1661 = arith.constant 0 : i32
      %dma_wait3A_1662 = tpu.memref_slice %arg4[%add3A_1314, %dma_wait3A_1661] : memref<2560x128xi32, #tpu.memory_space<hbm>> -> memref<8x128xi32, #tpu.memory_space<hbm>>
      tpu.wait_dma2 semaphore(%arg32 : memref<!tpu.dma_semaphore, #tpu.memory_space<semaphore_mem>>) src(%dma_wait3A_1662 : memref<8x128xi32, #tpu.memory_space<hbm>>) dst(%arg13 : memref<8x128xi32, #tpu.memory_space<vmem>>)
      %add3A_1663 = arith.constant 16 : i32
      %add3A_1664 = arith.addi %add3A_1306, %add3A_1663 : i32
      %min3A_1665 = arith.minsi %add3A_1664, %add3A_545 : i32
      %dma_start3A_1666 = arith.constant 0 : i32
      %dma_start3A_1667 = tpu.memref_slice %arg3[%min3A_1665, %dma_start3A_1666] : memref<2560x128xi32, #tpu.memory_space<hbm>> -> memref<8x128xi32, #tpu.memory_space<hbm>>
      %dma_start3A_1668 = arith.constant 0 : i32
      %dma_start3A_1669 = tpu.memref_slice %arg3[%min3A_1665, %dma_start3A_1668] : memref<2560x128xi32, #tpu.memory_space<hbm>> -> memref<8x128xi32, #tpu.memory_space<hbm>>
      tpu.enqueue_dma source(%dma_start3A_1669 : memref<8x128xi32, #tpu.memory_space<hbm>>) target(%arg10 : memref<8x128xi32, #tpu.memory_space<vmem>>) target_semaphore(%arg32 : memref<!tpu.dma_semaphore, #tpu.memory_space<semaphore_mem>>)
      %dma_start3A_1670 = arith.constant 0 : i32
      %dma_start3A_1671 = tpu.memref_slice %arg4[%min3A_1665, %dma_start3A_1670] : memref<2560x128xi32, #tpu.memory_space<hbm>> -> memref<8x128xi32, #tpu.memory_space<hbm>>
      %dma_start3A_1672 = arith.constant 0 : i32
      %dma_start3A_1673 = tpu.memref_slice %arg4[%min3A_1665, %dma_start3A_1672] : memref<2560x128xi32, #tpu.memory_space<hbm>> -> memref<8x128xi32, #tpu.memory_space<hbm>>
      tpu.enqueue_dma source(%dma_start3A_1673 : memref<8x128xi32, #tpu.memory_space<hbm>>) target(%arg12 : memref<8x128xi32, #tpu.memory_space<vmem>>) target_semaphore(%arg32 : memref<!tpu.dma_semaphore, #tpu.memory_space<semaphore_mem>>)
      %dma_start3A_1674 = arith.constant 0 : i32
      %dma_start3A_1675 = arith.constant 0 : i32
      %dma_start3A_1676 = tpu.memref_slice %arg11[%dma_start3A_1674, %dma_start3A_1675] : memref<8x128xi32, #tpu.memory_space<vmem>> -> memref<1x128xi32, #tpu.memory_space<vmem>>
      %dma_start3A_1677 = tpu.memref_squeeze %dma_start3A_1676 : memref<1x128xi32, #tpu.memory_space<vmem>> -> memref<128xi32, #tpu.memory_space<vmem>>
      %dma_start3A_1678 = arith.constant 0 : i32
      %dma_start3A_1679 = arith.constant 0 : i32
      %dma_start3A_1680 = tpu.memref_slice %arg2[%dma_start3A_1678, %dma_start3A_1679] : memref<10000x128xbf16, #tpu.memory_space<hbm>> -> memref<10000x128xbf16, #tpu.memory_space<hbm>>
      tpu.enqueue_indirect_dma source(%dma_start3A_1680 : memref<10000x128xbf16, #tpu.memory_space<hbm>>) target(%arg14 : memref<128x128xbf16, #tpu.memory_space<vmem>>) offsets(%dma_start3A_1677 : memref<128xi32, #tpu.memory_space<vmem>>) semaphore(%arg23 : memref<!tpu.dma_semaphore, #tpu.memory_space<semaphore_mem>>)
      %dma_start3A_1681 = arith.constant 1 : i32
      %dma_start3A_1682 = arith.constant 0 : i32
      %dma_start3A_1683 = tpu.memref_slice %arg11[%dma_start3A_1681, %dma_start3A_1682] : memref<8x128xi32, #tpu.memory_space<vmem>> -> memref<1x128xi32, #tpu.memory_space<vmem>>
      %dma_start3A_1684 = tpu.memref_squeeze %dma_start3A_1683 : memref<1x128xi32, #tpu.memory_space<vmem>> -> memref<128xi32, #tpu.memory_space<vmem>>
      %dma_start3A_1685 = arith.constant 0 : i32
      %dma_start3A_1686 = arith.constant 0 : i32
      %dma_start3A_1687 = tpu.memref_slice %arg2[%dma_start3A_1685, %dma_start3A_1686] : memref<10000x128xbf16, #tpu.memory_space<hbm>> -> memref<10000x128xbf16, #tpu.memory_space<hbm>>
      tpu.enqueue_indirect_dma source(%dma_start3A_1687 : memref<10000x128xbf16, #tpu.memory_space<hbm>>) target(%arg15 : memref<128x128xbf16, #tpu.memory_space<vmem>>) offsets(%dma_start3A_1684 : memref<128xi32, #tpu.memory_space<vmem>>) semaphore(%arg24 : memref<!tpu.dma_semaphore, #tpu.memory_space<semaphore_mem>>)
      %dma_start3A_1688 = arith.constant 2 : i32
      %dma_start3A_1689 = arith.constant 0 : i32
      %dma_start3A_1690 = tpu.memref_slice %arg11[%dma_start3A_1688, %dma_start3A_1689] : memref<8x128xi32, #tpu.memory_space<vmem>> -> memref<1x128xi32, #tpu.memory_space<vmem>>
      %dma_start3A_1691 = tpu.memref_squeeze %dma_start3A_1690 : memref<1x128xi32, #tpu.memory_space<vmem>> -> memref<128xi32, #tpu.memory_space<vmem>>
      %dma_start3A_1692 = arith.constant 0 : i32
      %dma_start3A_1693 = arith.constant 0 : i32
      %dma_start3A_1694 = tpu.memref_slice %arg2[%dma_start3A_1692, %dma_start3A_1693] : memref<10000x128xbf16, #tpu.memory_space<hbm>> -> memref<10000x128xbf16, #tpu.memory_space<hbm>>
      tpu.enqueue_indirect_dma source(%dma_start3A_1694 : memref<10000x128xbf16, #tpu.memory_space<hbm>>) target(%arg16 : memref<128x128xbf16, #tpu.memory_space<vmem>>) offsets(%dma_start3A_1691 : memref<128xi32, #tpu.memory_space<vmem>>) semaphore(%arg25 : memref<!tpu.dma_semaphore, #tpu.memory_space<semaphore_mem>>)
      %dma_start3A_1695 = arith.constant 3 : i32
      %dma_start3A_1696 = arith.constant 0 : i32
      %dma_start3A_1697 = tpu.memref_slice %arg11[%dma_start3A_1695, %dma_start3A_1696] : memref<8x128xi32, #tpu.memory_space<vmem>> -> memref<1x128xi32, #tpu.memory_space<vmem>>
      %dma_start3A_1698 = tpu.memref_squeeze %dma_start3A_1697 : memref<1x128xi32, #tpu.memory_space<vmem>> -> memref<128xi32, #tpu.memory_space<vmem>>
      %dma_start3A_1699 = arith.constant 0 : i32
      %dma_start3A_1700 = arith.constant 0 : i32
      %dma_start3A_1701 = tpu.memref_slice %arg2[%dma_start3A_1699, %dma_start3A_1700] : memref<10000x128xbf16, #tpu.memory_space<hbm>> -> memref<10000x128xbf16, #tpu.memory_space<hbm>>
      tpu.enqueue_indirect_dma source(%dma_start3A_1701 : memref<10000x128xbf16, #tpu.memory_space<hbm>>) target(%arg17 : memref<128x128xbf16, #tpu.memory_space<vmem>>) offsets(%dma_start3A_1698 : memref<128xi32, #tpu.memory_space<vmem>>) semaphore(%arg26 : memref<!tpu.dma_semaphore, #tpu.memory_space<semaphore_mem>>)
      %dma_wait3A_1702 = arith.constant 0 : i32
      %dma_wait3A_1703 = arith.constant 0 : i32
      %dma_wait3A_1704 = tpu.memref_slice %arg11[%dma_wait3A_1702, %dma_wait3A_1703] : memref<8x128xi32, #tpu.memory_space<vmem>> -> memref<1x128xi32, #tpu.memory_space<vmem>>
      %dma_wait3A_1705 = tpu.memref_squeeze %dma_wait3A_1704 : memref<1x128xi32, #tpu.memory_space<vmem>> -> memref<128xi32, #tpu.memory_space<vmem>>
      %dma_wait3A_1706 = arith.constant 0 : i32
      %dma_wait3A_1707 = arith.constant 0 : i32
      %dma_wait3A_1708 = tpu.memref_slice %arg2[%dma_wait3A_1706, %dma_wait3A_1707] : memref<10000x128xbf16, #tpu.memory_space<hbm>> -> memref<10000x128xbf16, #tpu.memory_space<hbm>>
      tpu.wait_indirect_dma semaphore(%arg23 : memref<!tpu.dma_semaphore, #tpu.memory_space<semaphore_mem>>) src(%dma_wait3A_1708 : memref<10000x128xbf16, #tpu.memory_space<hbm>>) dst(%arg14 : memref<128x128xbf16, #tpu.memory_space<vmem>>)
      %dma_start3A_1709 = arith.constant 0 : i32
      %dma_start3A_1710 = arith.constant 0 : i32
      %dma_start3A_1711 = tpu.memref_slice %arg13[%dma_start3A_1709, %dma_start3A_1710] : memref<8x128xi32, #tpu.memory_space<vmem>> -> memref<1x128xi32, #tpu.memory_space<vmem>>
      %dma_start3A_1712 = tpu.memref_squeeze %dma_start3A_1711 : memref<1x128xi32, #tpu.memory_space<vmem>> -> memref<128xi32, #tpu.memory_space<vmem>>
      %dma_start3A_1713 = arith.constant 0 : i32
      %dma_start3A_1714 = arith.constant 0 : i32
      %dma_start3A_1715 = tpu.memref_slice %arg21[%dma_start3A_1713, %dma_start3A_1714] : memref<10240x128xbf16, #tpu.memory_space<vmem_shared>> -> memref<10240x128xbf16, #tpu.memory_space<vmem_shared>>
      tpu.enqueue_indirect_dma source(%arg14 : memref<128x128xbf16, #tpu.memory_space<vmem>>) target(%dma_start3A_1715 : memref<10240x128xbf16, #tpu.memory_space<vmem_shared>>) offsets(%dma_start3A_1712 : memref<128xi32, #tpu.memory_space<vmem>>) semaphore(%arg27 : memref<!tpu.dma_semaphore, #tpu.memory_space<semaphore_mem>>) {add = true}
      %dma_start3A_1716 = arith.constant 0 : i32
      %dma_start3A_1717 = arith.constant 0 : i32
      %dma_start3A_1718 = tpu.memref_slice %arg13[%dma_start3A_1716, %dma_start3A_1717] : memref<8x128xi32, #tpu.memory_space<vmem>> -> memref<1x128xi32, #tpu.memory_space<vmem>>
      %dma_start3A_1719 = tpu.memref_squeeze %dma_start3A_1718 : memref<1x128xi32, #tpu.memory_space<vmem>> -> memref<128xi32, #tpu.memory_space<vmem>>
      %dma_start3A_1720 = arith.constant 0 : i32
      %dma_start3A_1721 = arith.constant 0 : i32
      %dma_start3A_1722 = tpu.memref_slice %arg22[%dma_start3A_1720, %dma_start3A_1721] : memref<10240x16xf32, #tpu.memory_space<vmem_shared>> -> memref<10240x16xf32, #tpu.memory_space<vmem_shared>>
      tpu.enqueue_indirect_dma source(%arg18 : memref<128x16xf32, #tpu.memory_space<vmem>>) target(%dma_start3A_1722 : memref<10240x16xf32, #tpu.memory_space<vmem_shared>>) offsets(%dma_start3A_1719 : memref<128xi32, #tpu.memory_space<vmem>>) semaphore(%arg31 : memref<!tpu.dma_semaphore, #tpu.memory_space<semaphore_mem>>) {add = true}
      %dma_wait3A_1723 = arith.constant 0 : i32
      %dma_wait3A_1724 = arith.constant 0 : i32
      %dma_wait3A_1725 = tpu.memref_slice %arg13[%dma_wait3A_1723, %dma_wait3A_1724] : memref<8x128xi32, #tpu.memory_space<vmem>> -> memref<1x128xi32, #tpu.memory_space<vmem>>
      %dma_wait3A_1726 = tpu.memref_squeeze %dma_wait3A_1725 : memref<1x128xi32, #tpu.memory_space<vmem>> -> memref<128xi32, #tpu.memory_space<vmem>>
      %dma_wait3A_1727 = arith.constant 0 : i32
      %dma_wait3A_1728 = arith.constant 0 : i32
      %dma_wait3A_1729 = tpu.memref_slice %arg21[%dma_wait3A_1727, %dma_wait3A_1728] : memref<10240x128xbf16, #tpu.memory_space<vmem_shared>> -> memref<10240x128xbf16, #tpu.memory_space<vmem_shared>>
      tpu.wait_indirect_dma semaphore(%arg27 : memref<!tpu.dma_semaphore, #tpu.memory_space<semaphore_mem>>) src(%arg14 : memref<128x128xbf16, #tpu.memory_space<vmem>>) dst(%dma_wait3A_1729 : memref<10240x128xbf16, #tpu.memory_space<vmem_shared>>)
      %dma_start3A_1730 = arith.constant 4 : i32
      %dma_start3A_1731 = arith.constant 0 : i32
      %dma_start3A_1732 = tpu.memref_slice %arg11[%dma_start3A_1730, %dma_start3A_1731] : memref<8x128xi32, #tpu.memory_space<vmem>> -> memref<1x128xi32, #tpu.memory_space<vmem>>
      %dma_start3A_1733 = tpu.memref_squeeze %dma_start3A_1732 : memref<1x128xi32, #tpu.memory_space<vmem>> -> memref<128xi32, #tpu.memory_space<vmem>>
      %dma_start3A_1734 = arith.constant 0 : i32
      %dma_start3A_1735 = arith.constant 0 : i32
      %dma_start3A_1736 = tpu.memref_slice %arg2[%dma_start3A_1734, %dma_start3A_1735] : memref<10000x128xbf16, #tpu.memory_space<hbm>> -> memref<10000x128xbf16, #tpu.memory_space<hbm>>
      tpu.enqueue_indirect_dma source(%dma_start3A_1736 : memref<10000x128xbf16, #tpu.memory_space<hbm>>) target(%arg14 : memref<128x128xbf16, #tpu.memory_space<vmem>>) offsets(%dma_start3A_1733 : memref<128xi32, #tpu.memory_space<vmem>>) semaphore(%arg23 : memref<!tpu.dma_semaphore, #tpu.memory_space<semaphore_mem>>)
      %dma_wait3A_1737 = arith.constant 1 : i32
      %dma_wait3A_1738 = arith.constant 0 : i32
      %dma_wait3A_1739 = tpu.memref_slice %arg11[%dma_wait3A_1737, %dma_wait3A_1738] : memref<8x128xi32, #tpu.memory_space<vmem>> -> memref<1x128xi32, #tpu.memory_space<vmem>>
      %dma_wait3A_1740 = tpu.memref_squeeze %dma_wait3A_1739 : memref<1x128xi32, #tpu.memory_space<vmem>> -> memref<128xi32, #tpu.memory_space<vmem>>
      %dma_wait3A_1741 = arith.constant 0 : i32
      %dma_wait3A_1742 = arith.constant 0 : i32
      %dma_wait3A_1743 = tpu.memref_slice %arg2[%dma_wait3A_1741, %dma_wait3A_1742] : memref<10000x128xbf16, #tpu.memory_space<hbm>> -> memref<10000x128xbf16, #tpu.memory_space<hbm>>
      tpu.wait_indirect_dma semaphore(%arg24 : memref<!tpu.dma_semaphore, #tpu.memory_space<semaphore_mem>>) src(%dma_wait3A_1743 : memref<10000x128xbf16, #tpu.memory_space<hbm>>) dst(%arg15 : memref<128x128xbf16, #tpu.memory_space<vmem>>)
      %dma_start3A_1744 = arith.constant 1 : i32
      %dma_start3A_1745 = arith.constant 0 : i32
      %dma_start3A_1746 = tpu.memref_slice %arg13[%dma_start3A_1744, %dma_start3A_1745] : memref<8x128xi32, #tpu.memory_space<vmem>> -> memref<1x128xi32, #tpu.memory_space<vmem>>
      %dma_start3A_1747 = tpu.memref_squeeze %dma_start3A_1746 : memref<1x128xi32, #tpu.memory_space<vmem>> -> memref<128xi32, #tpu.memory_space<vmem>>
      %dma_start3A_1748 = arith.constant 0 : i32
      %dma_start3A_1749 = arith.constant 0 : i32
      %dma_start3A_1750 = tpu.memref_slice %arg21[%dma_start3A_1748, %dma_start3A_1749] : memref<10240x128xbf16, #tpu.memory_space<vmem_shared>> -> memref<10240x128xbf16, #tpu.memory_space<vmem_shared>>
      tpu.enqueue_indirect_dma source(%arg15 : memref<128x128xbf16, #tpu.memory_space<vmem>>) target(%dma_start3A_1750 : memref<10240x128xbf16, #tpu.memory_space<vmem_shared>>) offsets(%dma_start3A_1747 : memref<128xi32, #tpu.memory_space<vmem>>) semaphore(%arg28 : memref<!tpu.dma_semaphore, #tpu.memory_space<semaphore_mem>>) {add = true}
      %dma_start3A_1751 = arith.constant 1 : i32
      %dma_start3A_1752 = arith.constant 0 : i32
      %dma_start3A_1753 = tpu.memref_slice %arg13[%dma_start3A_1751, %dma_start3A_1752] : memref<8x128xi32, #tpu.memory_space<vmem>> -> memref<1x128xi32, #tpu.memory_space<vmem>>
      %dma_start3A_1754 = tpu.memref_squeeze %dma_start3A_1753 : memref<1x128xi32, #tpu.memory_space<vmem>> -> memref<128xi32, #tpu.memory_space<vmem>>
      %dma_start3A_1755 = arith.constant 0 : i32
      %dma_start3A_1756 = arith.constant 0 : i32
      %dma_start3A_1757 = tpu.memref_slice %arg22[%dma_start3A_1755, %dma_start3A_1756] : memref<10240x16xf32, #tpu.memory_space<vmem_shared>> -> memref<10240x16xf32, #tpu.memory_space<vmem_shared>>
      tpu.enqueue_indirect_dma source(%arg18 : memref<128x16xf32, #tpu.memory_space<vmem>>) target(%dma_start3A_1757 : memref<10240x16xf32, #tpu.memory_space<vmem_shared>>) offsets(%dma_start3A_1754 : memref<128xi32, #tpu.memory_space<vmem>>) semaphore(%arg31 : memref<!tpu.dma_semaphore, #tpu.memory_space<semaphore_mem>>) {add = true}
      %dma_wait3A_1758 = arith.constant 1 : i32
      %dma_wait3A_1759 = arith.constant 0 : i32
      %dma_wait3A_1760 = tpu.memref_slice %arg13[%dma_wait3A_1758, %dma_wait3A_1759] : memref<8x128xi32, #tpu.memory_space<vmem>> -> memref<1x128xi32, #tpu.memory_space<vmem>>
      %dma_wait3A_1761 = tpu.memref_squeeze %dma_wait3A_1760 : memref<1x128xi32, #tpu.memory_space<vmem>> -> memref<128xi32, #tpu.memory_space<vmem>>
      %dma_wait3A_1762 = arith.constant 0 : i32
      %dma_wait3A_1763 = arith.constant 0 : i32
      %dma_wait3A_1764 = tpu.memref_slice %arg21[%dma_wait3A_1762, %dma_wait3A_1763] : memref<10240x128xbf16, #tpu.memory_space<vmem_shared>> -> memref<10240x128xbf16, #tpu.memory_space<vmem_shared>>
      tpu.wait_indirect_dma semaphore(%arg28 : memref<!tpu.dma_semaphore, #tpu.memory_space<semaphore_mem>>) src(%arg15 : memref<128x128xbf16, #tpu.memory_space<vmem>>) dst(%dma_wait3A_1764 : memref<10240x128xbf16, #tpu.memory_space<vmem_shared>>)
      %dma_start3A_1765 = arith.constant 5 : i32
      %dma_start3A_1766 = arith.constant 0 : i32
      %dma_start3A_1767 = tpu.memref_slice %arg11[%dma_start3A_1765, %dma_start3A_1766] : memref<8x128xi32, #tpu.memory_space<vmem>> -> memref<1x128xi32, #tpu.memory_space<vmem>>
      %dma_start3A_1768 = tpu.memref_squeeze %dma_start3A_1767 : memref<1x128xi32, #tpu.memory_space<vmem>> -> memref<128xi32, #tpu.memory_space<vmem>>
      %dma_start3A_1769 = arith.constant 0 : i32
      %dma_start3A_1770 = arith.constant 0 : i32
      %dma_start3A_1771 = tpu.memref_slice %arg2[%dma_start3A_1769, %dma_start3A_1770] : memref<10000x128xbf16, #tpu.memory_space<hbm>> -> memref<10000x128xbf16, #tpu.memory_space<hbm>>
      tpu.enqueue_indirect_dma source(%dma_start3A_1771 : memref<10000x128xbf16, #tpu.memory_space<hbm>>) target(%arg15 : memref<128x128xbf16, #tpu.memory_space<vmem>>) offsets(%dma_start3A_1768 : memref<128xi32, #tpu.memory_space<vmem>>) semaphore(%arg24 : memref<!tpu.dma_semaphore, #tpu.memory_space<semaphore_mem>>)
      %dma_wait3A_1772 = arith.constant 2 : i32
      %dma_wait3A_1773 = arith.constant 0 : i32
      %dma_wait3A_1774 = tpu.memref_slice %arg11[%dma_wait3A_1772, %dma_wait3A_1773] : memref<8x128xi32, #tpu.memory_space<vmem>> -> memref<1x128xi32, #tpu.memory_space<vmem>>
      %dma_wait3A_1775 = tpu.memref_squeeze %dma_wait3A_1774 : memref<1x128xi32, #tpu.memory_space<vmem>> -> memref<128xi32, #tpu.memory_space<vmem>>
      %dma_wait3A_1776 = arith.constant 0 : i32
      %dma_wait3A_1777 = arith.constant 0 : i32
      %dma_wait3A_1778 = tpu.memref_slice %arg2[%dma_wait3A_1776, %dma_wait3A_1777] : memref<10000x128xbf16, #tpu.memory_space<hbm>> -> memref<10000x128xbf16, #tpu.memory_space<hbm>>
      tpu.wait_indirect_dma semaphore(%arg25 : memref<!tpu.dma_semaphore, #tpu.memory_space<semaphore_mem>>) src(%dma_wait3A_1778 : memref<10000x128xbf16, #tpu.memory_space<hbm>>) dst(%arg16 : memref<128x128xbf16, #tpu.memory_space<vmem>>)
      %dma_start3A_1779 = arith.constant 2 : i32
      %dma_start3A_1780 = arith.constant 0 : i32
      %dma_start3A_1781 = tpu.memref_slice %arg13[%dma_start3A_1779, %dma_start3A_1780] : memref<8x128xi32, #tpu.memory_space<vmem>> -> memref<1x128xi32, #tpu.memory_space<vmem>>
      %dma_start3A_1782 = tpu.memref_squeeze %dma_start3A_1781 : memref<1x128xi32, #tpu.memory_space<vmem>> -> memref<128xi32, #tpu.memory_space<vmem>>
      %dma_start3A_1783 = arith.constant 0 : i32
      %dma_start3A_1784 = arith.constant 0 : i32
      %dma_start3A_1785 = tpu.memref_slice %arg21[%dma_start3A_1783, %dma_start3A_1784] : memref<10240x128xbf16, #tpu.memory_space<vmem_shared>> -> memref<10240x128xbf16, #tpu.memory_space<vmem_shared>>
      tpu.enqueue_indirect_dma source(%arg16 : memref<128x128xbf16, #tpu.memory_space<vmem>>) target(%dma_start3A_1785 : memref<10240x128xbf16, #tpu.memory_space<vmem_shared>>) offsets(%dma_start3A_1782 : memref<128xi32, #tpu.memory_space<vmem>>) semaphore(%arg29 : memref<!tpu.dma_semaphore, #tpu.memory_space<semaphore_mem>>) {add = true}
      %dma_start3A_1786 = arith.constant 2 : i32
      %dma_start3A_1787 = arith.constant 0 : i32
      %dma_start3A_1788 = tpu.memref_slice %arg13[%dma_start3A_1786, %dma_start3A_1787] : memref<8x128xi32, #tpu.memory_space<vmem>> -> memref<1x128xi32, #tpu.memory_space<vmem>>
      %dma_start3A_1789 = tpu.memref_squeeze %dma_start3A_1788 : memref<1x128xi32, #tpu.memory_space<vmem>> -> memref<128xi32, #tpu.memory_space<vmem>>
      %dma_start3A_1790 = arith.constant 0 : i32
      %dma_start3A_1791 = arith.constant 0 : i32
      %dma_start3A_1792 = tpu.memref_slice %arg22[%dma_start3A_1790, %dma_start3A_1791] : memref<10240x16xf32, #tpu.memory_space<vmem_shared>> -> memref<10240x16xf32, #tpu.memory_space<vmem_shared>>
      tpu.enqueue_indirect_dma source(%arg18 : memref<128x16xf32, #tpu.memory_space<vmem>>) target(%dma_start3A_1792 : memref<10240x16xf32, #tpu.memory_space<vmem_shared>>) offsets(%dma_start3A_1789 : memref<128xi32, #tpu.memory_space<vmem>>) semaphore(%arg31 : memref<!tpu.dma_semaphore, #tpu.memory_space<semaphore_mem>>) {add = true}
      %dma_wait3A_1793 = arith.constant 2 : i32
      %dma_wait3A_1794 = arith.constant 0 : i32
      %dma_wait3A_1795 = tpu.memref_slice %arg13[%dma_wait3A_1793, %dma_wait3A_1794] : memref<8x128xi32, #tpu.memory_space<vmem>> -> memref<1x128xi32, #tpu.memory_space<vmem>>
      %dma_wait3A_1796 = tpu.memref_squeeze %dma_wait3A_1795 : memref<1x128xi32, #tpu.memory_space<vmem>> -> memref<128xi32, #tpu.memory_space<vmem>>
      %dma_wait3A_1797 = arith.constant 0 : i32
      %dma_wait3A_1798 = arith.constant 0 : i32
      %dma_wait3A_1799 = tpu.memref_slice %arg21[%dma_wait3A_1797, %dma_wait3A_1798] : memref<10240x128xbf16, #tpu.memory_space<vmem_shared>> -> memref<10240x128xbf16, #tpu.memory_space<vmem_shared>>
      tpu.wait_indirect_dma semaphore(%arg29 : memref<!tpu.dma_semaphore, #tpu.memory_space<semaphore_mem>>) src(%arg16 : memref<128x128xbf16, #tpu.memory_space<vmem>>) dst(%dma_wait3A_1799 : memref<10240x128xbf16, #tpu.memory_space<vmem_shared>>)
      %dma_start3A_1800 = arith.constant 6 : i32
      %dma_start3A_1801 = arith.constant 0 : i32
      %dma_start3A_1802 = tpu.memref_slice %arg11[%dma_start3A_1800, %dma_start3A_1801] : memref<8x128xi32, #tpu.memory_space<vmem>> -> memref<1x128xi32, #tpu.memory_space<vmem>>
      %dma_start3A_1803 = tpu.memref_squeeze %dma_start3A_1802 : memref<1x128xi32, #tpu.memory_space<vmem>> -> memref<128xi32, #tpu.memory_space<vmem>>
      %dma_start3A_1804 = arith.constant 0 : i32
      %dma_start3A_1805 = arith.constant 0 : i32
      %dma_start3A_1806 = tpu.memref_slice %arg2[%dma_start3A_1804, %dma_start3A_1805] : memref<10000x128xbf16, #tpu.memory_space<hbm>> -> memref<10000x128xbf16, #tpu.memory_space<hbm>>
      tpu.enqueue_indirect_dma source(%dma_start3A_1806 : memref<10000x128xbf16, #tpu.memory_space<hbm>>) target(%arg16 : memref<128x128xbf16, #tpu.memory_space<vmem>>) offsets(%dma_start3A_1803 : memref<128xi32, #tpu.memory_space<vmem>>) semaphore(%arg25 : memref<!tpu.dma_semaphore, #tpu.memory_space<semaphore_mem>>)
      %dma_wait3A_1807 = arith.constant 3 : i32
      %dma_wait3A_1808 = arith.constant 0 : i32
      %dma_wait3A_1809 = tpu.memref_slice %arg11[%dma_wait3A_1807, %dma_wait3A_1808] : memref<8x128xi32, #tpu.memory_space<vmem>> -> memref<1x128xi32, #tpu.memory_space<vmem>>
      %dma_wait3A_1810 = tpu.memref_squeeze %dma_wait3A_1809 : memref<1x128xi32, #tpu.memory_space<vmem>> -> memref<128xi32, #tpu.memory_space<vmem>>
      %dma_wait3A_1811 = arith.constant 0 : i32
      %dma_wait3A_1812 = arith.constant 0 : i32
      %dma_wait3A_1813 = tpu.memref_slice %arg2[%dma_wait3A_1811, %dma_wait3A_1812] : memref<10000x128xbf16, #tpu.memory_space<hbm>> -> memref<10000x128xbf16, #tpu.memory_space<hbm>>
      tpu.wait_indirect_dma semaphore(%arg26 : memref<!tpu.dma_semaphore, #tpu.memory_space<semaphore_mem>>) src(%dma_wait3A_1813 : memref<10000x128xbf16, #tpu.memory_space<hbm>>) dst(%arg17 : memref<128x128xbf16, #tpu.memory_space<vmem>>)
      %dma_start3A_1814 = arith.constant 3 : i32
      %dma_start3A_1815 = arith.constant 0 : i32
      %dma_start3A_1816 = tpu.memref_slice %arg13[%dma_start3A_1814, %dma_start3A_1815] : memref<8x128xi32, #tpu.memory_space<vmem>> -> memref<1x128xi32, #tpu.memory_space<vmem>>
      %dma_start3A_1817 = tpu.memref_squeeze %dma_start3A_1816 : memref<1x128xi32, #tpu.memory_space<vmem>> -> memref<128xi32, #tpu.memory_space<vmem>>
      %dma_start3A_1818 = arith.constant 0 : i32
      %dma_start3A_1819 = arith.constant 0 : i32
      %dma_start3A_1820 = tpu.memref_slice %arg21[%dma_start3A_1818, %dma_start3A_1819] : memref<10240x128xbf16, #tpu.memory_space<vmem_shared>> -> memref<10240x128xbf16, #tpu.memory_space<vmem_shared>>
      tpu.enqueue_indirect_dma source(%arg17 : memref<128x128xbf16, #tpu.memory_space<vmem>>) target(%dma_start3A_1820 : memref<10240x128xbf16, #tpu.memory_space<vmem_shared>>) offsets(%dma_start3A_1817 : memref<128xi32, #tpu.memory_space<vmem>>) semaphore(%arg30 : memref<!tpu.dma_semaphore, #tpu.memory_space<semaphore_mem>>) {add = true}
      %dma_start3A_1821 = arith.constant 3 : i32
      %dma_start3A_1822 = arith.constant 0 : i32
      %dma_start3A_1823 = tpu.memref_slice %arg13[%dma_start3A_1821, %dma_start3A_1822] : memref<8x128xi32, #tpu.memory_space<vmem>> -> memref<1x128xi32, #tpu.memory_space<vmem>>
      %dma_start3A_1824 = tpu.memref_squeeze %dma_start3A_1823 : memref<1x128xi32, #tpu.memory_space<vmem>> -> memref<128xi32, #tpu.memory_space<vmem>>
      %dma_start3A_1825 = arith.constant 0 : i32
      %dma_start3A_1826 = arith.constant 0 : i32
      %dma_start3A_1827 = tpu.memref_slice %arg22[%dma_start3A_1825, %dma_start3A_1826] : memref<10240x16xf32, #tpu.memory_space<vmem_shared>> -> memref<10240x16xf32, #tpu.memory_space<vmem_shared>>
      tpu.enqueue_indirect_dma source(%arg18 : memref<128x16xf32, #tpu.memory_space<vmem>>) target(%dma_start3A_1827 : memref<10240x16xf32, #tpu.memory_space<vmem_shared>>) offsets(%dma_start3A_1824 : memref<128xi32, #tpu.memory_space<vmem>>) semaphore(%arg31 : memref<!tpu.dma_semaphore, #tpu.memory_space<semaphore_mem>>) {add = true}
      %dma_wait3A_1828 = arith.constant 3 : i32
      %dma_wait3A_1829 = arith.constant 0 : i32
      %dma_wait3A_1830 = tpu.memref_slice %arg13[%dma_wait3A_1828, %dma_wait3A_1829] : memref<8x128xi32, #tpu.memory_space<vmem>> -> memref<1x128xi32, #tpu.memory_space<vmem>>
      %dma_wait3A_1831 = tpu.memref_squeeze %dma_wait3A_1830 : memref<1x128xi32, #tpu.memory_space<vmem>> -> memref<128xi32, #tpu.memory_space<vmem>>
      %dma_wait3A_1832 = arith.constant 0 : i32
      %dma_wait3A_1833 = arith.constant 0 : i32
      %dma_wait3A_1834 = tpu.memref_slice %arg21[%dma_wait3A_1832, %dma_wait3A_1833] : memref<10240x128xbf16, #tpu.memory_space<vmem_shared>> -> memref<10240x128xbf16, #tpu.memory_space<vmem_shared>>
      tpu.wait_indirect_dma semaphore(%arg30 : memref<!tpu.dma_semaphore, #tpu.memory_space<semaphore_mem>>) src(%arg17 : memref<128x128xbf16, #tpu.memory_space<vmem>>) dst(%dma_wait3A_1834 : memref<10240x128xbf16, #tpu.memory_space<vmem_shared>>)
      %dma_start3A_1835 = arith.constant 7 : i32
      %dma_start3A_1836 = arith.constant 0 : i32
      %dma_start3A_1837 = tpu.memref_slice %arg11[%dma_start3A_1835, %dma_start3A_1836] : memref<8x128xi32, #tpu.memory_space<vmem>> -> memref<1x128xi32, #tpu.memory_space<vmem>>
      %dma_start3A_1838 = tpu.memref_squeeze %dma_start3A_1837 : memref<1x128xi32, #tpu.memory_space<vmem>> -> memref<128xi32, #tpu.memory_space<vmem>>
      %dma_start3A_1839 = arith.constant 0 : i32
      %dma_start3A_1840 = arith.constant 0 : i32
      %dma_start3A_1841 = tpu.memref_slice %arg2[%dma_start3A_1839, %dma_start3A_1840] : memref<10000x128xbf16, #tpu.memory_space<hbm>> -> memref<10000x128xbf16, #tpu.memory_space<hbm>>
      tpu.enqueue_indirect_dma source(%dma_start3A_1841 : memref<10000x128xbf16, #tpu.memory_space<hbm>>) target(%arg17 : memref<128x128xbf16, #tpu.memory_space<vmem>>) offsets(%dma_start3A_1838 : memref<128xi32, #tpu.memory_space<vmem>>) semaphore(%arg26 : memref<!tpu.dma_semaphore, #tpu.memory_space<semaphore_mem>>)
      %dma_wait3A_1842 = arith.constant 4 : i32
      %dma_wait3A_1843 = arith.constant 0 : i32
      %dma_wait3A_1844 = tpu.memref_slice %arg11[%dma_wait3A_1842, %dma_wait3A_1843] : memref<8x128xi32, #tpu.memory_space<vmem>> -> memref<1x128xi32, #tpu.memory_space<vmem>>
      %dma_wait3A_1845 = tpu.memref_squeeze %dma_wait3A_1844 : memref<1x128xi32, #tpu.memory_space<vmem>> -> memref<128xi32, #tpu.memory_space<vmem>>
      %dma_wait3A_1846 = arith.constant 0 : i32
      %dma_wait3A_1847 = arith.constant 0 : i32
      %dma_wait3A_1848 = tpu.memref_slice %arg2[%dma_wait3A_1846, %dma_wait3A_1847] : memref<10000x128xbf16, #tpu.memory_space<hbm>> -> memref<10000x128xbf16, #tpu.memory_space<hbm>>
      tpu.wait_indirect_dma semaphore(%arg23 : memref<!tpu.dma_semaphore, #tpu.memory_space<semaphore_mem>>) src(%dma_wait3A_1848 : memref<10000x128xbf16, #tpu.memory_space<hbm>>) dst(%arg14 : memref<128x128xbf16, #tpu.memory_space<vmem>>)
      %dma_start3A_1849 = arith.constant 4 : i32
      %dma_start3A_1850 = arith.constant 0 : i32
      %dma_start3A_1851 = tpu.memref_slice %arg13[%dma_start3A_1849, %dma_start3A_1850] : memref<8x128xi32, #tpu.memory_space<vmem>> -> memref<1x128xi32, #tpu.memory_space<vmem>>
      %dma_start3A_1852 = tpu.memref_squeeze %dma_start3A_1851 : memref<1x128xi32, #tpu.memory_space<vmem>> -> memref<128xi32, #tpu.memory_space<vmem>>
      %dma_start3A_1853 = arith.constant 0 : i32
      %dma_start3A_1854 = arith.constant 0 : i32
      %dma_start3A_1855 = tpu.memref_slice %arg21[%dma_start3A_1853, %dma_start3A_1854] : memref<10240x128xbf16, #tpu.memory_space<vmem_shared>> -> memref<10240x128xbf16, #tpu.memory_space<vmem_shared>>
      tpu.enqueue_indirect_dma source(%arg14 : memref<128x128xbf16, #tpu.memory_space<vmem>>) target(%dma_start3A_1855 : memref<10240x128xbf16, #tpu.memory_space<vmem_shared>>) offsets(%dma_start3A_1852 : memref<128xi32, #tpu.memory_space<vmem>>) semaphore(%arg27 : memref<!tpu.dma_semaphore, #tpu.memory_space<semaphore_mem>>) {add = true}
      %dma_start3A_1856 = arith.constant 4 : i32
      %dma_start3A_1857 = arith.constant 0 : i32
      %dma_start3A_1858 = tpu.memref_slice %arg13[%dma_start3A_1856, %dma_start3A_1857] : memref<8x128xi32, #tpu.memory_space<vmem>> -> memref<1x128xi32, #tpu.memory_space<vmem>>
      %dma_start3A_1859 = tpu.memref_squeeze %dma_start3A_1858 : memref<1x128xi32, #tpu.memory_space<vmem>> -> memref<128xi32, #tpu.memory_space<vmem>>
      %dma_start3A_1860 = arith.constant 0 : i32
      %dma_start3A_1861 = arith.constant 0 : i32
      %dma_start3A_1862 = tpu.memref_slice %arg22[%dma_start3A_1860, %dma_start3A_1861] : memref<10240x16xf32, #tpu.memory_space<vmem_shared>> -> memref<10240x16xf32, #tpu.memory_space<vmem_shared>>
      tpu.enqueue_indirect_dma source(%arg18 : memref<128x16xf32, #tpu.memory_space<vmem>>) target(%dma_start3A_1862 : memref<10240x16xf32, #tpu.memory_space<vmem_shared>>) offsets(%dma_start3A_1859 : memref<128xi32, #tpu.memory_space<vmem>>) semaphore(%arg31 : memref<!tpu.dma_semaphore, #tpu.memory_space<semaphore_mem>>) {add = true}
      %dma_wait3A_1863 = arith.constant 5 : i32
      %dma_wait3A_1864 = arith.constant 0 : i32
      %dma_wait3A_1865 = tpu.memref_slice %arg11[%dma_wait3A_1863, %dma_wait3A_1864] : memref<8x128xi32, #tpu.memory_space<vmem>> -> memref<1x128xi32, #tpu.memory_space<vmem>>
      %dma_wait3A_1866 = tpu.memref_squeeze %dma_wait3A_1865 : memref<1x128xi32, #tpu.memory_space<vmem>> -> memref<128xi32, #tpu.memory_space<vmem>>
      %dma_wait3A_1867 = arith.constant 0 : i32
      %dma_wait3A_1868 = arith.constant 0 : i32
      %dma_wait3A_1869 = tpu.memref_slice %arg2[%dma_wait3A_1867, %dma_wait3A_1868] : memref<10000x128xbf16, #tpu.memory_space<hbm>> -> memref<10000x128xbf16, #tpu.memory_space<hbm>>
      tpu.wait_indirect_dma semaphore(%arg24 : memref<!tpu.dma_semaphore, #tpu.memory_space<semaphore_mem>>) src(%dma_wait3A_1869 : memref<10000x128xbf16, #tpu.memory_space<hbm>>) dst(%arg15 : memref<128x128xbf16, #tpu.memory_space<vmem>>)
      %dma_start3A_1870 = arith.constant 5 : i32
      %dma_start3A_1871 = arith.constant 0 : i32
      %dma_start3A_1872 = tpu.memref_slice %arg13[%dma_start3A_1870, %dma_start3A_1871] : memref<8x128xi32, #tpu.memory_space<vmem>> -> memref<1x128xi32, #tpu.memory_space<vmem>>
      %dma_start3A_1873 = tpu.memref_squeeze %dma_start3A_1872 : memref<1x128xi32, #tpu.memory_space<vmem>> -> memref<128xi32, #tpu.memory_space<vmem>>
      %dma_start3A_1874 = arith.constant 0 : i32
      %dma_start3A_1875 = arith.constant 0 : i32
      %dma_start3A_1876 = tpu.memref_slice %arg21[%dma_start3A_1874, %dma_start3A_1875] : memref<10240x128xbf16, #tpu.memory_space<vmem_shared>> -> memref<10240x128xbf16, #tpu.memory_space<vmem_shared>>
      tpu.enqueue_indirect_dma source(%arg15 : memref<128x128xbf16, #tpu.memory_space<vmem>>) target(%dma_start3A_1876 : memref<10240x128xbf16, #tpu.memory_space<vmem_shared>>) offsets(%dma_start3A_1873 : memref<128xi32, #tpu.memory_space<vmem>>) semaphore(%arg28 : memref<!tpu.dma_semaphore, #tpu.memory_space<semaphore_mem>>) {add = true}
      %dma_start3A_1877 = arith.constant 5 : i32
      %dma_start3A_1878 = arith.constant 0 : i32
      %dma_start3A_1879 = tpu.memref_slice %arg13[%dma_start3A_1877, %dma_start3A_1878] : memref<8x128xi32, #tpu.memory_space<vmem>> -> memref<1x128xi32, #tpu.memory_space<vmem>>
      %dma_start3A_1880 = tpu.memref_squeeze %dma_start3A_1879 : memref<1x128xi32, #tpu.memory_space<vmem>> -> memref<128xi32, #tpu.memory_space<vmem>>
      %dma_start3A_1881 = arith.constant 0 : i32
      %dma_start3A_1882 = arith.constant 0 : i32
      %dma_start3A_1883 = tpu.memref_slice %arg22[%dma_start3A_1881, %dma_start3A_1882] : memref<10240x16xf32, #tpu.memory_space<vmem_shared>> -> memref<10240x16xf32, #tpu.memory_space<vmem_shared>>
      tpu.enqueue_indirect_dma source(%arg18 : memref<128x16xf32, #tpu.memory_space<vmem>>) target(%dma_start3A_1883 : memref<10240x16xf32, #tpu.memory_space<vmem_shared>>) offsets(%dma_start3A_1880 : memref<128xi32, #tpu.memory_space<vmem>>) semaphore(%arg31 : memref<!tpu.dma_semaphore, #tpu.memory_space<semaphore_mem>>) {add = true}
      %dma_wait3A_1884 = arith.constant 6 : i32
      %dma_wait3A_1885 = arith.constant 0 : i32
      %dma_wait3A_1886 = tpu.memref_slice %arg11[%dma_wait3A_1884, %dma_wait3A_1885] : memref<8x128xi32, #tpu.memory_space<vmem>> -> memref<1x128xi32, #tpu.memory_space<vmem>>
      %dma_wait3A_1887 = tpu.memref_squeeze %dma_wait3A_1886 : memref<1x128xi32, #tpu.memory_space<vmem>> -> memref<128xi32, #tpu.memory_space<vmem>>
      %dma_wait3A_1888 = arith.constant 0 : i32
      %dma_wait3A_1889 = arith.constant 0 : i32
      %dma_wait3A_1890 = tpu.memref_slice %arg2[%dma_wait3A_1888, %dma_wait3A_1889] : memref<10000x128xbf16, #tpu.memory_space<hbm>> -> memref<10000x128xbf16, #tpu.memory_space<hbm>>
      tpu.wait_indirect_dma semaphore(%arg25 : memref<!tpu.dma_semaphore, #tpu.memory_space<semaphore_mem>>) src(%dma_wait3A_1890 : memref<10000x128xbf16, #tpu.memory_space<hbm>>) dst(%arg16 : memref<128x128xbf16, #tpu.memory_space<vmem>>)
      %dma_start3A_1891 = arith.constant 6 : i32
      %dma_start3A_1892 = arith.constant 0 : i32
      %dma_start3A_1893 = tpu.memref_slice %arg13[%dma_start3A_1891, %dma_start3A_1892] : memref<8x128xi32, #tpu.memory_space<vmem>> -> memref<1x128xi32, #tpu.memory_space<vmem>>
      %dma_start3A_1894 = tpu.memref_squeeze %dma_start3A_1893 : memref<1x128xi32, #tpu.memory_space<vmem>> -> memref<128xi32, #tpu.memory_space<vmem>>
      %dma_start3A_1895 = arith.constant 0 : i32
      %dma_start3A_1896 = arith.constant 0 : i32
      %dma_start3A_1897 = tpu.memref_slice %arg21[%dma_start3A_1895, %dma_start3A_1896] : memref<10240x128xbf16, #tpu.memory_space<vmem_shared>> -> memref<10240x128xbf16, #tpu.memory_space<vmem_shared>>
      tpu.enqueue_indirect_dma source(%arg16 : memref<128x128xbf16, #tpu.memory_space<vmem>>) target(%dma_start3A_1897 : memref<10240x128xbf16, #tpu.memory_space<vmem_shared>>) offsets(%dma_start3A_1894 : memref<128xi32, #tpu.memory_space<vmem>>) semaphore(%arg29 : memref<!tpu.dma_semaphore, #tpu.memory_space<semaphore_mem>>) {add = true}
      %dma_start3A_1898 = arith.constant 6 : i32
      %dma_start3A_1899 = arith.constant 0 : i32
      %dma_start3A_1900 = tpu.memref_slice %arg13[%dma_start3A_1898, %dma_start3A_1899] : memref<8x128xi32, #tpu.memory_space<vmem>> -> memref<1x128xi32, #tpu.memory_space<vmem>>
      %dma_start3A_1901 = tpu.memref_squeeze %dma_start3A_1900 : memref<1x128xi32, #tpu.memory_space<vmem>> -> memref<128xi32, #tpu.memory_space<vmem>>
      %dma_start3A_1902 = arith.constant 0 : i32
      %dma_start3A_1903 = arith.constant 0 : i32
      %dma_start3A_1904 = tpu.memref_slice %arg22[%dma_start3A_1902, %dma_start3A_1903] : memref<10240x16xf32, #tpu.memory_space<vmem_shared>> -> memref<10240x16xf32, #tpu.memory_space<vmem_shared>>
      tpu.enqueue_indirect_dma source(%arg18 : memref<128x16xf32, #tpu.memory_space<vmem>>) target(%dma_start3A_1904 : memref<10240x16xf32, #tpu.memory_space<vmem_shared>>) offsets(%dma_start3A_1901 : memref<128xi32, #tpu.memory_space<vmem>>) semaphore(%arg31 : memref<!tpu.dma_semaphore, #tpu.memory_space<semaphore_mem>>) {add = true}
      %dma_wait3A_1905 = arith.constant 7 : i32
      %dma_wait3A_1906 = arith.constant 0 : i32
      %dma_wait3A_1907 = tpu.memref_slice %arg11[%dma_wait3A_1905, %dma_wait3A_1906] : memref<8x128xi32, #tpu.memory_space<vmem>> -> memref<1x128xi32, #tpu.memory_space<vmem>>
      %dma_wait3A_1908 = tpu.memref_squeeze %dma_wait3A_1907 : memref<1x128xi32, #tpu.memory_space<vmem>> -> memref<128xi32, #tpu.memory_space<vmem>>
      %dma_wait3A_1909 = arith.constant 0 : i32
      %dma_wait3A_1910 = arith.constant 0 : i32
      %dma_wait3A_1911 = tpu.memref_slice %arg2[%dma_wait3A_1909, %dma_wait3A_1910] : memref<10000x128xbf16, #tpu.memory_space<hbm>> -> memref<10000x128xbf16, #tpu.memory_space<hbm>>
      tpu.wait_indirect_dma semaphore(%arg26 : memref<!tpu.dma_semaphore, #tpu.memory_space<semaphore_mem>>) src(%dma_wait3A_1911 : memref<10000x128xbf16, #tpu.memory_space<hbm>>) dst(%arg17 : memref<128x128xbf16, #tpu.memory_space<vmem>>)
      %dma_start3A_1912 = arith.constant 7 : i32
      %dma_start3A_1913 = arith.constant 0 : i32
      %dma_start3A_1914 = tpu.memref_slice %arg13[%dma_start3A_1912, %dma_start3A_1913] : memref<8x128xi32, #tpu.memory_space<vmem>> -> memref<1x128xi32, #tpu.memory_space<vmem>>
      %dma_start3A_1915 = tpu.memref_squeeze %dma_start3A_1914 : memref<1x128xi32, #tpu.memory_space<vmem>> -> memref<128xi32, #tpu.memory_space<vmem>>
      %dma_start3A_1916 = arith.constant 0 : i32
      %dma_start3A_1917 = arith.constant 0 : i32
      %dma_start3A_1918 = tpu.memref_slice %arg21[%dma_start3A_1916, %dma_start3A_1917] : memref<10240x128xbf16, #tpu.memory_space<vmem_shared>> -> memref<10240x128xbf16, #tpu.memory_space<vmem_shared>>
      tpu.enqueue_indirect_dma source(%arg17 : memref<128x128xbf16, #tpu.memory_space<vmem>>) target(%dma_start3A_1918 : memref<10240x128xbf16, #tpu.memory_space<vmem_shared>>) offsets(%dma_start3A_1915 : memref<128xi32, #tpu.memory_space<vmem>>) semaphore(%arg30 : memref<!tpu.dma_semaphore, #tpu.memory_space<semaphore_mem>>) {add = true}
      %dma_start3A_1919 = arith.constant 7 : i32
      %dma_start3A_1920 = arith.constant 0 : i32
      %dma_start3A_1921 = tpu.memref_slice %arg13[%dma_start3A_1919, %dma_start3A_1920] : memref<8x128xi32, #tpu.memory_space<vmem>> -> memref<1x128xi32, #tpu.memory_space<vmem>>
      %dma_start3A_1922 = tpu.memref_squeeze %dma_start3A_1921 : memref<1x128xi32, #tpu.memory_space<vmem>> -> memref<128xi32, #tpu.memory_space<vmem>>
      %dma_start3A_1923 = arith.constant 0 : i32
      %dma_start3A_1924 = arith.constant 0 : i32
      %dma_start3A_1925 = tpu.memref_slice %arg22[%dma_start3A_1923, %dma_start3A_1924] : memref<10240x16xf32, #tpu.memory_space<vmem_shared>> -> memref<10240x16xf32, #tpu.memory_space<vmem_shared>>
      tpu.enqueue_indirect_dma source(%arg18 : memref<128x16xf32, #tpu.memory_space<vmem>>) target(%dma_start3A_1925 : memref<10240x16xf32, #tpu.memory_space<vmem_shared>>) offsets(%dma_start3A_1922 : memref<128xi32, #tpu.memory_space<vmem>>) semaphore(%arg31 : memref<!tpu.dma_semaphore, #tpu.memory_space<semaphore_mem>>) {add = true}
      %dma_wait3A_1926 = arith.constant 4 : i32
      %dma_wait3A_1927 = arith.constant 0 : i32
      %dma_wait3A_1928 = tpu.memref_slice %arg13[%dma_wait3A_1926, %dma_wait3A_1927] : memref<8x128xi32, #tpu.memory_space<vmem>> -> memref<1x128xi32, #tpu.memory_space<vmem>>
      %dma_wait3A_1929 = tpu.memref_squeeze %dma_wait3A_1928 : memref<1x128xi32, #tpu.memory_space<vmem>> -> memref<128xi32, #tpu.memory_space<vmem>>
      %dma_wait3A_1930 = arith.constant 0 : i32
      %dma_wait3A_1931 = arith.constant 0 : i32
      %dma_wait3A_1932 = tpu.memref_slice %arg21[%dma_wait3A_1930, %dma_wait3A_1931] : memref<10240x128xbf16, #tpu.memory_space<vmem_shared>> -> memref<10240x128xbf16, #tpu.memory_space<vmem_shared>>
      tpu.wait_indirect_dma semaphore(%arg27 : memref<!tpu.dma_semaphore, #tpu.memory_space<semaphore_mem>>) src(%arg14 : memref<128x128xbf16, #tpu.memory_space<vmem>>) dst(%dma_wait3A_1932 : memref<10240x128xbf16, #tpu.memory_space<vmem_shared>>)
      %dma_wait3A_1933 = arith.constant 5 : i32
      %dma_wait3A_1934 = arith.constant 0 : i32
      %dma_wait3A_1935 = tpu.memref_slice %arg13[%dma_wait3A_1933, %dma_wait3A_1934] : memref<8x128xi32, #tpu.memory_space<vmem>> -> memref<1x128xi32, #tpu.memory_space<vmem>>
      %dma_wait3A_1936 = tpu.memref_squeeze %dma_wait3A_1935 : memref<1x128xi32, #tpu.memory_space<vmem>> -> memref<128xi32, #tpu.memory_space<vmem>>
      %dma_wait3A_1937 = arith.constant 0 : i32
      %dma_wait3A_1938 = arith.constant 0 : i32
      %dma_wait3A_1939 = tpu.memref_slice %arg21[%dma_wait3A_1937, %dma_wait3A_1938] : memref<10240x128xbf16, #tpu.memory_space<vmem_shared>> -> memref<10240x128xbf16, #tpu.memory_space<vmem_shared>>
      tpu.wait_indirect_dma semaphore(%arg28 : memref<!tpu.dma_semaphore, #tpu.memory_space<semaphore_mem>>) src(%arg15 : memref<128x128xbf16, #tpu.memory_space<vmem>>) dst(%dma_wait3A_1939 : memref<10240x128xbf16, #tpu.memory_space<vmem_shared>>)
      %dma_wait3A_1940 = arith.constant 6 : i32
      %dma_wait3A_1941 = arith.constant 0 : i32
      %dma_wait3A_1942 = tpu.memref_slice %arg13[%dma_wait3A_1940, %dma_wait3A_1941] : memref<8x128xi32, #tpu.memory_space<vmem>> -> memref<1x128xi32, #tpu.memory_space<vmem>>
      %dma_wait3A_1943 = tpu.memref_squeeze %dma_wait3A_1942 : memref<1x128xi32, #tpu.memory_space<vmem>> -> memref<128xi32, #tpu.memory_space<vmem>>
      %dma_wait3A_1944 = arith.constant 0 : i32
      %dma_wait3A_1945 = arith.constant 0 : i32
      %dma_wait3A_1946 = tpu.memref_slice %arg21[%dma_wait3A_1944, %dma_wait3A_1945] : memref<10240x128xbf16, #tpu.memory_space<vmem_shared>> -> memref<10240x128xbf16, #tpu.memory_space<vmem_shared>>
      tpu.wait_indirect_dma semaphore(%arg29 : memref<!tpu.dma_semaphore, #tpu.memory_space<semaphore_mem>>) src(%arg16 : memref<128x128xbf16, #tpu.memory_space<vmem>>) dst(%dma_wait3A_1946 : memref<10240x128xbf16, #tpu.memory_space<vmem_shared>>)
      %dma_wait3A_1947 = arith.constant 7 : i32
      %dma_wait3A_1948 = arith.constant 0 : i32
      %dma_wait3A_1949 = tpu.memref_slice %arg13[%dma_wait3A_1947, %dma_wait3A_1948] : memref<8x128xi32, #tpu.memory_space<vmem>> -> memref<1x128xi32, #tpu.memory_space<vmem>>
      %dma_wait3A_1950 = tpu.memref_squeeze %dma_wait3A_1949 : memref<1x128xi32, #tpu.memory_space<vmem>> -> memref<128xi32, #tpu.memory_space<vmem>>
      %dma_wait3A_1951 = arith.constant 0 : i32
      %dma_wait3A_1952 = arith.constant 0 : i32
      %dma_wait3A_1953 = tpu.memref_slice %arg21[%dma_wait3A_1951, %dma_wait3A_1952] : memref<10240x128xbf16, #tpu.memory_space<vmem_shared>> -> memref<10240x128xbf16, #tpu.memory_space<vmem_shared>>
      tpu.wait_indirect_dma semaphore(%arg30 : memref<!tpu.dma_semaphore, #tpu.memory_space<semaphore_mem>>) src(%arg17 : memref<128x128xbf16, #tpu.memory_space<vmem>>) dst(%dma_wait3A_1953 : memref<10240x128xbf16, #tpu.memory_space<vmem_shared>>)
      %dma_wait3A_1954 = arith.constant 0 : i32
      %dma_wait3A_1955 = arith.constant 0 : i32
      %dma_wait3A_1956 = tpu.memref_slice %arg13[%dma_wait3A_1954, %dma_wait3A_1955] : memref<8x128xi32, #tpu.memory_space<vmem>> -> memref<1x128xi32, #tpu.memory_space<vmem>>
      %dma_wait3A_1957 = tpu.memref_squeeze %dma_wait3A_1956 : memref<1x128xi32, #tpu.memory_space<vmem>> -> memref<128xi32, #tpu.memory_space<vmem>>
      %dma_wait3A_1958 = arith.constant 0 : i32
      %dma_wait3A_1959 = arith.constant 0 : i32
      %dma_wait3A_1960 = tpu.memref_slice %arg22[%dma_wait3A_1958, %dma_wait3A_1959] : memref<10240x16xf32, #tpu.memory_space<vmem_shared>> -> memref<10240x16xf32, #tpu.memory_space<vmem_shared>>
      tpu.wait_indirect_dma semaphore(%arg31 : memref<!tpu.dma_semaphore, #tpu.memory_space<semaphore_mem>>) src(%arg18 : memref<128x16xf32, #tpu.memory_space<vmem>>) dst(%dma_wait3A_1960 : memref<10240x16xf32, #tpu.memory_space<vmem_shared>>)
      %dma_wait3A_1961 = arith.constant 1 : i32
      %dma_wait3A_1962 = arith.constant 0 : i32
      %dma_wait3A_1963 = tpu.memref_slice %arg13[%dma_wait3A_1961, %dma_wait3A_1962] : memref<8x128xi32, #tpu.memory_space<vmem>> -> memref<1x128xi32, #tpu.memory_space<vmem>>
      %dma_wait3A_1964 = tpu.memref_squeeze %dma_wait3A_1963 : memref<1x128xi32, #tpu.memory_space<vmem>> -> memref<128xi32, #tpu.memory_space<vmem>>
      %dma_wait3A_1965 = arith.constant 0 : i32
      %dma_wait3A_1966 = arith.constant 0 : i32
      %dma_wait3A_1967 = tpu.memref_slice %arg22[%dma_wait3A_1965, %dma_wait3A_1966] : memref<10240x16xf32, #tpu.memory_space<vmem_shared>> -> memref<10240x16xf32, #tpu.memory_space<vmem_shared>>
      tpu.wait_indirect_dma semaphore(%arg31 : memref<!tpu.dma_semaphore, #tpu.memory_space<semaphore_mem>>) src(%arg18 : memref<128x16xf32, #tpu.memory_space<vmem>>) dst(%dma_wait3A_1967 : memref<10240x16xf32, #tpu.memory_space<vmem_shared>>)
      %dma_wait3A_1968 = arith.constant 2 : i32
      %dma_wait3A_1969 = arith.constant 0 : i32
      %dma_wait3A_1970 = tpu.memref_slice %arg13[%dma_wait3A_1968, %dma_wait3A_1969] : memref<8x128xi32, #tpu.memory_space<vmem>> -> memref<1x128xi32, #tpu.memory_space<vmem>>
      %dma_wait3A_1971 = tpu.memref_squeeze %dma_wait3A_1970 : memref<1x128xi32, #tpu.memory_space<vmem>> -> memref<128xi32, #tpu.memory_space<vmem>>
      %dma_wait3A_1972 = arith.constant 0 : i32
      %dma_wait3A_1973 = arith.constant 0 : i32
      %dma_wait3A_1974 = tpu.memref_slice %arg22[%dma_wait3A_1972, %dma_wait3A_1973] : memref<10240x16xf32, #tpu.memory_space<vmem_shared>> -> memref<10240x16xf32, #tpu.memory_space<vmem_shared>>
      tpu.wait_indirect_dma semaphore(%arg31 : memref<!tpu.dma_semaphore, #tpu.memory_space<semaphore_mem>>) src(%arg18 : memref<128x16xf32, #tpu.memory_space<vmem>>) dst(%dma_wait3A_1974 : memref<10240x16xf32, #tpu.memory_space<vmem_shared>>)
      %dma_wait3A_1975 = arith.constant 3 : i32
      %dma_wait3A_1976 = arith.constant 0 : i32
      %dma_wait3A_1977 = tpu.memref_slice %arg13[%dma_wait3A_1975, %dma_wait3A_1976] : memref<8x128xi32, #tpu.memory_space<vmem>> -> memref<1x128xi32, #tpu.memory_space<vmem>>
      %dma_wait3A_1978 = tpu.memref_squeeze %dma_wait3A_1977 : memref<1x128xi32, #tpu.memory_space<vmem>> -> memref<128xi32, #tpu.memory_space<vmem>>
      %dma_wait3A_1979 = arith.constant 0 : i32
      %dma_wait3A_1980 = arith.constant 0 : i32
      %dma_wait3A_1981 = tpu.memref_slice %arg22[%dma_wait3A_1979, %dma_wait3A_1980] : memref<10240x16xf32, #tpu.memory_space<vmem_shared>> -> memref<10240x16xf32, #tpu.memory_space<vmem_shared>>
      tpu.wait_indirect_dma semaphore(%arg31 : memref<!tpu.dma_semaphore, #tpu.memory_space<semaphore_mem>>) src(%arg18 : memref<128x16xf32, #tpu.memory_space<vmem>>) dst(%dma_wait3A_1981 : memref<10240x16xf32, #tpu.memory_space<vmem_shared>>)
      %dma_wait3A_1982 = arith.constant 4 : i32
      %dma_wait3A_1983 = arith.constant 0 : i32
      %dma_wait3A_1984 = tpu.memref_slice %arg13[%dma_wait3A_1982, %dma_wait3A_1983] : memref<8x128xi32, #tpu.memory_space<vmem>> -> memref<1x128xi32, #tpu.memory_space<vmem>>
      %dma_wait3A_1985 = tpu.memref_squeeze %dma_wait3A_1984 : memref<1x128xi32, #tpu.memory_space<vmem>> -> memref<128xi32, #tpu.memory_space<vmem>>
      %dma_wait3A_1986 = arith.constant 0 : i32
      %dma_wait3A_1987 = arith.constant 0 : i32
      %dma_wait3A_1988 = tpu.memref_slice %arg22[%dma_wait3A_1986, %dma_wait3A_1987] : memref<10240x16xf32, #tpu.memory_space<vmem_shared>> -> memref<10240x16xf32, #tpu.memory_space<vmem_shared>>
      tpu.wait_indirect_dma semaphore(%arg31 : memref<!tpu.dma_semaphore, #tpu.memory_space<semaphore_mem>>) src(%arg18 : memref<128x16xf32, #tpu.memory_space<vmem>>) dst(%dma_wait3A_1988 : memref<10240x16xf32, #tpu.memory_space<vmem_shared>>)
      %dma_wait3A_1989 = arith.constant 5 : i32
      %dma_wait3A_1990 = arith.constant 0 : i32
      %dma_wait3A_1991 = tpu.memref_slice %arg13[%dma_wait3A_1989, %dma_wait3A_1990] : memref<8x128xi32, #tpu.memory_space<vmem>> -> memref<1x128xi32, #tpu.memory_space<vmem>>
      %dma_wait3A_1992 = tpu.memref_squeeze %dma_wait3A_1991 : memref<1x128xi32, #tpu.memory_space<vmem>> -> memref<128xi32, #tpu.memory_space<vmem>>
      %dma_wait3A_1993 = arith.constant 0 : i32
      %dma_wait3A_1994 = arith.constant 0 : i32
      %dma_wait3A_1995 = tpu.memref_slice %arg22[%dma_wait3A_1993, %dma_wait3A_1994] : memref<10240x16xf32, #tpu.memory_space<vmem_shared>> -> memref<10240x16xf32, #tpu.memory_space<vmem_shared>>
      tpu.wait_indirect_dma semaphore(%arg31 : memref<!tpu.dma_semaphore, #tpu.memory_space<semaphore_mem>>) src(%arg18 : memref<128x16xf32, #tpu.memory_space<vmem>>) dst(%dma_wait3A_1995 : memref<10240x16xf32, #tpu.memory_space<vmem_shared>>)
      %dma_wait3A_1996 = arith.constant 6 : i32
      %dma_wait3A_1997 = arith.constant 0 : i32
      %dma_wait3A_1998 = tpu.memref_slice %arg13[%dma_wait3A_1996, %dma_wait3A_1997] : memref<8x128xi32, #tpu.memory_space<vmem>> -> memref<1x128xi32, #tpu.memory_space<vmem>>
      %dma_wait3A_1999 = tpu.memref_squeeze %dma_wait3A_1998 : memref<1x128xi32, #tpu.memory_space<vmem>> -> memref<128xi32, #tpu.memory_space<vmem>>
      %dma_wait3A_2000 = arith.constant 0 : i32
      %dma_wait3A_2001 = arith.constant 0 : i32
      %dma_wait3A_2002 = tpu.memref_slice %arg22[%dma_wait3A_2000, %dma_wait3A_2001] : memref<10240x16xf32, #tpu.memory_space<vmem_shared>> -> memref<10240x16xf32, #tpu.memory_space<vmem_shared>>
      tpu.wait_indirect_dma semaphore(%arg31 : memref<!tpu.dma_semaphore, #tpu.memory_space<semaphore_mem>>) src(%arg18 : memref<128x16xf32, #tpu.memory_space<vmem>>) dst(%dma_wait3A_2002 : memref<10240x16xf32, #tpu.memory_space<vmem_shared>>)
      %dma_wait3A_2003 = arith.constant 7 : i32
      %dma_wait3A_2004 = arith.constant 0 : i32
      %dma_wait3A_2005 = tpu.memref_slice %arg13[%dma_wait3A_2003, %dma_wait3A_2004] : memref<8x128xi32, #tpu.memory_space<vmem>> -> memref<1x128xi32, #tpu.memory_space<vmem>>
      %dma_wait3A_2006 = tpu.memref_squeeze %dma_wait3A_2005 : memref<1x128xi32, #tpu.memory_space<vmem>> -> memref<128xi32, #tpu.memory_space<vmem>>
      %dma_wait3A_2007 = arith.constant 0 : i32
      %dma_wait3A_2008 = arith.constant 0 : i32
      %dma_wait3A_2009 = tpu.memref_slice %arg22[%dma_wait3A_2007, %dma_wait3A_2008] : memref<10240x16xf32, #tpu.memory_space<vmem_shared>> -> memref<10240x16xf32, #tpu.memory_space<vmem_shared>>
      tpu.wait_indirect_dma semaphore(%arg31 : memref<!tpu.dma_semaphore, #tpu.memory_space<semaphore_mem>>) src(%arg18 : memref<128x16xf32, #tpu.memory_space<vmem>>) dst(%dma_wait3A_2009 : memref<10240x16xf32, #tpu.memory_space<vmem_shared>>)
      %dma_wait3A_2010 = arith.constant 0 : i32
      %dma_wait3A_2011 = tpu.memref_slice %arg3[%min3A_1665, %dma_wait3A_2010] : memref<2560x128xi32, #tpu.memory_space<hbm>> -> memref<8x128xi32, #tpu.memory_space<hbm>>
      %dma_wait3A_2012 = arith.constant 0 : i32
      %dma_wait3A_2013 = tpu.memref_slice %arg3[%min3A_1665, %dma_wait3A_2012] : memref<2560x128xi32, #tpu.memory_space<hbm>> -> memref<8x128xi32, #tpu.memory_space<hbm>>
      tpu.wait_dma2 semaphore(%arg32 : memref<!tpu.dma_semaphore, #tpu.memory_space<semaphore_mem>>) src(%dma_wait3A_2013 : memref<8x128xi32, #tpu.memory_space<hbm>>) dst(%arg10 : memref<8x128xi32, #tpu.memory_space<vmem>>)
      %dma_wait3A_2014 = arith.constant 0 : i32
      %dma_wait3A_2015 = tpu.memref_slice %arg4[%min3A_1665, %dma_wait3A_2014] : memref<2560x128xi32, #tpu.memory_space<hbm>> -> memref<8x128xi32, #tpu.memory_space<hbm>>
      %dma_wait3A_2016 = arith.constant 0 : i32
      %dma_wait3A_2017 = tpu.memref_slice %arg4[%min3A_1665, %dma_wait3A_2016] : memref<2560x128xi32, #tpu.memory_space<hbm>> -> memref<8x128xi32, #tpu.memory_space<hbm>>
      tpu.wait_dma2 semaphore(%arg32 : memref<!tpu.dma_semaphore, #tpu.memory_space<semaphore_mem>>) src(%dma_wait3A_2017 : memref<8x128xi32, #tpu.memory_space<hbm>>) dst(%arg12 : memref<8x128xi32, #tpu.memory_space<vmem>>)
    }
    %barrier3A_1270 = arith.constant 0 : index
    tpu.barrier barrier_id(%barrier3A_1270)
    %mul3A_1271 = arith.constant 640 : i32
    %mul3A_1272 = arith.muli %arg1, %mul3A_1271 : i32
    %mul3A_1273 = arith.constant 640 : i32
    %mul3A_1274 = arith.muli %arg1, %mul3A_1273 : i32
    %dma_start3A_1275 = arith.constant 0 : i32
    %dma_start3A_1276 = tpu.memref_slice %arg8[%arg0, %mul3A_1274, %dma_start3A_1275] : memref<2x10240x128xbf16, #tpu.memory_space<hbm>> -> memref<1x640x128xbf16, #tpu.memory_space<hbm>>
    %dma_start3A_1277 = tpu.memref_squeeze %dma_start3A_1276 : memref<1x640x128xbf16, #tpu.memory_space<hbm>> -> memref<640x128xbf16, #tpu.memory_space<hbm>>
    %dma_start3A_1278 = arith.constant 0 : i32
    %dma_start3A_1279 = tpu.memref_slice %arg21[%mul3A_1272, %dma_start3A_1278] : memref<10240x128xbf16, #tpu.memory_space<vmem_shared>> -> memref<640x128xbf16, #tpu.memory_space<vmem_shared>>
    tpu.enqueue_dma source(%dma_start3A_1279 : memref<640x128xbf16, #tpu.memory_space<vmem_shared>>) target(%dma_start3A_1277 : memref<640x128xbf16, #tpu.memory_space<hbm>>) target_semaphore(%arg23 : memref<!tpu.dma_semaphore, #tpu.memory_space<semaphore_mem>>)
    %mul3A_1280 = arith.constant 640 : i32
    %mul3A_1281 = arith.muli %arg1, %mul3A_1280 : i32
    %mul3A_1282 = arith.constant 640 : i32
    %mul3A_1283 = arith.muli %arg1, %mul3A_1282 : i32
    %dma_start3A_1284 = arith.constant 0 : i32
    %dma_start3A_1285 = tpu.memref_slice %arg9[%arg0, %mul3A_1283, %dma_start3A_1284] : memref<2x10240x16xf32, #tpu.memory_space<hbm>> -> memref<1x640x16xf32, #tpu.memory_space<hbm>>
    %dma_start3A_1286 = tpu.memref_squeeze %dma_start3A_1285 : memref<1x640x16xf32, #tpu.memory_space<hbm>> -> memref<640x16xf32, #tpu.memory_space<hbm>>
    %dma_start3A_1287 = arith.constant 0 : i32
    %dma_start3A_1288 = tpu.memref_slice %arg22[%mul3A_1281, %dma_start3A_1287] : memref<10240x16xf32, #tpu.memory_space<vmem_shared>> -> memref<640x16xf32, #tpu.memory_space<vmem_shared>>
    tpu.enqueue_dma source(%dma_start3A_1288 : memref<640x16xf32, #tpu.memory_space<vmem_shared>>) target(%dma_start3A_1286 : memref<640x16xf32, #tpu.memory_space<hbm>>) target_semaphore(%arg24 : memref<!tpu.dma_semaphore, #tpu.memory_space<semaphore_mem>>)
    %dma_wait3A_1289 = arith.constant 0 : i32
    %dma_wait3A_1290 = tpu.memref_slice %arg8[%arg0, %mul3A_1274, %dma_wait3A_1289] : memref<2x10240x128xbf16, #tpu.memory_space<hbm>> -> memref<1x640x128xbf16, #tpu.memory_space<hbm>>
    %dma_wait3A_1291 = tpu.memref_squeeze %dma_wait3A_1290 : memref<1x640x128xbf16, #tpu.memory_space<hbm>> -> memref<640x128xbf16, #tpu.memory_space<hbm>>
    %dma_wait3A_1292 = arith.constant 0 : i32
    %dma_wait3A_1293 = tpu.memref_slice %arg21[%mul3A_1272, %dma_wait3A_1292] : memref<10240x128xbf16, #tpu.memory_space<vmem_shared>> -> memref<640x128xbf16, #tpu.memory_space<vmem_shared>>
    tpu.wait_dma2 semaphore(%arg23 : memref<!tpu.dma_semaphore, #tpu.memory_space<semaphore_mem>>) src(%dma_wait3A_1293 : memref<640x128xbf16, #tpu.memory_space<vmem_shared>>) dst(%dma_wait3A_1291 : memref<640x128xbf16, #tpu.memory_space<hbm>>)
    %dma_wait3A_1294 = arith.constant 0 : i32
    %dma_wait3A_1295 = tpu.memref_slice %arg9[%arg0, %mul3A_1283, %dma_wait3A_1294] : memref<2x10240x16xf32, #tpu.memory_space<hbm>> -> memref<1x640x16xf32, #tpu.memory_space<hbm>>
    %dma_wait3A_1296 = tpu.memref_squeeze %dma_wait3A_1295 : memref<1x640x16xf32, #tpu.memory_space<hbm>> -> memref<640x16xf32, #tpu.memory_space<hbm>>
    %dma_wait3A_1297 = arith.constant 0 : i32
    %dma_wait3A_1298 = tpu.memref_slice %arg22[%mul3A_1281, %dma_wait3A_1297] : memref<10240x16xf32, #tpu.memory_space<vmem_shared>> -> memref<640x16xf32, #tpu.memory_space<vmem_shared>>
    tpu.wait_dma2 semaphore(%arg24 : memref<!tpu.dma_semaphore, #tpu.memory_space<semaphore_mem>>) src(%dma_wait3A_1298 : memref<640x16xf32, #tpu.memory_space<vmem_shared>>) dst(%dma_wait3A_1296 : memref<640x16xf32, #tpu.memory_space<hbm>>)
    return
  }
}

module attributes {stable_mosaic.version = 14 : i64} {
  func.func @_finalize_body(%arg0: i32, %arg1: memref<2000x128xf32, #tpu.memory_space<vmem>>, %arg2: memref<2x2000x128xbf16, #tpu.memory_space<vmem>>, %arg3: memref<2x2000x16xf32, #tpu.memory_space<vmem>>, %arg4: memref<128x128xf32, #tpu.memory_space<vmem>>, %arg5: memref<128x128xf32, #tpu.memory_space<vmem>>, %arg6: memref<1x128xf32, #tpu.memory_space<vmem>>, %arg7: memref<1xf32, #tpu.memory_space<smem>>, %arg8: memref<2000x128xf32, #tpu.memory_space<vmem>>) attributes {dimension_semantics = [#tpu.dimension_semantics<arbitrary>], iteration_bounds = array<i64: 5>, scalar_prefetch = 0 : i64, scratch_operands = 0 : i64, tpu.core_type = #tpu.core_type<tc>, window_params = [{transform_indices = @transform_0, window_bounds = array<i64: 2000, 128>}, {transform_indices = @transform_1, window_bounds = array<i64: 2, 2000, 128>}, {transform_indices = @transform_2, window_bounds = array<i64: 2, 2000, 16>}, {pipeline_mode = #tpu.pipeline_mode<synchronous>, transform_indices = @transform_3, window_bounds = array<i64: 128, 128>}, {pipeline_mode = #tpu.pipeline_mode<synchronous>, transform_indices = @transform_4, window_bounds = array<i64: 128, 128>}, {pipeline_mode = #tpu.pipeline_mode<synchronous>, transform_indices = @transform_5, window_bounds = array<i64: 1, 128>}, {transform_indices = @transform_6, window_bounds = array<i64: 1>}, {transform_indices = @transform_7, window_bounds = array<i64: 2000, 128>}]} {
    %get3A = arith.constant 0 : index
    %get3A_0 = arith.constant 0 : index
    %get3A_1 = vector.load %arg1[%get3A, %get3A_0] : memref<2000x128xf32, #tpu.memory_space<vmem>>, vector<2000x128xf32>
    %get3A_2 = arith.constant 0 : index
    %get3A_3 = arith.constant 0 : index
    %get3A_4 = arith.constant 0 : index
    %get3A_5 = vector.load %arg2[%get3A_2, %get3A_3, %get3A_4] : memref<2x2000x128xbf16, #tpu.memory_space<vmem>>, vector<1x2000x128xbf16>
    %get3A_6 = vector.shape_cast %get3A_5 : vector<1x2000x128xbf16> to vector<2000x128xbf16>
    %convert_element_type3A = arith.extf %get3A_6 : vector<2000x128xbf16> to vector<2000x128xf32>
    %get3A_7 = arith.constant 1 : index
    %get3A_8 = arith.constant 0 : index
    %get3A_9 = arith.constant 0 : index
    %get3A_10 = vector.load %arg2[%get3A_7, %get3A_8, %get3A_9] : memref<2x2000x128xbf16, #tpu.memory_space<vmem>>, vector<1x2000x128xbf16>
    %get3A_11 = vector.shape_cast %get3A_10 : vector<1x2000x128xbf16> to vector<2000x128xbf16>
    %convert_element_type3A_12 = arith.extf %get3A_11 : vector<2000x128xbf16> to vector<2000x128xf32>
    %add3A = arith.addf %convert_element_type3A, %convert_element_type3A_12 : vector<2000x128xf32>
    %get3A_13 = arith.constant 0 : index
    %get3A_14 = arith.constant 0 : index
    %get3A_15 = arith.constant 0 : index
    %get3A_16 = vector.load %arg3[%get3A_13, %get3A_14, %get3A_15] : memref<2x2000x16xf32, #tpu.memory_space<vmem>>, vector<1x2000x1xf32>
    %get3A_17 = vector.shape_cast %get3A_16 : vector<1x2000x1xf32> to vector<2000x1xf32>
    %get3A_18 = arith.constant 1 : index
    %get3A_19 = arith.constant 0 : index
    %get3A_20 = arith.constant 0 : index
    %get3A_21 = vector.load %arg3[%get3A_18, %get3A_19, %get3A_20] : memref<2x2000x16xf32, #tpu.memory_space<vmem>>, vector<1x2000x1xf32>
    %get3A_22 = vector.shape_cast %get3A_21 : vector<1x2000x1xf32> to vector<2000x1xf32>
    %add3A_23 = arith.addf %get3A_17, %get3A_22 : vector<2000x1xf32>
    %gt3A = arith.constant 0.000000e+00 : f32
    %gt3A_24 = vector.broadcast %gt3A : f32 to vector<2000x1xf32>
    %gt3A_25 = arith.cmpf ogt, %add3A_23, %gt3A_24 : vector<2000x1xf32>
    %get3A_26 = arith.constant 0 : index
    %get3A_27 = memref.load %arg7[%get3A_26] : memref<1xf32, #tpu.memory_space<smem>>
    %div3A = vector.broadcast %get3A_27 : f32 to vector<2000x1xf32>
    %div3A_28 = arith.divf %div3A, %add3A_23 : vector<2000x1xf32>
    %jit3A = arith.constant 0.000000e+00 : f32
    %broadcast_in_dim3A = vector.broadcast %jit3A : f32 to vector<2000x1xf32>
    %select_n3A = arith.select %gt3A_25, %div3A_28, %broadcast_in_dim3A : vector<2000x1xi1>, vector<2000x1xf32>
    %mul3A = vector.broadcast %select_n3A : vector<2000x1xf32> to vector<2000x128xf32>
    %mul3A_29 = arith.mulf %add3A, %mul3A : vector<2000x128xf32>
    %get3A_30 = arith.constant 0 : index
    %get3A_31 = arith.constant 0 : index
    %get3A_32 = vector.load %arg4[%get3A_30, %get3A_31] : memref<128x128xf32, #tpu.memory_space<vmem>>, vector<128x128xf32>
    %dot_general3A = arith.constant dense<0.000000e+00> : vector<2000x128xf32>
    %dot_general3A_33 = tpu.matmul %get3A_1, %get3A_32, %dot_general3A {dimension_numbers = #tpu.dot_dimension_numbers<[1], [0], [0], [1], [0, 0, 1, 1], [], []>, precision = #tpu.contract_precision<fp32>, transpose_lhs_hint = false} : vector<2000x128xf32>, vector<128x128xf32>, vector<2000x128xf32> -> vector<2000x128xf32>
    %get3A_34 = arith.constant 0 : index
    %get3A_35 = arith.constant 0 : index
    %get3A_36 = vector.load %arg5[%get3A_34, %get3A_35] : memref<128x128xf32, #tpu.memory_space<vmem>>, vector<128x128xf32>
    %dot_general3A_37 = arith.constant dense<0.000000e+00> : vector<2000x128xf32>
    %dot_general3A_38 = tpu.matmul %mul3A_29, %get3A_36, %dot_general3A_37 {dimension_numbers = #tpu.dot_dimension_numbers<[1], [0], [0], [1], [0, 0, 1, 1], [], []>, precision = #tpu.contract_precision<fp32>, transpose_lhs_hint = false} : vector<2000x128xf32>, vector<128x128xf32>, vector<2000x128xf32> -> vector<2000x128xf32>
    %add3A_39 = arith.addf %dot_general3A_33, %dot_general3A_38 : vector<2000x128xf32>
    %get3A_40 = arith.constant 0 : index
    %get3A_41 = arith.constant 0 : index
    %get3A_42 = vector.load %arg6[%get3A_40, %get3A_41] : memref<1x128xf32, #tpu.memory_space<vmem>>, vector<1x128xf32>
    %add3A_43 = vector.broadcast %get3A_42 : vector<1x128xf32> to vector<2000x128xf32>
    %add3A_44 = arith.addf %add3A_39, %add3A_43 : vector<2000x128xf32>
    %swap3A = arith.constant 0 : index
    %swap3A_45 = arith.constant 0 : index
    %swap3A_46 = vector.load %arg8[%swap3A, %swap3A_45] : memref<2000x128xf32, #tpu.memory_space<vmem>>, vector<2000x128xf32>
    tpu.vector_store %arg8[%swap3A, %swap3A_45], %add3A_44 {strides = array<i32>} : memref<2000x128xf32, #tpu.memory_space<vmem>>, vector<2000x128xf32>,
    return
  }
  func.func @transform_0(%arg0: i32) -> (i32, i32) {
    %c0_i32 = arith.constant 0 : i32
    %c0_i32_0 = arith.constant 0 : i32
    return %arg0, %c0_i32 : i32, i32
  }
  func.func @transform_1(%arg0: i32) -> (i32, i32, i32) {
    %c0_i32 = arith.constant 0 : i32
    %c0_i32_0 = arith.constant 0 : i32
    %c0_i32_1 = arith.constant 0 : i32
    return %c0_i32, %arg0, %c0_i32_0 : i32, i32, i32
  }
  func.func @transform_2(%arg0: i32) -> (i32, i32, i32) {
    %c0_i32 = arith.constant 0 : i32
    %c0_i32_0 = arith.constant 0 : i32
    %c0_i32_1 = arith.constant 0 : i32
    return %c0_i32, %arg0, %c0_i32_0 : i32, i32, i32
  }
  func.func @transform_3(%arg0: i32) -> (i32, i32) {
    %c0_i32 = arith.constant 0 : i32
    %c0_i32_0 = arith.constant 0 : i32
    %c0_i32_1 = arith.constant 0 : i32
    return %c0_i32, %c0_i32_0 : i32, i32
  }
  func.func @transform_4(%arg0: i32) -> (i32, i32) {
    %c0_i32 = arith.constant 0 : i32
    %c0_i32_0 = arith.constant 0 : i32
    %c0_i32_1 = arith.constant 0 : i32
    return %c0_i32, %c0_i32_0 : i32, i32
  }
  func.func @transform_5(%arg0: i32) -> (i32, i32) {
    %c0_i32 = arith.constant 0 : i32
    %c0_i32_0 = arith.constant 0 : i32
    %c0_i32_1 = arith.constant 0 : i32
    return %c0_i32, %c0_i32_0 : i32, i32
  }
  func.func @transform_6(%arg0: i32) -> i32 {
    %c0_i32 = arith.constant 0 : i32
    %c0_i32_0 = arith.constant 0 : i32
    return %c0_i32 : i32
  }
  func.func @transform_7(%arg0: i32) -> (i32, i32) {
    %c0_i32 = arith.constant 0 : i32
    %c0_i32_0 = arith.constant 0 : i32
    return %arg0, %c0_i32 : i32, i32
  }
}

</mosaic_0001>

<sc_bundles>
// kernel: kernel.4.cloned.1.call-start
scs
__scs_entry_jumppad:
0x0: {  	(pc) =	sbr.rel $0x88, $3  }
0x1: {  	(tag) =	ssettag $0x0;
	lr =	simm.s32 $0x1  }
0x2: {  	[smem:$0x3F9A] =	sst lr;
	_ =	strace $0xD0000000  }
0x3: {  	_ = 	snop  }
0x4: {  	_ = 	snop  }
0x5: {  	_ = 	snop  }
0x6: {  	_ = 	snop  }
0x7: {  	_ = 	snop  }
__scs_overlays_trampoline_lowered:
0x8: {  	[smem:$0x3FA9] =	sst s0  }
0x9: {  	[smem:$0x3FAA] =	sst s1  }
0xa: {  	[smem:$0x3FAB] =	sst s2  }
0xb: {  	[smem:$0x3FAC] =	sst s3  }
0xc: {  	[smem:$0x3FAD] =	sst s4  }
0xd: {  	[smem:$0x3FAE] =	sst s5  }
0xe: {  	[smem:$0x3FAF] =	sst s6  }
0xf: {  	[smem:$0x3FB0] =	sst s7  }
0x10: {  	[smem:$0x3FB1] =	sst s8  }
0x11: {  	[smem:$0x3FB2] =	sst s9;
	s0 =	simm.s32 @!p0 $0x0  }
0x12: {  	s1 =	sld [smem:$0x3F98];
	s0 =	simm.s32 @p0 $0x1  }
0x13: {  	[smem:$0x3FB3] =	sst s0;
	s0 =	simm.s32 @!p1 $0x0  }
0x14: {  	s2 =	sld [smem:$0x3F97];
	s0 =	simm.s32 @p1 $0x1  }
0x15: {  	[smem:$0x3FB4] =	sst s0;
	s0 =	simm.s32 @!p2 $0x0  }
0x16: {  	s3 =	sld [smem:$0x3FDB];
	s0 =	simm.s32 @p2 $0x1  }
0x17: {  	s4 =	simm.s32 $0x1BF5;
	[smem:$0x3FB6] =	sst s0  }
0x18: {  	s0 =	sld [smem:$0x3F99];
	_ =	swait.ge [sflag:s4], $0x0  }
0x19: {  	s7 =	sld [smem:$0x3F9A]  }
0x1a: {  	s8 =	sadd.s32 $0xFFFFE003, lr  }
0x1b: {  	s9 =	sadd.s32 $0xFFFFFEF7, lr;
	s5 =	simm.s32 $0xFFFFFFFF;
	p2 =	slt.u32 s8, $0xFFFFF086  }
0x1c: {  	p1 =	slt.u32 s9, $0xF7A;
	s5 =	simm.s32 @!p2 $0x0  }
0x1d: {  	s5 =	simm.s32 @p1 $0x1;
	p0 =	seq.s32 s7, s2  }
0x1e: {  	s7 =	smul.u32 @!p0 $0xF7A, s2;
	p2 =	seq.s32 @!p0 s5, $0x0  }
0x1f: {  	s9 =	smul.u32 $0xF7A, s1;
	s8 =	simm.s32 @!p0 $0x1BF5;
	p2 =	por !p2, p0  }
0x20: {  	[sflag:s8] =	ssyncset.s32 @!p0 $0xFFFFF086;
	s6 =	sadd.s32 @!p0 s3, s7;
	s7 =	simm.s32 @!p0 $0x108  }
0x21: {  	s3 =	sadd.s32 s3, s9;
	s6 =	sadd.s32 @!p0 $0x88, s6;
	s7 =	simm.s32 @p2 $0x1082  }
0x22: {  	[simem:s7], [sflag:s8] =	dma.local @!p0 [hbm:s6], $0xF7A  }
0x23: {  	s9 =	sor.u32 $0xD0000000, s2;
	s6 =	simm.s32 $0x108;
	_ =	swait.ge @!p0 [sflag:s8], $0x0  }
0x24: {  	s3 =	sadd.s32 $0x88, s3;
	s6 =	simm.s32 @!p1 $0x1082;
	[sflag:s4] =	ssyncset.s32 $0xFFFFF086  }
0x25: {  	[simem:s6], [sflag:s4] =	dma.local [hbm:s3], $0xF7A  }
0x26: {  	[smem:$0x3F9A] =	sst s1;
	(tag) =	ssettag s2;
	_ =	strace s9  }
0x27: {  	s1 =	sld [smem:$0x3FAA]  }
0x28: {  	s2 =	sld [smem:$0x3FAB]  }
0x29: {  	s4 =	sld [smem:$0x3FAD]  }
0x2a: {  	p0 =	seq.s32 s5, $0x0;
	s5 =	sld [smem:$0x3FAE]  }
0x2b: {  	s6 =	sld [smem:$0x3FAF]  }
0x2c: {  	s7 =	sld [smem:$0x3FB0]  }
0x2d: {  	s3 =	simm.s32 $0x108;
	s8 =	sld [smem:$0x3FB1]  }
0x2e: {  	s3 =	simm.s32 @!p0 $0x1082;
	s9 =	sld [smem:$0x3FB2]  }
0x2f: {  	lr =	sadd.s32 s0, s3;
	s0 =	sld [smem:$0x3FA9]  }
0x30: {  	s3 =	sld [smem:$0x3FAC]  }
0x31: {  	[smem:$0x3FB5] =	sst s10  }
0x32: {  	s10 =	sld [smem:$0x3FB3];
	_ =	sdelay $0x3  }
0x33: {  	p0 =	seq.s32 s10, $0x1;
	s10 =	sld [smem:$0x3FB5];
	_ =	sdelay $0x3  }
0x34: {  	[smem:$0x3FB5] =	sst s10  }
0x35: {  	s10 =	sld [smem:$0x3FB4];
	_ =	sdelay $0x3  }
0x36: {  	p1 =	seq.s32 s10, $0x1;
	s10 =	sld [smem:$0x3FB5];
	_ =	sdelay $0x3  }
0x37: {  	[smem:$0x3FB5] =	sst s10  }
0x38: {  	s10 =	sld [smem:$0x3FB6]  }
0x39: {  	_ = 	snop;
	(pc) =	sbr.ind lr, $3  }
0x3a: {  	_ = 	snop  }
0x3b: {  	_ = 	snop  }
0x3c: {  	p2 =	seq.s32 s10, $0x1;
	s10 =	sld [smem:$0x3FB5]  }
0x3d: {  	_ =	shalt  }
0x3e: {  	_ =	shalt  }
0x3f: {  	_ =	shalt  }
0x40: {  	_ =	shalt  }
0x41: {  	_ =	shalt  }
0x42: {  	_ =	shalt  }
0x43: {  	_ =	shalt  }
0x44: {  	_ =	shalt  }
0x45: {  	_ =	shalt  }
0x46: {  	_ =	shalt  }
0x47: {  	_ =	shalt  }
0x48: {  	_ =	shalt  }
0x49: {  	_ =	shalt  }
0x4a: {  	_ =	shalt  }
0x4b: {  	_ =	shalt  }
0x4c: {  	_ =	shalt  }
0x4d: {  	_ =	shalt  }
0x4e: {  	_ =	shalt  }
0x4f: {  	_ =	shalt  }
0x50: {  	_ =	shalt  }
0x51: {  	_ =	shalt  }
0x52: {  	_ =	shalt  }
0x53: {  	_ =	shalt  }
0x54: {  	_ =	shalt  }
0x55: {  	_ =	shalt  }
0x56: {  	_ =	shalt  }
0x57: {  	_ =	shalt  }
0x58: {  	_ =	shalt  }
0x59: {  	_ =	shalt  }
0x5a: {  	_ =	shalt  }
0x5b: {  	_ =	shalt  }
0x5c: {  	_ =	shalt  }
0x5d: {  	_ =	shalt  }
0x5e: {  	_ =	shalt  }
0x5f: {  	_ =	shalt  }
0x60: {  	_ =	shalt  }
0x61: {  	_ =	shalt  }
0x62: {  	_ =	shalt  }
0x63: {  	_ =	shalt  }
0x64: {  	_ =	shalt  }
0x65: {  	_ =	shalt  }
0x66: {  	_ =	shalt  }
0x67: {  	_ =	shalt  }
0x68: {  	_ =	shalt  }
0x69: {  	_ =	shalt  }
0x6a: {  	_ =	shalt  }
0x6b: {  	_ =	shalt  }
0x6c: {  	_ =	shalt  }
0x6d: {  	_ =	shalt  }
0x6e: {  	_ =	shalt  }
0x6f: {  	_ =	shalt  }
0x70: {  	_ =	shalt  }
0x71: {  	_ =	shalt  }
0x72: {  	_ =	shalt  }
0x73: {  	_ =	shalt  }
0x74: {  	_ =	shalt  }
0x75: {  	_ =	shalt  }
0x76: {  	_ =	shalt  }
0x77: {  	_ =	shalt  }
0x78: {  	_ =	shalt  }
0x79: {  	_ =	shalt  }
0x7a: {  	_ =	shalt  }
0x7b: {  	_ =	shalt  }
0x7c: {  	_ =	shalt  }
0x7d: {  	_ =	shalt  }
0x7e: {  	_ =	shalt  }
0x7f: {  	_ =	shalt  }
0x80: {  	_ =	shalt  }
0x81: {  	_ =	shalt  }
0x82: {  	_ =	shalt  }
0x83: {  	_ =	shalt  }
0x84: {  	_ =	shalt  }
0x85: {  	_ =	shalt  }
0x86: {  	_ =	shalt  }
0x87: {  	_ =	shalt  }
.Lfunc_end0:
.L_simem_size_0:
called_computation_lowered:
.L_overlay_start_0:
0x88: {  	s2 =	sld [smem:$0x3FD9]  }
0x89: {  	s3 =	sld [smem:$0x3FFE];
	_ =	sdelay $0x1  }
0x8a: {  	s1 =	srdreg.scid  }
0x8b: {  	s0 =	sand.u32 $0x1, s1  }
0x8c: {  	s17 =	sshll.u32 s0, $0xA;
	s2 =	sadd.s32 s3, s2  }
0x8d: {  	s2 =	sadd.s32 s2, s17  }
0x8e: {  	[smem:$0x3FC1] =	sst s2  }
0x8f: {  	_ = 	snop  }
0x90: {  	s2 =	sld [smem:$0x3FD0];
	(tm) =	ssettm $0x1  }
0x91: {  	s18 =	sld [smem:$0x3FFB];
	_ =	sdelay $0x3  }
0x92: {  	_ =	strace s18  }
0x93: {  	s3 =	sld [smem:$0x3FFC];
	_ =	sdelay $0x3  }
0x94: {  	_ =	strace s3  }
0x95: {  	s3 =	sld [smem:$0x3FFD];
	_ =	sdelay $0x3  }
0x96: {  	_ =	strace s3  }
0x97: {  	_ =	strace $0x8FFFFFFF  }
0x98: {  	s19 =	sld [smem:$0x3FDB];
	_ =	sdelay $0x1  }
0x99: {  	s4 =	simm.s32 $_scs_section_size  }
0x9a: {  	s5 =	simm.s32 $_size__tile_overlayer_lowered;
	s6 =	simm.s32 $_tile_overlayer_lowered  }
0x9b: {  	s22 =	simm.s32 $0x1BFF;
	s21 =	sshll.u32 s6, $0x1;
	s3 =	sadd.s32 s4, s19  }
0x9c: {  	s7 =	simm.s32 $0x0;
	s20 =	sshll.u32 s5, $0x1;
	s5 =	sadd.s32 s21, s3  }
0x9d: {  	[timem:s7], [sflag:s22] =	dma.local [hbm:s5], s20  }
0x9e: {  	_ =	swait.ge [sflag:s22], s20  }
0x9f: {  	s4 =	ssub.s32 $0x0, s20;
	[sflag:s22] =	ssyncset.done $0x0  }
0xa0: {  	[sflag:s22] =	ssyncadd.s32 s4;
	_ =	sdelay $0x1  }
0xa1: {  	s23 =	simm.s32 $0x1B8B  }
0xa2: {  	_ =	swait.ge [sflag:s23], $0x1  }
0xa3: {  	[sflag:s23] =	ssyncset.done $0x0  }
0xa4: {  	s25 =	simm.s32 $0x1B8E;
	s24 =	sld [smem:$0x3FFE];
	[sflag:s23] =	ssyncadd.s32 $0xFFFFFFFF  }
0xa5: {  	s26 =	simm.s32 $execute0_lowered;
	[smem:$0x3FD2] =	sst s25  }
0xa6: {  	s5 =	sshll.u32 s26, $0x1;
	_ =	strace $0x80000046;
	[dreg:$0x1] =	wrdreg $0xFFFFFFFF  }
0xa7: {  	s28 =	simm.s32 $_size_execute0_lowered;
	s3 =	sadd.s32 s3, s5;
	[dreg:$0x0] =	wrdreg $0x0  }
0xa8: {  	s5 =	sshll.u32 s28, $0x1;
	[dreg:$0x2] =	wrdreg s3  }
0xa9: {  	[dreg:$0x3] =	wrdreg s5  }
0xaa: {  	[dreg:$0x4] =	wrdreg $0xC0  }
0xab: {  	_ =	task [dreg:s7], $0x5FFFF  }
0xac: {  	[dreg:$0x1] =	wrdreg $0xFFFFFFFF  }
0xad: {  	[dreg:$0x0] =	wrdreg $0x60  }
0xae: {  	[dreg:$0x2] =	wrdreg s2  }
0xaf: {  	[dreg:$0x3] =	wrdreg s24  }
0xb0: {  	[dreg:$0x4] =	wrdreg $0xA2000  }
0xb1: {  	[dreg:$0x5] =	wrdreg $0x142000  }
0xb2: {  	[dreg:$0x6] =	wrdreg $0x9  }
0xb3: {  	_ =	task.clear_ibuf [dreg:s7], $0x7FFFF;
	_ =	strace $0x90000046  }
0xb4: {  	s29 =	simm.s32 $0x9;
	_ =	strace $0x80000048  }
0xb5: {  	_ =	swait.ge [sflag:s29], $0x1  }
0xb6: {  	[sflag:s29] =	ssyncadd.s32 $0xFFFFFFFF  }
0xb7: {  	_ =	strace $0x90000048  }
0xb8: {  	_ =	sfence  }
0xb9: {  	s30 =	sld [smem:$0x0];
	_ =	sdelay $0x2  }
0xba: {  	s31 =	sshll.u32 s1, $0xD;
	s1 =	sshrl.u32 s1, $0x2  }
0xbb: {  	s3 =	sand.u32 $0x4000, s31;
	s1 =	sadd.s32 s1, s30  }
0xbc: {  	s0 =	sor.u32 s3, s0;
	s1 =	sshll.u32 s1, $0x11  }
0xbd: {  	s0 =	sor.u32 s1, s0  }
0xbe: {  	s0 =	sadd.s32 $0x8F2B, s0  }
0xbf: {  	[sflag:s0] =	ssyncadd.remote.s32 $0x1  }
0xc0: {  	_ =	sfence.sel $0xFFFF  }
0xc1: {  	[dreg:$0x0] =	wrdreg $0xFFFFFFFF;
	(pc) =	sbr.abs _section_cstart, $3  }
0xc2: {  	[dreg:$0x1] =	wrdreg $0xFFFFFFFF  }
0xc3: {  	_ =	task.clear_ibuf [dreg:s7], $0x2FFFF;
	_ =	strace $0x9FFFFFFF  }
0xc4: {  	(tm) =	ssettm $0x7FFFFFFF  }
0xc5: {  	_ =	shalt  }
tec
execute0_lowered:
.L_overlay_start_1:
0x0: {  	(tag) =	ssettag $0x1  }
0x1: {  	s1 =	rddreg [dreg:$0x0]  }
0x2: {  	s2 =	rddreg [dreg:$0x1]  }
0x3: {  	s3 =	rddreg [dreg:$0x2]  }
0x4: {  	s4 =	rddreg [dreg:$0x3]  }
0x5: {  	s0 =	srdreg.scid;
	s16 =	stileid.u32;
	s5 =	simm.s32 $0x0  }
0x6: {  	s29 =	simm.s32 $0x1000;
	s30 =	simm.s32 $0x3000;
	s28 =	simm.s32 $0xF80  }
0x7: {  	s8 =	sand.u32 $0x1, s0;
	s10 =	smul.u32 $0x14000, s16;
	[smem:$0x7FF] =	sst s5  }
0x8: {  	s13 =	smul.u32 $0x2800, s16;
	s6 =	sadd.s32 $0xBE00, s2;
	s11 =	sadd.s32 $0x1C00, s2  }
0x9: {  	s19 =	sadd.s32 $0x15E00, s2;
	_ =	strace $0x80000047;
	[dreg:$0x5] =	wrdreg s11  }
0xa: {  	s20 =	sadd.s32 $0x16000, s2;
	s14 =	smul.u32 $0x60, s16;
	[dreg:$0x6] =	wrdreg s19  }
0xb: {  	s7 =	sadd.s32 $0x1E00, s2;
	s0 =	smul.u32 $0x140000, s8;
	[dreg:$0x7] =	wrdreg s20  }
0xc: {  	s21 =	sshll.u32 s16, $0x5;
	s9 =	smul.u32 $0x28000, s8;
	[smem:$0x7F8] =	sst s6  }
0xd: {  	s12 =	ssub.s32 $0x2, s8;
	s11 =	ssub.s32 $0x600, s21;
	[smem:$0x7FD] =	sst s7  }
0xe: {  	s22 =	sshrl.u32 s12, $0x1;
	s15 =	smul.u32 s8, s11;
	s11 =	sshll.u32 s8, $0x5  }
0xf: {  	s24 =	sshrl.u32 s10, $0x1;
	s31 =	sadd.s32 s13, s4;
	s0 =	sadd.s32 s10, s0  }
0x10: {  	s9 =	sadd.s32 s13, s9;
	s23 =	sshrl.u32 s11, $0x3;
	s18 =	sadd.s32 s24, s3  }
0x11: {  	[dreg:$0x9] =	wrdreg s31;
	s0 =	sshrl.u32 s0, $0x4;
	s9 =	sshrl.u32 s9, $0x3  }
0x12: {  	s8 =	sadd.s32 s14, s15;
	s10 =	sxor.u32 $0xC, s23;
	s0 =	sadd.s32 s0, s2  }
0x13: {  	s2 =	sadd.s32 s9, s2;
	s9 =	ssub.s32 s12, s22;
	s12 =	smul.u32 $0x280, s16  }
0x14: {  	[dreg:$0x8] =	wrdreg s18;
	s11 =	ssub.s32 s8, s11;
	s10 =	sadd.s32 $0xFFFFFFFE, s10  }
0x15: {  	s10 =	sshrl.u32 s10, $0x1;
	s0 =	sadd.s32 $0x16200, s0;
	s25 =	sor.u32 $0x20, s12  }
0x16: {  	s15 =	sor.u32 $0x40, s12;
	s17 =	sor.u32 $0x60, s12;
	[smem:$0x7F4] =	sst s10  }
0x17: {  	s21 =	sadd.s32 $0x80, s12;
	s24 =	sadd.s32 $0xA0, s12;
	[smem:$0x7F5] =	sst s0  }
0x18: {  	s0 =	simm.s32 $0x5000;
	s26 =	sshll.u32 s25, $0x6;
	s14 =	sshll.u32 s25, $0x4  }
0x19: {  	s16 =	sshll.u32 s15, $0x6;
	s19 =	sshll.u32 s17, $0x6;
	s20 =	sshll.u32 s17, $0x4  }
0x1a: {  	s22 =	sshll.u32 s21, $0x6;
	s25 =	sshll.u32 s24, $0x6;
	s13 =	sadd.s32 s26, s3  }
0x1b: {  	s14 =	sadd.s32 s14, s4;
	s26 =	sadd.s32 $0xC0, s12;
	[dreg:$0xa] =	wrdreg s13  }
0x1c: {  	[dreg:$0xb] =	wrdreg s14;
	s13 =	sshll.u32 s15, $0x4;
	s14 =	sadd.s32 s16, s3  }
0x1d: {  	s15 =	sshll.u32 s26, $0x4;
	[dreg:$0xc] =	wrdreg s14;
	s13 =	sadd.s32 s13, s4  }
0x1e: {  	s14 =	sshll.u32 s21, $0x4;
	[dreg:$0xd] =	wrdreg s13;
	s13 =	sadd.s32 s19, s3  }
0x1f: {  	s16 =	sadd.s32 $0xE0, s12;
	s23 =	sadd.s32 s14, s4;
	[dreg:$0xe] =	wrdreg s13  }
0x20: {  	s17 =	sshll.u32 s16, $0x6;
	s14 =	sadd.s32 s25, s3;
	[dreg:$0x11] =	wrdreg s23  }
0x21: {  	s25 =	sadd.s32 $0x140, s12;
	s13 =	sadd.s32 s20, s4;
	[dreg:$0x12] =	wrdreg s14  }
0x22: {  	s14 =	sshll.u32 s26, $0x6;
	s20 =	sadd.s32 $0x100, s12;
	s26 =	sshll.u32 s25, $0x6  }
0x23: {  	[dreg:$0xf] =	wrdreg s13;
	s13 =	sadd.s32 s22, s3;
	s21 =	sshll.u32 s20, $0x6  }
0x24: {  	s22 =	sadd.s32 $0x120, s12;
	[dreg:$0x10] =	wrdreg s13;
	s13 =	sshll.u32 s24, $0x4  }
0x25: {  	s23 =	sshll.u32 s22, $0x6;
	s24 =	sshll.u32 s22, $0x4;
	s13 =	sadd.s32 s13, s4  }
0x26: {  	[dreg:$0x13] =	wrdreg s13;
	s13 =	sadd.s32 s14, s3;
	s14 =	sshll.u32 s16, $0x4  }
0x27: {  	[dreg:$0x14] =	wrdreg s13;
	s13 =	sadd.s32 s15, s4;
	s19 =	sadd.s32 s14, s4  }
0x28: {  	s14 =	sadd.s32 s21, s3;
	s15 =	sadd.s32 $0x160, s12;
	[dreg:$0x15] =	wrdreg s13  }
0x29: {  	s21 =	sadd.s32 $0x1A0, s12;
	s13 =	sadd.s32 s17, s3;
	[dreg:$0x17] =	wrdreg s19  }
0x2a: {  	[dreg:$0x18] =	wrdreg s14;
	s14 =	sshll.u32 s25, $0x4;
	s16 =	sshll.u32 s15, $0x6  }
0x2b: {  	s17 =	sadd.s32 $0x180, s12;
	s22 =	sshll.u32 s21, $0x6;
	[dreg:$0x16] =	wrdreg s13  }
0x2c: {  	s13 =	sshll.u32 s20, $0x4;
	s14 =	sadd.s32 s14, s4;
	s19 =	sshll.u32 s17, $0x6  }
0x2d: {  	s20 =	sshll.u32 s17, $0x4;
	s13 =	sadd.s32 s13, s4;
	[dreg:$0x1d] =	wrdreg s14  }
0x2e: {  	s17 =	sadd.s32 $0x200, s12;
	s14 =	sadd.s32 s16, s3;
	[dreg:$0x19] =	wrdreg s13  }
0x2f: {  	s13 =	sadd.s32 s23, s3;
	[dreg:$0x1e] =	wrdreg s14;
	s14 =	sshll.u32 s21, $0x4  }
0x30: {  	s21 =	sadd.s32 $0x220, s12;
	[dreg:$0x1a] =	wrdreg s13;
	s13 =	sadd.s32 s24, s4  }
0x31: {  	s23 =	sadd.s32 s14, s4;
	s24 =	sadd.s32 $0x1C0, s12;
	[dreg:$0x1b] =	wrdreg s13  }
0x32: {  	s13 =	sadd.s32 s26, s3;
	[smem:$0x7E2] =	sst s23;
	s25 =	sshll.u32 s24, $0x6  }
0x33: {  	s26 =	sadd.s32 $0x1E0, s12;
	s23 =	sadd.s32 $0x240, s12;
	s12 =	sadd.s32 $0x260, s12  }
0x34: {  	[dreg:$0x1c] =	wrdreg s13;
	s13 =	sshll.u32 s15, $0x4;
	s14 =	sadd.s32 s25, s3  }
0x35: {  	s16 =	sshll.u32 s26, $0x4;
	s25 =	sshll.u32 s23, $0x4;
	s15 =	sor.u32 $0x10, s8  }
0x36: {  	s13 =	sadd.s32 s13, s4;
	[smem:$0x7E3] =	sst s14;
	s14 =	sshll.u32 s26, $0x6  }
0x37: {  	s26 =	sshll.u32 s12, $0x6;
	[dreg:$0x1f] =	wrdreg s13;
	s13 =	sadd.s32 s19, s3  }
0x38: {  	s12 =	sshll.u32 s12, $0x4;
	[smem:$0x7DF] =	sst s13;
	s13 =	sadd.s32 s20, s4  }
0x39: {  	s19 =	sshll.u32 s17, $0x6;
	[smem:$0x7E0] =	sst s13;
	s13 =	sadd.s32 s22, s3  }
0x3a: {  	s12 =	sadd.s32 s12, s4;
	[smem:$0x7E1] =	sst s13;
	s13 =	sshll.u32 s24, $0x4  }
0x3b: {  	[smem:$0x7EF] =	sst s12;
	s22 =	sshll.u32 s21, $0x6;
	s13 =	sadd.s32 s13, s4  }
0x3c: {  	s24 =	sshll.u32 s23, $0x6;
	[smem:$0x7E4] =	sst s13;
	s13 =	sadd.s32 s14, s3  }
0x3d: {  	s14 =	sshll.u32 s17, $0x4;
	[smem:$0x7E5] =	sst s13;
	s13 =	sadd.s32 s16, s4  }
0x3e: {  	s20 =	sadd.s32 s14, s4;
	s14 =	sadd.s32 s22, s3;
	[smem:$0x7E6] =	sst s13  }
0x3f: {  	s16 =	sshll.u32 s8, $0x4;
	s22 =	smax.u32 s9, $0x1;
	[smem:$0x7E8] =	sst s20  }
0x40: {  	s9 =	simm.s32 $0x6;
	s13 =	sadd.s32 s19, s3;
	[smem:$0x7E9] =	sst s14  }
0x41: {  	s14 =	sadd.s32 $0x58, s11;
	s17 =	sor.u32 $0x80, s16;
	[smem:$0x7F7] =	sst s22  }
0x42: {  	s23 =	sadd.s32 s6, s16;
	s22 =	simm.s32 $0x2;
	[smem:$0x7E7] =	sst s13  }
0x43: {  	s13 =	sshll.u32 s21, $0x4;
	[smem:$0x7EE] =	sst s14;
	s11 =	smin.u32 s15, s14  }
0x44: {  	s19 =	sadd.s32 s6, s17;
	s12 =	sadd.s32 s7, s17;
	s21 =	sadd.s32 $0x3E200, s2  }
0x45: {  	[smem:$0x7F9] =	sst s23;
	s23 =	simm.s32 $0x3;
	s2 =	simm.s32 $0x5  }
0x46: {  	s15 =	simm.s32 $0x7000;
	s17 =	simm.s32 $0x7;
	[smem:$0x7F0] =	sst s19  }
0x47: {  	s14 =	simm.s32 $0x8;
	s13 =	sadd.s32 s13, s4;
	[smem:$0x7F1] =	sst s12  }
0x48: {  	s11 =	sshll.u32 s11, $0x4;
	[smem:$0x7F6] =	sst s21;
	s21 =	simm.s32 $0x1  }
0x49: {  	s19 =	simm.s32 $0x4;
	[smem:$0x7EA] =	sst s13;
	s13 =	sadd.s32 s24, s3  }
0x4a: {  	s12 =	simm.s32 $0x9;
	s24 =	sadd.s32 s7, s16;
	[smem:$0x7EB] =	sst s13  }
0x4b: {  	s11 =	sand.u32 $0x1FFFFFF0, s11;
	s13 =	sadd.s32 s25, s4;
	[smem:$0x7FA] =	sst s24  }
0x4c: {  	s20 =	sadd.s32 s6, s11;
	s11 =	sadd.s32 s7, s11;
	[smem:$0x7EC] =	sst s13  }
0x4d: {  	s25 =	sor.u32 $0x100, s16;
	s6 =	simm.s32 $0xC00;
	[smem:$0x7F2] =	sst s20  }
0x4e: {  	s24 =	simm.s32 $0xF00;
	s16 =	simm.s32 $0x0;
	[smem:$0x7F3] =	sst s11  }
0x4f: {  	s13 =	sadd.s32 s26, s3;
	[smem:$0x7FB] =	sst s25;
	s26 =	sadd.s32 $0x20, s8  }
0x50: {  	s20 =	simm.s32 $0x9000;
	s25 =	simm.s32 $0xA;
	[smem:$0x7ED] =	sst s13  }
0x51: {  	[smem:$0x7FC] =	sst s26;
	s13 =	simm.s32 $0x800;
	s26 =	simm.s32 $0x80  }
.LBB2_1:
0x52: {  	[smem:$0x7DE] =	sst s16  }
0x53: {  	s8 =	rddreg [dreg:$0x5];
	s10 =	simm.s32 $0x9800  }
0x54: {  	[tilespmem:s10], [sflag:$0x1] =	stream.linear.gather [hbm4b:s8+s5], $0x800, $0x38;
	[tilespmem:$0x16A00] =	vst v63  }
0x55: {  	s7 =	rddreg [dreg:$0x6];
	s11 =	simm.s32 $0xA000  }
0x56: {  	[tilespmem:s11], [sflag:$0x2] =	stream.linear.gather [hbm4b:s7+s5], $0x200, $0x38;
	[tilespmem:$0x16A00] =	vst v63  }
0x57: {  	s16 =	rddreg [dreg:$0x7]  }
0x58: {  	[tilespmem:s20], [sflag:$0x3] =	stream.linear.gather [hbm4b:s16+s5], $0x800, $0x38;
	[tilespmem:$0x16A00] =	vst v63  }
0x59: {  	_ =	swait.ge [sflag:s21], $0x800  }
0x5a: {  	[sflag:s21] =	ssyncset.done $0x0  }
0x5b: {  	[sflag:s21] =	ssyncadd.s32 $0xFFFFF800  }
0x5c: {  	_ =	swait.ge [sflag:s22], $0x200  }
0x5d: {  	[sflag:s22] =	ssyncset.done $0x0  }
0x5e: {  	[sflag:s22] =	ssyncadd.s32 $0xFFFFFE00  }
0x5f: {  	_ =	swait.ge [sflag:s23], $0x800  }
0x60: {  	s7 =	sld [smem:$0x7F9]  }
0x61: {  	[sflag:s23] =	ssyncset.done $0x0  }
0x62: {  	s16 =	sld [smem:$0x7FA];
	[sflag:s23] =	ssyncadd.s32 $0xFFFFF800  }
0x63: {  	[tilespmem:s5], [sflag:$0xA] =	stream.linear.gather [hbm4b:s7+s5], $0x400, $0x38;
	[tilespmem:$0x16A00] =	vst v63  }
0x64: {  	_ = 	snop  }
0x65: {  	[tilespmem:s13], [sflag:$0xA] =	stream.linear.gather [hbm4b:s16+s5], $0x400, $0x38;
	[tilespmem:$0x16A00] =	vst v63  }
0x66: {  	_ = 	snop  }
0x67: {  	[spmem:s18] =	stream.linear.scatter [tilespmem:s10], [sflag:$0x5], $0x800, $0x38;
	[tilespmem:$0x16A00] =	vst v63  }
0x68: {  	s7 =	rddreg [dreg:$0xa]  }
0x69: {  	[spmem:s31] =	stream.linear.scatter [tilespmem:s11], [sflag:$0x6], $0x200, $0x38;
	[tilespmem:$0x16A00] =	vst v63  }
0x6a: {  	s16 =	rddreg [dreg:$0xb]  }
0x6b: {  	[spmem:s7] =	stream.linear.scatter [tilespmem:s10], [sflag:$0x5], $0x800, $0x38;
	[tilespmem:$0x16A00] =	vst v63  }
0x6c: {  	s18 =	rddreg [dreg:$0xc]  }
0x6d: {  	[spmem:s16] =	stream.linear.scatter [tilespmem:s11], [sflag:$0x6], $0x200, $0x38;
	[tilespmem:$0x16A00] =	vst v63  }
0x6e: {  	s7 =	rddreg [dreg:$0xd]  }
0x6f: {  	[spmem:s18] =	stream.linear.scatter [tilespmem:s10], [sflag:$0x5], $0x800, $0x38;
	[tilespmem:$0x16A00] =	vst v63  }
0x70: {  	s16 =	rddreg [dreg:$0xe]  }
0x71: {  	[spmem:s7] =	stream.linear.scatter [tilespmem:s11], [sflag:$0x6], $0x200, $0x38;
	[tilespmem:$0x16A00] =	vst v63  }
0x72: {  	s18 =	rddreg [dreg:$0xf]  }
0x73: {  	[spmem:s16] =	stream.linear.scatter [tilespmem:s10], [sflag:$0x5], $0x800, $0x38;
	[tilespmem:$0x16A00] =	vst v63  }
0x74: {  	s7 =	rddreg [dreg:$0x10]  }
0x75: {  	[spmem:s18] =	stream.linear.scatter [tilespmem:s11], [sflag:$0x6], $0x200, $0x38;
	[tilespmem:$0x16A00] =	vst v63  }
0x76: {  	s16 =	rddreg [dreg:$0x11]  }
0x77: {  	[spmem:s7] =	stream.linear.scatter [tilespmem:s10], [sflag:$0x5], $0x800, $0x38;
	[tilespmem:$0x16A00] =	vst v63  }
0x78: {  	s18 =	rddreg [dreg:$0x12]  }
0x79: {  	[spmem:s16] =	stream.linear.scatter [tilespmem:s11], [sflag:$0x6], $0x200, $0x38;
	[tilespmem:$0x16A00] =	vst v63  }
0x7a: {  	s7 =	rddreg [dreg:$0x13]  }
0x7b: {  	[spmem:s18] =	stream.linear.scatter [tilespmem:s10], [sflag:$0x5], $0x800, $0x38;
	[tilespmem:$0x16A00] =	vst v63  }
0x7c: {  	s16 =	rddreg [dreg:$0x14]  }
0x7d: {  	[spmem:s7] =	stream.linear.scatter [tilespmem:s11], [sflag:$0x6], $0x200, $0x38;
	[tilespmem:$0x16A00] =	vst v63  }
0x7e: {  	s18 =	rddreg [dreg:$0x15]  }
0x7f: {  	[spmem:s16] =	stream.linear.scatter [tilespmem:s10], [sflag:$0x5], $0x800, $0x38;
	[tilespmem:$0x16A00] =	vst v63  }
0x80: {  	s7 =	rddreg [dreg:$0x16]  }
0x81: {  	[spmem:s18] =	stream.linear.scatter [tilespmem:s11], [sflag:$0x6], $0x200, $0x38;
	[tilespmem:$0x16A00] =	vst v63  }
0x82: {  	s16 =	rddreg [dreg:$0x17]  }
0x83: {  	[spmem:s7] =	stream.linear.scatter [tilespmem:s10], [sflag:$0x5], $0x800, $0x38;
	[tilespmem:$0x16A00] =	vst v63  }
0x84: {  	s18 =	rddreg [dreg:$0x18]  }
0x85: {  	[spmem:s16] =	stream.linear.scatter [tilespmem:s11], [sflag:$0x6], $0x200, $0x38;
	[tilespmem:$0x16A00] =	vst v63  }
0x86: {  	s7 =	rddreg [dreg:$0x19]  }
0x87: {  	[spmem:s18] =	stream.linear.scatter [tilespmem:s10], [sflag:$0x5], $0x800, $0x38;
	[tilespmem:$0x16A00] =	vst v63  }
0x88: {  	s16 =	rddreg [dreg:$0x1a]  }
0x89: {  	[spmem:s7] =	stream.linear.scatter [tilespmem:s11], [sflag:$0x6], $0x200, $0x38;
	[tilespmem:$0x16A00] =	vst v63  }
0x8a: {  	s18 =	rddreg [dreg:$0x1b]  }
0x8b: {  	[spmem:s16] =	stream.linear.scatter [tilespmem:s10], [sflag:$0x5], $0x800, $0x38;
	[tilespmem:$0x16A00] =	vst v63  }
0x8c: {  	s7 =	rddreg [dreg:$0x1c]  }
0x8d: {  	[spmem:s18] =	stream.linear.scatter [tilespmem:s11], [sflag:$0x6], $0x200, $0x38;
	[tilespmem:$0x16A00] =	vst v63  }
0x8e: {  	s16 =	rddreg [dreg:$0x1d]  }
0x8f: {  	[spmem:s7] =	stream.linear.scatter [tilespmem:s10], [sflag:$0x5], $0x800, $0x38;
	[tilespmem:$0x16A00] =	vst v63  }
0x90: {  	s18 =	rddreg [dreg:$0x1e]  }
0x91: {  	[spmem:s16] =	stream.linear.scatter [tilespmem:s11], [sflag:$0x6], $0x200, $0x38;
	[tilespmem:$0x16A00] =	vst v63  }
0x92: {  	s7 =	rddreg [dreg:$0x1f]  }
0x93: {  	[spmem:s18] =	stream.linear.scatter [tilespmem:s10], [sflag:$0x5], $0x800, $0x38;
	[tilespmem:$0x16A00] =	vst v63  }
0x94: {  	s16 =	sld [smem:$0x7DF]  }
0x95: {  	[spmem:s7] =	stream.linear.scatter [tilespmem:s11], [sflag:$0x6], $0x200, $0x38;
	[tilespmem:$0x16A00] =	vst v63  }
0x96: {  	s18 =	sld [smem:$0x7E0]  }
0x97: {  	[spmem:s16] =	stream.linear.scatter [tilespmem:s10], [sflag:$0x5], $0x800, $0x38;
	[tilespmem:$0x16A00] =	vst v63  }
0x98: {  	s7 =	sld [smem:$0x7E1]  }
0x99: {  	[spmem:s18] =	stream.linear.scatter [tilespmem:s11], [sflag:$0x6], $0x200, $0x38;
	[tilespmem:$0x16A00] =	vst v63  }
0x9a: {  	s16 =	sld [smem:$0x7E2]  }
0x9b: {  	[spmem:s7] =	stream.linear.scatter [tilespmem:s10], [sflag:$0x5], $0x800, $0x38;
	[tilespmem:$0x16A00] =	vst v63  }
0x9c: {  	s18 =	sld [smem:$0x7E3]  }
0x9d: {  	[spmem:s16] =	stream.linear.scatter [tilespmem:s11], [sflag:$0x6], $0x200, $0x38;
	[tilespmem:$0x16A00] =	vst v63  }
0x9e: {  	s7 =	sld [smem:$0x7E4]  }
0x9f: {  	[spmem:s18] =	stream.linear.scatter [tilespmem:s10], [sflag:$0x5], $0x800, $0x38;
	[tilespmem:$0x16A00] =	vst v63  }
0xa0: {  	s16 =	sld [smem:$0x7E5]  }
0xa1: {  	[spmem:s7] =	stream.linear.scatter [tilespmem:s11], [sflag:$0x6], $0x200, $0x38;
	[tilespmem:$0x16A00] =	vst v63  }
0xa2: {  	s18 =	sld [smem:$0x7E6]  }
0xa3: {  	[spmem:s16] =	stream.linear.scatter [tilespmem:s10], [sflag:$0x5], $0x800, $0x38;
	[tilespmem:$0x16A00] =	vst v63  }
0xa4: {  	s7 =	sld [smem:$0x7E7]  }
0xa5: {  	[spmem:s18] =	stream.linear.scatter [tilespmem:s11], [sflag:$0x6], $0x200, $0x38;
	[tilespmem:$0x16A00] =	vst v63  }
0xa6: {  	s16 =	sld [smem:$0x7E8]  }
0xa7: {  	[spmem:s7] =	stream.linear.scatter [tilespmem:s10], [sflag:$0x5], $0x800, $0x38;
	[tilespmem:$0x16A00] =	vst v63  }
0xa8: {  	s18 =	sld [smem:$0x7E9]  }
0xa9: {  	[spmem:s16] =	stream.linear.scatter [tilespmem:s11], [sflag:$0x6], $0x200, $0x38;
	[tilespmem:$0x16A00] =	vst v63  }
0xaa: {  	s7 =	sld [smem:$0x7EA]  }
0xab: {  	[spmem:s18] =	stream.linear.scatter [tilespmem:s10], [sflag:$0x5], $0x800, $0x38;
	[tilespmem:$0x16A00] =	vst v63  }
0xac: {  	s16 =	sld [smem:$0x7EB]  }
0xad: {  	[spmem:s7] =	stream.linear.scatter [tilespmem:s11], [sflag:$0x6], $0x200, $0x38;
	[tilespmem:$0x16A00] =	vst v63  }
0xae: {  	s18 =	sld [smem:$0x7EC]  }
0xaf: {  	[spmem:s16] =	stream.linear.scatter [tilespmem:s10], [sflag:$0x5], $0x800, $0x38;
	[tilespmem:$0x16A00] =	vst v63  }
0xb0: {  	s7 =	sld [smem:$0x7ED]  }
0xb1: {  	[spmem:s18] =	stream.linear.scatter [tilespmem:s11], [sflag:$0x6], $0x200, $0x38;
	[tilespmem:$0x16A00] =	vst v63  }
0xb2: {  	_ = 	snop  }
0xb3: {  	[spmem:s7] =	stream.linear.scatter [tilespmem:s10], [sflag:$0x5], $0x800, $0x38;
	[tilespmem:$0x16A00] =	vst v63  }
0xb4: {  	s10 =	sld [smem:$0x7EF];
	_ =	sdelay $0x2  }
0xb5: {  	[spmem:s10] =	stream.linear.scatter [tilespmem:s11], [sflag:$0x6], $0x200, $0x38;
	[tilespmem:$0x16A00] =	vst v63  }
0xb6: {  	_ =	swait.ge [sflag:s25], $0x400  }
0xb7: {  	[sflag:s25] =	ssyncset.done $0x0  }
0xb8: {  	[sflag:s25] =	ssyncadd.s32 $0xFFFFFC00  }
0xb9: {  	_ =	swait.ge [sflag:s25], $0x400  }
0xba: {  	[sflag:s25] =	ssyncset.done $0x0  }
0xbb: {  	[sflag:s25] =	ssyncadd.s32 $0xFFFFFC00  }
0xbc: {  	[tilespmem:s29], [sflag:$0x1] =	stream.indirect.gather [hbm4b:s1+s26], $0x40, s5, s26, $0xb8;
	[tilespmem:$0x16A00] =	vst v63  }
0xbd: {  	_ = 	snop  }
0xbe: {  	[tilespmem:s30], [sflag:$0x2] =	stream.indirect.gather [hbm4b:s1+s26], $0x40, s26, s26, $0xb8;
	[tilespmem:$0x16A00] =	vst v63  }
0xbf: {  	s7 =	simm.s32 $0x100  }
0xc0: {  	[tilespmem:s0], [sflag:$0x3] =	stream.indirect.gather [hbm4b:s1+s26], $0x40, s7, s26, $0xb8;
	[tilespmem:$0x16A00] =	vst v63  }
0xc1: {  	_ =	swait.ge [sflag:s2], $0x800  }
0xc2: {  	[sflag:s2] =	ssyncset.done $0x0  }
0xc3: {  	[sflag:s2] =	ssyncadd.s32 $0xFFFFF800  }
0xc4: {  	_ =	swait.ge [sflag:s9], $0x200  }
0xc5: {  	[sflag:s9] =	ssyncset.done $0x0  }
0xc6: {  	[sflag:s9] =	ssyncadd.s32 $0xFFFFFE00  }
0xc7: {  	_ =	swait.ge [sflag:s2], $0x800  }
0xc8: {  	[sflag:s2] =	ssyncset.done $0x0  }
0xc9: {  	[sflag:s2] =	ssyncadd.s32 $0xFFFFF800  }
0xca: {  	_ =	swait.ge [sflag:s9], $0x200  }
0xcb: {  	[sflag:s9] =	ssyncset.done $0x0  }
0xcc: {  	[sflag:s9] =	ssyncadd.s32 $0xFFFFFE00  }
0xcd: {  	_ =	swait.ge [sflag:s2], $0x800  }
0xce: {  	[sflag:s2] =	ssyncset.done $0x0  }
0xcf: {  	[sflag:s2] =	ssyncadd.s32 $0xFFFFF800  }
0xd0: {  	_ =	swait.ge [sflag:s9], $0x200  }
0xd1: {  	[sflag:s9] =	ssyncset.done $0x0  }
0xd2: {  	[sflag:s9] =	ssyncadd.s32 $0xFFFFFE00  }
0xd3: {  	_ =	swait.ge [sflag:s2], $0x800  }
0xd4: {  	[sflag:s2] =	ssyncset.done $0x0  }
0xd5: {  	[sflag:s2] =	ssyncadd.s32 $0xFFFFF800  }
0xd6: {  	_ =	swait.ge [sflag:s9], $0x200  }
0xd7: {  	[sflag:s9] =	ssyncset.done $0x0  }
0xd8: {  	[sflag:s9] =	ssyncadd.s32 $0xFFFFFE00  }
0xd9: {  	_ =	swait.ge [sflag:s2], $0x800  }
0xda: {  	[sflag:s2] =	ssyncset.done $0x0  }
0xdb: {  	[sflag:s2] =	ssyncadd.s32 $0xFFFFF800  }
0xdc: {  	_ =	swait.ge [sflag:s9], $0x200  }
0xdd: {  	[sflag:s9] =	ssyncset.done $0x0  }
0xde: {  	[sflag:s9] =	ssyncadd.s32 $0xFFFFFE00  }
0xdf: {  	_ =	swait.ge [sflag:s2], $0x800  }
0xe0: {  	[sflag:s2] =	ssyncset.done $0x0  }
0xe1: {  	[sflag:s2] =	ssyncadd.s32 $0xFFFFF800  }
0xe2: {  	_ =	swait.ge [sflag:s9], $0x200  }
0xe3: {  	[sflag:s9] =	ssyncset.done $0x0  }
0xe4: {  	[sflag:s9] =	ssyncadd.s32 $0xFFFFFE00  }
0xe5: {  	_ =	swait.ge [sflag:s2], $0x800  }
0xe6: {  	[sflag:s2] =	ssyncset.done $0x0  }
0xe7: {  	[sflag:s2] =	ssyncadd.s32 $0xFFFFF800  }
0xe8: {  	_ =	swait.ge [sflag:s9], $0x200  }
0xe9: {  	[sflag:s9] =	ssyncset.done $0x0  }
0xea: {  	[sflag:s9] =	ssyncadd.s32 $0xFFFFFE00  }
0xeb: {  	_ =	swait.ge [sflag:s2], $0x800  }
0xec: {  	[sflag:s2] =	ssyncset.done $0x0  }
0xed: {  	[sflag:s2] =	ssyncadd.s32 $0xFFFFF800  }
0xee: {  	_ =	swait.ge [sflag:s9], $0x200  }
0xef: {  	[sflag:s9] =	ssyncset.done $0x0  }
0xf0: {  	[sflag:s9] =	ssyncadd.s32 $0xFFFFFE00  }
0xf1: {  	_ =	swait.ge [sflag:s2], $0x800  }
0xf2: {  	[sflag:s2] =	ssyncset.done $0x0  }
0xf3: {  	[sflag:s2] =	ssyncadd.s32 $0xFFFFF800  }
0xf4: {  	_ =	swait.ge [sflag:s9], $0x200  }
0xf5: {  	[sflag:s9] =	ssyncset.done $0x0  }
0xf6: {  	[sflag:s9] =	ssyncadd.s32 $0xFFFFFE00  }
0xf7: {  	_ =	swait.ge [sflag:s2], $0x800  }
0xf8: {  	[sflag:s2] =	ssyncset.done $0x0  }
0xf9: {  	[sflag:s2] =	ssyncadd.s32 $0xFFFFF800  }
0xfa: {  	_ =	swait.ge [sflag:s9], $0x200  }
0xfb: {  	[sflag:s9] =	ssyncset.done $0x0  }
0xfc: {  	[sflag:s9] =	ssyncadd.s32 $0xFFFFFE00  }
0xfd: {  	_ =	swait.ge [sflag:s2], $0x800  }
0xfe: {  	[sflag:s2] =	ssyncset.done $0x0  }
0xff: {  	[sflag:s2] =	ssyncadd.s32 $0xFFFFF800  }
0x100: {  	_ =	swait.ge [sflag:s9], $0x200  }
0x101: {  	[sflag:s9] =	ssyncset.done $0x0  }
0x102: {  	[sflag:s9] =	ssyncadd.s32 $0xFFFFFE00  }
0x103: {  	_ =	swait.ge [sflag:s2], $0x800  }
0x104: {  	[sflag:s2] =	ssyncset.done $0x0  }
0x105: {  	[sflag:s2] =	ssyncadd.s32 $0xFFFFF800  }
0x106: {  	_ =	swait.ge [sflag:s9], $0x200  }
0x107: {  	[sflag:s9] =	ssyncset.done $0x0  }
0x108: {  	[sflag:s9] =	ssyncadd.s32 $0xFFFFFE00  }
0x109: {  	_ =	swait.ge [sflag:s2], $0x800  }
0x10a: {  	[sflag:s2] =	ssyncset.done $0x0  }
0x10b: {  	[sflag:s2] =	ssyncadd.s32 $0xFFFFF800  }
0x10c: {  	_ =	swait.ge [sflag:s9], $0x200  }
0x10d: {  	[sflag:s9] =	ssyncset.done $0x0  }
0x10e: {  	[sflag:s9] =	ssyncadd.s32 $0xFFFFFE00  }
0x10f: {  	_ =	swait.ge [sflag:s2], $0x800  }
0x110: {  	[sflag:s2] =	ssyncset.done $0x0  }
0x111: {  	[sflag:s2] =	ssyncadd.s32 $0xFFFFF800  }
0x112: {  	_ =	swait.ge [sflag:s9], $0x200  }
0x113: {  	[sflag:s9] =	ssyncset.done $0x0  }
0x114: {  	[sflag:s9] =	ssyncadd.s32 $0xFFFFFE00  }
0x115: {  	_ =	swait.ge [sflag:s2], $0x800  }
0x116: {  	[sflag:s2] =	ssyncset.done $0x0  }
0x117: {  	[sflag:s2] =	ssyncadd.s32 $0xFFFFF800  }
0x118: {  	_ =	swait.ge [sflag:s9], $0x200  }
0x119: {  	[sflag:s9] =	ssyncset.done $0x0  }
0x11a: {  	[sflag:s9] =	ssyncadd.s32 $0xFFFFFE00  }
0x11b: {  	_ =	swait.ge [sflag:s2], $0x800  }
0x11c: {  	[sflag:s2] =	ssyncset.done $0x0  }
0x11d: {  	[sflag:s2] =	ssyncadd.s32 $0xFFFFF800  }
0x11e: {  	_ =	swait.ge [sflag:s9], $0x200  }
0x11f: {  	[sflag:s9] =	ssyncset.done $0x0  }
0x120: {  	[sflag:s9] =	ssyncadd.s32 $0xFFFFFE00  }
0x121: {  	_ =	swait.ge [sflag:s2], $0x800  }
0x122: {  	[sflag:s2] =	ssyncset.done $0x0  }
0x123: {  	[sflag:s2] =	ssyncadd.s32 $0xFFFFF800  }
0x124: {  	_ =	swait.ge [sflag:s9], $0x200  }
0x125: {  	[sflag:s9] =	ssyncset.done $0x0  }
0x126: {  	[sflag:s9] =	ssyncadd.s32 $0xFFFFFE00  }
0x127: {  	_ =	swait.ge [sflag:s2], $0x800  }
0x128: {  	[sflag:s2] =	ssyncset.done $0x0  }
0x129: {  	[sflag:s2] =	ssyncadd.s32 $0xFFFFF800  }
0x12a: {  	_ =	swait.ge [sflag:s9], $0x200  }
0x12b: {  	[sflag:s9] =	ssyncset.done $0x0  }
0x12c: {  	[sflag:s9] =	ssyncadd.s32 $0xFFFFFE00  }
0x12d: {  	_ =	swait.ge [sflag:s2], $0x800  }
0x12e: {  	[sflag:s2] =	ssyncset.done $0x0  }
0x12f: {  	[sflag:s2] =	ssyncadd.s32 $0xFFFFF800  }
0x130: {  	_ =	swait.ge [sflag:s9], $0x200  }
0x131: {  	[sflag:s9] =	ssyncset.done $0x0  }
0x132: {  	[sflag:s9] =	ssyncadd.s32 $0xFFFFFE00  }
0x133: {  	_ =	swait.ge [sflag:s2], $0x800  }
0x134: {  	[sflag:s2] =	ssyncset.done $0x0  }
0x135: {  	[sflag:s2] =	ssyncadd.s32 $0xFFFFF800  }
0x136: {  	_ =	swait.ge [sflag:s9], $0x200  }
0x137: {  	[sflag:s9] =	ssyncset.done $0x0  }
0x138: {  	[sflag:s9] =	ssyncadd.s32 $0xFFFFFE00  }
0x139: {  	[bflag:$0x0] =	sbarrier.arrive $0xFFFF  }
0x13a: {  	s16 =	sld [smem:$0x7F0];
	_ =	sdelay $0x1  }
0x13b: {  	s7 =	simm.s32 $0x400;
	s18 =	sld [smem:$0x7F1]  }
0x13c: {  	[tilespmem:s7], [sflag:$0xA] =	stream.linear.gather [hbm4b:s16+s5], $0x400, $0x38;
	[tilespmem:$0x16A00] =	vst v63  }
0x13d: {  	_ = 	snop  }
0x13e: {  	[tilespmem:s6], [sflag:$0xA] =	stream.linear.gather [hbm4b:s18+s5], $0x400, $0x38;
	[tilespmem:$0x16A00] =	vst v63  }
0x13f: {  	s10 =	simm.s32 $0x180  }
0x140: {  	[tilespmem:s15], [sflag:$0x4] =	stream.indirect.gather [hbm4b:s1+s26], $0x40, s10, s26, $0xb8;
	[tilespmem:$0x16A00] =	vst v63  }
0x141: {  	_ =	swait.ge [sflag:s21], $0x2000  }
0x142: {  	[sflag:s21] =	ssyncset.done $0x0  }
0x143: {  	[sflag:s21] =	ssyncadd.s32 $0xFFFFE000  }
0x144: {  	[spmem:s3] =	stream.indirect.scatter.add.bf16 [tilespmem:s29], [sflag:$0x5], $0x40, s13, s26, $0xb8;
	[tilespmem:$0x16A00] =	vst v63  }
0x145: {  	_ = 	snop  }
0x146: {  	[spmem:s4] =	stream.indirect.scatter.add.f32 [tilespmem:s20], [sflag:$0x9], $0x10, s13, s26, $0xb8;
	[tilespmem:$0x16A00] =	vst v63  }
0x147: {  	_ =	swait.ge [sflag:s2], $0x2000  }
0x148: {  	[sflag:s2] =	ssyncset.done $0x0  }
0x149: {  	s11 =	simm.s32 $0x200;
	[sflag:s2] =	ssyncadd.s32 $0xFFFFE000  }
0x14a: {  	[tilespmem:s29], [sflag:$0x1] =	stream.indirect.gather [hbm4b:s1+s26], $0x40, s11, s26, $0xb8;
	[tilespmem:$0x16A00] =	vst v63  }
0x14b: {  	_ =	swait.ge [sflag:s22], $0x2000  }
0x14c: {  	[sflag:s22] =	ssyncset.done $0x0  }
0x14d: {  	s16 =	simm.s32 $0x880;
	[sflag:s22] =	ssyncadd.s32 $0xFFFFE000  }
0x14e: {  	[spmem:s3] =	stream.indirect.scatter.add.bf16 [tilespmem:s30], [sflag:$0x6], $0x40, s16, s26, $0xb8;
	[tilespmem:$0x16A00] =	vst v63  }
0x14f: {  	_ = 	snop  }
0x150: {  	[spmem:s4] =	stream.indirect.scatter.add.f32 [tilespmem:s20], [sflag:$0x9], $0x10, s16, s26, $0xb8;
	[tilespmem:$0x16A00] =	vst v63  }
0x151: {  	_ =	swait.ge [sflag:s9], $0x2000  }
0x152: {  	[sflag:s9] =	ssyncset.done $0x0  }
0x153: {  	s18 =	simm.s32 $0x280;
	[sflag:s9] =	ssyncadd.s32 $0xFFFFE000  }
0x154: {  	[tilespmem:s30], [sflag:$0x2] =	stream.indirect.gather [hbm4b:s1+s26], $0x40, s18, s26, $0xb8;
	[tilespmem:$0x16A00] =	vst v63  }
0x155: {  	_ =	swait.ge [sflag:s23], $0x2000  }
0x156: {  	[sflag:s23] =	ssyncset.done $0x0  }
0x157: {  	s10 =	simm.s32 $0x900;
	[sflag:s23] =	ssyncadd.s32 $0xFFFFE000  }
0x158: {  	[spmem:s3] =	stream.indirect.scatter.add.bf16 [tilespmem:s0], [sflag:$0x7], $0x40, s10, s26, $0xb8;
	[tilespmem:$0x16A00] =	vst v63  }
0x159: {  	_ = 	snop  }
0x15a: {  	[spmem:s4] =	stream.indirect.scatter.add.f32 [tilespmem:s20], [sflag:$0x9], $0x10, s10, s26, $0xb8;
	[tilespmem:$0x16A00] =	vst v63  }
0x15b: {  	_ =	swait.ge [sflag:s17], $0x2000  }
0x15c: {  	[sflag:s17] =	ssyncset.done $0x0  }
0x15d: {  	s11 =	simm.s32 $0x300;
	[sflag:s17] =	ssyncadd.s32 $0xFFFFE000  }
0x15e: {  	[tilespmem:s0], [sflag:$0x3] =	stream.indirect.gather [hbm4b:s1+s26], $0x40, s11, s26, $0xb8;
	[tilespmem:$0x16A00] =	vst v63  }
0x15f: {  	_ =	swait.ge [sflag:s19], $0x2000  }
0x160: {  	[sflag:s19] =	ssyncset.done $0x0  }
0x161: {  	s16 =	simm.s32 $0x980;
	[sflag:s19] =	ssyncadd.s32 $0xFFFFE000  }
0x162: {  	[spmem:s3] =	stream.indirect.scatter.add.bf16 [tilespmem:s15], [sflag:$0x8], $0x40, s16, s26, $0xb8;
	[tilespmem:$0x16A00] =	vst v63  }
0x163: {  	_ = 	snop  }
0x164: {  	[spmem:s4] =	stream.indirect.scatter.add.f32 [tilespmem:s20], [sflag:$0x9], $0x10, s16, s26, $0xb8;
	[tilespmem:$0x16A00] =	vst v63  }
0x165: {  	_ =	swait.ge [sflag:s14], $0x2000  }
0x166: {  	[sflag:s14] =	ssyncset.done $0x0  }
0x167: {  	s18 =	simm.s32 $0x380;
	[sflag:s14] =	ssyncadd.s32 $0xFFFFE000  }
0x168: {  	[tilespmem:s15], [sflag:$0x4] =	stream.indirect.gather [hbm4b:s1+s26], $0x40, s18, s26, $0xb8;
	[tilespmem:$0x16A00] =	vst v63  }
0x169: {  	_ =	swait.ge [sflag:s21], $0x2000  }
0x16a: {  	[sflag:s21] =	ssyncset.done $0x0  }
0x16b: {  	s10 =	simm.s32 $0xA00;
	[sflag:s21] =	ssyncadd.s32 $0xFFFFE000  }
0x16c: {  	[spmem:s3] =	stream.indirect.scatter.add.bf16 [tilespmem:s29], [sflag:$0x5], $0x40, s10, s26, $0xb8;
	[tilespmem:$0x16A00] =	vst v63  }
0x16d: {  	_ = 	snop  }
0x16e: {  	[spmem:s4] =	stream.indirect.scatter.add.f32 [tilespmem:s20], [sflag:$0x9], $0x10, s10, s26, $0xb8;
	[tilespmem:$0x16A00] =	vst v63  }
0x16f: {  	_ =	swait.ge [sflag:s22], $0x2000  }
0x170: {  	[sflag:s22] =	ssyncset.done $0x0  }
0x171: {  	s11 =	simm.s32 $0xA80;
	[sflag:s22] =	ssyncadd.s32 $0xFFFFE000  }
0x172: {  	[spmem:s3] =	stream.indirect.scatter.add.bf16 [tilespmem:s30], [sflag:$0x6], $0x40, s11, s26, $0xb8;
	[tilespmem:$0x16A00] =	vst v63  }
0x173: {  	_ = 	snop  }
0x174: {  	[spmem:s4] =	stream.indirect.scatter.add.f32 [tilespmem:s20], [sflag:$0x9], $0x10, s11, s26, $0xb8;
	[tilespmem:$0x16A00] =	vst v63  }
0x175: {  	_ =	swait.ge [sflag:s23], $0x2000  }
0x176: {  	[sflag:s23] =	ssyncset.done $0x0  }
0x177: {  	s16 =	simm.s32 $0xB00;
	[sflag:s23] =	ssyncadd.s32 $0xFFFFE000  }
0x178: {  	[spmem:s3] =	stream.indirect.scatter.add.bf16 [tilespmem:s0], [sflag:$0x7], $0x40, s16, s26, $0xb8;
	[tilespmem:$0x16A00] =	vst v63  }
0x179: {  	_ = 	snop  }
0x17a: {  	[spmem:s4] =	stream.indirect.scatter.add.f32 [tilespmem:s20], [sflag:$0x9], $0x10, s16, s26, $0xb8;
	[tilespmem:$0x16A00] =	vst v63  }
0x17b: {  	_ =	swait.ge [sflag:s19], $0x2000  }
0x17c: {  	[sflag:s19] =	ssyncset.done $0x0  }
0x17d: {  	s18 =	simm.s32 $0xB80;
	[sflag:s19] =	ssyncadd.s32 $0xFFFFE000  }
0x17e: {  	[spmem:s3] =	stream.indirect.scatter.add.bf16 [tilespmem:s15], [sflag:$0x8], $0x40, s18, s26, $0xb8;
	[tilespmem:$0x16A00] =	vst v63  }
0x17f: {  	_ = 	snop  }
0x180: {  	[spmem:s4] =	stream.indirect.scatter.add.f32 [tilespmem:s20], [sflag:$0x9], $0x10, s18, s26, $0xb8;
	[tilespmem:$0x16A00] =	vst v63  }
0x181: {  	_ =	swait.ge [sflag:s2], $0x2000  }
0x182: {  	[sflag:s2] =	ssyncset.done $0x0  }
0x183: {  	[sflag:s2] =	ssyncadd.s32 $0xFFFFE000  }
0x184: {  	_ =	swait.ge [sflag:s9], $0x2000  }
0x185: {  	[sflag:s9] =	ssyncset.done $0x0  }
0x186: {  	[sflag:s9] =	ssyncadd.s32 $0xFFFFE000  }
0x187: {  	_ =	swait.ge [sflag:s17], $0x2000  }
0x188: {  	[sflag:s17] =	ssyncset.done $0x0  }
0x189: {  	[sflag:s17] =	ssyncadd.s32 $0xFFFFE000  }
0x18a: {  	_ =	swait.ge [sflag:s14], $0x2000  }
0x18b: {  	[sflag:s14] =	ssyncset.done $0x0  }
0x18c: {  	[sflag:s14] =	ssyncadd.s32 $0xFFFFE000  }
0x18d: {  	_ =	swait.ge [sflag:s12], $0x800  }
0x18e: {  	[sflag:s12] =	ssyncset.done $0x0  }
0x18f: {  	[sflag:s12] =	ssyncadd.s32 $0xFFFFF800  }
0x190: {  	_ =	swait.ge [sflag:s12], $0x800  }
0x191: {  	[sflag:s12] =	ssyncset.done $0x0  }
0x192: {  	[sflag:s12] =	ssyncadd.s32 $0xFFFFF800  }
0x193: {  	_ =	swait.ge [sflag:s12], $0x800  }
0x194: {  	[sflag:s12] =	ssyncset.done $0x0  }
0x195: {  	[sflag:s12] =	ssyncadd.s32 $0xFFFFF800  }
0x196: {  	_ =	swait.ge [sflag:s12], $0x800  }
0x197: {  	[sflag:s12] =	ssyncset.done $0x0  }
0x198: {  	[sflag:s12] =	ssyncadd.s32 $0xFFFFF800  }
0x199: {  	_ =	swait.ge [sflag:s12], $0x800  }
0x19a: {  	[sflag:s12] =	ssyncset.done $0x0  }
0x19b: {  	[sflag:s12] =	ssyncadd.s32 $0xFFFFF800  }
0x19c: {  	_ =	swait.ge [sflag:s12], $0x800  }
0x19d: {  	[sflag:s12] =	ssyncset.done $0x0  }
0x19e: {  	[sflag:s12] =	ssyncadd.s32 $0xFFFFF800  }
0x19f: {  	_ =	swait.ge [sflag:s12], $0x800  }
0x1a0: {  	[sflag:s12] =	ssyncset.done $0x0  }
0x1a1: {  	[sflag:s12] =	ssyncadd.s32 $0xFFFFF800  }
0x1a2: {  	_ =	swait.ge [sflag:s12], $0x800  }
0x1a3: {  	[sflag:s12] =	ssyncset.done $0x0  }
0x1a4: {  	[sflag:s12] =	ssyncadd.s32 $0xFFFFF800  }
0x1a5: {  	_ =	swait.ge [sflag:s25], $0x400  }
0x1a6: {  	[sflag:s25] =	ssyncset.done $0x0  }
0x1a7: {  	[sflag:s25] =	ssyncadd.s32 $0xFFFFFC00  }
0x1a8: {  	_ =	swait.ge [sflag:s25], $0x400  }
0x1a9: {  	s10 =	sld [smem:$0x7F2]  }
0x1aa: {  	[sflag:s25] =	ssyncset.done $0x0  }
0x1ab: {  	s11 =	sld [smem:$0x7F3];
	[sflag:s25] =	ssyncadd.s32 $0xFFFFFC00  }
0x1ac: {  	[tilespmem:s5], [sflag:$0xA] =	stream.linear.gather [hbm4b:s10+s5], $0x400, $0x38;
	[tilespmem:$0x16A00] =	vst v63  }
0x1ad: {  	_ = 	snop  }
0x1ae: {  	[tilespmem:s13], [sflag:$0xA] =	stream.linear.gather [hbm4b:s11+s5], $0x400, $0x38;
	[tilespmem:$0x16A00] =	vst v63  }
0x1af: {  	_ = 	snop  }
0x1b0: {  	[tilespmem:s29], [sflag:$0x1] =	stream.indirect.gather [hbm4b:s1+s26], $0x40, s7, s26, $0xb8;
	[tilespmem:$0x16A00] =	vst v63  }
0x1b1: {  	s16 =	simm.s32 $0x480  }
0x1b2: {  	[tilespmem:s30], [sflag:$0x2] =	stream.indirect.gather [hbm4b:s1+s26], $0x40, s16, s26, $0xb8;
	[tilespmem:$0x16A00] =	vst v63  }
0x1b3: {  	s18 =	simm.s32 $0x500  }
0x1b4: {  	[tilespmem:s0], [sflag:$0x3] =	stream.indirect.gather [hbm4b:s1+s26], $0x40, s18, s26, $0xb8;
	[tilespmem:$0x16A00] =	vst v63  }
0x1b5: {  	s8 =	simm.s32 $0x580  }
0x1b6: {  	[tilespmem:s15], [sflag:$0x4] =	stream.indirect.gather [hbm4b:s1+s26], $0x40, s8, s26, $0xb8;
	[tilespmem:$0x16A00] =	vst v63  }
0x1b7: {  	_ =	swait.ge [sflag:s21], $0x2000  }
0x1b8: {  	[sflag:s21] =	ssyncset.done $0x0  }
0x1b9: {  	[sflag:s21] =	ssyncadd.s32 $0xFFFFE000  }
0x1ba: {  	[spmem:s3] =	stream.indirect.scatter.add.bf16 [tilespmem:s29], [sflag:$0x5], $0x40, s6, s26, $0xb8;
	[tilespmem:$0x16A00] =	vst v63  }
0x1bb: {  	_ = 	snop  }
0x1bc: {  	[spmem:s4] =	stream.indirect.scatter.add.f32 [tilespmem:s20], [sflag:$0x9], $0x10, s6, s26, $0xb8;
	[tilespmem:$0x16A00] =	vst v63  }
0x1bd: {  	_ =	swait.ge [sflag:s2], $0x2000  }
0x1be: {  	[sflag:s2] =	ssyncset.done $0x0  }
0x1bf: {  	s10 =	simm.s32 $0x600;
	[sflag:s2] =	ssyncadd.s32 $0xFFFFE000  }
0x1c0: {  	[tilespmem:s29], [sflag:$0x1] =	stream.indirect.gather [hbm4b:s1+s26], $0x40, s10, s26, $0xb8;
	[tilespmem:$0x16A00] =	vst v63  }
0x1c1: {  	_ =	swait.ge [sflag:s22], $0x2000  }
0x1c2: {  	[sflag:s22] =	ssyncset.done $0x0  }
0x1c3: {  	s11 =	simm.s32 $0xC80;
	[sflag:s22] =	ssyncadd.s32 $0xFFFFE000  }
0x1c4: {  	[spmem:s3] =	stream.indirect.scatter.add.bf16 [tilespmem:s30], [sflag:$0x6], $0x40, s11, s26, $0xb8;
	[tilespmem:$0x16A00] =	vst v63  }
0x1c5: {  	_ = 	snop  }
0x1c6: {  	[spmem:s4] =	stream.indirect.scatter.add.f32 [tilespmem:s20], [sflag:$0x9], $0x10, s11, s26, $0xb8;
	[tilespmem:$0x16A00] =	vst v63  }
0x1c7: {  	_ =	swait.ge [sflag:s9], $0x2000  }
0x1c8: {  	[sflag:s9] =	ssyncset.done $0x0  }
0x1c9: {  	s16 =	simm.s32 $0x680;
	[sflag:s9] =	ssyncadd.s32 $0xFFFFE000  }
0x1ca: {  	[tilespmem:s30], [sflag:$0x2] =	stream.indirect.gather [hbm4b:s1+s26], $0x40, s16, s26, $0xb8;
	[tilespmem:$0x16A00] =	vst v63  }
0x1cb: {  	_ =	swait.ge [sflag:s23], $0x2000  }
0x1cc: {  	[sflag:s23] =	ssyncset.done $0x0  }
0x1cd: {  	s18 =	simm.s32 $0xD00;
	[sflag:s23] =	ssyncadd.s32 $0xFFFFE000  }
0x1ce: {  	[spmem:s3] =	stream.indirect.scatter.add.bf16 [tilespmem:s0], [sflag:$0x7], $0x40, s18, s26, $0xb8;
	[tilespmem:$0x16A00] =	vst v63  }
0x1cf: {  	_ = 	snop  }
0x1d0: {  	[spmem:s4] =	stream.indirect.scatter.add.f32 [tilespmem:s20], [sflag:$0x9], $0x10, s18, s26, $0xb8;
	[tilespmem:$0x16A00] =	vst v63  }
0x1d1: {  	_ =	swait.ge [sflag:s17], $0x2000  }
0x1d2: {  	[sflag:s17] =	ssyncset.done $0x0  }
0x1d3: {  	s8 =	simm.s32 $0x700;
	[sflag:s17] =	ssyncadd.s32 $0xFFFFE000  }
0x1d4: {  	[tilespmem:s0], [sflag:$0x3] =	stream.indirect.gather [hbm4b:s1+s26], $0x40, s8, s26, $0xb8;
	[tilespmem:$0x16A00] =	vst v63  }
0x1d5: {  	_ =	swait.ge [sflag:s19], $0x2000  }
0x1d6: {  	[sflag:s19] =	ssyncset.done $0x0  }
0x1d7: {  	s10 =	simm.s32 $0xD80;
	[sflag:s19] =	ssyncadd.s32 $0xFFFFE000  }
0x1d8: {  	[spmem:s3] =	stream.indirect.scatter.add.bf16 [tilespmem:s15], [sflag:$0x8], $0x40, s10, s26, $0xb8;
	[tilespmem:$0x16A00] =	vst v63  }
0x1d9: {  	_ = 	snop  }
0x1da: {  	[spmem:s4] =	stream.indirect.scatter.add.f32 [tilespmem:s20], [sflag:$0x9], $0x10, s10, s26, $0xb8;
	[tilespmem:$0x16A00] =	vst v63  }
0x1db: {  	_ =	swait.ge [sflag:s14], $0x2000  }
0x1dc: {  	[sflag:s14] =	ssyncset.done $0x0  }
0x1dd: {  	s11 =	simm.s32 $0x780;
	[sflag:s14] =	ssyncadd.s32 $0xFFFFE000  }
0x1de: {  	[tilespmem:s15], [sflag:$0x4] =	stream.indirect.gather [hbm4b:s1+s26], $0x40, s11, s26, $0xb8;
	[tilespmem:$0x16A00] =	vst v63  }
0x1df: {  	_ =	swait.ge [sflag:s21], $0x2000  }
0x1e0: {  	[sflag:s21] =	ssyncset.done $0x0  }
0x1e1: {  	s16 =	simm.s32 $0xE00;
	[sflag:s21] =	ssyncadd.s32 $0xFFFFE000  }
0x1e2: {  	[spmem:s3] =	stream.indirect.scatter.add.bf16 [tilespmem:s29], [sflag:$0x5], $0x40, s16, s26, $0xb8;
	[tilespmem:$0x16A00] =	vst v63  }
0x1e3: {  	_ = 	snop  }
0x1e4: {  	[spmem:s4] =	stream.indirect.scatter.add.f32 [tilespmem:s20], [sflag:$0x9], $0x10, s16, s26, $0xb8;
	[tilespmem:$0x16A00] =	vst v63  }
0x1e5: {  	_ =	swait.ge [sflag:s22], $0x2000  }
0x1e6: {  	[sflag:s22] =	ssyncset.done $0x0  }
0x1e7: {  	s18 =	simm.s32 $0xE80;
	[sflag:s22] =	ssyncadd.s32 $0xFFFFE000  }
0x1e8: {  	[spmem:s3] =	stream.indirect.scatter.add.bf16 [tilespmem:s30], [sflag:$0x6], $0x40, s18, s26, $0xb8;
	[tilespmem:$0x16A00] =	vst v63  }
0x1e9: {  	_ = 	snop  }
0x1ea: {  	[spmem:s4] =	stream.indirect.scatter.add.f32 [tilespmem:s20], [sflag:$0x9], $0x10, s18, s26, $0xb8;
	[tilespmem:$0x16A00] =	vst v63  }
0x1eb: {  	_ =	swait.ge [sflag:s23], $0x2000  }
0x1ec: {  	[sflag:s23] =	ssyncset.done $0x0  }
0x1ed: {  	[sflag:s23] =	ssyncadd.s32 $0xFFFFE000  }
0x1ee: {  	[spmem:s3] =	stream.indirect.scatter.add.bf16 [tilespmem:s0], [sflag:$0x7], $0x40, s24, s26, $0xb8;
	[tilespmem:$0x16A00] =	vst v63  }
0x1ef: {  	_ = 	snop  }
0x1f0: {  	[spmem:s4] =	stream.indirect.scatter.add.f32 [tilespmem:s20], [sflag:$0x9], $0x10, s24, s26, $0xb8;
	[tilespmem:$0x16A00] =	vst v63  }
0x1f1: {  	_ =	swait.ge [sflag:s19], $0x2000  }
0x1f2: {  	[sflag:s19] =	ssyncset.done $0x0  }
0x1f3: {  	[sflag:s19] =	ssyncadd.s32 $0xFFFFE000  }
0x1f4: {  	[spmem:s3] =	stream.indirect.scatter.add.bf16 [tilespmem:s15], [sflag:$0x8], $0x40, s28, s26, $0xb8;
	[tilespmem:$0x16A00] =	vst v63  }
0x1f5: {  	_ = 	snop  }
0x1f6: {  	[spmem:s4] =	stream.indirect.scatter.add.f32 [tilespmem:s20], [sflag:$0x9], $0x10, s28, s26, $0xb8;
	[tilespmem:$0x16A00] =	vst v63  }
0x1f7: {  	_ =	swait.ge [sflag:s2], $0x2000  }
0x1f8: {  	[sflag:s2] =	ssyncset.done $0x0  }
0x1f9: {  	[sflag:s2] =	ssyncadd.s32 $0xFFFFE000  }
0x1fa: {  	_ =	swait.ge [sflag:s9], $0x2000  }
0x1fb: {  	[sflag:s9] =	ssyncset.done $0x0  }
0x1fc: {  	[sflag:s9] =	ssyncadd.s32 $0xFFFFE000  }
0x1fd: {  	_ =	swait.ge [sflag:s17], $0x2000  }
0x1fe: {  	[sflag:s17] =	ssyncset.done $0x0  }
0x1ff: {  	[sflag:s17] =	ssyncadd.s32 $0xFFFFE000  }
0x200: {  	_ =	swait.ge [sflag:s14], $0x2000  }
0x201: {  	[sflag:s14] =	ssyncset.done $0x0  }
0x202: {  	[sflag:s14] =	ssyncadd.s32 $0xFFFFE000  }
0x203: {  	_ =	swait.ge [sflag:s12], $0x800  }
0x204: {  	[sflag:s12] =	ssyncset.done $0x0  }
0x205: {  	[sflag:s12] =	ssyncadd.s32 $0xFFFFF800  }
0x206: {  	_ =	swait.ge [sflag:s12], $0x800  }
0x207: {  	[sflag:s12] =	ssyncset.done $0x0  }
0x208: {  	[sflag:s12] =	ssyncadd.s32 $0xFFFFF800  }
0x209: {  	_ =	swait.ge [sflag:s12], $0x800  }
0x20a: {  	[sflag:s12] =	ssyncset.done $0x0  }
0x20b: {  	[sflag:s12] =	ssyncadd.s32 $0xFFFFF800  }
0x20c: {  	_ =	swait.ge [sflag:s12], $0x800  }
0x20d: {  	[sflag:s12] =	ssyncset.done $0x0  }
0x20e: {  	[sflag:s12] =	ssyncadd.s32 $0xFFFFF800  }
0x20f: {  	_ =	swait.ge [sflag:s12], $0x800  }
0x210: {  	[sflag:s12] =	ssyncset.done $0x0  }
0x211: {  	[sflag:s12] =	ssyncadd.s32 $0xFFFFF800  }
0x212: {  	_ =	swait.ge [sflag:s12], $0x800  }
0x213: {  	[sflag:s12] =	ssyncset.done $0x0  }
0x214: {  	[sflag:s12] =	ssyncadd.s32 $0xFFFFF800  }
0x215: {  	_ =	swait.ge [sflag:s12], $0x800  }
0x216: {  	[sflag:s12] =	ssyncset.done $0x0  }
0x217: {  	[sflag:s12] =	ssyncadd.s32 $0xFFFFF800  }
0x218: {  	_ =	swait.ge [sflag:s12], $0x800  }
0x219: {  	[sflag:s12] =	ssyncset.done $0x0  }
0x21a: {  	[sflag:s12] =	ssyncadd.s32 $0xFFFFF800  }
0x21b: {  	_ =	swait.ge [sflag:s25], $0x400  }
0x21c: {  	[sflag:s25] =	ssyncset.done $0x0  }
0x21d: {  	[sflag:s25] =	ssyncadd.s32 $0xFFFFFC00  }
0x21e: {  	_ =	swait.ge [sflag:s25], $0x400  }
0x21f: {  	s24 =	sld [smem:$0x7F4];
	_ =	sdelay $0x2  }
0x220: {  	p1 =	sne.s32 s24, $0x1  }
.Ltmp0:
0x221: {  	s31 =	sld [smem:$0x7FB];
	(pc) =	sbr.rel @!p1 .LBB2_2-.Ltmp0, $3  }
0x222: {  	_ =	sdelay $0x1  }
0x223: {  	p0 =	por $0x0, $0x0;
	[sflag:s25] =	ssyncset.done $0x0;
	s28 =	sand.u32 $0x1FFFFF70, s31  }
0x224: {  	[sflag:s25] =	ssyncadd.s32 $0xFFFFFC00;
	s18 =	sadd.s32 $0xFFFFFFFF, s24;
	s11 =	sor.u32 $0x80, s28  }
0x225: {  	s7 =	sld [smem:$0x7F8];
	_ =	sdelay $0x1  }
0x226: {  	s28 =	sld [smem:$0x7FD]  }
0x227: {  	s24 =	simm.s32 $0x400;
	s8 =	sadd.s32 s7, s11  }
0x228: {  	[tilespmem:s24], [sflag:$0xA] =	stream.linear.gather [hbm4b:s8+s5], $0x400, $0x38;
	[tilespmem:$0x16A00] =	vst v63  }
0x229: {  	s11 =	sadd.s32 s28, s11  }
0x22a: {  	[tilespmem:s6], [sflag:$0xA] =	stream.linear.gather [hbm4b:s11+s5], $0x400, $0x38;
	[tilespmem:$0x16A00] =	vst v63  }
0x22b: {  	_ = 	snop  }
0x22c: {  	[tilespmem:s29], [sflag:$0x1] =	stream.indirect.gather [hbm4b:s1+s26], $0x40, s5, s26, $0xb8;
	[tilespmem:$0x16A00] =	vst v63  }
0x22d: {  	_ = 	snop  }
0x22e: {  	[tilespmem:s30], [sflag:$0x2] =	stream.indirect.gather [hbm4b:s1+s26], $0x40, s26, s26, $0xb8;
	[tilespmem:$0x16A00] =	vst v63  }
0x22f: {  	s11 =	simm.s32 $0x100  }
0x230: {  	[tilespmem:s0], [sflag:$0x3] =	stream.indirect.gather [hbm4b:s1+s26], $0x40, s11, s26, $0xb8;
	[tilespmem:$0x16A00] =	vst v63  }
0x231: {  	s11 =	simm.s32 $0x180  }
0x232: {  	[tilespmem:s15], [sflag:$0x4] =	stream.indirect.gather [hbm4b:s1+s26], $0x40, s11, s26, $0xb8;
	[tilespmem:$0x16A00] =	vst v63  }
0x233: {  	s16 =	sld [smem:$0x7EE];
	_ =	swait.ge [sflag:s21], $0x2000  }
0x234: {  	[sflag:s21] =	ssyncset.done $0x0  }
0x235: {  	[sflag:s21] =	ssyncadd.s32 $0xFFFFE000  }
0x236: {  	[spmem:s3] =	stream.indirect.scatter.add.bf16 [tilespmem:s29], [sflag:$0x5], $0x40, s13, s26, $0xb8;
	[tilespmem:$0x16A00] =	vst v63  }
0x237: {  	_ = 	snop  }
0x238: {  	[spmem:s4] =	stream.indirect.scatter.add.f32 [tilespmem:s20], [sflag:$0x9], $0x10, s13, s26, $0xb8;
	[tilespmem:$0x16A00] =	vst v63  }
0x239: {  	_ =	swait.ge [sflag:s2], $0x2000  }
0x23a: {  	[sflag:s2] =	ssyncset.done $0x0  }
0x23b: {  	s11 =	simm.s32 $0x200;
	[sflag:s2] =	ssyncadd.s32 $0xFFFFE000  }
0x23c: {  	[tilespmem:s29], [sflag:$0x1] =	stream.indirect.gather [hbm4b:s1+s26], $0x40, s11, s26, $0xb8;
	[tilespmem:$0x16A00] =	vst v63  }
0x23d: {  	_ =	swait.ge [sflag:s22], $0x2000  }
0x23e: {  	[sflag:s22] =	ssyncset.done $0x0  }
0x23f: {  	s11 =	simm.s32 $0x880;
	[sflag:s22] =	ssyncadd.s32 $0xFFFFE000  }
0x240: {  	[spmem:s3] =	stream.indirect.scatter.add.bf16 [tilespmem:s30], [sflag:$0x6], $0x40, s11, s26, $0xb8;
	[tilespmem:$0x16A00] =	vst v63  }
0x241: {  	_ = 	snop  }
0x242: {  	[spmem:s4] =	stream.indirect.scatter.add.f32 [tilespmem:s20], [sflag:$0x9], $0x10, s11, s26, $0xb8;
	[tilespmem:$0x16A00] =	vst v63  }
0x243: {  	_ =	swait.ge [sflag:s9], $0x2000  }
0x244: {  	[sflag:s9] =	ssyncset.done $0x0  }
0x245: {  	s10 =	simm.s32 $0x280;
	[sflag:s9] =	ssyncadd.s32 $0xFFFFE000  }
0x246: {  	[tilespmem:s30], [sflag:$0x2] =	stream.indirect.gather [hbm4b:s1+s26], $0x40, s10, s26, $0xb8;
	[tilespmem:$0x16A00] =	vst v63  }
0x247: {  	_ =	swait.ge [sflag:s23], $0x2000  }
0x248: {  	[sflag:s23] =	ssyncset.done $0x0  }
0x249: {  	s10 =	simm.s32 $0x900;
	[sflag:s23] =	ssyncadd.s32 $0xFFFFE000  }
0x24a: {  	[spmem:s3] =	stream.indirect.scatter.add.bf16 [tilespmem:s0], [sflag:$0x7], $0x40, s10, s26, $0xb8;
	[tilespmem:$0x16A00] =	vst v63  }
0x24b: {  	_ = 	snop  }
0x24c: {  	[spmem:s4] =	stream.indirect.scatter.add.f32 [tilespmem:s20], [sflag:$0x9], $0x10, s10, s26, $0xb8;
	[tilespmem:$0x16A00] =	vst v63  }
0x24d: {  	_ =	swait.ge [sflag:s17], $0x2000  }
0x24e: {  	[sflag:s17] =	ssyncset.done $0x0  }
0x24f: {  	s11 =	simm.s32 $0x300;
	[sflag:s17] =	ssyncadd.s32 $0xFFFFE000  }
0x250: {  	[tilespmem:s0], [sflag:$0x3] =	stream.indirect.gather [hbm4b:s1+s26], $0x40, s11, s26, $0xb8;
	[tilespmem:$0x16A00] =	vst v63  }
0x251: {  	_ =	swait.ge [sflag:s19], $0x2000  }
0x252: {  	[sflag:s19] =	ssyncset.done $0x0  }
0x253: {  	s10 =	simm.s32 $0x980;
	[sflag:s19] =	ssyncadd.s32 $0xFFFFE000  }
0x254: {  	[spmem:s3] =	stream.indirect.scatter.add.bf16 [tilespmem:s15], [sflag:$0x8], $0x40, s10, s26, $0xb8;
	[tilespmem:$0x16A00] =	vst v63  }
0x255: {  	_ = 	snop  }
0x256: {  	[spmem:s4] =	stream.indirect.scatter.add.f32 [tilespmem:s20], [sflag:$0x9], $0x10, s10, s26, $0xb8;
	[tilespmem:$0x16A00] =	vst v63  }
0x257: {  	_ =	swait.ge [sflag:s14], $0x2000  }
0x258: {  	[sflag:s14] =	ssyncset.done $0x0  }
0x259: {  	s11 =	simm.s32 $0x380;
	[sflag:s14] =	ssyncadd.s32 $0xFFFFE000  }
0x25a: {  	[tilespmem:s15], [sflag:$0x4] =	stream.indirect.gather [hbm4b:s1+s26], $0x40, s11, s26, $0xb8;
	[tilespmem:$0x16A00] =	vst v63  }
0x25b: {  	_ =	swait.ge [sflag:s21], $0x2000  }
0x25c: {  	[sflag:s21] =	ssyncset.done $0x0  }
0x25d: {  	s10 =	simm.s32 $0xA00;
	[sflag:s21] =	ssyncadd.s32 $0xFFFFE000  }
0x25e: {  	[spmem:s3] =	stream.indirect.scatter.add.bf16 [tilespmem:s29], [sflag:$0x5], $0x40, s10, s26, $0xb8;
	[tilespmem:$0x16A00] =	vst v63  }
0x25f: {  	_ = 	snop  }
0x260: {  	[spmem:s4] =	stream.indirect.scatter.add.f32 [tilespmem:s20], [sflag:$0x9], $0x10, s10, s26, $0xb8;
	[tilespmem:$0x16A00] =	vst v63  }
0x261: {  	_ =	swait.ge [sflag:s22], $0x2000  }
0x262: {  	[sflag:s22] =	ssyncset.done $0x0  }
0x263: {  	s11 =	simm.s32 $0xA80;
	[sflag:s22] =	ssyncadd.s32 $0xFFFFE000  }
0x264: {  	[spmem:s3] =	stream.indirect.scatter.add.bf16 [tilespmem:s30], [sflag:$0x6], $0x40, s11, s26, $0xb8;
	[tilespmem:$0x16A00] =	vst v63  }
0x265: {  	_ = 	snop  }
0x266: {  	[spmem:s4] =	stream.indirect.scatter.add.f32 [tilespmem:s20], [sflag:$0x9], $0x10, s11, s26, $0xb8;
	[tilespmem:$0x16A00] =	vst v63  }
0x267: {  	_ =	swait.ge [sflag:s23], $0x2000  }
0x268: {  	[sflag:s23] =	ssyncset.done $0x0  }
0x269: {  	s10 =	simm.s32 $0xB00;
	[sflag:s23] =	ssyncadd.s32 $0xFFFFE000  }
0x26a: {  	[spmem:s3] =	stream.indirect.scatter.add.bf16 [tilespmem:s0], [sflag:$0x7], $0x40, s10, s26, $0xb8;
	[tilespmem:$0x16A00] =	vst v63  }
0x26b: {  	_ = 	snop  }
0x26c: {  	[spmem:s4] =	stream.indirect.scatter.add.f32 [tilespmem:s20], [sflag:$0x9], $0x10, s10, s26, $0xb8;
	[tilespmem:$0x16A00] =	vst v63  }
0x26d: {  	_ =	swait.ge [sflag:s19], $0x2000  }
0x26e: {  	[sflag:s19] =	ssyncset.done $0x0  }
0x26f: {  	s11 =	simm.s32 $0xB80;
	[sflag:s19] =	ssyncadd.s32 $0xFFFFE000  }
0x270: {  	[spmem:s3] =	stream.indirect.scatter.add.bf16 [tilespmem:s15], [sflag:$0x8], $0x40, s11, s26, $0xb8;
	[tilespmem:$0x16A00] =	vst v63  }
0x271: {  	_ = 	snop  }
0x272: {  	[spmem:s4] =	stream.indirect.scatter.add.f32 [tilespmem:s20], [sflag:$0x9], $0x10, s11, s26, $0xb8;
	[tilespmem:$0x16A00] =	vst v63  }
0x273: {  	_ =	swait.ge [sflag:s2], $0x2000  }
0x274: {  	[sflag:s2] =	ssyncset.done $0x0  }
0x275: {  	[sflag:s2] =	ssyncadd.s32 $0xFFFFE000  }
0x276: {  	_ =	swait.ge [sflag:s9], $0x2000  }
0x277: {  	[sflag:s9] =	ssyncset.done $0x0  }
0x278: {  	[sflag:s9] =	ssyncadd.s32 $0xFFFFE000  }
0x279: {  	_ =	swait.ge [sflag:s17], $0x2000  }
0x27a: {  	[sflag:s17] =	ssyncset.done $0x0  }
0x27b: {  	[sflag:s17] =	ssyncadd.s32 $0xFFFFE000  }
0x27c: {  	_ =	swait.ge [sflag:s14], $0x2000  }
0x27d: {  	[sflag:s14] =	ssyncset.done $0x0  }
0x27e: {  	[sflag:s14] =	ssyncadd.s32 $0xFFFFE000  }
0x27f: {  	_ =	swait.ge [sflag:s12], $0x800  }
0x280: {  	[sflag:s12] =	ssyncset.done $0x0  }
0x281: {  	[sflag:s12] =	ssyncadd.s32 $0xFFFFF800  }
0x282: {  	_ =	swait.ge [sflag:s12], $0x800  }
0x283: {  	[sflag:s12] =	ssyncset.done $0x0  }
0x284: {  	[sflag:s12] =	ssyncadd.s32 $0xFFFFF800  }
0x285: {  	_ =	swait.ge [sflag:s12], $0x800  }
0x286: {  	[sflag:s12] =	ssyncset.done $0x0  }
0x287: {  	[sflag:s12] =	ssyncadd.s32 $0xFFFFF800  }
0x288: {  	_ =	swait.ge [sflag:s12], $0x800  }
0x289: {  	[sflag:s12] =	ssyncset.done $0x0  }
0x28a: {  	[sflag:s12] =	ssyncadd.s32 $0xFFFFF800  }
0x28b: {  	_ =	swait.ge [sflag:s12], $0x800  }
0x28c: {  	[sflag:s12] =	ssyncset.done $0x0  }
0x28d: {  	[sflag:s12] =	ssyncadd.s32 $0xFFFFF800  }
0x28e: {  	_ =	swait.ge [sflag:s12], $0x800  }
0x28f: {  	[sflag:s12] =	ssyncset.done $0x0  }
0x290: {  	[sflag:s12] =	ssyncadd.s32 $0xFFFFF800  }
0x291: {  	_ =	swait.ge [sflag:s12], $0x800  }
0x292: {  	[sflag:s12] =	ssyncset.done $0x0  }
0x293: {  	[sflag:s12] =	ssyncadd.s32 $0xFFFFF800  }
0x294: {  	_ =	swait.ge [sflag:s12], $0x800  }
0x295: {  	[sflag:s12] =	ssyncset.done $0x0  }
0x296: {  	[sflag:s12] =	ssyncadd.s32 $0xFFFFF800  }
0x297: {  	_ =	swait.ge [sflag:s25], $0x400  }
0x298: {  	s10 =	sld [smem:$0x7FC];
	_ =	sdelay $0x2  }
0x299: {  	s8 =	smov.u32 s16;
	[sflag:s25] =	ssyncset.done $0x0;
	p0 =	slt.s32 s10, s16  }
0x29a: {  	[sflag:s25] =	ssyncadd.s32 $0xFFFFFC00;
	s8 =	smov.u32 @p0 s10  }
0x29b: {  	_ =	swait.ge [sflag:s25], $0x400;
	s8 =	sshll.u32 s8, $0x4  }
0x29c: {  	[sflag:s25] =	ssyncset.done $0x0;
	s8 =	sand.u32 $0x1FFFFFF0, s8  }
0x29d: {  	[sflag:s25] =	ssyncadd.s32 $0xFFFFFC00;
	s11 =	sadd.s32 s7, s8  }
0x29e: {  	[tilespmem:s5], [sflag:$0xA] =	stream.linear.gather [hbm4b:s11+s5], $0x400, $0x38;
	[tilespmem:$0x16A00] =	vst v63  }
0x29f: {  	s8 =	sadd.s32 s28, s8  }
0x2a0: {  	[tilespmem:s13], [sflag:$0xA] =	stream.linear.gather [hbm4b:s8+s5], $0x400, $0x38;
	[tilespmem:$0x16A00] =	vst v63  }
0x2a1: {  	_ = 	snop  }
0x2a2: {  	[tilespmem:s29], [sflag:$0x1] =	stream.indirect.gather [hbm4b:s1+s26], $0x40, s24, s26, $0xb8;
	[tilespmem:$0x16A00] =	vst v63  }
0x2a3: {  	s8 =	simm.s32 $0x480  }
0x2a4: {  	[tilespmem:s30], [sflag:$0x2] =	stream.indirect.gather [hbm4b:s1+s26], $0x40, s8, s26, $0xb8;
	[tilespmem:$0x16A00] =	vst v63  }
0x2a5: {  	s11 =	simm.s32 $0x500  }
0x2a6: {  	[tilespmem:s0], [sflag:$0x3] =	stream.indirect.gather [hbm4b:s1+s26], $0x40, s11, s26, $0xb8;
	[tilespmem:$0x16A00] =	vst v63  }
0x2a7: {  	s24 =	simm.s32 $0x580  }
0x2a8: {  	[tilespmem:s15], [sflag:$0x4] =	stream.indirect.gather [hbm4b:s1+s26], $0x40, s24, s26, $0xb8;
	[tilespmem:$0x16A00] =	vst v63  }
0x2a9: {  	_ =	swait.ge [sflag:s21], $0x2000  }
0x2aa: {  	[sflag:s21] =	ssyncset.done $0x0  }
0x2ab: {  	[sflag:s21] =	ssyncadd.s32 $0xFFFFE000  }
0x2ac: {  	[spmem:s3] =	stream.indirect.scatter.add.bf16 [tilespmem:s29], [sflag:$0x5], $0x40, s6, s26, $0xb8;
	[tilespmem:$0x16A00] =	vst v63  }
0x2ad: {  	_ = 	snop  }
0x2ae: {  	[spmem:s4] =	stream.indirect.scatter.add.f32 [tilespmem:s20], [sflag:$0x9], $0x10, s6, s26, $0xb8;
	[tilespmem:$0x16A00] =	vst v63  }
0x2af: {  	_ =	swait.ge [sflag:s2], $0x2000  }
0x2b0: {  	[sflag:s2] =	ssyncset.done $0x0  }
0x2b1: {  	s8 =	simm.s32 $0x600;
	[sflag:s2] =	ssyncadd.s32 $0xFFFFE000  }
0x2b2: {  	[tilespmem:s29], [sflag:$0x1] =	stream.indirect.gather [hbm4b:s1+s26], $0x40, s8, s26, $0xb8;
	[tilespmem:$0x16A00] =	vst v63  }
0x2b3: {  	_ =	swait.ge [sflag:s22], $0x2000  }
0x2b4: {  	[sflag:s22] =	ssyncset.done $0x0  }
0x2b5: {  	s11 =	simm.s32 $0xC80;
	[sflag:s22] =	ssyncadd.s32 $0xFFFFE000  }
0x2b6: {  	[spmem:s3] =	stream.indirect.scatter.add.bf16 [tilespmem:s30], [sflag:$0x6], $0x40, s11, s26, $0xb8;
	[tilespmem:$0x16A00] =	vst v63  }
0x2b7: {  	_ = 	snop  }
0x2b8: {  	[spmem:s4] =	stream.indirect.scatter.add.f32 [tilespmem:s20], [sflag:$0x9], $0x10, s11, s26, $0xb8;
	[tilespmem:$0x16A00] =	vst v63  }
0x2b9: {  	_ =	swait.ge [sflag:s9], $0x2000  }
0x2ba: {  	[sflag:s9] =	ssyncset.done $0x0  }
0x2bb: {  	s24 =	simm.s32 $0x680;
	[sflag:s9] =	ssyncadd.s32 $0xFFFFE000  }
0x2bc: {  	[tilespmem:s30], [sflag:$0x2] =	stream.indirect.gather [hbm4b:s1+s26], $0x40, s24, s26, $0xb8;
	[tilespmem:$0x16A00] =	vst v63  }
0x2bd: {  	_ =	swait.ge [sflag:s23], $0x2000  }
0x2be: {  	[sflag:s23] =	ssyncset.done $0x0  }
0x2bf: {  	s8 =	simm.s32 $0xD00;
	[sflag:s23] =	ssyncadd.s32 $0xFFFFE000  }
0x2c0: {  	[spmem:s3] =	stream.indirect.scatter.add.bf16 [tilespmem:s0], [sflag:$0x7], $0x40, s8, s26, $0xb8;
	[tilespmem:$0x16A00] =	vst v63  }
0x2c1: {  	_ = 	snop  }
0x2c2: {  	[spmem:s4] =	stream.indirect.scatter.add.f32 [tilespmem:s20], [sflag:$0x9], $0x10, s8, s26, $0xb8;
	[tilespmem:$0x16A00] =	vst v63  }
0x2c3: {  	_ =	swait.ge [sflag:s17], $0x2000  }
0x2c4: {  	[sflag:s17] =	ssyncset.done $0x0  }
0x2c5: {  	s11 =	simm.s32 $0x700;
	[sflag:s17] =	ssyncadd.s32 $0xFFFFE000  }
0x2c6: {  	[tilespmem:s0], [sflag:$0x3] =	stream.indirect.gather [hbm4b:s1+s26], $0x40, s11, s26, $0xb8;
	[tilespmem:$0x16A00] =	vst v63  }
0x2c7: {  	_ =	swait.ge [sflag:s19], $0x2000  }
0x2c8: {  	[sflag:s19] =	ssyncset.done $0x0  }
0x2c9: {  	s24 =	simm.s32 $0xD80;
	[sflag:s19] =	ssyncadd.s32 $0xFFFFE000  }
0x2ca: {  	[spmem:s3] =	stream.indirect.scatter.add.bf16 [tilespmem:s15], [sflag:$0x8], $0x40, s24, s26, $0xb8;
	[tilespmem:$0x16A00] =	vst v63  }
0x2cb: {  	_ = 	snop  }
0x2cc: {  	[spmem:s4] =	stream.indirect.scatter.add.f32 [tilespmem:s20], [sflag:$0x9], $0x10, s24, s26, $0xb8;
	[tilespmem:$0x16A00] =	vst v63  }
0x2cd: {  	_ =	swait.ge [sflag:s14], $0x2000  }
0x2ce: {  	[sflag:s14] =	ssyncset.done $0x0  }
0x2cf: {  	s8 =	simm.s32 $0x780;
	[sflag:s14] =	ssyncadd.s32 $0xFFFFE000  }
0x2d0: {  	[tilespmem:s15], [sflag:$0x4] =	stream.indirect.gather [hbm4b:s1+s26], $0x40, s8, s26, $0xb8;
	[tilespmem:$0x16A00] =	vst v63  }
0x2d1: {  	_ =	swait.ge [sflag:s21], $0x2000  }
0x2d2: {  	[sflag:s21] =	ssyncset.done $0x0  }
0x2d3: {  	s11 =	simm.s32 $0xE00;
	[sflag:s21] =	ssyncadd.s32 $0xFFFFE000  }
0x2d4: {  	[spmem:s3] =	stream.indirect.scatter.add.bf16 [tilespmem:s29], [sflag:$0x5], $0x40, s11, s26, $0xb8;
	[tilespmem:$0x16A00] =	vst v63  }
0x2d5: {  	_ = 	snop  }
0x2d6: {  	[spmem:s4] =	stream.indirect.scatter.add.f32 [tilespmem:s20], [sflag:$0x9], $0x10, s11, s26, $0xb8;
	[tilespmem:$0x16A00] =	vst v63  }
0x2d7: {  	_ =	swait.ge [sflag:s22], $0x2000  }
0x2d8: {  	[sflag:s22] =	ssyncset.done $0x0  }
0x2d9: {  	s24 =	simm.s32 $0xE80;
	[sflag:s22] =	ssyncadd.s32 $0xFFFFE000  }
0x2da: {  	[spmem:s3] =	stream.indirect.scatter.add.bf16 [tilespmem:s30], [sflag:$0x6], $0x40, s24, s26, $0xb8;
	[tilespmem:$0x16A00] =	vst v63  }
0x2db: {  	_ = 	snop  }
0x2dc: {  	[spmem:s4] =	stream.indirect.scatter.add.f32 [tilespmem:s20], [sflag:$0x9], $0x10, s24, s26, $0xb8;
	[tilespmem:$0x16A00] =	vst v63  }
0x2dd: {  	_ =	swait.ge [sflag:s23], $0x2000  }
0x2de: {  	[sflag:s23] =	ssyncset.done $0x0  }
0x2df: {  	s24 =	simm.s32 $0xF00;
	[sflag:s23] =	ssyncadd.s32 $0xFFFFE000  }
0x2e0: {  	[spmem:s3] =	stream.indirect.scatter.add.bf16 [tilespmem:s0], [sflag:$0x7], $0x40, s24, s26, $0xb8;
	[tilespmem:$0x16A00] =	vst v63  }
0x2e1: {  	_ = 	snop  }
0x2e2: {  	[spmem:s4] =	stream.indirect.scatter.add.f32 [tilespmem:s20], [sflag:$0x9], $0x10, s24, s26, $0xb8;
	[tilespmem:$0x16A00] =	vst v63  }
0x2e3: {  	_ =	swait.ge [sflag:s19], $0x2000  }
0x2e4: {  	[sflag:s19] =	ssyncset.done $0x0  }
0x2e5: {  	s11 =	simm.s32 $0xF80;
	[sflag:s19] =	ssyncadd.s32 $0xFFFFE000  }
0x2e6: {  	[spmem:s3] =	stream.indirect.scatter.add.bf16 [tilespmem:s15], [sflag:$0x8], $0x40, s11, s26, $0xb8;
	[tilespmem:$0x16A00] =	vst v63  }
0x2e7: {  	_ = 	snop  }
0x2e8: {  	[spmem:s4] =	stream.indirect.scatter.add.f32 [tilespmem:s20], [sflag:$0x9], $0x10, s11, s26, $0xb8;
	[tilespmem:$0x16A00] =	vst v63  }
0x2e9: {  	_ =	swait.ge [sflag:s2], $0x2000  }
0x2ea: {  	[sflag:s2] =	ssyncset.done $0x0  }
0x2eb: {  	[sflag:s2] =	ssyncadd.s32 $0xFFFFE000  }
0x2ec: {  	_ =	swait.ge [sflag:s9], $0x2000  }
0x2ed: {  	[sflag:s9] =	ssyncset.done $0x0  }
0x2ee: {  	[sflag:s9] =	ssyncadd.s32 $0xFFFFE000  }
0x2ef: {  	_ =	swait.ge [sflag:s17], $0x2000  }
0x2f0: {  	[sflag:s17] =	ssyncset.done $0x0  }
0x2f1: {  	[sflag:s17] =	ssyncadd.s32 $0xFFFFE000  }
0x2f2: {  	_ =	swait.ge [sflag:s14], $0x2000  }
0x2f3: {  	[sflag:s14] =	ssyncset.done $0x0  }
0x2f4: {  	[sflag:s14] =	ssyncadd.s32 $0xFFFFE000  }
0x2f5: {  	_ =	swait.ge [sflag:s12], $0x800  }
0x2f6: {  	[sflag:s12] =	ssyncset.done $0x0  }
0x2f7: {  	[sflag:s12] =	ssyncadd.s32 $0xFFFFF800  }
0x2f8: {  	_ =	swait.ge [sflag:s12], $0x800  }
0x2f9: {  	[sflag:s12] =	ssyncset.done $0x0  }
0x2fa: {  	[sflag:s12] =	ssyncadd.s32 $0xFFFFF800  }
0x2fb: {  	_ =	swait.ge [sflag:s12], $0x800  }
0x2fc: {  	[sflag:s12] =	ssyncset.done $0x0  }
0x2fd: {  	[sflag:s12] =	ssyncadd.s32 $0xFFFFF800  }
0x2fe: {  	_ =	swait.ge [sflag:s12], $0x800  }
0x2ff: {  	[sflag:s12] =	ssyncset.done $0x0  }
0x300: {  	[sflag:s12] =	ssyncadd.s32 $0xFFFFF800  }
0x301: {  	_ =	swait.ge [sflag:s12], $0x800  }
0x302: {  	[sflag:s12] =	ssyncset.done $0x0  }
0x303: {  	[sflag:s12] =	ssyncadd.s32 $0xFFFFF800  }
0x304: {  	_ =	swait.ge [sflag:s12], $0x800  }
0x305: {  	[sflag:s12] =	ssyncset.done $0x0  }
0x306: {  	[sflag:s12] =	ssyncadd.s32 $0xFFFFF800  }
0x307: {  	_ =	swait.ge [sflag:s12], $0x800  }
0x308: {  	[sflag:s12] =	ssyncset.done $0x0  }
0x309: {  	[sflag:s12] =	ssyncadd.s32 $0xFFFFF800  }
0x30a: {  	_ =	swait.ge [sflag:s12], $0x800  }
0x30b: {  	[sflag:s12] =	ssyncset.done $0x0  }
0x30c: {  	p1 =	sne.s32 s18, $0x1;
	[sflag:s12] =	ssyncadd.s32 $0xFFFFF800  }
.Ltmp1:
0x30d: {  	_ =	swait.ge [sflag:s25], $0x400;
	(pc) =	sbr.rel @!p1 .LBB2_4-.Ltmp1, $4  }
0x30e: {  	[sflag:s25] =	ssyncset.done $0x0  }
0x30f: {  	s18 =	sadd.s32 $0xFFFFFFFF, s18;
	s8 =	sadd.s32 $0x100, s31;
	[sflag:s25] =	ssyncadd.s32 $0xFFFFFC00  }
0x310: {  	p0 =	por $0x1, $0x1;
	s24 =	sand.u32 $0x1FFFFF70, s8;
	_ =	swait.ge [sflag:s25], $0x400  }
0x311: {  	s31 =	smov.u32 s10;
	s11 =	sor.u32 $0x80, s24;
	[sflag:s25] =	ssyncset.done $0x0  }
.LBB2_5:
0x312: {  	s10 =	sadd.s32 s7, s11  }
0x313: {  	[sflag:s25] =	ssyncadd.s32 $0xFFFFFC00;
	s31 =	sadd.s32 $0x10, s31;
	s24 =	simm.s32 $0x400  }
0x314: {  	[tilespmem:s24], [sflag:$0xA] =	stream.linear.gather [hbm4b:s10+s5], $0x400, $0x38;
	[tilespmem:$0x16A00] =	vst v63  }
0x315: {  	p1 =	sne.s32 s18, $0x1;
	s18 =	sadd.s32 $0xFFFFFFFF, s18;
	s10 =	sadd.s32 s28, s11  }
0x316: {  	[tilespmem:s6], [sflag:$0xA] =	stream.linear.gather [hbm4b:s10+s5], $0x400, $0x38;
	[tilespmem:$0x16A00] =	vst v63  }
0x317: {  	_ = 	snop  }
0x318: {  	[tilespmem:s29], [sflag:$0x1] =	stream.indirect.gather [hbm4b:s1+s26], $0x40, s5, s26, $0xb8;
	[tilespmem:$0x16A00] =	vst v63  }
0x319: {  	_ = 	snop  }
0x31a: {  	[tilespmem:s30], [sflag:$0x2] =	stream.indirect.gather [hbm4b:s1+s26], $0x40, s26, s26, $0xb8;
	[tilespmem:$0x16A00] =	vst v63  }
0x31b: {  	s10 =	simm.s32 $0x100  }
0x31c: {  	[tilespmem:s0], [sflag:$0x3] =	stream.indirect.gather [hbm4b:s1+s26], $0x40, s10, s26, $0xb8;
	[tilespmem:$0x16A00] =	vst v63  }
0x31d: {  	s10 =	simm.s32 $0x180  }
0x31e: {  	[tilespmem:s15], [sflag:$0x4] =	stream.indirect.gather [hbm4b:s1+s26], $0x40, s10, s26, $0xb8;
	[tilespmem:$0x16A00] =	vst v63  }
0x31f: {  	_ =	swait.ge [sflag:s21], $0x2000  }
0x320: {  	[sflag:s21] =	ssyncset.done $0x0  }
0x321: {  	[sflag:s21] =	ssyncadd.s32 $0xFFFFE000  }
0x322: {  	[spmem:s3] =	stream.indirect.scatter.add.bf16 [tilespmem:s29], [sflag:$0x5], $0x40, s13, s26, $0xb8;
	[tilespmem:$0x16A00] =	vst v63  }
0x323: {  	_ = 	snop  }
0x324: {  	[spmem:s4] =	stream.indirect.scatter.add.f32 [tilespmem:s20], [sflag:$0x9], $0x10, s13, s26, $0xb8;
	[tilespmem:$0x16A00] =	vst v63  }
0x325: {  	_ =	swait.ge [sflag:s2], $0x2000  }
0x326: {  	[sflag:s2] =	ssyncset.done $0x0  }
0x327: {  	s10 =	simm.s32 $0x200;
	[sflag:s2] =	ssyncadd.s32 $0xFFFFE000  }
0x328: {  	[tilespmem:s29], [sflag:$0x1] =	stream.indirect.gather [hbm4b:s1+s26], $0x40, s10, s26, $0xb8;
	[tilespmem:$0x16A00] =	vst v63  }
0x329: {  	_ =	swait.ge [sflag:s22], $0x2000  }
0x32a: {  	[sflag:s22] =	ssyncset.done $0x0  }
0x32b: {  	s10 =	simm.s32 $0x880;
	[sflag:s22] =	ssyncadd.s32 $0xFFFFE000  }
0x32c: {  	[spmem:s3] =	stream.indirect.scatter.add.bf16 [tilespmem:s30], [sflag:$0x6], $0x40, s10, s26, $0xb8;
	[tilespmem:$0x16A00] =	vst v63  }
0x32d: {  	_ = 	snop  }
0x32e: {  	[spmem:s4] =	stream.indirect.scatter.add.f32 [tilespmem:s20], [sflag:$0x9], $0x10, s10, s26, $0xb8;
	[tilespmem:$0x16A00] =	vst v63  }
0x32f: {  	_ =	swait.ge [sflag:s9], $0x2000  }
0x330: {  	[sflag:s9] =	ssyncset.done $0x0  }
0x331: {  	s10 =	simm.s32 $0x280;
	[sflag:s9] =	ssyncadd.s32 $0xFFFFE000  }
0x332: {  	[tilespmem:s30], [sflag:$0x2] =	stream.indirect.gather [hbm4b:s1+s26], $0x40, s10, s26, $0xb8;
	[tilespmem:$0x16A00] =	vst v63  }
0x333: {  	_ =	swait.ge [sflag:s23], $0x2000  }
0x334: {  	[sflag:s23] =	ssyncset.done $0x0  }
0x335: {  	s10 =	simm.s32 $0x900;
	[sflag:s23] =	ssyncadd.s32 $0xFFFFE000  }
0x336: {  	[spmem:s3] =	stream.indirect.scatter.add.bf16 [tilespmem:s0], [sflag:$0x7], $0x40, s10, s26, $0xb8;
	[tilespmem:$0x16A00] =	vst v63  }
0x337: {  	_ = 	snop  }
0x338: {  	[spmem:s4] =	stream.indirect.scatter.add.f32 [tilespmem:s20], [sflag:$0x9], $0x10, s10, s26, $0xb8;
	[tilespmem:$0x16A00] =	vst v63  }
0x339: {  	_ =	swait.ge [sflag:s17], $0x2000  }
0x33a: {  	[sflag:s17] =	ssyncset.done $0x0  }
0x33b: {  	s10 =	simm.s32 $0x300;
	[sflag:s17] =	ssyncadd.s32 $0xFFFFE000  }
0x33c: {  	[tilespmem:s0], [sflag:$0x3] =	stream.indirect.gather [hbm4b:s1+s26], $0x40, s10, s26, $0xb8;
	[tilespmem:$0x16A00] =	vst v63  }
0x33d: {  	_ =	swait.ge [sflag:s19], $0x2000  }
0x33e: {  	[sflag:s19] =	ssyncset.done $0x0  }
0x33f: {  	s10 =	simm.s32 $0x980;
	[sflag:s19] =	ssyncadd.s32 $0xFFFFE000  }
0x340: {  	[spmem:s3] =	stream.indirect.scatter.add.bf16 [tilespmem:s15], [sflag:$0x8], $0x40, s10, s26, $0xb8;
	[tilespmem:$0x16A00] =	vst v63  }
0x341: {  	_ = 	snop  }
0x342: {  	[spmem:s4] =	stream.indirect.scatter.add.f32 [tilespmem:s20], [sflag:$0x9], $0x10, s10, s26, $0xb8;
	[tilespmem:$0x16A00] =	vst v63  }
0x343: {  	_ =	swait.ge [sflag:s14], $0x2000  }
0x344: {  	[sflag:s14] =	ssyncset.done $0x0  }
0x345: {  	s10 =	simm.s32 $0x380;
	[sflag:s14] =	ssyncadd.s32 $0xFFFFE000  }
0x346: {  	[tilespmem:s15], [sflag:$0x4] =	stream.indirect.gather [hbm4b:s1+s26], $0x40, s10, s26, $0xb8;
	[tilespmem:$0x16A00] =	vst v63  }
0x347: {  	_ =	swait.ge [sflag:s21], $0x2000  }
0x348: {  	[sflag:s21] =	ssyncset.done $0x0  }
0x349: {  	s10 =	simm.s32 $0xA00;
	[sflag:s21] =	ssyncadd.s32 $0xFFFFE000  }
0x34a: {  	[spmem:s3] =	stream.indirect.scatter.add.bf16 [tilespmem:s29], [sflag:$0x5], $0x40, s10, s26, $0xb8;
	[tilespmem:$0x16A00] =	vst v63  }
0x34b: {  	_ = 	snop  }
0x34c: {  	[spmem:s4] =	stream.indirect.scatter.add.f32 [tilespmem:s20], [sflag:$0x9], $0x10, s10, s26, $0xb8;
	[tilespmem:$0x16A00] =	vst v63  }
0x34d: {  	_ =	swait.ge [sflag:s22], $0x2000  }
0x34e: {  	[sflag:s22] =	ssyncset.done $0x0  }
0x34f: {  	s10 =	simm.s32 $0xA80;
	[sflag:s22] =	ssyncadd.s32 $0xFFFFE000  }
0x350: {  	[spmem:s3] =	stream.indirect.scatter.add.bf16 [tilespmem:s30], [sflag:$0x6], $0x40, s10, s26, $0xb8;
	[tilespmem:$0x16A00] =	vst v63  }
0x351: {  	_ = 	snop  }
0x352: {  	[spmem:s4] =	stream.indirect.scatter.add.f32 [tilespmem:s20], [sflag:$0x9], $0x10, s10, s26, $0xb8;
	[tilespmem:$0x16A00] =	vst v63  }
0x353: {  	_ =	swait.ge [sflag:s23], $0x2000  }
0x354: {  	[sflag:s23] =	ssyncset.done $0x0  }
0x355: {  	s10 =	simm.s32 $0xB00;
	[sflag:s23] =	ssyncadd.s32 $0xFFFFE000  }
0x356: {  	[spmem:s3] =	stream.indirect.scatter.add.bf16 [tilespmem:s0], [sflag:$0x7], $0x40, s10, s26, $0xb8;
	[tilespmem:$0x16A00] =	vst v63  }
0x357: {  	_ = 	snop  }
0x358: {  	[spmem:s4] =	stream.indirect.scatter.add.f32 [tilespmem:s20], [sflag:$0x9], $0x10, s10, s26, $0xb8;
	[tilespmem:$0x16A00] =	vst v63  }
0x359: {  	_ =	swait.ge [sflag:s19], $0x2000  }
0x35a: {  	[sflag:s19] =	ssyncset.done $0x0  }
0x35b: {  	s10 =	simm.s32 $0xB80;
	[sflag:s19] =	ssyncadd.s32 $0xFFFFE000  }
0x35c: {  	[spmem:s3] =	stream.indirect.scatter.add.bf16 [tilespmem:s15], [sflag:$0x8], $0x40, s10, s26, $0xb8;
	[tilespmem:$0x16A00] =	vst v63  }
0x35d: {  	_ = 	snop  }
0x35e: {  	[spmem:s4] =	stream.indirect.scatter.add.f32 [tilespmem:s20], [sflag:$0x9], $0x10, s10, s26, $0xb8;
	[tilespmem:$0x16A00] =	vst v63  }
0x35f: {  	_ =	swait.ge [sflag:s2], $0x2000  }
0x360: {  	[sflag:s2] =	ssyncset.done $0x0  }
0x361: {  	[sflag:s2] =	ssyncadd.s32 $0xFFFFE000  }
0x362: {  	_ =	swait.ge [sflag:s9], $0x2000  }
0x363: {  	[sflag:s9] =	ssyncset.done $0x0  }
0x364: {  	[sflag:s9] =	ssyncadd.s32 $0xFFFFE000  }
0x365: {  	_ =	swait.ge [sflag:s17], $0x2000  }
0x366: {  	[sflag:s17] =	ssyncset.done $0x0  }
0x367: {  	[sflag:s17] =	ssyncadd.s32 $0xFFFFE000  }
0x368: {  	_ =	swait.ge [sflag:s14], $0x2000  }
0x369: {  	[sflag:s14] =	ssyncset.done $0x0  }
0x36a: {  	[sflag:s14] =	ssyncadd.s32 $0xFFFFE000  }
0x36b: {  	_ =	swait.ge [sflag:s12], $0x800  }
0x36c: {  	[sflag:s12] =	ssyncset.done $0x0  }
0x36d: {  	[sflag:s12] =	ssyncadd.s32 $0xFFFFF800  }
0x36e: {  	_ =	swait.ge [sflag:s12], $0x800  }
0x36f: {  	[sflag:s12] =	ssyncset.done $0x0  }
0x370: {  	[sflag:s12] =	ssyncadd.s32 $0xFFFFF800  }
0x371: {  	_ =	swait.ge [sflag:s12], $0x800  }
0x372: {  	[sflag:s12] =	ssyncset.done $0x0  }
0x373: {  	[sflag:s12] =	ssyncadd.s32 $0xFFFFF800  }
0x374: {  	_ =	swait.ge [sflag:s12], $0x800  }
0x375: {  	[sflag:s12] =	ssyncset.done $0x0  }
0x376: {  	[sflag:s12] =	ssyncadd.s32 $0xFFFFF800  }
0x377: {  	_ =	swait.ge [sflag:s12], $0x800  }
0x378: {  	[sflag:s12] =	ssyncset.done $0x0  }
0x379: {  	[sflag:s12] =	ssyncadd.s32 $0xFFFFF800  }
0x37a: {  	_ =	swait.ge [sflag:s12], $0x800  }
0x37b: {  	[sflag:s12] =	ssyncset.done $0x0  }
0x37c: {  	[sflag:s12] =	ssyncadd.s32 $0xFFFFF800  }
0x37d: {  	_ =	swait.ge [sflag:s12], $0x800  }
0x37e: {  	[sflag:s12] =	ssyncset.done $0x0  }
0x37f: {  	[sflag:s12] =	ssyncadd.s32 $0xFFFFF800  }
0x380: {  	_ =	swait.ge [sflag:s12], $0x800  }
0x381: {  	[sflag:s12] =	ssyncset.done $0x0  }
0x382: {  	[sflag:s12] =	ssyncadd.s32 $0xFFFFF800  }
0x383: {  	_ =	swait.ge [sflag:s25], $0x400  }
0x384: {  	p2 =	slt.s32 s31, s16;
	s10 =	smov.u32 s16;
	[sflag:s25] =	ssyncset.done $0x0  }
0x385: {  	s10 =	smov.u32 @p2 s31;
	[sflag:s25] =	ssyncadd.s32 $0xFFFFFC00  }
0x386: {  	s10 =	sshll.u32 s10, $0x4;
	_ =	swait.ge [sflag:s25], $0x400  }
0x387: {  	s10 =	sand.u32 $0x1FFFFFF0, s10;
	[sflag:s25] =	ssyncset.done $0x0  }
0x388: {  	s11 =	sadd.s32 s7, s10;
	[sflag:s25] =	ssyncadd.s32 $0xFFFFFC00  }
0x389: {  	[tilespmem:s5], [sflag:$0xA] =	stream.linear.gather [hbm4b:s11+s5], $0x400, $0x38;
	[tilespmem:$0x16A00] =	vst v63  }
0x38a: {  	s10 =	sadd.s32 s28, s10  }
0x38b: {  	[tilespmem:s13], [sflag:$0xA] =	stream.linear.gather [hbm4b:s10+s5], $0x400, $0x38;
	[tilespmem:$0x16A00] =	vst v63  }
0x38c: {  	_ = 	snop  }
0x38d: {  	[tilespmem:s29], [sflag:$0x1] =	stream.indirect.gather [hbm4b:s1+s26], $0x40, s24, s26, $0xb8;
	[tilespmem:$0x16A00] =	vst v63  }
0x38e: {  	s11 =	simm.s32 $0x500;
	s10 =	simm.s32 $0x480;
	s24 =	simm.s32 $0x580  }
0x38f: {  	_ = 	snop  }
0x390: {  	[tilespmem:s30], [sflag:$0x2] =	stream.indirect.gather [hbm4b:s1+s26], $0x40, s10, s26, $0xb8;
	[tilespmem:$0x16A00] =	vst v63  }
0x391: {  	_ = 	snop  }
0x392: {  	[tilespmem:s0], [sflag:$0x3] =	stream.indirect.gather [hbm4b:s1+s26], $0x40, s11, s26, $0xb8;
	[tilespmem:$0x16A00] =	vst v63  }
0x393: {  	_ = 	snop  }
0x394: {  	[tilespmem:s15], [sflag:$0x4] =	stream.indirect.gather [hbm4b:s1+s26], $0x40, s24, s26, $0xb8;
	[tilespmem:$0x16A00] =	vst v63  }
0x395: {  	s10 =	simm.s32 $0x600;
	s11 =	simm.s32 $0xC80;
	s24 =	simm.s32 $0x680  }
0x396: {  	_ =	swait.ge [sflag:s21], $0x2000  }
0x397: {  	[sflag:s21] =	ssyncset.done $0x0  }
0x398: {  	[sflag:s21] =	ssyncadd.s32 $0xFFFFE000  }
0x399: {  	[spmem:s3] =	stream.indirect.scatter.add.bf16 [tilespmem:s29], [sflag:$0x5], $0x40, s6, s26, $0xb8;
	[tilespmem:$0x16A00] =	vst v63  }
0x39a: {  	_ = 	snop  }
0x39b: {  	[spmem:s4] =	stream.indirect.scatter.add.f32 [tilespmem:s20], [sflag:$0x9], $0x10, s6, s26, $0xb8;
	[tilespmem:$0x16A00] =	vst v63  }
0x39c: {  	_ =	swait.ge [sflag:s2], $0x2000  }
0x39d: {  	[sflag:s2] =	ssyncset.done $0x0  }
0x39e: {  	[sflag:s2] =	ssyncadd.s32 $0xFFFFE000  }
0x39f: {  	[tilespmem:s29], [sflag:$0x1] =	stream.indirect.gather [hbm4b:s1+s26], $0x40, s10, s26, $0xb8;
	[tilespmem:$0x16A00] =	vst v63  }
0x3a0: {  	_ =	swait.ge [sflag:s22], $0x2000  }
0x3a1: {  	[sflag:s22] =	ssyncset.done $0x0  }
0x3a2: {  	[sflag:s22] =	ssyncadd.s32 $0xFFFFE000  }
0x3a3: {  	[spmem:s3] =	stream.indirect.scatter.add.bf16 [tilespmem:s30], [sflag:$0x6], $0x40, s11, s26, $0xb8;
	[tilespmem:$0x16A00] =	vst v63  }
0x3a4: {  	_ = 	snop  }
0x3a5: {  	[spmem:s4] =	stream.indirect.scatter.add.f32 [tilespmem:s20], [sflag:$0x9], $0x10, s11, s26, $0xb8;
	[tilespmem:$0x16A00] =	vst v63  }
0x3a6: {  	_ =	swait.ge [sflag:s9], $0x2000  }
0x3a7: {  	[sflag:s9] =	ssyncset.done $0x0  }
0x3a8: {  	[sflag:s9] =	ssyncadd.s32 $0xFFFFE000  }
0x3a9: {  	[tilespmem:s30], [sflag:$0x2] =	stream.indirect.gather [hbm4b:s1+s26], $0x40, s24, s26, $0xb8;
	[tilespmem:$0x16A00] =	vst v63  }
0x3aa: {  	s10 =	simm.s32 $0xD00;
	s11 =	simm.s32 $0x700;
	s24 =	simm.s32 $0xD80  }
0x3ab: {  	_ =	swait.ge [sflag:s23], $0x2000  }
0x3ac: {  	[sflag:s23] =	ssyncset.done $0x0  }
0x3ad: {  	[sflag:s23] =	ssyncadd.s32 $0xFFFFE000  }
0x3ae: {  	[spmem:s3] =	stream.indirect.scatter.add.bf16 [tilespmem:s0], [sflag:$0x7], $0x40, s10, s26, $0xb8;
	[tilespmem:$0x16A00] =	vst v63  }
0x3af: {  	_ = 	snop  }
0x3b0: {  	[spmem:s4] =	stream.indirect.scatter.add.f32 [tilespmem:s20], [sflag:$0x9], $0x10, s10, s26, $0xb8;
	[tilespmem:$0x16A00] =	vst v63  }
0x3b1: {  	_ =	swait.ge [sflag:s17], $0x2000  }
0x3b2: {  	[sflag:s17] =	ssyncset.done $0x0  }
0x3b3: {  	[sflag:s17] =	ssyncadd.s32 $0xFFFFE000  }
0x3b4: {  	[tilespmem:s0], [sflag:$0x3] =	stream.indirect.gather [hbm4b:s1+s26], $0x40, s11, s26, $0xb8;
	[tilespmem:$0x16A00] =	vst v63  }
0x3b5: {  	_ =	swait.ge [sflag:s19], $0x2000  }
0x3b6: {  	[sflag:s19] =	ssyncset.done $0x0  }
0x3b7: {  	[sflag:s19] =	ssyncadd.s32 $0xFFFFE000  }
0x3b8: {  	[spmem:s3] =	stream.indirect.scatter.add.bf16 [tilespmem:s15], [sflag:$0x8], $0x40, s24, s26, $0xb8;
	[tilespmem:$0x16A00] =	vst v63  }
0x3b9: {  	_ = 	snop  }
0x3ba: {  	[spmem:s4] =	stream.indirect.scatter.add.f32 [tilespmem:s20], [sflag:$0x9], $0x10, s24, s26, $0xb8;
	[tilespmem:$0x16A00] =	vst v63  }
0x3bb: {  	s10 =	simm.s32 $0x780;
	s11 =	simm.s32 $0xE00;
	s24 =	simm.s32 $0xE80  }
0x3bc: {  	_ =	swait.ge [sflag:s14], $0x2000  }
0x3bd: {  	[sflag:s14] =	ssyncset.done $0x0  }
0x3be: {  	[sflag:s14] =	ssyncadd.s32 $0xFFFFE000  }
0x3bf: {  	[tilespmem:s15], [sflag:$0x4] =	stream.indirect.gather [hbm4b:s1+s26], $0x40, s10, s26, $0xb8;
	[tilespmem:$0x16A00] =	vst v63  }
0x3c0: {  	_ =	swait.ge [sflag:s21], $0x2000  }
0x3c1: {  	[sflag:s21] =	ssyncset.done $0x0  }
0x3c2: {  	[sflag:s21] =	ssyncadd.s32 $0xFFFFE000  }
0x3c3: {  	[spmem:s3] =	stream.indirect.scatter.add.bf16 [tilespmem:s29], [sflag:$0x5], $0x40, s11, s26, $0xb8;
	[tilespmem:$0x16A00] =	vst v63  }
0x3c4: {  	_ = 	snop  }
0x3c5: {  	[spmem:s4] =	stream.indirect.scatter.add.f32 [tilespmem:s20], [sflag:$0x9], $0x10, s11, s26, $0xb8;
	[tilespmem:$0x16A00] =	vst v63  }
0x3c6: {  	_ =	swait.ge [sflag:s22], $0x2000  }
0x3c7: {  	[sflag:s22] =	ssyncset.done $0x0  }
0x3c8: {  	[sflag:s22] =	ssyncadd.s32 $0xFFFFE000  }
0x3c9: {  	[spmem:s3] =	stream.indirect.scatter.add.bf16 [tilespmem:s30], [sflag:$0x6], $0x40, s24, s26, $0xb8;
	[tilespmem:$0x16A00] =	vst v63  }
0x3ca: {  	s10 =	simm.s32 $0xF00;
	s11 =	simm.s32 $0xF80  }
0x3cb: {  	[spmem:s4] =	stream.indirect.scatter.add.f32 [tilespmem:s20], [sflag:$0x9], $0x10, s24, s26, $0xb8;
	[tilespmem:$0x16A00] =	vst v63  }
0x3cc: {  	_ =	swait.ge [sflag:s23], $0x2000  }
0x3cd: {  	[sflag:s23] =	ssyncset.done $0x0  }
0x3ce: {  	[sflag:s23] =	ssyncadd.s32 $0xFFFFE000  }
0x3cf: {  	[spmem:s3] =	stream.indirect.scatter.add.bf16 [tilespmem:s0], [sflag:$0x7], $0x40, s10, s26, $0xb8;
	[tilespmem:$0x16A00] =	vst v63  }
0x3d0: {  	_ = 	snop  }
0x3d1: {  	[spmem:s4] =	stream.indirect.scatter.add.f32 [tilespmem:s20], [sflag:$0x9], $0x10, s10, s26, $0xb8;
	[tilespmem:$0x16A00] =	vst v63  }
0x3d2: {  	_ =	swait.ge [sflag:s19], $0x2000  }
0x3d3: {  	[sflag:s19] =	ssyncset.done $0x0  }
0x3d4: {  	[sflag:s19] =	ssyncadd.s32 $0xFFFFE000  }
0x3d5: {  	[spmem:s3] =	stream.indirect.scatter.add.bf16 [tilespmem:s15], [sflag:$0x8], $0x40, s11, s26, $0xb8;
	[tilespmem:$0x16A00] =	vst v63  }
0x3d6: {  	_ = 	snop  }
0x3d7: {  	[spmem:s4] =	stream.indirect.scatter.add.f32 [tilespmem:s20], [sflag:$0x9], $0x10, s11, s26, $0xb8;
	[tilespmem:$0x16A00] =	vst v63  }
0x3d8: {  	_ =	swait.ge [sflag:s2], $0x2000  }
0x3d9: {  	[sflag:s2] =	ssyncset.done $0x0  }
0x3da: {  	[sflag:s2] =	ssyncadd.s32 $0xFFFFE000  }
0x3db: {  	_ =	swait.ge [sflag:s9], $0x2000  }
0x3dc: {  	[sflag:s9] =	ssyncset.done $0x0  }
0x3dd: {  	[sflag:s9] =	ssyncadd.s32 $0xFFFFE000  }
0x3de: {  	_ =	swait.ge [sflag:s17], $0x2000  }
0x3df: {  	[sflag:s17] =	ssyncset.done $0x0  }
0x3e0: {  	[sflag:s17] =	ssyncadd.s32 $0xFFFFE000  }
0x3e1: {  	_ =	swait.ge [sflag:s14], $0x2000  }
0x3e2: {  	[sflag:s14] =	ssyncset.done $0x0  }
0x3e3: {  	[sflag:s14] =	ssyncadd.s32 $0xFFFFE000  }
0x3e4: {  	_ =	swait.ge [sflag:s12], $0x800  }
0x3e5: {  	[sflag:s12] =	ssyncset.done $0x0  }
0x3e6: {  	[sflag:s12] =	ssyncadd.s32 $0xFFFFF800  }
0x3e7: {  	_ =	swait.ge [sflag:s12], $0x800  }
0x3e8: {  	[sflag:s12] =	ssyncset.done $0x0  }
0x3e9: {  	[sflag:s12] =	ssyncadd.s32 $0xFFFFF800  }
0x3ea: {  	_ =	swait.ge [sflag:s12], $0x800  }
0x3eb: {  	[sflag:s12] =	ssyncset.done $0x0  }
0x3ec: {  	[sflag:s12] =	ssyncadd.s32 $0xFFFFF800  }
0x3ed: {  	_ =	swait.ge [sflag:s12], $0x800  }
0x3ee: {  	[sflag:s12] =	ssyncset.done $0x0  }
0x3ef: {  	[sflag:s12] =	ssyncadd.s32 $0xFFFFF800  }
0x3f0: {  	_ =	swait.ge [sflag:s12], $0x800  }
0x3f1: {  	[sflag:s12] =	ssyncset.done $0x0  }
0x3f2: {  	[sflag:s12] =	ssyncadd.s32 $0xFFFFF800  }
0x3f3: {  	_ =	swait.ge [sflag:s12], $0x800  }
0x3f4: {  	[sflag:s12] =	ssyncset.done $0x0  }
0x3f5: {  	[sflag:s12] =	ssyncadd.s32 $0xFFFFF800  }
0x3f6: {  	_ =	swait.ge [sflag:s12], $0x800  }
0x3f7: {  	[sflag:s12] =	ssyncset.done $0x0  }
0x3f8: {  	[sflag:s12] =	ssyncadd.s32 $0xFFFFF800  }
0x3f9: {  	_ =	swait.ge [sflag:s12], $0x800  }
0x3fa: {  	[sflag:s12] =	ssyncset.done $0x0  }
0x3fb: {  	[sflag:s12] =	ssyncadd.s32 $0xFFFFF800  }
.Ltmp2:
0x3fc: {  	_ =	swait.ge [sflag:s25], $0x400;
	(pc) =	sbr.rel @p1 .LBB2_5-.Ltmp2, $4  }
0x3fd: {  	[sflag:s25] =	ssyncset.done $0x0  }
0x3fe: {  	s8 =	sadd.s32 $0x100, s8;
	[sflag:s25] =	ssyncadd.s32 $0xFFFFFC00  }
0x3ff: {  	s10 =	sand.u32 $0x1FFFFF70, s8;
	_ =	swait.ge [sflag:s25], $0x400  }
0x400: {  	s11 =	sor.u32 $0x80, s10;
	[sflag:s25] =	ssyncset.done $0x0  }
0x401: {  	s28 =	smov.u32 s16;
	s10 =	simm.s32 $0x280;
	s16 =	sld [smem:$0x7DE]  }
.LBB2_7:
0x402: {  	s18 =	sld [smem:$0x7FD]  }
0x403: {  	s8 =	sadd.s32 s7, s11;
	[sflag:s25] =	ssyncadd.s32 @p0 $0xFFFFFC00;
	s24 =	simm.s32 $0x400  }
0x404: {  	[tilespmem:s24], [sflag:$0xA] =	stream.linear.gather [hbm4b:s8+s5], $0x400, $0x38;
	[tilespmem:$0x16A00] =	vst v63  }
0x405: {  	s6 =	simm.s32 $0xC00;
	s13 =	sadd.s32 s18, s11  }
0x406: {  	[tilespmem:s6], [sflag:$0xA] =	stream.linear.gather [hbm4b:s13+s5], $0x400, $0x38;
	[tilespmem:$0x16A00] =	vst v63  }
0x407: {  	_ = 	snop  }
0x408: {  	[tilespmem:s29], [sflag:$0x1] =	stream.indirect.gather [hbm4b:s1+s26], $0x40, s5, s26, $0xb8;
	[tilespmem:$0x16A00] =	vst v63  }
0x409: {  	_ = 	snop  }
0x40a: {  	[tilespmem:s30], [sflag:$0x2] =	stream.indirect.gather [hbm4b:s1+s26], $0x40, s26, s26, $0xb8;
	[tilespmem:$0x16A00] =	vst v63  }
0x40b: {  	s11 =	simm.s32 $0x100  }
0x40c: {  	[tilespmem:s0], [sflag:$0x3] =	stream.indirect.gather [hbm4b:s1+s26], $0x40, s11, s26, $0xb8;
	[tilespmem:$0x16A00] =	vst v63  }
0x40d: {  	s13 =	simm.s32 $0x180  }
0x40e: {  	[tilespmem:s15], [sflag:$0x4] =	stream.indirect.gather [hbm4b:s1+s26], $0x40, s13, s26, $0xb8;
	[tilespmem:$0x16A00] =	vst v63  }
0x40f: {  	_ =	swait.ge [sflag:s21], $0x2000  }
0x410: {  	[sflag:s21] =	ssyncset.done $0x0  }
0x411: {  	s13 =	simm.s32 $0x800;
	[sflag:s21] =	ssyncadd.s32 $0xFFFFE000  }
0x412: {  	[spmem:s3] =	stream.indirect.scatter.add.bf16 [tilespmem:s29], [sflag:$0x5], $0x40, s13, s26, $0xb8;
	[tilespmem:$0x16A00] =	vst v63  }
0x413: {  	_ = 	snop  }
0x414: {  	[spmem:s4] =	stream.indirect.scatter.add.f32 [tilespmem:s20], [sflag:$0x9], $0x10, s13, s26, $0xb8;
	[tilespmem:$0x16A00] =	vst v63  }
0x415: {  	_ =	swait.ge [sflag:s2], $0x2000  }
0x416: {  	[sflag:s2] =	ssyncset.done $0x0  }
0x417: {  	s11 =	simm.s32 $0x200;
	[sflag:s2] =	ssyncadd.s32 $0xFFFFE000  }
0x418: {  	[tilespmem:s29], [sflag:$0x1] =	stream.indirect.gather [hbm4b:s1+s26], $0x40, s11, s26, $0xb8;
	[tilespmem:$0x16A00] =	vst v63  }
0x419: {  	_ =	swait.ge [sflag:s22], $0x2000  }
0x41a: {  	[sflag:s22] =	ssyncset.done $0x0  }
0x41b: {  	s11 =	simm.s32 $0x880;
	[sflag:s22] =	ssyncadd.s32 $0xFFFFE000  }
0x41c: {  	[spmem:s3] =	stream.indirect.scatter.add.bf16 [tilespmem:s30], [sflag:$0x6], $0x40, s11, s26, $0xb8;
	[tilespmem:$0x16A00] =	vst v63  }
0x41d: {  	_ = 	snop  }
0x41e: {  	[spmem:s4] =	stream.indirect.scatter.add.f32 [tilespmem:s20], [sflag:$0x9], $0x10, s11, s26, $0xb8;
	[tilespmem:$0x16A00] =	vst v63  }
0x41f: {  	_ =	swait.ge [sflag:s9], $0x2000  }
0x420: {  	[sflag:s9] =	ssyncset.done $0x0  }
0x421: {  	[sflag:s9] =	ssyncadd.s32 $0xFFFFE000  }
0x422: {  	[tilespmem:s30], [sflag:$0x2] =	stream.indirect.gather [hbm4b:s1+s26], $0x40, s10, s26, $0xb8;
	[tilespmem:$0x16A00] =	vst v63  }
0x423: {  	_ =	swait.ge [sflag:s23], $0x2000  }
0x424: {  	[sflag:s23] =	ssyncset.done $0x0  }
0x425: {  	s11 =	simm.s32 $0x900;
	[sflag:s23] =	ssyncadd.s32 $0xFFFFE000  }
0x426: {  	[spmem:s3] =	stream.indirect.scatter.add.bf16 [tilespmem:s0], [sflag:$0x7], $0x40, s11, s26, $0xb8;
	[tilespmem:$0x16A00] =	vst v63  }
0x427: {  	_ = 	snop  }
0x428: {  	[spmem:s4] =	stream.indirect.scatter.add.f32 [tilespmem:s20], [sflag:$0x9], $0x10, s11, s26, $0xb8;
	[tilespmem:$0x16A00] =	vst v63  }
0x429: {  	_ =	swait.ge [sflag:s17], $0x2000  }
0x42a: {  	[sflag:s17] =	ssyncset.done $0x0  }
0x42b: {  	s10 =	simm.s32 $0x300;
	[sflag:s17] =	ssyncadd.s32 $0xFFFFE000  }
0x42c: {  	[tilespmem:s0], [sflag:$0x3] =	stream.indirect.gather [hbm4b:s1+s26], $0x40, s10, s26, $0xb8;
	[tilespmem:$0x16A00] =	vst v63  }
0x42d: {  	_ =	swait.ge [sflag:s19], $0x2000  }
0x42e: {  	[sflag:s19] =	ssyncset.done $0x0  }
0x42f: {  	s11 =	simm.s32 $0x980;
	[sflag:s19] =	ssyncadd.s32 $0xFFFFE000  }
0x430: {  	[spmem:s3] =	stream.indirect.scatter.add.bf16 [tilespmem:s15], [sflag:$0x8], $0x40, s11, s26, $0xb8;
	[tilespmem:$0x16A00] =	vst v63  }
0x431: {  	_ = 	snop  }
0x432: {  	[spmem:s4] =	stream.indirect.scatter.add.f32 [tilespmem:s20], [sflag:$0x9], $0x10, s11, s26, $0xb8;
	[tilespmem:$0x16A00] =	vst v63  }
0x433: {  	_ =	swait.ge [sflag:s14], $0x2000  }
0x434: {  	[sflag:s14] =	ssyncset.done $0x0  }
0x435: {  	s10 =	simm.s32 $0x380;
	[sflag:s14] =	ssyncadd.s32 $0xFFFFE000  }
0x436: {  	[tilespmem:s15], [sflag:$0x4] =	stream.indirect.gather [hbm4b:s1+s26], $0x40, s10, s26, $0xb8;
	[tilespmem:$0x16A00] =	vst v63  }
0x437: {  	_ =	swait.ge [sflag:s21], $0x2000  }
0x438: {  	[sflag:s21] =	ssyncset.done $0x0  }
0x439: {  	s11 =	simm.s32 $0xA00;
	[sflag:s21] =	ssyncadd.s32 $0xFFFFE000  }
0x43a: {  	[spmem:s3] =	stream.indirect.scatter.add.bf16 [tilespmem:s29], [sflag:$0x5], $0x40, s11, s26, $0xb8;
	[tilespmem:$0x16A00] =	vst v63  }
0x43b: {  	_ = 	snop  }
0x43c: {  	[spmem:s4] =	stream.indirect.scatter.add.f32 [tilespmem:s20], [sflag:$0x9], $0x10, s11, s26, $0xb8;
	[tilespmem:$0x16A00] =	vst v63  }
0x43d: {  	_ =	swait.ge [sflag:s22], $0x2000  }
0x43e: {  	[sflag:s22] =	ssyncset.done $0x0  }
0x43f: {  	s10 =	simm.s32 $0xA80;
	[sflag:s22] =	ssyncadd.s32 $0xFFFFE000  }
0x440: {  	[spmem:s3] =	stream.indirect.scatter.add.bf16 [tilespmem:s30], [sflag:$0x6], $0x40, s10, s26, $0xb8;
	[tilespmem:$0x16A00] =	vst v63  }
0x441: {  	_ = 	snop  }
0x442: {  	[spmem:s4] =	stream.indirect.scatter.add.f32 [tilespmem:s20], [sflag:$0x9], $0x10, s10, s26, $0xb8;
	[tilespmem:$0x16A00] =	vst v63  }
0x443: {  	_ =	swait.ge [sflag:s23], $0x2000  }
0x444: {  	[sflag:s23] =	ssyncset.done $0x0  }
0x445: {  	s11 =	simm.s32 $0xB00;
	[sflag:s23] =	ssyncadd.s32 $0xFFFFE000  }
0x446: {  	[spmem:s3] =	stream.indirect.scatter.add.bf16 [tilespmem:s0], [sflag:$0x7], $0x40, s11, s26, $0xb8;
	[tilespmem:$0x16A00] =	vst v63  }
0x447: {  	_ = 	snop  }
0x448: {  	[spmem:s4] =	stream.indirect.scatter.add.f32 [tilespmem:s20], [sflag:$0x9], $0x10, s11, s26, $0xb8;
	[tilespmem:$0x16A00] =	vst v63  }
0x449: {  	_ =	swait.ge [sflag:s19], $0x2000  }
0x44a: {  	[sflag:s19] =	ssyncset.done $0x0  }
0x44b: {  	s10 =	simm.s32 $0xB80;
	[sflag:s19] =	ssyncadd.s32 $0xFFFFE000  }
0x44c: {  	[spmem:s3] =	stream.indirect.scatter.add.bf16 [tilespmem:s15], [sflag:$0x8], $0x40, s10, s26, $0xb8;
	[tilespmem:$0x16A00] =	vst v63  }
0x44d: {  	_ = 	snop  }
0x44e: {  	[spmem:s4] =	stream.indirect.scatter.add.f32 [tilespmem:s20], [sflag:$0x9], $0x10, s10, s26, $0xb8;
	[tilespmem:$0x16A00] =	vst v63  }
0x44f: {  	_ =	swait.ge [sflag:s2], $0x2000  }
0x450: {  	[sflag:s2] =	ssyncset.done $0x0  }
0x451: {  	[sflag:s2] =	ssyncadd.s32 $0xFFFFE000  }
0x452: {  	_ =	swait.ge [sflag:s9], $0x2000  }
0x453: {  	[sflag:s9] =	ssyncset.done $0x0  }
0x454: {  	[sflag:s9] =	ssyncadd.s32 $0xFFFFE000  }
0x455: {  	_ =	swait.ge [sflag:s17], $0x2000  }
0x456: {  	[sflag:s17] =	ssyncset.done $0x0  }
0x457: {  	[sflag:s17] =	ssyncadd.s32 $0xFFFFE000  }
0x458: {  	_ =	swait.ge [sflag:s14], $0x2000  }
0x459: {  	[sflag:s14] =	ssyncset.done $0x0  }
0x45a: {  	[sflag:s14] =	ssyncadd.s32 $0xFFFFE000  }
0x45b: {  	_ =	swait.ge [sflag:s12], $0x800  }
0x45c: {  	[sflag:s12] =	ssyncset.done $0x0  }
0x45d: {  	[sflag:s12] =	ssyncadd.s32 $0xFFFFF800  }
0x45e: {  	_ =	swait.ge [sflag:s12], $0x800  }
0x45f: {  	[sflag:s12] =	ssyncset.done $0x0  }
0x460: {  	[sflag:s12] =	ssyncadd.s32 $0xFFFFF800  }
0x461: {  	_ =	swait.ge [sflag:s12], $0x800  }
0x462: {  	[sflag:s12] =	ssyncset.done $0x0  }
0x463: {  	[sflag:s12] =	ssyncadd.s32 $0xFFFFF800  }
0x464: {  	_ =	swait.ge [sflag:s12], $0x800  }
0x465: {  	[sflag:s12] =	ssyncset.done $0x0  }
0x466: {  	[sflag:s12] =	ssyncadd.s32 $0xFFFFF800  }
0x467: {  	_ =	swait.ge [sflag:s12], $0x800  }
0x468: {  	[sflag:s12] =	ssyncset.done $0x0  }
0x469: {  	[sflag:s12] =	ssyncadd.s32 $0xFFFFF800  }
0x46a: {  	_ =	swait.ge [sflag:s12], $0x800  }
0x46b: {  	[sflag:s12] =	ssyncset.done $0x0  }
0x46c: {  	[sflag:s12] =	ssyncadd.s32 $0xFFFFF800  }
0x46d: {  	_ =	swait.ge [sflag:s12], $0x800  }
0x46e: {  	[sflag:s12] =	ssyncset.done $0x0  }
0x46f: {  	[sflag:s12] =	ssyncadd.s32 $0xFFFFF800  }
0x470: {  	_ =	swait.ge [sflag:s12], $0x800  }
0x471: {  	s10 =	sld [smem:$0x7FC]  }
0x472: {  	[sflag:s12] =	ssyncset.done $0x0  }
0x473: {  	s8 =	sadd.s32 @p0 $0x10, s31;
	[sflag:s12] =	ssyncadd.s32 $0xFFFFF800  }
0x474: {  	_ =	swait.ge [sflag:s25], $0x400;
	s10 =	smov.u32 @p0 s8  }
0x475: {  	[sflag:s25] =	ssyncset.done $0x0;
	s8 =	smov.u32 s28;
	p0 =	slt.s32 s10, s28  }
0x476: {  	[sflag:s25] =	ssyncadd.s32 $0xFFFFFC00;
	s8 =	smov.u32 @p0 s10  }
0x477: {  	_ =	swait.ge [sflag:s25], $0x400;
	s8 =	sshll.u32 s8, $0x4  }
0x478: {  	[sflag:s25] =	ssyncset.done $0x0;
	s8 =	sand.u32 $0x1FFFFFF0, s8  }
0x479: {  	[sflag:s25] =	ssyncadd.s32 $0xFFFFFC00;
	s11 =	sadd.s32 s7, s8  }
0x47a: {  	[tilespmem:s5], [sflag:$0xA] =	stream.linear.gather [hbm4b:s11+s5], $0x400, $0x38;
	[tilespmem:$0x16A00] =	vst v63  }
0x47b: {  	s8 =	sadd.s32 s18, s8  }
0x47c: {  	[tilespmem:s13], [sflag:$0xA] =	stream.linear.gather [hbm4b:s8+s5], $0x400, $0x38;
	[tilespmem:$0x16A00] =	vst v63  }
0x47d: {  	_ = 	snop  }
0x47e: {  	[tilespmem:s29], [sflag:$0x1] =	stream.indirect.gather [hbm4b:s1+s26], $0x40, s24, s26, $0xb8;
	[tilespmem:$0x16A00] =	vst v63  }
0x47f: {  	s24 =	simm.s32 $0x480  }
0x480: {  	[tilespmem:s30], [sflag:$0x2] =	stream.indirect.gather [hbm4b:s1+s26], $0x40, s24, s26, $0xb8;
	[tilespmem:$0x16A00] =	vst v63  }
0x481: {  	s7 =	simm.s32 $0x500  }
0x482: {  	[tilespmem:s0], [sflag:$0x3] =	stream.indirect.gather [hbm4b:s1+s26], $0x40, s7, s26, $0xb8;
	[tilespmem:$0x16A00] =	vst v63  }
0x483: {  	s10 =	simm.s32 $0x580  }
0x484: {  	[tilespmem:s15], [sflag:$0x4] =	stream.indirect.gather [hbm4b:s1+s26], $0x40, s10, s26, $0xb8;
	[tilespmem:$0x16A00] =	vst v63  }
0x485: {  	_ =	swait.ge [sflag:s21], $0x2000  }
0x486: {  	[sflag:s21] =	ssyncset.done $0x0  }
0x487: {  	[sflag:s21] =	ssyncadd.s32 $0xFFFFE000  }
0x488: {  	[spmem:s3] =	stream.indirect.scatter.add.bf16 [tilespmem:s29], [sflag:$0x5], $0x40, s6, s26, $0xb8;
	[tilespmem:$0x16A00] =	vst v63  }
0x489: {  	_ = 	snop  }
0x48a: {  	[spmem:s4] =	stream.indirect.scatter.add.f32 [tilespmem:s20], [sflag:$0x9], $0x10, s6, s26, $0xb8;
	[tilespmem:$0x16A00] =	vst v63  }
0x48b: {  	_ =	swait.ge [sflag:s2], $0x2000  }
0x48c: {  	[sflag:s2] =	ssyncset.done $0x0  }
0x48d: {  	s11 =	simm.s32 $0x600;
	[sflag:s2] =	ssyncadd.s32 $0xFFFFE000  }
0x48e: {  	[tilespmem:s29], [sflag:$0x1] =	stream.indirect.gather [hbm4b:s1+s26], $0x40, s11, s26, $0xb8;
	[tilespmem:$0x16A00] =	vst v63  }
0x48f: {  	_ =	swait.ge [sflag:s22], $0x2000  }
0x490: {  	[sflag:s22] =	ssyncset.done $0x0  }
0x491: {  	s18 =	simm.s32 $0xC80;
	[sflag:s22] =	ssyncadd.s32 $0xFFFFE000  }
0x492: {  	[spmem:s3] =	stream.indirect.scatter.add.bf16 [tilespmem:s30], [sflag:$0x6], $0x40, s18, s26, $0xb8;
	[tilespmem:$0x16A00] =	vst v63  }
0x493: {  	_ = 	snop  }
0x494: {  	[spmem:s4] =	stream.indirect.scatter.add.f32 [tilespmem:s20], [sflag:$0x9], $0x10, s18, s26, $0xb8;
	[tilespmem:$0x16A00] =	vst v63  }
0x495: {  	_ =	swait.ge [sflag:s9], $0x2000  }
0x496: {  	[sflag:s9] =	ssyncset.done $0x0  }
0x497: {  	s24 =	simm.s32 $0x680;
	[sflag:s9] =	ssyncadd.s32 $0xFFFFE000  }
0x498: {  	[tilespmem:s30], [sflag:$0x2] =	stream.indirect.gather [hbm4b:s1+s26], $0x40, s24, s26, $0xb8;
	[tilespmem:$0x16A00] =	vst v63  }
0x499: {  	_ =	swait.ge [sflag:s23], $0x2000  }
0x49a: {  	[sflag:s23] =	ssyncset.done $0x0  }
0x49b: {  	s7 =	simm.s32 $0xD00;
	[sflag:s23] =	ssyncadd.s32 $0xFFFFE000  }
0x49c: {  	[spmem:s3] =	stream.indirect.scatter.add.bf16 [tilespmem:s0], [sflag:$0x7], $0x40, s7, s26, $0xb8;
	[tilespmem:$0x16A00] =	vst v63  }
0x49d: {  	_ = 	snop  }
0x49e: {  	[spmem:s4] =	stream.indirect.scatter.add.f32 [tilespmem:s20], [sflag:$0x9], $0x10, s7, s26, $0xb8;
	[tilespmem:$0x16A00] =	vst v63  }
0x49f: {  	_ =	swait.ge [sflag:s17], $0x2000  }
0x4a0: {  	[sflag:s17] =	ssyncset.done $0x0  }
0x4a1: {  	s10 =	simm.s32 $0x700;
	[sflag:s17] =	ssyncadd.s32 $0xFFFFE000  }
0x4a2: {  	[tilespmem:s0], [sflag:$0x3] =	stream.indirect.gather [hbm4b:s1+s26], $0x40, s10, s26, $0xb8;
	[tilespmem:$0x16A00] =	vst v63  }
0x4a3: {  	_ =	swait.ge [sflag:s19], $0x2000  }
0x4a4: {  	[sflag:s19] =	ssyncset.done $0x0  }
0x4a5: {  	s11 =	simm.s32 $0xD80;
	[sflag:s19] =	ssyncadd.s32 $0xFFFFE000  }
0x4a6: {  	[spmem:s3] =	stream.indirect.scatter.add.bf16 [tilespmem:s15], [sflag:$0x8], $0x40, s11, s26, $0xb8;
	[tilespmem:$0x16A00] =	vst v63  }
0x4a7: {  	_ = 	snop  }
0x4a8: {  	[spmem:s4] =	stream.indirect.scatter.add.f32 [tilespmem:s20], [sflag:$0x9], $0x10, s11, s26, $0xb8;
	[tilespmem:$0x16A00] =	vst v63  }
0x4a9: {  	_ =	swait.ge [sflag:s14], $0x2000  }
0x4aa: {  	[sflag:s14] =	ssyncset.done $0x0  }
0x4ab: {  	s18 =	simm.s32 $0x780;
	[sflag:s14] =	ssyncadd.s32 $0xFFFFE000  }
0x4ac: {  	[tilespmem:s15], [sflag:$0x4] =	stream.indirect.gather [hbm4b:s1+s26], $0x40, s18, s26, $0xb8;
	[tilespmem:$0x16A00] =	vst v63  }
0x4ad: {  	_ =	swait.ge [sflag:s21], $0x2000  }
0x4ae: {  	[sflag:s21] =	ssyncset.done $0x0  }
0x4af: {  	s24 =	simm.s32 $0xE00;
	[sflag:s21] =	ssyncadd.s32 $0xFFFFE000  }
0x4b0: {  	[spmem:s3] =	stream.indirect.scatter.add.bf16 [tilespmem:s29], [sflag:$0x5], $0x40, s24, s26, $0xb8;
	[tilespmem:$0x16A00] =	vst v63  }
0x4b1: {  	_ = 	snop  }
0x4b2: {  	[spmem:s4] =	stream.indirect.scatter.add.f32 [tilespmem:s20], [sflag:$0x9], $0x10, s24, s26, $0xb8;
	[tilespmem:$0x16A00] =	vst v63  }
0x4b3: {  	_ =	swait.ge [sflag:s22], $0x2000  }
0x4b4: {  	[sflag:s22] =	ssyncset.done $0x0  }
0x4b5: {  	s7 =	simm.s32 $0xE80;
	[sflag:s22] =	ssyncadd.s32 $0xFFFFE000  }
0x4b6: {  	[spmem:s3] =	stream.indirect.scatter.add.bf16 [tilespmem:s30], [sflag:$0x6], $0x40, s7, s26, $0xb8;
	[tilespmem:$0x16A00] =	vst v63  }
0x4b7: {  	_ = 	snop  }
0x4b8: {  	[spmem:s4] =	stream.indirect.scatter.add.f32 [tilespmem:s20], [sflag:$0x9], $0x10, s7, s26, $0xb8;
	[tilespmem:$0x16A00] =	vst v63  }
0x4b9: {  	_ =	swait.ge [sflag:s23], $0x2000  }
0x4ba: {  	[sflag:s23] =	ssyncset.done $0x0  }
0x4bb: {  	s24 =	simm.s32 $0xF00;
	[sflag:s23] =	ssyncadd.s32 $0xFFFFE000  }
0x4bc: {  	[spmem:s3] =	stream.indirect.scatter.add.bf16 [tilespmem:s0], [sflag:$0x7], $0x40, s24, s26, $0xb8;
	[tilespmem:$0x16A00] =	vst v63  }
0x4bd: {  	_ = 	snop  }
0x4be: {  	[spmem:s4] =	stream.indirect.scatter.add.f32 [tilespmem:s20], [sflag:$0x9], $0x10, s24, s26, $0xb8;
	[tilespmem:$0x16A00] =	vst v63  }
0x4bf: {  	_ =	swait.ge [sflag:s19], $0x2000  }
0x4c0: {  	[sflag:s19] =	ssyncset.done $0x0  }
0x4c1: {  	s28 =	simm.s32 $0xF80;
	[sflag:s19] =	ssyncadd.s32 $0xFFFFE000  }
0x4c2: {  	[spmem:s3] =	stream.indirect.scatter.add.bf16 [tilespmem:s15], [sflag:$0x8], $0x40, s28, s26, $0xb8;
	[tilespmem:$0x16A00] =	vst v63  }
0x4c3: {  	_ = 	snop  }
0x4c4: {  	[spmem:s4] =	stream.indirect.scatter.add.f32 [tilespmem:s20], [sflag:$0x9], $0x10, s28, s26, $0xb8;
	[tilespmem:$0x16A00] =	vst v63  }
0x4c5: {  	_ =	swait.ge [sflag:s2], $0x2000  }
0x4c6: {  	[sflag:s2] =	ssyncset.done $0x0  }
0x4c7: {  	[sflag:s2] =	ssyncadd.s32 $0xFFFFE000  }
0x4c8: {  	_ =	swait.ge [sflag:s9], $0x2000  }
0x4c9: {  	[sflag:s9] =	ssyncset.done $0x0  }
0x4ca: {  	[sflag:s9] =	ssyncadd.s32 $0xFFFFE000  }
0x4cb: {  	_ =	swait.ge [sflag:s17], $0x2000  }
0x4cc: {  	[sflag:s17] =	ssyncset.done $0x0  }
0x4cd: {  	[sflag:s17] =	ssyncadd.s32 $0xFFFFE000  }
0x4ce: {  	_ =	swait.ge [sflag:s14], $0x2000  }
0x4cf: {  	[sflag:s14] =	ssyncset.done $0x0  }
0x4d0: {  	[sflag:s14] =	ssyncadd.s32 $0xFFFFE000  }
0x4d1: {  	_ =	swait.ge [sflag:s12], $0x800  }
0x4d2: {  	[sflag:s12] =	ssyncset.done $0x0  }
0x4d3: {  	[sflag:s12] =	ssyncadd.s32 $0xFFFFF800  }
0x4d4: {  	_ =	swait.ge [sflag:s12], $0x800  }
0x4d5: {  	[sflag:s12] =	ssyncset.done $0x0  }
0x4d6: {  	[sflag:s12] =	ssyncadd.s32 $0xFFFFF800  }
0x4d7: {  	_ =	swait.ge [sflag:s12], $0x800  }
0x4d8: {  	[sflag:s12] =	ssyncset.done $0x0  }
0x4d9: {  	[sflag:s12] =	ssyncadd.s32 $0xFFFFF800  }
0x4da: {  	_ =	swait.ge [sflag:s12], $0x800  }
0x4db: {  	[sflag:s12] =	ssyncset.done $0x0  }
0x4dc: {  	[sflag:s12] =	ssyncadd.s32 $0xFFFFF800  }
0x4dd: {  	_ =	swait.ge [sflag:s12], $0x800  }
0x4de: {  	[sflag:s12] =	ssyncset.done $0x0  }
0x4df: {  	[sflag:s12] =	ssyncadd.s32 $0xFFFFF800  }
0x4e0: {  	_ =	swait.ge [sflag:s12], $0x800  }
0x4e1: {  	[sflag:s12] =	ssyncset.done $0x0  }
0x4e2: {  	[sflag:s12] =	ssyncadd.s32 $0xFFFFF800  }
0x4e3: {  	_ =	swait.ge [sflag:s12], $0x800  }
0x4e4: {  	[sflag:s12] =	ssyncset.done $0x0  }
0x4e5: {  	[sflag:s12] =	ssyncadd.s32 $0xFFFFF800  }
0x4e6: {  	_ =	swait.ge [sflag:s12], $0x800  }
0x4e7: {  	[sflag:s12] =	ssyncset.done $0x0  }
0x4e8: {  	[sflag:s12] =	ssyncadd.s32 $0xFFFFF800  }
0x4e9: {  	_ =	swait.ge [sflag:s25], $0x400  }
0x4ea: {  	[sflag:s25] =	ssyncset.done $0x0  }
0x4eb: {  	[sflag:s25] =	ssyncadd.s32 $0xFFFFFC00  }
0x4ec: {  	_ =	swait.ge [sflag:s25], $0x400  }
0x4ed: {  	[sflag:s25] =	ssyncset.done $0x0  }
0x4ee: {  	[sflag:s25] =	ssyncadd.s32 $0xFFFFFC00  }
0x4ef: {  	[bflag:$0x0] =	sbarrier.arrive $0xFFFF  }
0x4f0: {  	s10 =	stileid.u32;
	s31 =	sld [smem:$0x7F5]  }
0x4f1: {  	s8 =	sshll.u32 s10, $0x6;
	s18 =	rddreg [dreg:$0x8]  }
0x4f2: {  	s11 =	sor.u32 $0x1C01, s8;
	s7 =	sshrl.u32 s18, $0x3  }
0x4f3: {  	[hbm:s31], [sflag:s11] =	dma.local [spmem:s7], $0x1400  }
0x4f4: {  	s11 =	sld [smem:$0x7F6]  }
0x4f5: {  	s31 =	rddreg [dreg:$0x9]  }
0x4f6: {  	s8 =	sor.u32 $0x1C02, s8;
	s7 =	sshrl.u32 s31, $0x3  }
0x4f7: {  	[hbm:s11], [sflag:s8] =	dma.local [spmem:s7], $0x500  }
0x4f8: {  	_ =	swait.ge [sflag:s21], $0x1400  }
0x4f9: {  	[sflag:s21] =	ssyncset.done $0x0  }
0x4fa: {  	[sflag:s21] =	ssyncadd.s32 $0xFFFFEC00  }
0x4fb: {  	_ =	swait.ge [sflag:s22], $0x500  }
0x4fc: {  	s11 =	sld [smem:$0x7F7];
	_ =	sdelay $0x1  }
0x4fd: {  	s16 =	sadd.s32 $0x1, s16  }
0x4fe: {  	p0 =	sne.s32 s16, s11  }
.Ltmp3:
0x4ff: {  	_ = 	snop;
	(pc) =	sbr.rel @p0 .LBB2_1-.Ltmp3, $4  }
.Ltmp4:
0x500: {  	_ = 	snop;
	(pc) =	sbr.rel @!p0 .LBB2_8-.Ltmp4, $4  }
0x501: {  	_ = 	snop  }
0x502: {  	[sflag:s22] =	ssyncset.done $0x0  }
0x503: {  	[sflag:s22] =	ssyncadd.s32 $0xFFFFFB00  }
0x504: {  	_ = 	snop  }
.LBB2_2:
.Ltmp5:
0x505: {  	(pc) =	sbr.rel .LBB2_7-.Ltmp5, $4  }
0x506: {  	s31 =	sld [smem:$0x7FC]  }
0x507: {  	s7 =	sld [smem:$0x7F8]  }
0x508: {  	s16 =	sld [smem:$0x7DE]  }
0x509: {  	s28 =	sld [smem:$0x7EE];
	s10 =	simm.s32 $0x280  }
.LBB2_4:
.Ltmp6:
0x50a: {  	(pc) =	sbr.rel .LBB2_7-.Ltmp6, $3  }
0x50b: {  	_ =	sdelay $0x1  }
0x50c: {  	s31 =	sld [smem:$0x7FC]  }
0x50d: {  	s28 =	smov.u32 s16;
	s10 =	simm.s32 $0x280;
	s16 =	sld [smem:$0x7DE]  }
.LBB2_8:
0x50e: {  	_ =	sfence.sel $0x180000  }
0x50f: {  	[bflag:$0x0] =	sbarrier.arrive $0xFFFF  }
0x510: {  	_ =	strace $0x90000047  }
0x511: {  	s0 =	stileid.u32;
	[bflag:$0x2] =	sbarrier.arrive $0xFFFF  }
0x512: {  	p0 =	sne.s32 s0, $0x0;
	s0 =	rddreg [dreg:$0x4]  }
0x513: {  	s0 =	sadd.s32 @!p0 $0x100000, s0  }
0x514: {  	[sflag:s0] =	ssyncadd.tile.s32 @!p0 $0x1;
	_ =	shalt  }
.Lfunc_end2:
_tile_overlayer_lowered:
.L_overlay_start_2:
0x515: {  	(tag) =	ssettag $0x2  }
0x516: {  	s0 =	rddreg [dreg:$0x0];
	s2 =	stileid.u32  }
0x517: {  	s1 =	rddreg [dreg:$0x1];
	p0 =	sne.s32 s2, $0x0  }
0x518: {  	s3 =	rddreg [dreg:$0x2];
	[bflag:$0x3] =	sbarrier.arrive $0xFFFF;
	s2 =	simm.s32 @!p0 $0x1C0B  }
0x519: {  	[timem:s3], [sflag:s2] =	dma.local @!p0 [hbm:s0], s1  }
0x51a: {  	s0 =	simm.s32 @!p0 $0xB  }
0x51b: {  	_ =	swait.ge @!p0 [sflag:s0], s1  }
0x51c: {  	s1 =	ssub.s32 @!p0 $0x0, s1;
	[sflag:s0] =	ssyncset.done @!p0 $0x0  }
0x51d: {  	[sflag:s0] =	ssyncadd.s32 @!p0 s1  }
0x51e: {  	[bflag:$0x3] =	sbarrier.arrive $0xFFFF  }
0x51f: {  	_ =	shalt  }

</sc_bundles>
